<compile_context>
chip_gen: v7x
topology: tpu7x:2x2x1
jax: 0.10.2.dev20260603
libtpu: 0.0.44.dev20260713+nightly
codegen_flags: <defaults>
</compile_context>

<pallas_src>
import jax
import jax.numpy as jnp
from jax import lax
from jax.experimental import pallas as pl
from jax.experimental.pallas import tpu as pltpu
from jax.experimental.pallas import tpu_sc as plsc

H = 256
W = 256
N = H * W
CG_STEPS = 50
NT = 16
SL = N // NT
M1 = 20 * N
NLOC = 16384
NIU = 16384
ME = 9 * NLOC + 5 * NIU
CM_PT = M1 // NT
CM_CH = 2048
CM_NC = CM_PT // CM_CH
E_PT = ME // NT
E_CH = 2048
E_NC = E_PT // E_CH
LOC_PT = NLOC // NT

NB = 16
CHUNK = N // NB



def _l1_body(x_ref, w_ref, b_ref, y_ref, s_ref):
    y = jnp.dot(w_ref[...], x_ref[...], preferred_element_type=jnp.float32)
    y = y + b_ref[...]
    y_ref[...] = y
    z = jnp.zeros((64,), jnp.float32)
    s1 = jnp.concatenate([jnp.sum(y, axis=1), z])
    s2 = jnp.concatenate([jnp.sum(y * y, axis=1), z])
    zz = jnp.zeros((128,), jnp.float32)
    s_ref[...] = jnp.stack([s1, s2, zz, zz, zz, zz, zz, zz], axis=0)


def _l2_body(x_ref, w_ref, b_ref, sc_ref, sh_ref, y_ref, s_ref):
    x = sc_ref[...] * x_ref[...] + sh_ref[...]
    x = jnp.where(x > 0, x, 0.01 * x)
    y = jnp.dot(w_ref[...], x, preferred_element_type=jnp.float32)
    y = y + b_ref[...]
    y_ref[...] = y
    z = jnp.zeros((64,), jnp.float32)
    s1 = jnp.concatenate([jnp.sum(y, axis=1), z])
    s2 = jnp.concatenate([jnp.sum(y * y, axis=1), z])
    zz = jnp.zeros((128,), jnp.float32)
    s_ref[...] = jnp.stack([s1, s2, zz, zz, zz, zz, zz, zz], axis=0)


def _l3_body(x_ref, w_ref, b_ref, sc_ref, sh_ref, y_ref):
    x = sc_ref[...] * x_ref[...] + sh_ref[...]
    x = jnp.where(x > 0, x, 0.01 * x)
    y = jnp.dot(w_ref[...], x, preferred_element_type=jnp.float32)
    y_ref[...] = y + b_ref[...]


def _bn_affine(s, g, be):
    st = s.reshape(NB, 8, 128)
    sums = jnp.sum(st[:, 0, :64], axis=0)
    sumsq = jnp.sum(st[:, 1, :64], axis=0)
    mean = sums / N
    var = sumsq / N - mean * mean
    scale = g / jnp.sqrt(var + 1e-5)
    shift = be - mean * scale
    return scale, shift


def _mlp_forward(x3, W1, b1, g1, be1, W2, b2, g2, be2, W3, b3):
    y1, s1 = pl.pallas_call(
        _l1_body,
        grid=(NB,),
        in_specs=[
            pl.BlockSpec((3, CHUNK), lambda i: (0, i)),
            pl.BlockSpec((64, 3), lambda i: (0, 0)),
            pl.BlockSpec((64, 1), lambda i: (0, 0)),
        ],
        out_specs=[
            pl.BlockSpec((64, CHUNK), lambda i: (0, i)),
            pl.BlockSpec((8, 128), lambda i: (i, 0)),
        ],
        out_shape=[
            jax.ShapeDtypeStruct((64, N), jnp.float32),
            jax.ShapeDtypeStruct((8 * NB, 128), jnp.float32),
        ],
    )(x3, W1, b1.reshape(64, 1))
    sc1, sh1 = _bn_affine(s1, g1, be1)
    y2, s2 = pl.pallas_call(
        _l2_body,
        grid=(NB,),
        in_specs=[
            pl.BlockSpec((64, CHUNK), lambda i: (0, i)),
            pl.BlockSpec((64, 64), lambda i: (0, 0)),
            pl.BlockSpec((64, 1), lambda i: (0, 0)),
            pl.BlockSpec((64, 1), lambda i: (0, 0)),
            pl.BlockSpec((64, 1), lambda i: (0, 0)),
        ],
        out_specs=[
            pl.BlockSpec((64, CHUNK), lambda i: (0, i)),
            pl.BlockSpec((8, 128), lambda i: (i, 0)),
        ],
        out_shape=[
            jax.ShapeDtypeStruct((64, N), jnp.float32),
            jax.ShapeDtypeStruct((8 * NB, 128), jnp.float32),
        ],
    )(y1, W2, b2.reshape(64, 1), sc1.reshape(64, 1), sh1.reshape(64, 1))
    sc2, sh2 = _bn_affine(s2, g2, be2)
    w4 = pl.pallas_call(
        _l3_body,
        grid=(NB,),
        in_specs=[
            pl.BlockSpec((64, CHUNK), lambda i: (0, i)),
            pl.BlockSpec((4, 64), lambda i: (0, 0)),
            pl.BlockSpec((4, 1), lambda i: (0, 0)),
            pl.BlockSpec((64, 1), lambda i: (0, 0)),
            pl.BlockSpec((64, 1), lambda i: (0, 0)),
        ],
        out_specs=pl.BlockSpec((4, CHUNK), lambda i: (0, i)),
        out_shape=jax.ShapeDtypeStruct((4, N), jnp.float32),
    )(y2, W3, b3.reshape(4, 1), sc2.reshape(64, 1), sh2.reshape(64, 1))
    return w4



OFF0 = -1 - W


def _sc_body(cm_row, cm_col, wcm_dat, cmw, locw, iuw, kuw, conf, known, ktou,
             lam16, loc_in, loc_fl, iu_in, iu_nb, iu_fl,
             xout, e_row, e_col, e_dat, cm_dat,
             vfull, zbuf, rb0, cb0, db0, pr0, rb1, cb1, db1, pr1,
             rbuf2, cbuf2, dbuf2, prodE1,
             x_sl, r_sl, p_sl, ap_sl, d_sl, crs_sl,
             dotv, idxv, dotall, lamb,
             acc_w, acc_e, pshr, dotsA, dotsB, lsem0, lsem1):
    sets = ((rb0, cb0, db0, pr0, lsem0), (rb1, cb1, db1, pr1, lsem1))
    t = lax.axis_index("s")
    sl0 = t * SL
    zf32 = jnp.zeros((16,), jnp.float32)

    def fill_f32(ref, n, start=0):
        def f(i, c):
            ref[pl.ds(start + i * 16, 16)] = zf32
            return c
        lax.fori_loop(0, n // 16, f, 0)

    def zero_acc_slice(acc):
        for q in range(SL // 1024):
            pltpu.sync_copy(zbuf, acc.at[pl.ds(sl0 + q * 1024, 1024)])

    def dot_partial(aref, bref):
        def f(i, acc):
            s = pl.ds(i * 16, 16)
            return acc + aref[s] * bref[s]
        return lax.fori_loop(0, SL // 16, f, zf32)

    def publish_dot(buf, part):
        dotv[...] = part
        pltpu.sync_copy(dotv, buf.at[idxv], add=True)

    def read_dot(buf):
        pltpu.sync_copy(buf, dotall)
        return jnp.broadcast_to(jnp.sum(dotall[...]), (16,))

    def zero_dot(buf):
        @pl.when(t == 0)
        def _():
            dotv[...] = zf32
            pltpu.sync_copy(dotv, buf)

    fill_f32(zbuf, 1024)
    idxv[...] = lax.iota(jnp.int32, 16)
    zero_acc_slice(acc_w)
    zero_acc_slice(acc_e)
    zero_dot(dotsA)
    zero_dot(dotsB)
    plsc.subcore_barrier()

    pltpu.sync_copy(cmw, vfull)

    def cm_build_chunk(i, c):
        base = t * CM_PT + i * CM_CH
        pltpu.sync_copy(cm_row.at[pl.ds(base, CM_CH)], rb0)
        pltpu.sync_copy(wcm_dat.at[pl.ds(base, CM_CH)], db0)

        def inner(j, cc):
            s = pl.ds(j * 16, 16)
            pr0[s] = db0[s] * plsc.load_gather(vfull, [rb0[s]])
            return cc
        lax.fori_loop(0, CM_CH // 16, inner, 0)
        pltpu.sync_copy(pr0, cm_dat.at[pl.ds(base, CM_CH)])
        pltpu.sync_copy(pr0, acc_w.at[rb0], add=True)
        return c
    lax.fori_loop(0, CM_NC, cm_build_chunk, 0)

    fill_f32(dbuf2, E_CH - LOC_PT, start=LOC_PT)
    zi32 = jnp.zeros((16,), jnp.int32)

    def fill_i32(ref, n, start):
        def f(i, c):
            ref[pl.ds(start + i * 16, 16)] = zi32
            return c
        lax.fori_loop(0, n // 16, f, 0)
    fill_i32(rbuf2, E_CH - LOC_PT, LOC_PT)
    fill_i32(cbuf2, E_CH - LOC_PT, LOC_PT)

    pltpu.sync_copy(locw, vfull)
    pltpu.sync_copy(loc_in.at[pl.ds(t * LOC_PT, LOC_PT)], cb0.at[pl.ds(0, LOC_PT)])

    def loc_pass(k, c):
        off = (k // 3 - 1) + (k % 3 - 1) * W
        pltpu.sync_copy(loc_fl.at[k, pl.ds(t * LOC_PT, LOC_PT)],
                        pr0.at[pl.ds(0, LOC_PT)])

        def inner(j, cc):
            s = pl.ds(j * 16, 16)
            in0 = cb0[s]
            lw = plsc.load_gather(vfull, [in0])
            rr = jnp.clip(in0 + OFF0, 0, N - 1)
            cc2 = jnp.clip(in0 + off, 0, N - 1)
            rbuf2[s] = rr
            cbuf2[s] = cc2
            dbuf2[s] = 0.5 * pr0[s] * lw
            return cc
        lax.fori_loop(0, LOC_PT // 16, inner, 0)
        base_e = k * NLOC + t * LOC_PT
        pltpu.sync_copy(rbuf2.at[pl.ds(0, LOC_PT)], e_row.at[pl.ds(base_e, LOC_PT)])
        pltpu.sync_copy(cbuf2.at[pl.ds(0, LOC_PT)], e_col.at[pl.ds(base_e, LOC_PT)])
        pltpu.sync_copy(dbuf2.at[pl.ds(0, LOC_PT)], e_dat.at[pl.ds(base_e, LOC_PT)])
        pltpu.sync_copy(dbuf2, acc_e.at[rbuf2], add=True)
        pltpu.sync_copy(dbuf2, acc_e.at[cbuf2], add=True)
        return c
    lax.fori_loop(0, 9, loc_pass, 0)

    pltpu.sync_copy(iuw, vfull)
    pltpu.sync_copy(iu_in.at[pl.ds(t * LOC_PT, LOC_PT)], cb0.at[pl.ds(0, LOC_PT)])

    def iu_pass(k, c):
        pltpu.sync_copy(iu_fl.at[k, pl.ds(t * LOC_PT, LOC_PT)],
                        pr0.at[pl.ds(0, LOC_PT)])
        pltpu.sync_copy(iu_nb.at[k, pl.ds(t * LOC_PT, LOC_PT)],
                        rb0.at[pl.ds(0, LOC_PT)])

        def inner(j, cc):
            s = pl.ds(j * 16, 16)
            in0 = cb0[s]
            iw = plsc.load_gather(vfull, [in0])
            rbuf2[s] = in0
            cbuf2[s] = rb0[s]
            dbuf2[s] = 0.5 * pr0[s] * iw
            return cc
        lax.fori_loop(0, LOC_PT // 16, inner, 0)
        base_e = 9 * NLOC + k * NIU + t * LOC_PT
        pltpu.sync_copy(rbuf2.at[pl.ds(0, LOC_PT)], e_row.at[pl.ds(base_e, LOC_PT)])
        pltpu.sync_copy(cbuf2.at[pl.ds(0, LOC_PT)], e_col.at[pl.ds(base_e, LOC_PT)])
        pltpu.sync_copy(dbuf2.at[pl.ds(0, LOC_PT)], e_dat.at[pl.ds(base_e, LOC_PT)])
        pltpu.sync_copy(dbuf2, acc_e.at[rbuf2], add=True)
        pltpu.sync_copy(dbuf2, acc_e.at[cbuf2], add=True)
        return c
    lax.fori_loop(0, 5, iu_pass, 0)

    pltpu.sync_copy(lam16, lamb)
    pltpu.sync_copy(kuw.at[pl.ds(sl0, SL)], ap_sl)
    pltpu.sync_copy(conf.at[pl.ds(sl0, SL)], crs_sl)

    def f3a(i, c):
        s = pl.ds(i * 16, 16)
        d_sl[s] = ap_sl[s] * crs_sl[s]
        return c
    lax.fori_loop(0, SL // 16, f3a, 0)
    pltpu.sync_copy(known.at[pl.ds(sl0, SL)], ap_sl)
    lamv = lamb[...]

    def f3b(i, c):
        s = pl.ds(i * 16, 16)
        d_sl[s] = d_sl[s] + lamv * ap_sl[s]
        return c
    lax.fori_loop(0, SL // 16, f3b, 0)
    pltpu.sync_copy(ktou.at[pl.ds(sl0, SL)], ap_sl)

    def f3c(i, c):
        s = pl.ds(i * 16, 16)
        b = d_sl[s] * ap_sl[s]
        r_sl[s] = b
        p_sl[s] = b
        x_sl[s] = zf32
        return c
    lax.fori_loop(0, SL // 16, f3c, 0)

    plsc.subcore_barrier()
    pltpu.sync_copy(acc_w.at[pl.ds(sl0, SL)], crs_sl)
    pltpu.sync_copy(acc_e.at[pl.ds(sl0, SL)], ap_sl)

    def f3d(i, c):
        s = pl.ds(i * 16, 16)
        d_sl[s] = d_sl[s] + ap_sl[s]
        return c
    lax.fori_loop(0, SL // 16, f3d, 0)
    zero_acc_slice(acc_w)
    zero_acc_slice(acc_e)

    publish_dot(dotsB, dot_partial(r_sl, r_sl))
    pltpu.sync_copy(p_sl, pshr.at[pl.ds(sl0, SL)])
    plsc.subcore_barrier()
    rs0 = read_dot(dotsB)
    pltpu.sync_copy(pshr, vfull)

    def cm_load_start(i, st):
        rb, cb, db, _, sem = st
        base = t * CM_PT + i * CM_CH
        pltpu.async_copy(cm_row.at[pl.ds(base, CM_CH)], rb, sem)
        pltpu.async_copy(cm_col.at[pl.ds(base, CM_CH)], cb, sem)
        pltpu.async_copy(cm_dat.at[pl.ds(base, CM_CH)], db, sem)

    def cm_load_wait(st):
        rb, cb, db, _, sem = st
        pltpu.make_async_copy(cm_row.at[pl.ds(0, CM_CH)], rb, sem).wait()
        pltpu.make_async_copy(cm_col.at[pl.ds(0, CM_CH)], cb, sem).wait()
        pltpu.make_async_copy(cm_dat.at[pl.ds(0, CM_CH)], db, sem).wait()

    def cm_pass(gather_by_col, acc):
        cm_load_start(0, sets[0])

        def outer(o, c):
            for b in (0, 1):
                idx = o * 2 + b
                st = sets[b]
                rb, cb, db, pr, _ = st
                cm_load_wait(st)

                @pl.when(idx + 1 < CM_NC)
                def _():
                    cm_load_start(idx + 1, sets[1 - b])
                gsrc = cb if gather_by_col else rb
                ssrc = rb if gather_by_col else cb

                def inner(j, cc):
                    s = pl.ds(j * 16, 16)
                    pr[s] = db[s] * plsc.load_gather(vfull, [gsrc[s]])
                    return cc
                lax.fori_loop(0, CM_CH // 16, inner, 0)
                pltpu.sync_copy(pr, acc.at[ssrc], add=True)
            return c
        lax.fori_loop(0, CM_NC // 2, outer, 0)

    def e_pass():
        def chunk(i, c):
            base = t * E_PT + i * E_CH
            pltpu.sync_copy(e_row.at[pl.ds(base, E_CH)], rbuf2)
            pltpu.sync_copy(e_col.at[pl.ds(base, E_CH)], cbuf2)
            pltpu.sync_copy(e_dat.at[pl.ds(base, E_CH)], dbuf2)

            def inner1(j, cc):
                s = pl.ds(j * 16, 16)
                prodE1[s] = dbuf2[s] * plsc.load_gather(vfull, [cbuf2[s]])
                return cc
            lax.fori_loop(0, E_CH // 16, inner1, 0)
            pltpu.sync_copy(prodE1, acc_e.at[rbuf2], add=True)

            def inner2(j, cc):
                s = pl.ds(j * 16, 16)
                prodE1[s] = dbuf2[s] * plsc.load_gather(vfull, [rbuf2[s]])
                return cc
            lax.fori_loop(0, E_CH // 16, inner2, 0)
            pltpu.sync_copy(prodE1, acc_e.at[cbuf2], add=True)
            return c
        lax.fori_loop(0, E_NC, chunk, 0)

    def cg_iter(_, rs):
        cm_pass(True, acc_w)
        e_pass()
        plsc.subcore_barrier()
        zero_dot(dotsB)

        for q in (0, 1):
            h0 = q * CM_CH
            pltpu.sync_copy(acc_w.at[pl.ds(sl0 + h0, CM_CH)], db0)

            def fu(i, c):
                s = pl.ds(h0 + i * 16, 16)
                pr0[pl.ds(i * 16, 16)] = crs_sl[s] * p_sl[s] - db0[pl.ds(i * 16, 16)]
                return c
            lax.fori_loop(0, CM_CH // 16, fu, 0)
            pltpu.sync_copy(pr0, pshr.at[pl.ds(sl0 + h0, CM_CH)])
        zero_acc_slice(acc_w)
        plsc.subcore_barrier()
        pltpu.sync_copy(pshr, vfull)

        cm_pass(False, acc_w)
        plsc.subcore_barrier()

        for q in (0, 1):
            h0 = q * CM_CH
            pltpu.sync_copy(acc_w.at[pl.ds(sl0 + h0, CM_CH)], db0)
            pltpu.sync_copy(acc_e.at[pl.ds(sl0 + h0, CM_CH)], db1)

            def fap(i, c):
                s = pl.ds(h0 + i * 16, 16)
                sj = pl.ds(i * 16, 16)
                u = vfull[pl.ds(sl0 + h0 + i * 16, 16)]
                ap_sl[s] = (d_sl[s] * p_sl[s] + crs_sl[s] * u
                            - db1[sj] - db0[sj])
                return c
            lax.fori_loop(0, CM_CH // 16, fap, 0)
        zero_acc_slice(acc_w)
        zero_acc_slice(acc_e)
        publish_dot(dotsA, dot_partial(p_sl, ap_sl))
        plsc.subcore_barrier()

        pap = read_dot(dotsA)
        alpha = rs / (pap + 1e-12)

        def fxr(i, acc):
            s = pl.ds(i * 16, 16)
            x_sl[s] = x_sl[s] + alpha * p_sl[s]
            rnew = r_sl[s] - alpha * ap_sl[s]
            r_sl[s] = rnew
            return acc + rnew * rnew
        rr = lax.fori_loop(0, SL // 16, fxr, zf32)
        publish_dot(dotsB, rr)
        plsc.subcore_barrier()
        zero_dot(dotsA)

        rs_new = read_dot(dotsB)
        beta = rs_new / (rs + 1e-12)

        def fp(i, c):
            s = pl.ds(i * 16, 16)
            p_sl[s] = r_sl[s] + beta * p_sl[s]
            return c
        lax.fori_loop(0, SL // 16, fp, 0)
        pltpu.sync_copy(p_sl, pshr.at[pl.ds(sl0, SL)])
        plsc.subcore_barrier()
        pltpu.sync_copy(pshr, vfull)
        return rs_new

    lax.fori_loop(0, CG_STEPS, cg_iter, rs0)

    pltpu.sync_copy(x_sl, xout.at[pl.ds(sl0, SL)])


_SC_OUT_TYPE = [
    jax.ShapeDtypeStruct((N,), jnp.float32),
    jax.ShapeDtypeStruct((ME,), jnp.int32),
    jax.ShapeDtypeStruct((ME,), jnp.int32),
    jax.ShapeDtypeStruct((ME,), jnp.float32),
    jax.ShapeDtypeStruct((M1,), jnp.float32),
]

_SC_SCRATCH = [
        pltpu.VMEM((N,), jnp.float32),
        pltpu.VMEM((1024,), jnp.float32),
        pltpu.VMEM((CM_CH,), jnp.int32),
        pltpu.VMEM((CM_CH,), jnp.int32),
        pltpu.VMEM((CM_CH,), jnp.float32),
        pltpu.VMEM((CM_CH,), jnp.float32),
        pltpu.VMEM((CM_CH,), jnp.int32),
        pltpu.VMEM((CM_CH,), jnp.int32),
        pltpu.VMEM((CM_CH,), jnp.float32),
        pltpu.VMEM((CM_CH,), jnp.float32),
        pltpu.VMEM((E_CH,), jnp.int32),
        pltpu.VMEM((E_CH,), jnp.int32),
        pltpu.VMEM((E_CH,), jnp.float32),
        pltpu.VMEM((E_CH,), jnp.float32),
        pltpu.VMEM((SL,), jnp.float32),
        pltpu.VMEM((SL,), jnp.float32),
        pltpu.VMEM((SL,), jnp.float32),
        pltpu.VMEM((SL,), jnp.float32),
        pltpu.VMEM((SL,), jnp.float32),
        pltpu.VMEM((SL,), jnp.float32),
        pltpu.VMEM((16,), jnp.float32),
        pltpu.VMEM((16,), jnp.int32),
        pltpu.VMEM((16,), jnp.float32),
        pltpu.VMEM((16,), jnp.float32),
        pltpu.VMEM_SHARED((N,), jnp.float32),
        pltpu.VMEM_SHARED((N,), jnp.float32),
        pltpu.VMEM_SHARED((N,), jnp.float32),
        pltpu.VMEM_SHARED((16,), jnp.float32),
        pltpu.VMEM_SHARED((16,), jnp.float32),
        pltpu.SemaphoreType.DMA,
        pltpu.SemaphoreType.DMA,
]


def _make_sc_solve(interpret=False):
    return pl.kernel(
        _sc_body,
        out_type=_SC_OUT_TYPE,
        mesh=plsc.VectorSubcoreMesh(core_axis_name="c", subcore_axis_name="s",
                                    num_cores=1, num_subcores=NT),
        compiler_params=pltpu.CompilerParams(needs_layout_passes=False),
        scratch_types=_SC_SCRATCH,
        interpret=interpret,
    )


_sc_solve = _make_sc_solve()


def kernel(image, kToUconf, known, kToU, Wcm_data, LOC_flows, IU_flows, W1, b1, g1, be1, W2, b2, g2, be2, W3, b3, lmbda, Wcm_row, Wcm_col, LOC_inInd, IU_inInd, IU_neighInd):
    x3 = image.reshape(3, N)
    w4 = _mlp_forward(x3, W1, b1, g1, be1, W2, b2, g2, be2, W3, b3)
    lam16 = jnp.broadcast_to(lmbda, (16,))
    outs = _sc_solve(
        Wcm_row, Wcm_col.reshape(M1), Wcm_data,
        w4[0], w4[1], w4[2], w4[3],
        kToUconf, known, kToU, lam16,
        LOC_inInd.reshape(NLOC), LOC_flows[:, 0, :],
        IU_inInd.reshape(NIU), IU_neighInd.T, IU_flows.T,
    )
    return outs[0].reshape(1, H, W)

# --- scband reference (transcript-rebuilt; emitter-appended) ---
"""Pipeline reference for scband-matting-cnn-22462678958637 (READ-ONLY COPY).

The authoritative reference and input builder live on the scoring server;
editing this copy changes nothing except your own understanding.
"""

import jax, jax.numpy as jnp
import numpy as np

H = 256
W = 256
N = H * W
NNZ_CM = 20 * N
N_LOC = 16384
N_IU = 16384
CG_STEPS = 50

def _conv1x1(x, w, b):
    return jnp.einsum('oi,bihw->bohw', w, x) + b.reshape(1, -1, 1, 1)

def _bn(x, g, b):
    m = x.mean(axis=(0, 2, 3), keepdims=True)
    v = x.var(axis=(0, 2, 3), keepdims=True)
    return g.reshape(1, -1, 1, 1) * (x - m) / jnp.sqrt(v + 1e-5) + b.reshape(1, -1, 1, 1)

def _leaky(x):
    return jnp.where(x > 0, x, 0.01 * x)

def _seg(data, idx, n):
    return jax.ops.segment_sum(data, idx, num_segments=n)

def setup_inputs(seed: int = 0):
    key = jax.random.key(seed)
    ks = jax.random.split(key, 24)
    inp = {}
    inp['image'] = jax.random.normal(ks[0], (1, 3, H, W), dtype=jnp.float32)
    inp['kToUconf'] = jax.random.uniform(ks[1], (N,), dtype=jnp.float32)
    inp['known'] = jax.random.uniform(ks[2], (N,), dtype=jnp.float32)
    inp['kToU'] = jax.random.uniform(ks[3], (N,), dtype=jnp.float32)
    inp['Wcm_data'] = jax.random.uniform(ks[4], (NNZ_CM,), dtype=jnp.float32)
    inp['LOC_flows'] = jax.random.uniform(ks[5], (9, 9, N_LOC), dtype=jnp.float32)
    inp['IU_flows'] = jax.random.uniform(ks[6], (N_IU, 5), dtype=jnp.float32)
    inp['W1'] = jax.random.normal(ks[7], (64, 3), dtype=jnp.float32) * 0.1
    inp['b1'] = jnp.zeros((64,), dtype=jnp.float32)
    inp['g1'] = jnp.ones((64,), dtype=jnp.float32)
    inp['be1'] = jnp.zeros((64,), dtype=jnp.float32)
    inp['W2'] = jax.random.normal(ks[8], (64, 64), dtype=jnp.float32) * 0.1
    inp['b2'] = jnp.zeros((64,), dtype=jnp.float32)
    inp['g2'] = jnp.ones((64,), dtype=jnp.float32)
    inp['be2'] = jnp.zeros((64,), dtype=jnp.float32)
    inp['W3'] = jax.random.normal(ks[9], (4, 64), dtype=jnp.float32) * 0.05
    inp['b3'] = jnp.zeros((4,), dtype=jnp.float32)
    inp['lmbda'] = jnp.ones((1,), dtype=jnp.float32) * 100.0
    inp['Wcm_row'] = jax.random.randint(ks[10], (NNZ_CM,), 0, N)
    inp['Wcm_col'] = jax.random.randint(ks[11], (NNZ_CM, 1), 0, N)
    inp['LOC_inInd'] = jax.random.randint(ks[12], (N_LOC, 1), W + 1, N - W - 1)
    inp['IU_inInd'] = jax.random.randint(ks[13], (N_IU, 1), 0, N)
    inp['IU_neighInd'] = jax.random.randint(ks[14], (N_IU, 5), 0, N)
    return inp

def _forward(image, kToUconf, known, kToU, Wcm_data, LOC_flows, IU_flows, W1, b1, g1, be1, W2, b2, g2, be2, W3, b3, lmbda, Wcm_row, Wcm_col, LOC_inInd, IU_inInd, IU_neighInd):
    # LinearChain(3, 4, width=64, depth=3, batchnorm=True): pointwise conv chain
    x = _leaky(_bn(_conv1x1(image, W1, b1), g1, be1))
    x = _leaky(_bn(_conv1x1(x, W2, b2), g2, be2))
    x = _conv1x1(x, W3, b3)
    weights = x.reshape(4, N)
    CM_w = weights[0]
    LOC_w = weights[1]
    IU_w = weights[2]
    KU_w = weights[3]
    # ---- color mixture Laplacian: Lcm = Lcm0^T Lcm0 with Lcm0 = diag(rowsum) - diag(CM_w) Wcm ----
    cm_col = Wcm_col.reshape(-1)
    cm_data = CM_w[Wcm_row] * Wcm_data
    cm_rowsum = _seg(cm_data, Wcm_row, N)
    def Lcm0_mv(v):
        return cm_rowsum * v - _seg(cm_data * v[cm_col], Wcm_row, N)
    def Lcm0T_mv(v):
        return cm_rowsum * v - _seg(cm_data * v[Wcm_row], cm_col, N)
    # ---- matting Laplacian (loop breaks after i==0 in original) ----
    in0 = LOC_inInd[:, 0]
    neigh = jnp.stack([in0 - 1 - W, in0 - 1, in0 - 1 + W, in0 - W, in0, in0 + W, in0 + 1 - W, in0 + 1, in0 + 1 + W], axis=1)
    neigh = jnp.clip(neigh, 0, N - 1)
    loc_w = LOC_w[in0]
    flows = LOC_flows * loc_w.reshape(1, 1, -1)
    data0 = flows[:, 0, :].T.reshape(-1)
    row0 = jnp.repeat(neigh[:, 0], 9)
    col0 = neigh.reshape(-1)
    m_rows = jnp.concatenate([row0, col0])
    m_cols = jnp.concatenate([col0, row0])
    m_data = 0.5 * jnp.concatenate([data0, data0])
    m_rowsum = _seg(m_data, m_rows, N)
    def Lmat_mv(v):
        return m_rowsum * v - _seg(m_data * v[m_cols], m_rows, N)
    # ---- intra-unknowns Laplacian ----
    iu0 = IU_inInd[:, 0]
    iu_w = IU_w[iu0]
    fl = IU_flows[:, :5] * iu_w.reshape(-1, 1)
    c_row0 = jnp.repeat(iu0, 5)
    c_col0 = IU_neighInd[:, :5].reshape(-1)
    c_data0 = fl.reshape(-1)
    c_rows = jnp.concatenate([c_row0, c_col0])
    c_cols = jnp.concatenate([c_col0, c_row0])
    c_data = 0.5 * jnp.concatenate([c_data0, c_data0])
    c_rowsum = _seg(c_data, c_rows, N)
    def Lcs_mv(v):
        return c_rowsum * v - _seg(c_data * v[c_cols], c_rows, N)
    # ---- KU + known diagonals, rhs ----
    diag = KU_w * kToUconf + lmbda[0] * known
    b_vec = diag * kToU
    def A_mv(v):
        return Lcs_mv(v) + Lmat_mv(v) + Lcm0T_mv(Lcm0_mv(v)) + diag * v
    # ---- sparse CG, x0 = 0, fixed step count ----
    xk = jnp.zeros((N,), dtype=jnp.float32)
    r = b_vec - A_mv(xk)
    p = r
    rs = jnp.dot(r, r)
    for _ in range(CG_STEPS):
        Ap = A_mv(p)
        alpha = rs / (jnp.dot(p, Ap) + 1e-12)
        xk = xk + alpha * p
        r = r - alpha * Ap
        rs_new = jnp.dot(r, r)
        p = r + (rs_new / (rs + 1e-12)) * p
        rs = rs_new
    return xk.reshape(1, H, W)

def reference(image, kToUconf, known, kToU, Wcm_data, LOC_flows, IU_flows, W1, b1, g1, be1, W2, b2, g2, be2, W3, b3, lmbda, Wcm_row, Wcm_col, LOC_inInd, IU_inInd, IU_neighInd):
    return _forward(image, kToUconf, known, kToU, Wcm_data, LOC_flows, IU_flows, W1, b1, g1, be1, W2, b2, g2, be2, W3, b3, lmbda, Wcm_row, Wcm_col, LOC_inInd, IU_inInd, IU_neighInd)

if __name__ == "__main__":
    import jax
    _d = setup_inputs()
    print(jax.jit(kernel)(*tuple(_d.values())))

</pallas_src>

<mosaic_0001>
#map = affine_map<(d0, d1) -> (0)>
#map1 = affine_map<(d0, d1) -> (0, 0)>
module attributes {stable_mosaic.version = 14 : i64} {
  func.func @_sc_body(%arg0: i32, %arg1: i32, %arg2: memref<1310720xi32, #tpu.memory_space<hbm>>, %arg3: memref<1310720xi32, #tpu.memory_space<hbm>>, %arg4: memref<1310720xf32, #tpu.memory_space<hbm>>, %arg5: memref<65536xf32, #tpu.memory_space<hbm>>, %arg6: memref<65536xf32, #tpu.memory_space<hbm>>, %arg7: memref<65536xf32, #tpu.memory_space<hbm>>, %arg8: memref<65536xf32, #tpu.memory_space<hbm>>, %arg9: memref<65536xf32, #tpu.memory_space<hbm>>, %arg10: memref<65536xf32, #tpu.memory_space<hbm>>, %arg11: memref<65536xf32, #tpu.memory_space<hbm>>, %arg12: memref<16xf32, #tpu.memory_space<hbm>>, %arg13: memref<16384xi32, #tpu.memory_space<hbm>>, %arg14: memref<9x16384xf32, #tpu.memory_space<hbm>>, %arg15: memref<16384xi32, #tpu.memory_space<hbm>>, %arg16: memref<5x16384xi32, #tpu.memory_space<hbm>>, %arg17: memref<5x16384xf32, #tpu.memory_space<hbm>>, %arg18: memref<65536xf32, #tpu.memory_space<hbm>>, %arg19: memref<229376xi32, #tpu.memory_space<hbm>>, %arg20: memref<229376xi32, #tpu.memory_space<hbm>>, %arg21: memref<229376xf32, #tpu.memory_space<hbm>>, %arg22: memref<1310720xf32, #tpu.memory_space<hbm>>, %arg23: memref<65536xf32, #tpu.memory_space<vmem>>, %arg24: memref<1024xf32, #tpu.memory_space<vmem>>, %arg25: memref<2048xi32, #tpu.memory_space<vmem>>, %arg26: memref<2048xi32, #tpu.memory_space<vmem>>, %arg27: memref<2048xf32, #tpu.memory_space<vmem>>, %arg28: memref<2048xf32, #tpu.memory_space<vmem>>, %arg29: memref<2048xi32, #tpu.memory_space<vmem>>, %arg30: memref<2048xi32, #tpu.memory_space<vmem>>, %arg31: memref<2048xf32, #tpu.memory_space<vmem>>, %arg32: memref<2048xf32, #tpu.memory_space<vmem>>, %arg33: memref<2048xi32, #tpu.memory_space<vmem>>, %arg34: memref<2048xi32, #tpu.memory_space<vmem>>, %arg35: memref<2048xf32, #tpu.memory_space<vmem>>, %arg36: memref<2048xf32, #tpu.memory_space<vmem>>, %arg37: memref<4096xf32, #tpu.memory_space<vmem>>, %arg38: memref<4096xf32, #tpu.memory_space<vmem>>, %arg39: memref<4096xf32, #tpu.memory_space<vmem>>, %arg40: memref<4096xf32, #tpu.memory_space<vmem>>, %arg41: memref<4096xf32, #tpu.memory_space<vmem>>, %arg42: memref<4096xf32, #tpu.memory_space<vmem>>, %arg43: memref<16xf32, #tpu.memory_space<vmem>>, %arg44: memref<16xi32, #tpu.memory_space<vmem>>, %arg45: memref<16xf32, #tpu.memory_space<vmem>>, %arg46: memref<16xf32, #tpu.memory_space<vmem>>, %arg47: memref<65536xf32, #tpu.memory_space<vmem_shared>>, %arg48: memref<65536xf32, #tpu.memory_space<vmem_shared>>, %arg49: memref<65536xf32, #tpu.memory_space<vmem_shared>>, %arg50: memref<16xf32, #tpu.memory_space<vmem_shared>>, %arg51: memref<16xf32, #tpu.memory_space<vmem_shared>>, %arg52: memref<!tpu.dma_semaphore, #tpu.memory_space<semaphore_mem>>, %arg53: memref<!tpu.dma_semaphore, #tpu.memory_space<semaphore_mem>>) attributes {dimension_semantics = [#tpu.dimension_semantics<core_parallel>, #tpu.dimension_semantics<subcore_parallel>], iteration_bounds = array<i64: 1, 16>, scalar_prefetch = 0 : i64, scratch_operands = 31 : i64, tpu.core_type = #tpu.core_type<sc_vector_subcore>, window_params = [{transform_indices = #map}, {transform_indices = #map}, {transform_indices = #map}, {transform_indices = #map}, {transform_indices = #map}, {transform_indices = #map}, {transform_indices = #map}, {transform_indices = #map}, {transform_indices = #map}, {transform_indices = #map}, {transform_indices = #map}, {transform_indices = #map}, {transform_indices = #map1}, {transform_indices = #map}, {transform_indices = #map1}, {transform_indices = #map1}, {transform_indices = #map}, {transform_indices = #map}, {transform_indices = #map}, {transform_indices = #map}, {transform_indices = #map}]} {
    %mul3A = arith.constant 4096 : i32
    %mul3A_0 = arith.muli %arg1, %mul3A : i32
    %broadcast_in_dim3A = arith.constant 0.000000e+00 : f32
    %broadcast_in_dim3A_1 = vector.broadcast %broadcast_in_dim3A : f32 to vector<16xf32>
    %scan3A = arith.constant 0 : i32
    %scan3A_2 = arith.constant 0 : i32
    %scan3A_3 = arith.constant 64 : i32
    %scan3A_4 = arith.addi %scan3A_2, %scan3A_3 : i32
    %scan3A_5 = arith.constant 1 : i32
    scf.for %scan3A_135 = %scan3A_2 to %scan3A_4 step %scan3A_5  : i32 {
      %mul3A_136 = arith.constant 16 : i32
      %mul3A_137 = arith.muli %scan3A_135, %mul3A_136 : i32
      %add3A_138 = arith.constant 0 : i32
      %add3A_139 = arith.addi %add3A_138, %mul3A_137 : i32
      %swap3A_140 = arith.index_cast %add3A_139 : i32 to index
      %swap3A_141 = tpu.vector_load %arg24[%swap3A_140] {strides = array<i32>} : memref<1024xf32, #tpu.memory_space<vmem>>, vector<16xf32>,
      tpu.vector_store %arg24[%swap3A_140], %broadcast_in_dim3A_1 {strides = array<i32>} : memref<1024xf32, #tpu.memory_space<vmem>>, vector<16xf32>,
    }
    %scan3A_6 = arith.constant 64 : i32
    %iota3A = tpu.iota {dimensions = array<i32: 0>} : vector<16xi32>
    %swap3A = arith.constant 0 : index
    %swap3A_7 = tpu.vector_load %arg44[%swap3A] {strides = array<i32>} : memref<16xi32, #tpu.memory_space<vmem>>, vector<16xi32>,
    tpu.vector_store %arg44[%swap3A], %iota3A {strides = array<i32>} : memref<16xi32, #tpu.memory_space<vmem>>, vector<16xi32>,
    %add3A = arith.constant 0 : i32
    %add3A_8 = arith.addi %mul3A_0, %add3A : i32
    "tpu.region"() ({
      %run_scoped3A = tpu.sem_alloc : memref<!tpu.dma_semaphore, #tpu.memory_space<semaphore_mem>>
      %dma_start3A = tpu.memref_slice %arg47[%add3A_8] : memref<65536xf32, #tpu.memory_space<vmem_shared>> -> memref<1024xf32, #tpu.memory_space<vmem_shared>>
      %dma_start3A_135 = tpu.memref_slice %arg47[%add3A_8] : memref<65536xf32, #tpu.memory_space<vmem_shared>> -> memref<1024xf32, #tpu.memory_space<vmem_shared>>
      tpu.enqueue_dma source(%arg24 : memref<1024xf32, #tpu.memory_space<vmem>>) target(%dma_start3A_135 : memref<1024xf32, #tpu.memory_space<vmem_shared>>) target_semaphore(%run_scoped3A : memref<!tpu.dma_semaphore, #tpu.memory_space<semaphore_mem>>)
      %dma_wait3A = tpu.memref_slice %arg47[%add3A_8] : memref<65536xf32, #tpu.memory_space<vmem_shared>> -> memref<1024xf32, #tpu.memory_space<vmem_shared>>
      %dma_wait3A_136 = tpu.memref_slice %arg47[%add3A_8] : memref<65536xf32, #tpu.memory_space<vmem_shared>> -> memref<1024xf32, #tpu.memory_space<vmem_shared>>
      tpu.wait_dma2 semaphore(%run_scoped3A : memref<!tpu.dma_semaphore, #tpu.memory_space<semaphore_mem>>) src(%arg24 : memref<1024xf32, #tpu.memory_space<vmem>>) dst(%dma_wait3A_136 : memref<1024xf32, #tpu.memory_space<vmem_shared>>)
      tpu.yield
    }) : () -> ()
    %add3A_9 = arith.constant 1024 : i32
    %add3A_10 = arith.addi %mul3A_0, %add3A_9 : i32
    "tpu.region"() ({
      %run_scoped3A = tpu.sem_alloc : memref<!tpu.dma_semaphore, #tpu.memory_space<semaphore_mem>>
      %dma_start3A = tpu.memref_slice %arg47[%add3A_10] : memref<65536xf32, #tpu.memory_space<vmem_shared>> -> memref<1024xf32, #tpu.memory_space<vmem_shared>>
      %dma_start3A_135 = tpu.memref_slice %arg47[%add3A_10] : memref<65536xf32, #tpu.memory_space<vmem_shared>> -> memref<1024xf32, #tpu.memory_space<vmem_shared>>
      tpu.enqueue_dma source(%arg24 : memref<1024xf32, #tpu.memory_space<vmem>>) target(%dma_start3A_135 : memref<1024xf32, #tpu.memory_space<vmem_shared>>) target_semaphore(%run_scoped3A : memref<!tpu.dma_semaphore, #tpu.memory_space<semaphore_mem>>)
      %dma_wait3A = tpu.memref_slice %arg47[%add3A_10] : memref<65536xf32, #tpu.memory_space<vmem_shared>> -> memref<1024xf32, #tpu.memory_space<vmem_shared>>
      %dma_wait3A_136 = tpu.memref_slice %arg47[%add3A_10] : memref<65536xf32, #tpu.memory_space<vmem_shared>> -> memref<1024xf32, #tpu.memory_space<vmem_shared>>
      tpu.wait_dma2 semaphore(%run_scoped3A : memref<!tpu.dma_semaphore, #tpu.memory_space<semaphore_mem>>) src(%arg24 : memref<1024xf32, #tpu.memory_space<vmem>>) dst(%dma_wait3A_136 : memref<1024xf32, #tpu.memory_space<vmem_shared>>)
      tpu.yield
    }) : () -> ()
    %add3A_11 = arith.constant 2048 : i32
    %add3A_12 = arith.addi %mul3A_0, %add3A_11 : i32
    "tpu.region"() ({
      %run_scoped3A = tpu.sem_alloc : memref<!tpu.dma_semaphore, #tpu.memory_space<semaphore_mem>>
      %dma_start3A = tpu.memref_slice %arg47[%add3A_12] : memref<65536xf32, #tpu.memory_space<vmem_shared>> -> memref<1024xf32, #tpu.memory_space<vmem_shared>>
      %dma_start3A_135 = tpu.memref_slice %arg47[%add3A_12] : memref<65536xf32, #tpu.memory_space<vmem_shared>> -> memref<1024xf32, #tpu.memory_space<vmem_shared>>
      tpu.enqueue_dma source(%arg24 : memref<1024xf32, #tpu.memory_space<vmem>>) target(%dma_start3A_135 : memref<1024xf32, #tpu.memory_space<vmem_shared>>) target_semaphore(%run_scoped3A : memref<!tpu.dma_semaphore, #tpu.memory_space<semaphore_mem>>)
      %dma_wait3A = tpu.memref_slice %arg47[%add3A_12] : memref<65536xf32, #tpu.memory_space<vmem_shared>> -> memref<1024xf32, #tpu.memory_space<vmem_shared>>
      %dma_wait3A_136 = tpu.memref_slice %arg47[%add3A_12] : memref<65536xf32, #tpu.memory_space<vmem_shared>> -> memref<1024xf32, #tpu.memory_space<vmem_shared>>
      tpu.wait_dma2 semaphore(%run_scoped3A : memref<!tpu.dma_semaphore, #tpu.memory_space<semaphore_mem>>) src(%arg24 : memref<1024xf32, #tpu.memory_space<vmem>>) dst(%dma_wait3A_136 : memref<1024xf32, #tpu.memory_space<vmem_shared>>)
      tpu.yield
    }) : () -> ()
    %add3A_13 = arith.constant 3072 : i32
    %add3A_14 = arith.addi %mul3A_0, %add3A_13 : i32
    "tpu.region"() ({
      %run_scoped3A = tpu.sem_alloc : memref<!tpu.dma_semaphore, #tpu.memory_space<semaphore_mem>>
      %dma_start3A = tpu.memref_slice %arg47[%add3A_14] : memref<65536xf32, #tpu.memory_space<vmem_shared>> -> memref<1024xf32, #tpu.memory_space<vmem_shared>>
      %dma_start3A_135 = tpu.memref_slice %arg47[%add3A_14] : memref<65536xf32, #tpu.memory_space<vmem_shared>> -> memref<1024xf32, #tpu.memory_space<vmem_shared>>
      tpu.enqueue_dma source(%arg24 : memref<1024xf32, #tpu.memory_space<vmem>>) target(%dma_start3A_135 : memref<1024xf32, #tpu.memory_space<vmem_shared>>) target_semaphore(%run_scoped3A : memref<!tpu.dma_semaphore, #tpu.memory_space<semaphore_mem>>)
      %dma_wait3A = tpu.memref_slice %arg47[%add3A_14] : memref<65536xf32, #tpu.memory_space<vmem_shared>> -> memref<1024xf32, #tpu.memory_space<vmem_shared>>
      %dma_wait3A_136 = tpu.memref_slice %arg47[%add3A_14] : memref<65536xf32, #tpu.memory_space<vmem_shared>> -> memref<1024xf32, #tpu.memory_space<vmem_shared>>
      tpu.wait_dma2 semaphore(%run_scoped3A : memref<!tpu.dma_semaphore, #tpu.memory_space<semaphore_mem>>) src(%arg24 : memref<1024xf32, #tpu.memory_space<vmem>>) dst(%dma_wait3A_136 : memref<1024xf32, #tpu.memory_space<vmem_shared>>)
      tpu.yield
    }) : () -> ()
    %add3A_15 = arith.constant 0 : i32
    %add3A_16 = arith.addi %mul3A_0, %add3A_15 : i32
    "tpu.region"() ({
      %run_scoped3A = tpu.sem_alloc : memref<!tpu.dma_semaphore, #tpu.memory_space<semaphore_mem>>
      %dma_start3A = tpu.memref_slice %arg48[%add3A_16] : memref<65536xf32, #tpu.memory_space<vmem_shared>> -> memref<1024xf32, #tpu.memory_space<vmem_shared>>
      %dma_start3A_135 = tpu.memref_slice %arg48[%add3A_16] : memref<65536xf32, #tpu.memory_space<vmem_shared>> -> memref<1024xf32, #tpu.memory_space<vmem_shared>>
      tpu.enqueue_dma source(%arg24 : memref<1024xf32, #tpu.memory_space<vmem>>) target(%dma_start3A_135 : memref<1024xf32, #tpu.memory_space<vmem_shared>>) target_semaphore(%run_scoped3A : memref<!tpu.dma_semaphore, #tpu.memory_space<semaphore_mem>>)
      %dma_wait3A = tpu.memref_slice %arg48[%add3A_16] : memref<65536xf32, #tpu.memory_space<vmem_shared>> -> memref<1024xf32, #tpu.memory_space<vmem_shared>>
      %dma_wait3A_136 = tpu.memref_slice %arg48[%add3A_16] : memref<65536xf32, #tpu.memory_space<vmem_shared>> -> memref<1024xf32, #tpu.memory_space<vmem_shared>>
      tpu.wait_dma2 semaphore(%run_scoped3A : memref<!tpu.dma_semaphore, #tpu.memory_space<semaphore_mem>>) src(%arg24 : memref<1024xf32, #tpu.memory_space<vmem>>) dst(%dma_wait3A_136 : memref<1024xf32, #tpu.memory_space<vmem_shared>>)
      tpu.yield
    }) : () -> ()
    %add3A_17 = arith.constant 1024 : i32
    %add3A_18 = arith.addi %mul3A_0, %add3A_17 : i32
    "tpu.region"() ({
      %run_scoped3A = tpu.sem_alloc : memref<!tpu.dma_semaphore, #tpu.memory_space<semaphore_mem>>
      %dma_start3A = tpu.memref_slice %arg48[%add3A_18] : memref<65536xf32, #tpu.memory_space<vmem_shared>> -> memref<1024xf32, #tpu.memory_space<vmem_shared>>
      %dma_start3A_135 = tpu.memref_slice %arg48[%add3A_18] : memref<65536xf32, #tpu.memory_space<vmem_shared>> -> memref<1024xf32, #tpu.memory_space<vmem_shared>>
      tpu.enqueue_dma source(%arg24 : memref<1024xf32, #tpu.memory_space<vmem>>) target(%dma_start3A_135 : memref<1024xf32, #tpu.memory_space<vmem_shared>>) target_semaphore(%run_scoped3A : memref<!tpu.dma_semaphore, #tpu.memory_space<semaphore_mem>>)
      %dma_wait3A = tpu.memref_slice %arg48[%add3A_18] : memref<65536xf32, #tpu.memory_space<vmem_shared>> -> memref<1024xf32, #tpu.memory_space<vmem_shared>>
      %dma_wait3A_136 = tpu.memref_slice %arg48[%add3A_18] : memref<65536xf32, #tpu.memory_space<vmem_shared>> -> memref<1024xf32, #tpu.memory_space<vmem_shared>>
      tpu.wait_dma2 semaphore(%run_scoped3A : memref<!tpu.dma_semaphore, #tpu.memory_space<semaphore_mem>>) src(%arg24 : memref<1024xf32, #tpu.memory_space<vmem>>) dst(%dma_wait3A_136 : memref<1024xf32, #tpu.memory_space<vmem_shared>>)
      tpu.yield
    }) : () -> ()
    %add3A_19 = arith.constant 2048 : i32
    %add3A_20 = arith.addi %mul3A_0, %add3A_19 : i32
    "tpu.region"() ({
      %run_scoped3A = tpu.sem_alloc : memref<!tpu.dma_semaphore, #tpu.memory_space<semaphore_mem>>
      %dma_start3A = tpu.memref_slice %arg48[%add3A_20] : memref<65536xf32, #tpu.memory_space<vmem_shared>> -> memref<1024xf32, #tpu.memory_space<vmem_shared>>
      %dma_start3A_135 = tpu.memref_slice %arg48[%add3A_20] : memref<65536xf32, #tpu.memory_space<vmem_shared>> -> memref<1024xf32, #tpu.memory_space<vmem_shared>>
      tpu.enqueue_dma source(%arg24 : memref<1024xf32, #tpu.memory_space<vmem>>) target(%dma_start3A_135 : memref<1024xf32, #tpu.memory_space<vmem_shared>>) target_semaphore(%run_scoped3A : memref<!tpu.dma_semaphore, #tpu.memory_space<semaphore_mem>>)
      %dma_wait3A = tpu.memref_slice %arg48[%add3A_20] : memref<65536xf32, #tpu.memory_space<vmem_shared>> -> memref<1024xf32, #tpu.memory_space<vmem_shared>>
      %dma_wait3A_136 = tpu.memref_slice %arg48[%add3A_20] : memref<65536xf32, #tpu.memory_space<vmem_shared>> -> memref<1024xf32, #tpu.memory_space<vmem_shared>>
      tpu.wait_dma2 semaphore(%run_scoped3A : memref<!tpu.dma_semaphore, #tpu.memory_space<semaphore_mem>>) src(%arg24 : memref<1024xf32, #tpu.memory_space<vmem>>) dst(%dma_wait3A_136 : memref<1024xf32, #tpu.memory_space<vmem_shared>>)
      tpu.yield
    }) : () -> ()
    %add3A_21 = arith.constant 3072 : i32
    %add3A_22 = arith.addi %mul3A_0, %add3A_21 : i32
    "tpu.region"() ({
      %run_scoped3A = tpu.sem_alloc : memref<!tpu.dma_semaphore, #tpu.memory_space<semaphore_mem>>
      %dma_start3A = tpu.memref_slice %arg48[%add3A_22] : memref<65536xf32, #tpu.memory_space<vmem_shared>> -> memref<1024xf32, #tpu.memory_space<vmem_shared>>
      %dma_start3A_135 = tpu.memref_slice %arg48[%add3A_22] : memref<65536xf32, #tpu.memory_space<vmem_shared>> -> memref<1024xf32, #tpu.memory_space<vmem_shared>>
      tpu.enqueue_dma source(%arg24 : memref<1024xf32, #tpu.memory_space<vmem>>) target(%dma_start3A_135 : memref<1024xf32, #tpu.memory_space<vmem_shared>>) target_semaphore(%run_scoped3A : memref<!tpu.dma_semaphore, #tpu.memory_space<semaphore_mem>>)
      %dma_wait3A = tpu.memref_slice %arg48[%add3A_22] : memref<65536xf32, #tpu.memory_space<vmem_shared>> -> memref<1024xf32, #tpu.memory_space<vmem_shared>>
      %dma_wait3A_136 = tpu.memref_slice %arg48[%add3A_22] : memref<65536xf32, #tpu.memory_space<vmem_shared>> -> memref<1024xf32, #tpu.memory_space<vmem_shared>>
      tpu.wait_dma2 semaphore(%run_scoped3A : memref<!tpu.dma_semaphore, #tpu.memory_space<semaphore_mem>>) src(%arg24 : memref<1024xf32, #tpu.memory_space<vmem>>) dst(%dma_wait3A_136 : memref<1024xf32, #tpu.memory_space<vmem_shared>>)
      tpu.yield
    }) : () -> ()
    %eq3A = arith.constant 0 : i32
    %eq3A_23 = arith.cmpi eq, %arg1, %eq3A : i32
    %convert_element_type3A = arith.extui %eq3A_23 : i1 to i32
    %cond3A = arith.constant 0 : i32
    %cond3A_24 = arith.cmpi ne, %convert_element_type3A, %cond3A : i32
    scf.if %cond3A_24 {
      %swap3A_135 = arith.constant 0 : index
      %swap3A_136 = tpu.vector_load %arg43[%swap3A_135] {strides = array<i32>} : memref<16xf32, #tpu.memory_space<vmem>>, vector<16xf32>,
      tpu.vector_store %arg43[%swap3A_135], %broadcast_in_dim3A_1 {strides = array<i32>} : memref<16xf32, #tpu.memory_space<vmem>>, vector<16xf32>,
      "tpu.region"() ({
        %run_scoped3A = tpu.sem_alloc : memref<!tpu.dma_semaphore, #tpu.memory_space<semaphore_mem>>
        tpu.enqueue_dma source(%arg43 : memref<16xf32, #tpu.memory_space<vmem>>) target(%arg50 : memref<16xf32, #tpu.memory_space<vmem_shared>>) target_semaphore(%run_scoped3A : memref<!tpu.dma_semaphore, #tpu.memory_space<semaphore_mem>>)
        tpu.wait_dma2 semaphore(%run_scoped3A : memref<!tpu.dma_semaphore, #tpu.memory_space<semaphore_mem>>) src(%arg43 : memref<16xf32, #tpu.memory_space<vmem>>) dst(%arg50 : memref<16xf32, #tpu.memory_space<vmem_shared>>)
        tpu.yield
      }) : () -> ()
    } else {
    }
    %eq3A_25 = arith.constant 0 : i32
    %eq3A_26 = arith.cmpi eq, %arg1, %eq3A_25 : i32
    %convert_element_type3A_27 = arith.extui %eq3A_26 : i1 to i32
    %cond3A_28 = arith.constant 0 : i32
    %cond3A_29 = arith.cmpi ne, %convert_element_type3A_27, %cond3A_28 : i32
    scf.if %cond3A_29 {
      %swap3A_135 = arith.constant 0 : index
      %swap3A_136 = tpu.vector_load %arg43[%swap3A_135] {strides = array<i32>} : memref<16xf32, #tpu.memory_space<vmem>>, vector<16xf32>,
      tpu.vector_store %arg43[%swap3A_135], %broadcast_in_dim3A_1 {strides = array<i32>} : memref<16xf32, #tpu.memory_space<vmem>>, vector<16xf32>,
      "tpu.region"() ({
        %run_scoped3A = tpu.sem_alloc : memref<!tpu.dma_semaphore, #tpu.memory_space<semaphore_mem>>
        tpu.enqueue_dma source(%arg43 : memref<16xf32, #tpu.memory_space<vmem>>) target(%arg51 : memref<16xf32, #tpu.memory_space<vmem_shared>>) target_semaphore(%run_scoped3A : memref<!tpu.dma_semaphore, #tpu.memory_space<semaphore_mem>>)
        tpu.wait_dma2 semaphore(%run_scoped3A : memref<!tpu.dma_semaphore, #tpu.memory_space<semaphore_mem>>) src(%arg43 : memref<16xf32, #tpu.memory_space<vmem>>) dst(%arg51 : memref<16xf32, #tpu.memory_space<vmem_shared>>)
        tpu.yield
      }) : () -> ()
    } else {
    }
    %barrier3A = arith.constant 0 : index
    tpu.barrier barrier_id(%barrier3A)
    "tpu.region"() ({
      %run_scoped3A = tpu.sem_alloc : memref<!tpu.dma_semaphore, #tpu.memory_space<semaphore_mem>>
      tpu.enqueue_dma source(%arg5 : memref<65536xf32, #tpu.memory_space<hbm>>) target(%arg23 : memref<65536xf32, #tpu.memory_space<vmem>>) target_semaphore(%run_scoped3A : memref<!tpu.dma_semaphore, #tpu.memory_space<semaphore_mem>>)
      tpu.wait_dma2 semaphore(%run_scoped3A : memref<!tpu.dma_semaphore, #tpu.memory_space<semaphore_mem>>) src(%arg5 : memref<65536xf32, #tpu.memory_space<hbm>>) dst(%arg23 : memref<65536xf32, #tpu.memory_space<vmem>>)
      tpu.yield
    }) : () -> ()
    %scan3A_30 = arith.constant 0 : i32
    %scan3A_31 = arith.constant 0 : i32
    %scan3A_32 = arith.constant 40 : i32
    %scan3A_33 = arith.addi %scan3A_31, %scan3A_32 : i32
    %scan3A_34 = arith.constant 1 : i32
    scf.for %scan3A_135 = %scan3A_31 to %scan3A_33 step %scan3A_34  : i32 {
      %mul3A_136 = arith.constant 81920 : i32
      %mul3A_137 = arith.muli %arg1, %mul3A_136 : i32
      %mul3A_138 = arith.constant 2048 : i32
      %mul3A_139 = arith.muli %scan3A_135, %mul3A_138 : i32
      %add3A_140 = arith.addi %mul3A_137, %mul3A_139 : i32
      "tpu.region"() ({
        %run_scoped3A = tpu.sem_alloc : memref<!tpu.dma_semaphore, #tpu.memory_space<semaphore_mem>>
        %dma_start3A = tpu.memref_slice %arg2[%add3A_140] : memref<1310720xi32, #tpu.memory_space<hbm>> -> memref<2048xi32, #tpu.memory_space<hbm>>
        %dma_start3A_147 = tpu.memref_slice %arg2[%add3A_140] : memref<1310720xi32, #tpu.memory_space<hbm>> -> memref<2048xi32, #tpu.memory_space<hbm>>
        tpu.enqueue_dma source(%dma_start3A_147 : memref<2048xi32, #tpu.memory_space<hbm>>) target(%arg25 : memref<2048xi32, #tpu.memory_space<vmem>>) target_semaphore(%run_scoped3A : memref<!tpu.dma_semaphore, #tpu.memory_space<semaphore_mem>>)
        %dma_wait3A = tpu.memref_slice %arg2[%add3A_140] : memref<1310720xi32, #tpu.memory_space<hbm>> -> memref<2048xi32, #tpu.memory_space<hbm>>
        %dma_wait3A_148 = tpu.memref_slice %arg2[%add3A_140] : memref<1310720xi32, #tpu.memory_space<hbm>> -> memref<2048xi32, #tpu.memory_space<hbm>>
        tpu.wait_dma2 semaphore(%run_scoped3A : memref<!tpu.dma_semaphore, #tpu.memory_space<semaphore_mem>>) src(%dma_wait3A_148 : memref<2048xi32, #tpu.memory_space<hbm>>) dst(%arg25 : memref<2048xi32, #tpu.memory_space<vmem>>)
        tpu.yield
      }) : () -> ()
      "tpu.region"() ({
        %run_scoped3A = tpu.sem_alloc : memref<!tpu.dma_semaphore, #tpu.memory_space<semaphore_mem>>
        %dma_start3A = tpu.memref_slice %arg4[%add3A_140] : memref<1310720xf32, #tpu.memory_space<hbm>> -> memref<2048xf32, #tpu.memory_space<hbm>>
        %dma_start3A_147 = tpu.memref_slice %arg4[%add3A_140] : memref<1310720xf32, #tpu.memory_space<hbm>> -> memref<2048xf32, #tpu.memory_space<hbm>>
        tpu.enqueue_dma source(%dma_start3A_147 : memref<2048xf32, #tpu.memory_space<hbm>>) target(%arg27 : memref<2048xf32, #tpu.memory_space<vmem>>) target_semaphore(%run_scoped3A : memref<!tpu.dma_semaphore, #tpu.memory_space<semaphore_mem>>)
        %dma_wait3A = tpu.memref_slice %arg4[%add3A_140] : memref<1310720xf32, #tpu.memory_space<hbm>> -> memref<2048xf32, #tpu.memory_space<hbm>>
        %dma_wait3A_148 = tpu.memref_slice %arg4[%add3A_140] : memref<1310720xf32, #tpu.memory_space<hbm>> -> memref<2048xf32, #tpu.memory_space<hbm>>
        tpu.wait_dma2 semaphore(%run_scoped3A : memref<!tpu.dma_semaphore, #tpu.memory_space<semaphore_mem>>) src(%dma_wait3A_148 : memref<2048xf32, #tpu.memory_space<hbm>>) dst(%arg27 : memref<2048xf32, #tpu.memory_space<vmem>>)
        tpu.yield
      }) : () -> ()
      %scan3A_141 = arith.constant 0 : i32
      %scan3A_142 = arith.constant 0 : i32
      %scan3A_143 = arith.constant 128 : i32
      %scan3A_144 = arith.addi %scan3A_142, %scan3A_143 : i32
      %scan3A_145 = arith.constant 1 : i32
      scf.for %scan3A_147 = %scan3A_142 to %scan3A_144 step %scan3A_145  : i32 {
        %mul3A_148 = arith.constant 16 : i32
        %mul3A_149 = arith.muli %scan3A_147, %mul3A_148 : i32
        %get3A_150 = arith.index_cast %mul3A_149 : i32 to index
        %get3A_151 = tpu.vector_load %arg27[%get3A_150] {strides = array<i32>} : memref<2048xf32, #tpu.memory_space<vmem>>, vector<16xf32>,
        %get3A_152 = arith.index_cast %mul3A_149 : i32 to index
        %get3A_153 = tpu.vector_load %arg25[%get3A_152] {strides = array<i32>} : memref<2048xi32, #tpu.memory_space<vmem>>, vector<16xi32>,
        %gather3A = tpu.vector_load_idx %arg23[%get3A_153] : memref<65536xf32, #tpu.memory_space<vmem>>[vector<16xi32>], vector<16xf32>,
        %mul3A_154 = arith.mulf %get3A_151, %gather3A : vector<16xf32>
        %swap3A_155 = arith.index_cast %mul3A_149 : i32 to index
        %swap3A_156 = tpu.vector_load %arg28[%swap3A_155] {strides = array<i32>} : memref<2048xf32, #tpu.memory_space<vmem>>, vector<16xf32>,
        tpu.vector_store %arg28[%swap3A_155], %mul3A_154 {strides = array<i32>} : memref<2048xf32, #tpu.memory_space<vmem>>, vector<16xf32>,
      }
      %scan3A_146 = arith.constant 128 : i32
      "tpu.region"() ({
        %run_scoped3A = tpu.sem_alloc : memref<!tpu.dma_semaphore, #tpu.memory_space<semaphore_mem>>
        %dma_start3A = tpu.memref_slice %arg22[%add3A_140] : memref<1310720xf32, #tpu.memory_space<hbm>> -> memref<2048xf32, #tpu.memory_space<hbm>>
        %dma_start3A_147 = tpu.memref_slice %arg22[%add3A_140] : memref<1310720xf32, #tpu.memory_space<hbm>> -> memref<2048xf32, #tpu.memory_space<hbm>>
        tpu.enqueue_dma source(%arg28 : memref<2048xf32, #tpu.memory_space<vmem>>) target(%dma_start3A_147 : memref<2048xf32, #tpu.memory_space<hbm>>) target_semaphore(%run_scoped3A : memref<!tpu.dma_semaphore, #tpu.memory_space<semaphore_mem>>)
        %dma_wait3A = tpu.memref_slice %arg22[%add3A_140] : memref<1310720xf32, #tpu.memory_space<hbm>> -> memref<2048xf32, #tpu.memory_space<hbm>>
        %dma_wait3A_148 = tpu.memref_slice %arg22[%add3A_140] : memref<1310720xf32, #tpu.memory_space<hbm>> -> memref<2048xf32, #tpu.memory_space<hbm>>
        tpu.wait_dma2 semaphore(%run_scoped3A : memref<!tpu.dma_semaphore, #tpu.memory_space<semaphore_mem>>) src(%arg28 : memref<2048xf32, #tpu.memory_space<vmem>>) dst(%dma_wait3A_148 : memref<2048xf32, #tpu.memory_space<hbm>>)
        tpu.yield
      }) : () -> ()
      "tpu.region"() ({
        %run_scoped3A = tpu.sem_alloc : memref<!tpu.dma_semaphore, #tpu.memory_space<semaphore_mem>>
        %dma_start3A = arith.constant 0 : i32
        %dma_start3A_147 = tpu.memref_slice %arg47[%dma_start3A] : memref<65536xf32, #tpu.memory_space<vmem_shared>> -> memref<65536xf32, #tpu.memory_space<vmem_shared>>
        tpu.enqueue_indirect_dma source(%arg28 : memref<2048xf32, #tpu.memory_space<vmem>>) target(%dma_start3A_147 : memref<65536xf32, #tpu.memory_space<vmem_shared>>) offsets(%arg25 : memref<2048xi32, #tpu.memory_space<vmem>>) semaphore(%run_scoped3A : memref<!tpu.dma_semaphore, #tpu.memory_space<semaphore_mem>>) {add = true}
        %dma_wait3A = arith.constant 0 : i32
        %dma_wait3A_148 = tpu.memref_slice %arg47[%dma_wait3A] : memref<65536xf32, #tpu.memory_space<vmem_shared>> -> memref<65536xf32, #tpu.memory_space<vmem_shared>>
        tpu.wait_indirect_dma semaphore(%run_scoped3A : memref<!tpu.dma_semaphore, #tpu.memory_space<semaphore_mem>>) src(%arg28 : memref<2048xf32, #tpu.memory_space<vmem>>) dst(%dma_wait3A_148 : memref<65536xf32, #tpu.memory_space<vmem_shared>>)
        tpu.yield
      }) : () -> ()
    }
    %scan3A_35 = arith.constant 40 : i32
    %scan3A_36 = arith.constant 0 : i32
    %scan3A_37 = arith.constant 0 : i32
    %scan3A_38 = arith.constant 64 : i32
    %scan3A_39 = arith.addi %scan3A_37, %scan3A_38 : i32
    %scan3A_40 = arith.constant 1 : i32
    scf.for %scan3A_135 = %scan3A_37 to %scan3A_39 step %scan3A_40  : i32 {
      %mul3A_136 = arith.constant 16 : i32
      %mul3A_137 = arith.muli %scan3A_135, %mul3A_136 : i32
      %add3A_138 = arith.constant 1024 : i32
      %add3A_139 = arith.addi %add3A_138, %mul3A_137 : i32
      %swap3A_140 = arith.index_cast %add3A_139 : i32 to index
      %swap3A_141 = tpu.vector_load %arg35[%swap3A_140] {strides = array<i32>} : memref<2048xf32, #tpu.memory_space<vmem>>, vector<16xf32>,
      tpu.vector_store %arg35[%swap3A_140], %broadcast_in_dim3A_1 {strides = array<i32>} : memref<2048xf32, #tpu.memory_space<vmem>>, vector<16xf32>,
    }
    %scan3A_41 = arith.constant 64 : i32
    %broadcast_in_dim3A_42 = arith.constant 0 : i32
    %broadcast_in_dim3A_43 = vector.broadcast %broadcast_in_dim3A_42 : i32 to vector<16xi32>
    %scan3A_44 = arith.constant 0 : i32
    %scan3A_45 = arith.constant 0 : i32
    %scan3A_46 = arith.constant 64 : i32
    %scan3A_47 = arith.addi %scan3A_45, %scan3A_46 : i32
    %scan3A_48 = arith.constant 1 : i32
    scf.for %scan3A_135 = %scan3A_45 to %scan3A_47 step %scan3A_48  : i32 {
      %mul3A_136 = arith.constant 16 : i32
      %mul3A_137 = arith.muli %scan3A_135, %mul3A_136 : i32
      %add3A_138 = arith.constant 1024 : i32
      %add3A_139 = arith.addi %add3A_138, %mul3A_137 : i32
      %swap3A_140 = arith.index_cast %add3A_139 : i32 to index
      %swap3A_141 = tpu.vector_load %arg33[%swap3A_140] {strides = array<i32>} : memref<2048xi32, #tpu.memory_space<vmem>>, vector<16xi32>,
      tpu.vector_store %arg33[%swap3A_140], %broadcast_in_dim3A_43 {strides = array<i32>} : memref<2048xi32, #tpu.memory_space<vmem>>, vector<16xi32>,
    }
    %scan3A_49 = arith.constant 64 : i32
    %scan3A_50 = arith.constant 0 : i32
    %scan3A_51 = arith.constant 0 : i32
    %scan3A_52 = arith.constant 64 : i32
    %scan3A_53 = arith.addi %scan3A_51, %scan3A_52 : i32
    %scan3A_54 = arith.constant 1 : i32
    scf.for %scan3A_135 = %scan3A_51 to %scan3A_53 step %scan3A_54  : i32 {
      %mul3A_136 = arith.constant 16 : i32
      %mul3A_137 = arith.muli %scan3A_135, %mul3A_136 : i32
      %add3A_138 = arith.constant 1024 : i32
      %add3A_139 = arith.addi %add3A_138, %mul3A_137 : i32
      %swap3A_140 = arith.index_cast %add3A_139 : i32 to index
      %swap3A_141 = tpu.vector_load %arg34[%swap3A_140] {strides = array<i32>} : memref<2048xi32, #tpu.memory_space<vmem>>, vector<16xi32>,
      tpu.vector_store %arg34[%swap3A_140], %broadcast_in_dim3A_43 {strides = array<i32>} : memref<2048xi32, #tpu.memory_space<vmem>>, vector<16xi32>,
    }
    %scan3A_55 = arith.constant 64 : i32
    "tpu.region"() ({
      %run_scoped3A = tpu.sem_alloc : memref<!tpu.dma_semaphore, #tpu.memory_space<semaphore_mem>>
      tpu.enqueue_dma source(%arg6 : memref<65536xf32, #tpu.memory_space<hbm>>) target(%arg23 : memref<65536xf32, #tpu.memory_space<vmem>>) target_semaphore(%run_scoped3A : memref<!tpu.dma_semaphore, #tpu.memory_space<semaphore_mem>>)
      tpu.wait_dma2 semaphore(%run_scoped3A : memref<!tpu.dma_semaphore, #tpu.memory_space<semaphore_mem>>) src(%arg6 : memref<65536xf32, #tpu.memory_space<hbm>>) dst(%arg23 : memref<65536xf32, #tpu.memory_space<vmem>>)
      tpu.yield
    }) : () -> ()
    %mul3A_56 = arith.constant 1024 : i32
    %mul3A_57 = arith.muli %arg1, %mul3A_56 : i32
    "tpu.region"() ({
      %run_scoped3A = tpu.sem_alloc : memref<!tpu.dma_semaphore, #tpu.memory_space<semaphore_mem>>
      %dma_start3A = arith.constant 0 : i32
      %dma_start3A_135 = tpu.memref_slice %arg26[%dma_start3A] : memref<2048xi32, #tpu.memory_space<vmem>> -> memref<1024xi32, #tpu.memory_space<vmem>>
      %dma_start3A_136 = tpu.memref_slice %arg13[%mul3A_57] : memref<16384xi32, #tpu.memory_space<hbm>> -> memref<1024xi32, #tpu.memory_space<hbm>>
      %dma_start3A_137 = arith.constant 0 : i32
      %dma_start3A_138 = tpu.memref_slice %arg26[%dma_start3A_137] : memref<2048xi32, #tpu.memory_space<vmem>> -> memref<1024xi32, #tpu.memory_space<vmem>>
      %dma_start3A_139 = tpu.memref_slice %arg13[%mul3A_57] : memref<16384xi32, #tpu.memory_space<hbm>> -> memref<1024xi32, #tpu.memory_space<hbm>>
      tpu.enqueue_dma source(%dma_start3A_139 : memref<1024xi32, #tpu.memory_space<hbm>>) target(%dma_start3A_138 : memref<1024xi32, #tpu.memory_space<vmem>>) target_semaphore(%run_scoped3A : memref<!tpu.dma_semaphore, #tpu.memory_space<semaphore_mem>>)
      %dma_wait3A = arith.constant 0 : i32
      %dma_wait3A_140 = tpu.memref_slice %arg26[%dma_wait3A] : memref<2048xi32, #tpu.memory_space<vmem>> -> memref<1024xi32, #tpu.memory_space<vmem>>
      %dma_wait3A_141 = tpu.memref_slice %arg13[%mul3A_57] : memref<16384xi32, #tpu.memory_space<hbm>> -> memref<1024xi32, #tpu.memory_space<hbm>>
      %dma_wait3A_142 = arith.constant 0 : i32
      %dma_wait3A_143 = tpu.memref_slice %arg26[%dma_wait3A_142] : memref<2048xi32, #tpu.memory_space<vmem>> -> memref<1024xi32, #tpu.memory_space<vmem>>
      %dma_wait3A_144 = tpu.memref_slice %arg13[%mul3A_57] : memref<16384xi32, #tpu.memory_space<hbm>> -> memref<1024xi32, #tpu.memory_space<hbm>>
      tpu.wait_dma2 semaphore(%run_scoped3A : memref<!tpu.dma_semaphore, #tpu.memory_space<semaphore_mem>>) src(%dma_wait3A_144 : memref<1024xi32, #tpu.memory_space<hbm>>) dst(%dma_wait3A_143 : memref<1024xi32, #tpu.memory_space<vmem>>)
      tpu.yield
    }) : () -> ()
    %scan3A_58 = arith.constant 0 : i32
    %scan3A_59 = arith.constant 0 : i32
    %scan3A_60 = arith.constant 9 : i32
    %scan3A_61 = arith.addi %scan3A_59, %scan3A_60 : i32
    %scan3A_62 = arith.constant 1 : i32
    scf.for %scan3A_135 = %scan3A_59 to %scan3A_61 step %scan3A_62  : i32 {
      %jit3A = arith.constant 3 : i32
      %div3A = arith.divsi %scan3A_135, %jit3A : i32
      %sign3A = arith.constant 0 : i32
      %sign3A_136 = arith.cmpi sgt, %scan3A_135, %sign3A : i32
      %sign3A_137 = arith.extui %sign3A_136 : i1 to i32
      %sign3A_138 = arith.constant 0 : i32
      %sign3A_139 = arith.cmpi slt, %scan3A_135, %sign3A_138 : i32
      %sign3A_140 = arith.extui %sign3A_139 : i1 to i32
      %sign3A_141 = arith.subi %sign3A_137, %sign3A_140 : i32
      %sign3A_142 = arith.constant 0 : i32
      %sign3A_143 = arith.cmpi sgt, %jit3A, %sign3A_142 : i32
      %sign3A_144 = arith.extui %sign3A_143 : i1 to i32
      %sign3A_145 = arith.constant 0 : i32
      %sign3A_146 = arith.cmpi slt, %jit3A, %sign3A_145 : i32
      %sign3A_147 = arith.extui %sign3A_146 : i1 to i32
      %sign3A_148 = arith.subi %sign3A_144, %sign3A_147 : i32
      %ne3A = arith.cmpi ne, %sign3A_141, %sign3A_148 : i32
      %rem3A = arith.remsi %scan3A_135, %jit3A : i32
      %ne3A_149 = arith.constant 0 : i32
      %ne3A_150 = arith.cmpi ne, %rem3A, %ne3A_149 : i32
      %and3A = arith.andi %ne3A, %ne3A_150 : i1
      %sub3A = arith.constant 1 : i32
      %sub3A_151 = arith.subi %div3A, %sub3A : i32
      %select_n3A = arith.select %and3A, %sub3A_151, %div3A : i32
      %sub3A_152 = arith.constant 1 : i32
      %sub3A_153 = arith.subi %select_n3A, %sub3A_152 : i32
      %jit3A_154 = arith.constant 3 : i32
      %eq3A_155 = arith.constant 0 : i32
      %eq3A_156 = arith.cmpi eq, %jit3A_154, %eq3A_155 : i32
      %jit3A_157 = arith.constant 1 : i32
      %select_n3A_158 = arith.select %eq3A_156, %jit3A_157, %jit3A_154 : i32
      %rem3A_159 = arith.remsi %scan3A_135, %select_n3A_158 : i32
      %ne3A_160 = arith.constant 0 : i32
      %ne3A_161 = arith.cmpi ne, %rem3A_159, %ne3A_160 : i32
      %lt3A = arith.constant 0 : i32
      %lt3A_162 = arith.cmpi slt, %rem3A_159, %lt3A : i32
      %lt3A_163 = arith.constant 0 : i32
      %lt3A_164 = arith.cmpi slt, %select_n3A_158, %lt3A_163 : i32
      %ne3A_165 = arith.xori %lt3A_162, %lt3A_164 : i1
      %and3A_166 = arith.andi %ne3A_165, %ne3A_161 : i1
      %add3A_167 = arith.addi %rem3A_159, %select_n3A_158 : i32
      %select_n3A_168 = arith.select %and3A_166, %add3A_167, %rem3A_159 : i32
      %sub3A_169 = arith.constant 1 : i32
      %sub3A_170 = arith.subi %select_n3A_168, %sub3A_169 : i32
      %mul3A_171 = arith.constant 256 : i32
      %mul3A_172 = arith.muli %sub3A_170, %mul3A_171 : i32
      %add3A_173 = arith.addi %sub3A_153, %mul3A_172 : i32
      %mul3A_174 = arith.constant 1024 : i32
      %mul3A_175 = arith.muli %arg1, %mul3A_174 : i32
      "tpu.region"() ({
        %run_scoped3A = tpu.sem_alloc : memref<!tpu.dma_semaphore, #tpu.memory_space<semaphore_mem>>
        %dma_start3A = arith.constant 0 : i32
        %dma_start3A_187 = tpu.memref_slice %arg28[%dma_start3A] : memref<2048xf32, #tpu.memory_space<vmem>> -> memref<1024xf32, #tpu.memory_space<vmem>>
        %dma_start3A_188 = tpu.memref_slice %arg14[%scan3A_135, %mul3A_175] : memref<9x16384xf32, #tpu.memory_space<hbm>> -> memref<1x1024xf32, #tpu.memory_space<hbm>>
        %dma_start3A_189 = tpu.memref_squeeze %dma_start3A_188 : memref<1x1024xf32, #tpu.memory_space<hbm>> -> memref<1024xf32, #tpu.memory_space<hbm>>
        %dma_start3A_190 = arith.constant 0 : i32
        %dma_start3A_191 = tpu.memref_slice %arg28[%dma_start3A_190] : memref<2048xf32, #tpu.memory_space<vmem>> -> memref<1024xf32, #tpu.memory_space<vmem>>
        %dma_start3A_192 = tpu.memref_slice %arg14[%scan3A_135, %mul3A_175] : memref<9x16384xf32, #tpu.memory_space<hbm>> -> memref<1x1024xf32, #tpu.memory_space<hbm>>
        %dma_start3A_193 = tpu.memref_squeeze %dma_start3A_192 : memref<1x1024xf32, #tpu.memory_space<hbm>> -> memref<1024xf32, #tpu.memory_space<hbm>>
        tpu.enqueue_dma source(%dma_start3A_193 : memref<1024xf32, #tpu.memory_space<hbm>>) target(%dma_start3A_191 : memref<1024xf32, #tpu.memory_space<vmem>>) target_semaphore(%run_scoped3A : memref<!tpu.dma_semaphore, #tpu.memory_space<semaphore_mem>>)
        %dma_wait3A = arith.constant 0 : i32
        %dma_wait3A_194 = tpu.memref_slice %arg28[%dma_wait3A] : memref<2048xf32, #tpu.memory_space<vmem>> -> memref<1024xf32, #tpu.memory_space<vmem>>
        %dma_wait3A_195 = tpu.memref_slice %arg14[%scan3A_135, %mul3A_175] : memref<9x16384xf32, #tpu.memory_space<hbm>> -> memref<1x1024xf32, #tpu.memory_space<hbm>>
        %dma_wait3A_196 = tpu.memref_squeeze %dma_wait3A_195 : memref<1x1024xf32, #tpu.memory_space<hbm>> -> memref<1024xf32, #tpu.memory_space<hbm>>
        %dma_wait3A_197 = arith.constant 0 : i32
        %dma_wait3A_198 = tpu.memref_slice %arg28[%dma_wait3A_197] : memref<2048xf32, #tpu.memory_space<vmem>> -> memref<1024xf32, #tpu.memory_space<vmem>>
        %dma_wait3A_199 = tpu.memref_slice %arg14[%scan3A_135, %mul3A_175] : memref<9x16384xf32, #tpu.memory_space<hbm>> -> memref<1x1024xf32, #tpu.memory_space<hbm>>
        %dma_wait3A_200 = tpu.memref_squeeze %dma_wait3A_199 : memref<1x1024xf32, #tpu.memory_space<hbm>> -> memref<1024xf32, #tpu.memory_space<hbm>>
        tpu.wait_dma2 semaphore(%run_scoped3A : memref<!tpu.dma_semaphore, #tpu.memory_space<semaphore_mem>>) src(%dma_wait3A_200 : memref<1024xf32, #tpu.memory_space<hbm>>) dst(%dma_wait3A_198 : memref<1024xf32, #tpu.memory_space<vmem>>)
        tpu.yield
      }) : () -> ()
      %scan3A_176 = arith.constant 0 : i32
      %scan3A_177 = arith.constant 0 : i32
      %scan3A_178 = arith.constant 64 : i32
      %scan3A_179 = arith.addi %scan3A_177, %scan3A_178 : i32
      %scan3A_180 = arith.constant 1 : i32
      scf.for %scan3A_187 = %scan3A_177 to %scan3A_179 step %scan3A_180  : i32 {
        %mul3A_188 = arith.constant 16 : i32
        %mul3A_189 = arith.muli %scan3A_187, %mul3A_188 : i32
        %get3A_190 = arith.index_cast %mul3A_189 : i32 to index
        %get3A_191 = tpu.vector_load %arg26[%get3A_190] {strides = array<i32>} : memref<2048xi32, #tpu.memory_space<vmem>>, vector<16xi32>,
        %gather3A = tpu.vector_load_idx %arg23[%get3A_191] : memref<65536xf32, #tpu.memory_space<vmem>>[vector<16xi32>], vector<16xf32>,
        %add3A_192 = arith.constant -257 : i32
        %add3A_193 = vector.broadcast %add3A_192 : i32 to vector<16xi32>
        %add3A_194 = arith.addi %get3A_191, %add3A_193 : vector<16xi32>
        %jit3A_195 = arith.constant 0 : i32
        %jit3A_196 = arith.constant 65535 : i32
        %max3A = vector.broadcast %jit3A_195 : i32 to vector<16xi32>
        %max3A_197 = arith.maxsi %max3A, %add3A_194 : vector<16xi32>
        %min3A = vector.broadcast %jit3A_196 : i32 to vector<16xi32>
        %min3A_198 = arith.minsi %min3A, %max3A_197 : vector<16xi32>
        %add3A_199 = vector.broadcast %add3A_173 : i32 to vector<16xi32>
        %add3A_200 = arith.addi %get3A_191, %add3A_199 : vector<16xi32>
        %jit3A_201 = arith.constant 0 : i32
        %jit3A_202 = arith.constant 65535 : i32
        %max3A_203 = vector.broadcast %jit3A_201 : i32 to vector<16xi32>
        %max3A_204 = arith.maxsi %max3A_203, %add3A_200 : vector<16xi32>
        %min3A_205 = vector.broadcast %jit3A_202 : i32 to vector<16xi32>
        %min3A_206 = arith.minsi %min3A_205, %max3A_204 : vector<16xi32>
        %swap3A_207 = arith.index_cast %mul3A_189 : i32 to index
        %swap3A_208 = tpu.vector_load %arg33[%swap3A_207] {strides = array<i32>} : memref<2048xi32, #tpu.memory_space<vmem>>, vector<16xi32>,
        tpu.vector_store %arg33[%swap3A_207], %min3A_198 {strides = array<i32>} : memref<2048xi32, #tpu.memory_space<vmem>>, vector<16xi32>,
        %swap3A_209 = arith.index_cast %mul3A_189 : i32 to index
        %swap3A_210 = tpu.vector_load %arg34[%swap3A_209] {strides = array<i32>} : memref<2048xi32, #tpu.memory_space<vmem>>, vector<16xi32>,
        tpu.vector_store %arg34[%swap3A_209], %min3A_206 {strides = array<i32>} : memref<2048xi32, #tpu.memory_space<vmem>>, vector<16xi32>,
        %get3A_211 = arith.index_cast %mul3A_189 : i32 to index
        %get3A_212 = tpu.vector_load %arg28[%get3A_211] {strides = array<i32>} : memref<2048xf32, #tpu.memory_space<vmem>>, vector<16xf32>,
        %mul3A_213 = arith.constant 5.000000e-01 : f32
        %mul3A_214 = vector.broadcast %mul3A_213 : f32 to vector<16xf32>
        %mul3A_215 = arith.mulf %mul3A_214, %get3A_212 : vector<16xf32>
        %mul3A_216 = arith.mulf %mul3A_215, %gather3A : vector<16xf32>
        %swap3A_217 = arith.index_cast %mul3A_189 : i32 to index
        %swap3A_218 = tpu.vector_load %arg35[%swap3A_217] {strides = array<i32>} : memref<2048xf32, #tpu.memory_space<vmem>>, vector<16xf32>,
        tpu.vector_store %arg35[%swap3A_217], %mul3A_216 {strides = array<i32>} : memref<2048xf32, #tpu.memory_space<vmem>>, vector<16xf32>,
      }
      %scan3A_181 = arith.constant 64 : i32
      %mul3A_182 = arith.constant 16384 : i32
      %mul3A_183 = arith.muli %scan3A_135, %mul3A_182 : i32
      %mul3A_184 = arith.constant 1024 : i32
      %mul3A_185 = arith.muli %arg1, %mul3A_184 : i32
      %add3A_186 = arith.addi %mul3A_183, %mul3A_185 : i32
      "tpu.region"() ({
        %run_scoped3A = tpu.sem_alloc : memref<!tpu.dma_semaphore, #tpu.memory_space<semaphore_mem>>
        %dma_start3A = arith.constant 0 : i32
        %dma_start3A_187 = tpu.memref_slice %arg33[%dma_start3A] : memref<2048xi32, #tpu.memory_space<vmem>> -> memref<1024xi32, #tpu.memory_space<vmem>>
        %dma_start3A_188 = tpu.memref_slice %arg19[%add3A_186] : memref<229376xi32, #tpu.memory_space<hbm>> -> memref<1024xi32, #tpu.memory_space<hbm>>
        %dma_start3A_189 = tpu.memref_slice %arg19[%add3A_186] : memref<229376xi32, #tpu.memory_space<hbm>> -> memref<1024xi32, #tpu.memory_space<hbm>>
        %dma_start3A_190 = arith.constant 0 : i32
        %dma_start3A_191 = tpu.memref_slice %arg33[%dma_start3A_190] : memref<2048xi32, #tpu.memory_space<vmem>> -> memref<1024xi32, #tpu.memory_space<vmem>>
        tpu.enqueue_dma source(%dma_start3A_191 : memref<1024xi32, #tpu.memory_space<vmem>>) target(%dma_start3A_189 : memref<1024xi32, #tpu.memory_space<hbm>>) target_semaphore(%run_scoped3A : memref<!tpu.dma_semaphore, #tpu.memory_space<semaphore_mem>>)
        %dma_wait3A = arith.constant 0 : i32
        %dma_wait3A_192 = tpu.memref_slice %arg33[%dma_wait3A] : memref<2048xi32, #tpu.memory_space<vmem>> -> memref<1024xi32, #tpu.memory_space<vmem>>
        %dma_wait3A_193 = tpu.memref_slice %arg19[%add3A_186] : memref<229376xi32, #tpu.memory_space<hbm>> -> memref<1024xi32, #tpu.memory_space<hbm>>
        %dma_wait3A_194 = tpu.memref_slice %arg19[%add3A_186] : memref<229376xi32, #tpu.memory_space<hbm>> -> memref<1024xi32, #tpu.memory_space<hbm>>
        %dma_wait3A_195 = arith.constant 0 : i32
        %dma_wait3A_196 = tpu.memref_slice %arg33[%dma_wait3A_195] : memref<2048xi32, #tpu.memory_space<vmem>> -> memref<1024xi32, #tpu.memory_space<vmem>>
        tpu.wait_dma2 semaphore(%run_scoped3A : memref<!tpu.dma_semaphore, #tpu.memory_space<semaphore_mem>>) src(%dma_wait3A_196 : memref<1024xi32, #tpu.memory_space<vmem>>) dst(%dma_wait3A_194 : memref<1024xi32, #tpu.memory_space<hbm>>)
        tpu.yield
      }) : () -> ()
      "tpu.region"() ({
        %run_scoped3A = tpu.sem_alloc : memref<!tpu.dma_semaphore, #tpu.memory_space<semaphore_mem>>
        %dma_start3A = arith.constant 0 : i32
        %dma_start3A_187 = tpu.memref_slice %arg34[%dma_start3A] : memref<2048xi32, #tpu.memory_space<vmem>> -> memref<1024xi32, #tpu.memory_space<vmem>>
        %dma_start3A_188 = tpu.memref_slice %arg20[%add3A_186] : memref<229376xi32, #tpu.memory_space<hbm>> -> memref<1024xi32, #tpu.memory_space<hbm>>
        %dma_start3A_189 = tpu.memref_slice %arg20[%add3A_186] : memref<229376xi32, #tpu.memory_space<hbm>> -> memref<1024xi32, #tpu.memory_space<hbm>>
        %dma_start3A_190 = arith.constant 0 : i32
        %dma_start3A_191 = tpu.memref_slice %arg34[%dma_start3A_190] : memref<2048xi32, #tpu.memory_space<vmem>> -> memref<1024xi32, #tpu.memory_space<vmem>>
        tpu.enqueue_dma source(%dma_start3A_191 : memref<1024xi32, #tpu.memory_space<vmem>>) target(%dma_start3A_189 : memref<1024xi32, #tpu.memory_space<hbm>>) target_semaphore(%run_scoped3A : memref<!tpu.dma_semaphore, #tpu.memory_space<semaphore_mem>>)
        %dma_wait3A = arith.constant 0 : i32
        %dma_wait3A_192 = tpu.memref_slice %arg34[%dma_wait3A] : memref<2048xi32, #tpu.memory_space<vmem>> -> memref<1024xi32, #tpu.memory_space<vmem>>
        %dma_wait3A_193 = tpu.memref_slice %arg20[%add3A_186] : memref<229376xi32, #tpu.memory_space<hbm>> -> memref<1024xi32, #tpu.memory_space<hbm>>
        %dma_wait3A_194 = tpu.memref_slice %arg20[%add3A_186] : memref<229376xi32, #tpu.memory_space<hbm>> -> memref<1024xi32, #tpu.memory_space<hbm>>
        %dma_wait3A_195 = arith.constant 0 : i32
        %dma_wait3A_196 = tpu.memref_slice %arg34[%dma_wait3A_195] : memref<2048xi32, #tpu.memory_space<vmem>> -> memref<1024xi32, #tpu.memory_space<vmem>>
        tpu.wait_dma2 semaphore(%run_scoped3A : memref<!tpu.dma_semaphore, #tpu.memory_space<semaphore_mem>>) src(%dma_wait3A_196 : memref<1024xi32, #tpu.memory_space<vmem>>) dst(%dma_wait3A_194 : memref<1024xi32, #tpu.memory_space<hbm>>)
        tpu.yield
      }) : () -> ()
      "tpu.region"() ({
        %run_scoped3A = tpu.sem_alloc : memref<!tpu.dma_semaphore, #tpu.memory_space<semaphore_mem>>
        %dma_start3A = arith.constant 0 : i32
        %dma_start3A_187 = tpu.memref_slice %arg35[%dma_start3A] : memref<2048xf32, #tpu.memory_space<vmem>> -> memref<1024xf32, #tpu.memory_space<vmem>>
        %dma_start3A_188 = tpu.memref_slice %arg21[%add3A_186] : memref<229376xf32, #tpu.memory_space<hbm>> -> memref<1024xf32, #tpu.memory_space<hbm>>
        %dma_start3A_189 = tpu.memref_slice %arg21[%add3A_186] : memref<229376xf32, #tpu.memory_space<hbm>> -> memref<1024xf32, #tpu.memory_space<hbm>>
        %dma_start3A_190 = arith.constant 0 : i32
        %dma_start3A_191 = tpu.memref_slice %arg35[%dma_start3A_190] : memref<2048xf32, #tpu.memory_space<vmem>> -> memref<1024xf32, #tpu.memory_space<vmem>>
        tpu.enqueue_dma source(%dma_start3A_191 : memref<1024xf32, #tpu.memory_space<vmem>>) target(%dma_start3A_189 : memref<1024xf32, #tpu.memory_space<hbm>>) target_semaphore(%run_scoped3A : memref<!tpu.dma_semaphore, #tpu.memory_space<semaphore_mem>>)
        %dma_wait3A = arith.constant 0 : i32
        %dma_wait3A_192 = tpu.memref_slice %arg35[%dma_wait3A] : memref<2048xf32, #tpu.memory_space<vmem>> -> memref<1024xf32, #tpu.memory_space<vmem>>
        %dma_wait3A_193 = tpu.memref_slice %arg21[%add3A_186] : memref<229376xf32, #tpu.memory_space<hbm>> -> memref<1024xf32, #tpu.memory_space<hbm>>
        %dma_wait3A_194 = tpu.memref_slice %arg21[%add3A_186] : memref<229376xf32, #tpu.memory_space<hbm>> -> memref<1024xf32, #tpu.memory_space<hbm>>
        %dma_wait3A_195 = arith.constant 0 : i32
        %dma_wait3A_196 = tpu.memref_slice %arg35[%dma_wait3A_195] : memref<2048xf32, #tpu.memory_space<vmem>> -> memref<1024xf32, #tpu.memory_space<vmem>>
        tpu.wait_dma2 semaphore(%run_scoped3A : memref<!tpu.dma_semaphore, #tpu.memory_space<semaphore_mem>>) src(%dma_wait3A_196 : memref<1024xf32, #tpu.memory_space<vmem>>) dst(%dma_wait3A_194 : memref<1024xf32, #tpu.memory_space<hbm>>)
        tpu.yield
      }) : () -> ()
      "tpu.region"() ({
        %run_scoped3A = tpu.sem_alloc : memref<!tpu.dma_semaphore, #tpu.memory_space<semaphore_mem>>
        %dma_start3A = arith.constant 0 : i32
        %dma_start3A_187 = tpu.memref_slice %arg48[%dma_start3A] : memref<65536xf32, #tpu.memory_space<vmem_shared>> -> memref<65536xf32, #tpu.memory_space<vmem_shared>>
        tpu.enqueue_indirect_dma source(%arg35 : memref<2048xf32, #tpu.memory_space<vmem>>) target(%dma_start3A_187 : memref<65536xf32, #tpu.memory_space<vmem_shared>>) offsets(%arg33 : memref<2048xi32, #tpu.memory_space<vmem>>) semaphore(%run_scoped3A : memref<!tpu.dma_semaphore, #tpu.memory_space<semaphore_mem>>) {add = true}
        %dma_wait3A = arith.constant 0 : i32
        %dma_wait3A_188 = tpu.memref_slice %arg48[%dma_wait3A] : memref<65536xf32, #tpu.memory_space<vmem_shared>> -> memref<65536xf32, #tpu.memory_space<vmem_shared>>
        tpu.wait_indirect_dma semaphore(%run_scoped3A : memref<!tpu.dma_semaphore, #tpu.memory_space<semaphore_mem>>) src(%arg35 : memref<2048xf32, #tpu.memory_space<vmem>>) dst(%dma_wait3A_188 : memref<65536xf32, #tpu.memory_space<vmem_shared>>)
        tpu.yield
      }) : () -> ()
      "tpu.region"() ({
        %run_scoped3A = tpu.sem_alloc : memref<!tpu.dma_semaphore, #tpu.memory_space<semaphore_mem>>
        %dma_start3A = arith.constant 0 : i32
        %dma_start3A_187 = tpu.memref_slice %arg48[%dma_start3A] : memref<65536xf32, #tpu.memory_space<vmem_shared>> -> memref<65536xf32, #tpu.memory_space<vmem_shared>>
        tpu.enqueue_indirect_dma source(%arg35 : memref<2048xf32, #tpu.memory_space<vmem>>) target(%dma_start3A_187 : memref<65536xf32, #tpu.memory_space<vmem_shared>>) offsets(%arg34 : memref<2048xi32, #tpu.memory_space<vmem>>) semaphore(%run_scoped3A : memref<!tpu.dma_semaphore, #tpu.memory_space<semaphore_mem>>) {add = true}
        %dma_wait3A = arith.constant 0 : i32
        %dma_wait3A_188 = tpu.memref_slice %arg48[%dma_wait3A] : memref<65536xf32, #tpu.memory_space<vmem_shared>> -> memref<65536xf32, #tpu.memory_space<vmem_shared>>
        tpu.wait_indirect_dma semaphore(%run_scoped3A : memref<!tpu.dma_semaphore, #tpu.memory_space<semaphore_mem>>) src(%arg35 : memref<2048xf32, #tpu.memory_space<vmem>>) dst(%dma_wait3A_188 : memref<65536xf32, #tpu.memory_space<vmem_shared>>)
        tpu.yield
      }) : () -> ()
    }
    %scan3A_63 = arith.constant 9 : i32
    "tpu.region"() ({
      %run_scoped3A = tpu.sem_alloc : memref<!tpu.dma_semaphore, #tpu.memory_space<semaphore_mem>>
      tpu.enqueue_dma source(%arg7 : memref<65536xf32, #tpu.memory_space<hbm>>) target(%arg23 : memref<65536xf32, #tpu.memory_space<vmem>>) target_semaphore(%run_scoped3A : memref<!tpu.dma_semaphore, #tpu.memory_space<semaphore_mem>>)
      tpu.wait_dma2 semaphore(%run_scoped3A : memref<!tpu.dma_semaphore, #tpu.memory_space<semaphore_mem>>) src(%arg7 : memref<65536xf32, #tpu.memory_space<hbm>>) dst(%arg23 : memref<65536xf32, #tpu.memory_space<vmem>>)
      tpu.yield
    }) : () -> ()
    %mul3A_64 = arith.constant 1024 : i32
    %mul3A_65 = arith.muli %arg1, %mul3A_64 : i32
    "tpu.region"() ({
      %run_scoped3A = tpu.sem_alloc : memref<!tpu.dma_semaphore, #tpu.memory_space<semaphore_mem>>
      %dma_start3A = arith.constant 0 : i32
      %dma_start3A_135 = tpu.memref_slice %arg26[%dma_start3A] : memref<2048xi32, #tpu.memory_space<vmem>> -> memref<1024xi32, #tpu.memory_space<vmem>>
      %dma_start3A_136 = tpu.memref_slice %arg15[%mul3A_65] : memref<16384xi32, #tpu.memory_space<hbm>> -> memref<1024xi32, #tpu.memory_space<hbm>>
      %dma_start3A_137 = arith.constant 0 : i32
      %dma_start3A_138 = tpu.memref_slice %arg26[%dma_start3A_137] : memref<2048xi32, #tpu.memory_space<vmem>> -> memref<1024xi32, #tpu.memory_space<vmem>>
      %dma_start3A_139 = tpu.memref_slice %arg15[%mul3A_65] : memref<16384xi32, #tpu.memory_space<hbm>> -> memref<1024xi32, #tpu.memory_space<hbm>>
      tpu.enqueue_dma source(%dma_start3A_139 : memref<1024xi32, #tpu.memory_space<hbm>>) target(%dma_start3A_138 : memref<1024xi32, #tpu.memory_space<vmem>>) target_semaphore(%run_scoped3A : memref<!tpu.dma_semaphore, #tpu.memory_space<semaphore_mem>>)
      %dma_wait3A = arith.constant 0 : i32
      %dma_wait3A_140 = tpu.memref_slice %arg26[%dma_wait3A] : memref<2048xi32, #tpu.memory_space<vmem>> -> memref<1024xi32, #tpu.memory_space<vmem>>
      %dma_wait3A_141 = tpu.memref_slice %arg15[%mul3A_65] : memref<16384xi32, #tpu.memory_space<hbm>> -> memref<1024xi32, #tpu.memory_space<hbm>>
      %dma_wait3A_142 = arith.constant 0 : i32
      %dma_wait3A_143 = tpu.memref_slice %arg26[%dma_wait3A_142] : memref<2048xi32, #tpu.memory_space<vmem>> -> memref<1024xi32, #tpu.memory_space<vmem>>
      %dma_wait3A_144 = tpu.memref_slice %arg15[%mul3A_65] : memref<16384xi32, #tpu.memory_space<hbm>> -> memref<1024xi32, #tpu.memory_space<hbm>>
      tpu.wait_dma2 semaphore(%run_scoped3A : memref<!tpu.dma_semaphore, #tpu.memory_space<semaphore_mem>>) src(%dma_wait3A_144 : memref<1024xi32, #tpu.memory_space<hbm>>) dst(%dma_wait3A_143 : memref<1024xi32, #tpu.memory_space<vmem>>)
      tpu.yield
    }) : () -> ()
    %scan3A_66 = arith.constant 0 : i32
    %scan3A_67 = arith.constant 0 : i32
    %scan3A_68 = arith.constant 5 : i32
    %scan3A_69 = arith.addi %scan3A_67, %scan3A_68 : i32
    %scan3A_70 = arith.constant 1 : i32
    scf.for %scan3A_135 = %scan3A_67 to %scan3A_69 step %scan3A_70  : i32 {
      %mul3A_136 = arith.constant 1024 : i32
      %mul3A_137 = arith.muli %arg1, %mul3A_136 : i32
      "tpu.region"() ({
        %run_scoped3A = tpu.sem_alloc : memref<!tpu.dma_semaphore, #tpu.memory_space<semaphore_mem>>
        %dma_start3A = arith.constant 0 : i32
        %dma_start3A_153 = tpu.memref_slice %arg28[%dma_start3A] : memref<2048xf32, #tpu.memory_space<vmem>> -> memref<1024xf32, #tpu.memory_space<vmem>>
        %dma_start3A_154 = tpu.memref_slice %arg17[%scan3A_135, %mul3A_137] : memref<5x16384xf32, #tpu.memory_space<hbm>> -> memref<1x1024xf32, #tpu.memory_space<hbm>>
        %dma_start3A_155 = tpu.memref_squeeze %dma_start3A_154 : memref<1x1024xf32, #tpu.memory_space<hbm>> -> memref<1024xf32, #tpu.memory_space<hbm>>
        %dma_start3A_156 = arith.constant 0 : i32
        %dma_start3A_157 = tpu.memref_slice %arg28[%dma_start3A_156] : memref<2048xf32, #tpu.memory_space<vmem>> -> memref<1024xf32, #tpu.memory_space<vmem>>
        %dma_start3A_158 = tpu.memref_slice %arg17[%scan3A_135, %mul3A_137] : memref<5x16384xf32, #tpu.memory_space<hbm>> -> memref<1x1024xf32, #tpu.memory_space<hbm>>
        %dma_start3A_159 = tpu.memref_squeeze %dma_start3A_158 : memref<1x1024xf32, #tpu.memory_space<hbm>> -> memref<1024xf32, #tpu.memory_space<hbm>>
        tpu.enqueue_dma source(%dma_start3A_159 : memref<1024xf32, #tpu.memory_space<hbm>>) target(%dma_start3A_157 : memref<1024xf32, #tpu.memory_space<vmem>>) target_semaphore(%run_scoped3A : memref<!tpu.dma_semaphore, #tpu.memory_space<semaphore_mem>>)
        %dma_wait3A = arith.constant 0 : i32
        %dma_wait3A_160 = tpu.memref_slice %arg28[%dma_wait3A] : memref<2048xf32, #tpu.memory_space<vmem>> -> memref<1024xf32, #tpu.memory_space<vmem>>
        %dma_wait3A_161 = tpu.memref_slice %arg17[%scan3A_135, %mul3A_137] : memref<5x16384xf32, #tpu.memory_space<hbm>> -> memref<1x1024xf32, #tpu.memory_space<hbm>>
        %dma_wait3A_162 = tpu.memref_squeeze %dma_wait3A_161 : memref<1x1024xf32, #tpu.memory_space<hbm>> -> memref<1024xf32, #tpu.memory_space<hbm>>
        %dma_wait3A_163 = arith.constant 0 : i32
        %dma_wait3A_164 = tpu.memref_slice %arg28[%dma_wait3A_163] : memref<2048xf32, #tpu.memory_space<vmem>> -> memref<1024xf32, #tpu.memory_space<vmem>>
        %dma_wait3A_165 = tpu.memref_slice %arg17[%scan3A_135, %mul3A_137] : memref<5x16384xf32, #tpu.memory_space<hbm>> -> memref<1x1024xf32, #tpu.memory_space<hbm>>
        %dma_wait3A_166 = tpu.memref_squeeze %dma_wait3A_165 : memref<1x1024xf32, #tpu.memory_space<hbm>> -> memref<1024xf32, #tpu.memory_space<hbm>>
        tpu.wait_dma2 semaphore(%run_scoped3A : memref<!tpu.dma_semaphore, #tpu.memory_space<semaphore_mem>>) src(%dma_wait3A_166 : memref<1024xf32, #tpu.memory_space<hbm>>) dst(%dma_wait3A_164 : memref<1024xf32, #tpu.memory_space<vmem>>)
        tpu.yield
      }) : () -> ()
      %mul3A_138 = arith.constant 1024 : i32
      %mul3A_139 = arith.muli %arg1, %mul3A_138 : i32
      "tpu.region"() ({
        %run_scoped3A = tpu.sem_alloc : memref<!tpu.dma_semaphore, #tpu.memory_space<semaphore_mem>>
        %dma_start3A = arith.constant 0 : i32
        %dma_start3A_153 = tpu.memref_slice %arg25[%dma_start3A] : memref<2048xi32, #tpu.memory_space<vmem>> -> memref<1024xi32, #tpu.memory_space<vmem>>
        %dma_start3A_154 = tpu.memref_slice %arg16[%scan3A_135, %mul3A_139] : memref<5x16384xi32, #tpu.memory_space<hbm>> -> memref<1x1024xi32, #tpu.memory_space<hbm>>
        %dma_start3A_155 = tpu.memref_squeeze %dma_start3A_154 : memref<1x1024xi32, #tpu.memory_space<hbm>> -> memref<1024xi32, #tpu.memory_space<hbm>>
        %dma_start3A_156 = arith.constant 0 : i32
        %dma_start3A_157 = tpu.memref_slice %arg25[%dma_start3A_156] : memref<2048xi32, #tpu.memory_space<vmem>> -> memref<1024xi32, #tpu.memory_space<vmem>>
        %dma_start3A_158 = tpu.memref_slice %arg16[%scan3A_135, %mul3A_139] : memref<5x16384xi32, #tpu.memory_space<hbm>> -> memref<1x1024xi32, #tpu.memory_space<hbm>>
        %dma_start3A_159 = tpu.memref_squeeze %dma_start3A_158 : memref<1x1024xi32, #tpu.memory_space<hbm>> -> memref<1024xi32, #tpu.memory_space<hbm>>
        tpu.enqueue_dma source(%dma_start3A_159 : memref<1024xi32, #tpu.memory_space<hbm>>) target(%dma_start3A_157 : memref<1024xi32, #tpu.memory_space<vmem>>) target_semaphore(%run_scoped3A : memref<!tpu.dma_semaphore, #tpu.memory_space<semaphore_mem>>)
        %dma_wait3A = arith.constant 0 : i32
        %dma_wait3A_160 = tpu.memref_slice %arg25[%dma_wait3A] : memref<2048xi32, #tpu.memory_space<vmem>> -> memref<1024xi32, #tpu.memory_space<vmem>>
        %dma_wait3A_161 = tpu.memref_slice %arg16[%scan3A_135, %mul3A_139] : memref<5x16384xi32, #tpu.memory_space<hbm>> -> memref<1x1024xi32, #tpu.memory_space<hbm>>
        %dma_wait3A_162 = tpu.memref_squeeze %dma_wait3A_161 : memref<1x1024xi32, #tpu.memory_space<hbm>> -> memref<1024xi32, #tpu.memory_space<hbm>>
        %dma_wait3A_163 = arith.constant 0 : i32
        %dma_wait3A_164 = tpu.memref_slice %arg25[%dma_wait3A_163] : memref<2048xi32, #tpu.memory_space<vmem>> -> memref<1024xi32, #tpu.memory_space<vmem>>
        %dma_wait3A_165 = tpu.memref_slice %arg16[%scan3A_135, %mul3A_139] : memref<5x16384xi32, #tpu.memory_space<hbm>> -> memref<1x1024xi32, #tpu.memory_space<hbm>>
        %dma_wait3A_166 = tpu.memref_squeeze %dma_wait3A_165 : memref<1x1024xi32, #tpu.memory_space<hbm>> -> memref<1024xi32, #tpu.memory_space<hbm>>
        tpu.wait_dma2 semaphore(%run_scoped3A : memref<!tpu.dma_semaphore, #tpu.memory_space<semaphore_mem>>) src(%dma_wait3A_166 : memref<1024xi32, #tpu.memory_space<hbm>>) dst(%dma_wait3A_164 : memref<1024xi32, #tpu.memory_space<vmem>>)
        tpu.yield
      }) : () -> ()
      %scan3A_140 = arith.constant 0 : i32
      %scan3A_141 = arith.constant 0 : i32
      %scan3A_142 = arith.constant 64 : i32
      %scan3A_143 = arith.addi %scan3A_141, %scan3A_142 : i32
      %scan3A_144 = arith.constant 1 : i32
      scf.for %scan3A_153 = %scan3A_141 to %scan3A_143 step %scan3A_144  : i32 {
        %mul3A_154 = arith.constant 16 : i32
        %mul3A_155 = arith.muli %scan3A_153, %mul3A_154 : i32
        %get3A_156 = arith.index_cast %mul3A_155 : i32 to index
        %get3A_157 = tpu.vector_load %arg26[%get3A_156] {strides = array<i32>} : memref<2048xi32, #tpu.memory_space<vmem>>, vector<16xi32>,
        %gather3A = tpu.vector_load_idx %arg23[%get3A_157] : memref<65536xf32, #tpu.memory_space<vmem>>[vector<16xi32>], vector<16xf32>,
        %swap3A_158 = arith.index_cast %mul3A_155 : i32 to index
        %swap3A_159 = tpu.vector_load %arg33[%swap3A_158] {strides = array<i32>} : memref<2048xi32, #tpu.memory_space<vmem>>, vector<16xi32>,
        tpu.vector_store %arg33[%swap3A_158], %get3A_157 {strides = array<i32>} : memref<2048xi32, #tpu.memory_space<vmem>>, vector<16xi32>,
        %get3A_160 = arith.index_cast %mul3A_155 : i32 to index
        %get3A_161 = tpu.vector_load %arg25[%get3A_160] {strides = array<i32>} : memref<2048xi32, #tpu.memory_space<vmem>>, vector<16xi32>,
        %swap3A_162 = arith.index_cast %mul3A_155 : i32 to index
        %swap3A_163 = tpu.vector_load %arg34[%swap3A_162] {strides = array<i32>} : memref<2048xi32, #tpu.memory_space<vmem>>, vector<16xi32>,
        tpu.vector_store %arg34[%swap3A_162], %get3A_161 {strides = array<i32>} : memref<2048xi32, #tpu.memory_space<vmem>>, vector<16xi32>,
        %get3A_164 = arith.index_cast %mul3A_155 : i32 to index
        %get3A_165 = tpu.vector_load %arg28[%get3A_164] {strides = array<i32>} : memref<2048xf32, #tpu.memory_space<vmem>>, vector<16xf32>,
        %mul3A_166 = arith.constant 5.000000e-01 : f32
        %mul3A_167 = vector.broadcast %mul3A_166 : f32 to vector<16xf32>
        %mul3A_168 = arith.mulf %mul3A_167, %get3A_165 : vector<16xf32>
        %mul3A_169 = arith.mulf %mul3A_168, %gather3A : vector<16xf32>
        %swap3A_170 = arith.index_cast %mul3A_155 : i32 to index
        %swap3A_171 = tpu.vector_load %arg35[%swap3A_170] {strides = array<i32>} : memref<2048xf32, #tpu.memory_space<vmem>>, vector<16xf32>,
        tpu.vector_store %arg35[%swap3A_170], %mul3A_169 {strides = array<i32>} : memref<2048xf32, #tpu.memory_space<vmem>>, vector<16xf32>,
      }
      %scan3A_145 = arith.constant 64 : i32
      %mul3A_146 = arith.constant 16384 : i32
      %mul3A_147 = arith.muli %scan3A_135, %mul3A_146 : i32
      %add3A_148 = arith.constant 147456 : i32
      %add3A_149 = arith.addi %add3A_148, %mul3A_147 : i32
      %mul3A_150 = arith.constant 1024 : i32
      %mul3A_151 = arith.muli %arg1, %mul3A_150 : i32
      %add3A_152 = arith.addi %add3A_149, %mul3A_151 : i32
      "tpu.region"() ({
        %run_scoped3A = tpu.sem_alloc : memref<!tpu.dma_semaphore, #tpu.memory_space<semaphore_mem>>
        %dma_start3A = arith.constant 0 : i32
        %dma_start3A_153 = tpu.memref_slice %arg33[%dma_start3A] : memref<2048xi32, #tpu.memory_space<vmem>> -> memref<1024xi32, #tpu.memory_space<vmem>>
        %dma_start3A_154 = tpu.memref_slice %arg19[%add3A_152] : memref<229376xi32, #tpu.memory_space<hbm>> -> memref<1024xi32, #tpu.memory_space<hbm>>
        %dma_start3A_155 = tpu.memref_slice %arg19[%add3A_152] : memref<229376xi32, #tpu.memory_space<hbm>> -> memref<1024xi32, #tpu.memory_space<hbm>>
        %dma_start3A_156 = arith.constant 0 : i32
        %dma_start3A_157 = tpu.memref_slice %arg33[%dma_start3A_156] : memref<2048xi32, #tpu.memory_space<vmem>> -> memref<1024xi32, #tpu.memory_space<vmem>>
        tpu.enqueue_dma source(%dma_start3A_157 : memref<1024xi32, #tpu.memory_space<vmem>>) target(%dma_start3A_155 : memref<1024xi32, #tpu.memory_space<hbm>>) target_semaphore(%run_scoped3A : memref<!tpu.dma_semaphore, #tpu.memory_space<semaphore_mem>>)
        %dma_wait3A = arith.constant 0 : i32
        %dma_wait3A_158 = tpu.memref_slice %arg33[%dma_wait3A] : memref<2048xi32, #tpu.memory_space<vmem>> -> memref<1024xi32, #tpu.memory_space<vmem>>
        %dma_wait3A_159 = tpu.memref_slice %arg19[%add3A_152] : memref<229376xi32, #tpu.memory_space<hbm>> -> memref<1024xi32, #tpu.memory_space<hbm>>
        %dma_wait3A_160 = tpu.memref_slice %arg19[%add3A_152] : memref<229376xi32, #tpu.memory_space<hbm>> -> memref<1024xi32, #tpu.memory_space<hbm>>
        %dma_wait3A_161 = arith.constant 0 : i32
        %dma_wait3A_162 = tpu.memref_slice %arg33[%dma_wait3A_161] : memref<2048xi32, #tpu.memory_space<vmem>> -> memref<1024xi32, #tpu.memory_space<vmem>>
        tpu.wait_dma2 semaphore(%run_scoped3A : memref<!tpu.dma_semaphore, #tpu.memory_space<semaphore_mem>>) src(%dma_wait3A_162 : memref<1024xi32, #tpu.memory_space<vmem>>) dst(%dma_wait3A_160 : memref<1024xi32, #tpu.memory_space<hbm>>)
        tpu.yield
      }) : () -> ()
      "tpu.region"() ({
        %run_scoped3A = tpu.sem_alloc : memref<!tpu.dma_semaphore, #tpu.memory_space<semaphore_mem>>
        %dma_start3A = arith.constant 0 : i32
        %dma_start3A_153 = tpu.memref_slice %arg34[%dma_start3A] : memref<2048xi32, #tpu.memory_space<vmem>> -> memref<1024xi32, #tpu.memory_space<vmem>>
        %dma_start3A_154 = tpu.memref_slice %arg20[%add3A_152] : memref<229376xi32, #tpu.memory_space<hbm>> -> memref<1024xi32, #tpu.memory_space<hbm>>
        %dma_start3A_155 = tpu.memref_slice %arg20[%add3A_152] : memref<229376xi32, #tpu.memory_space<hbm>> -> memref<1024xi32, #tpu.memory_space<hbm>>
        %dma_start3A_156 = arith.constant 0 : i32
        %dma_start3A_157 = tpu.memref_slice %arg34[%dma_start3A_156] : memref<2048xi32, #tpu.memory_space<vmem>> -> memref<1024xi32, #tpu.memory_space<vmem>>
        tpu.enqueue_dma source(%dma_start3A_157 : memref<1024xi32, #tpu.memory_space<vmem>>) target(%dma_start3A_155 : memref<1024xi32, #tpu.memory_space<hbm>>) target_semaphore(%run_scoped3A : memref<!tpu.dma_semaphore, #tpu.memory_space<semaphore_mem>>)
        %dma_wait3A = arith.constant 0 : i32
        %dma_wait3A_158 = tpu.memref_slice %arg34[%dma_wait3A] : memref<2048xi32, #tpu.memory_space<vmem>> -> memref<1024xi32, #tpu.memory_space<vmem>>
        %dma_wait3A_159 = tpu.memref_slice %arg20[%add3A_152] : memref<229376xi32, #tpu.memory_space<hbm>> -> memref<1024xi32, #tpu.memory_space<hbm>>
        %dma_wait3A_160 = tpu.memref_slice %arg20[%add3A_152] : memref<229376xi32, #tpu.memory_space<hbm>> -> memref<1024xi32, #tpu.memory_space<hbm>>
        %dma_wait3A_161 = arith.constant 0 : i32
        %dma_wait3A_162 = tpu.memref_slice %arg34[%dma_wait3A_161] : memref<2048xi32, #tpu.memory_space<vmem>> -> memref<1024xi32, #tpu.memory_space<vmem>>
        tpu.wait_dma2 semaphore(%run_scoped3A : memref<!tpu.dma_semaphore, #tpu.memory_space<semaphore_mem>>) src(%dma_wait3A_162 : memref<1024xi32, #tpu.memory_space<vmem>>) dst(%dma_wait3A_160 : memref<1024xi32, #tpu.memory_space<hbm>>)
        tpu.yield
      }) : () -> ()
      "tpu.region"() ({
        %run_scoped3A = tpu.sem_alloc : memref<!tpu.dma_semaphore, #tpu.memory_space<semaphore_mem>>
        %dma_start3A = arith.constant 0 : i32
        %dma_start3A_153 = tpu.memref_slice %arg35[%dma_start3A] : memref<2048xf32, #tpu.memory_space<vmem>> -> memref<1024xf32, #tpu.memory_space<vmem>>
        %dma_start3A_154 = tpu.memref_slice %arg21[%add3A_152] : memref<229376xf32, #tpu.memory_space<hbm>> -> memref<1024xf32, #tpu.memory_space<hbm>>
        %dma_start3A_155 = tpu.memref_slice %arg21[%add3A_152] : memref<229376xf32, #tpu.memory_space<hbm>> -> memref<1024xf32, #tpu.memory_space<hbm>>
        %dma_start3A_156 = arith.constant 0 : i32
        %dma_start3A_157 = tpu.memref_slice %arg35[%dma_start3A_156] : memref<2048xf32, #tpu.memory_space<vmem>> -> memref<1024xf32, #tpu.memory_space<vmem>>
        tpu.enqueue_dma source(%dma_start3A_157 : memref<1024xf32, #tpu.memory_space<vmem>>) target(%dma_start3A_155 : memref<1024xf32, #tpu.memory_space<hbm>>) target_semaphore(%run_scoped3A : memref<!tpu.dma_semaphore, #tpu.memory_space<semaphore_mem>>)
        %dma_wait3A = arith.constant 0 : i32
        %dma_wait3A_158 = tpu.memref_slice %arg35[%dma_wait3A] : memref<2048xf32, #tpu.memory_space<vmem>> -> memref<1024xf32, #tpu.memory_space<vmem>>
        %dma_wait3A_159 = tpu.memref_slice %arg21[%add3A_152] : memref<229376xf32, #tpu.memory_space<hbm>> -> memref<1024xf32, #tpu.memory_space<hbm>>
        %dma_wait3A_160 = tpu.memref_slice %arg21[%add3A_152] : memref<229376xf32, #tpu.memory_space<hbm>> -> memref<1024xf32, #tpu.memory_space<hbm>>
        %dma_wait3A_161 = arith.constant 0 : i32
        %dma_wait3A_162 = tpu.memref_slice %arg35[%dma_wait3A_161] : memref<2048xf32, #tpu.memory_space<vmem>> -> memref<1024xf32, #tpu.memory_space<vmem>>
        tpu.wait_dma2 semaphore(%run_scoped3A : memref<!tpu.dma_semaphore, #tpu.memory_space<semaphore_mem>>) src(%dma_wait3A_162 : memref<1024xf32, #tpu.memory_space<vmem>>) dst(%dma_wait3A_160 : memref<1024xf32, #tpu.memory_space<hbm>>)
        tpu.yield
      }) : () -> ()
      "tpu.region"() ({
        %run_scoped3A = tpu.sem_alloc : memref<!tpu.dma_semaphore, #tpu.memory_space<semaphore_mem>>
        %dma_start3A = arith.constant 0 : i32
        %dma_start3A_153 = tpu.memref_slice %arg48[%dma_start3A] : memref<65536xf32, #tpu.memory_space<vmem_shared>> -> memref<65536xf32, #tpu.memory_space<vmem_shared>>
        tpu.enqueue_indirect_dma source(%arg35 : memref<2048xf32, #tpu.memory_space<vmem>>) target(%dma_start3A_153 : memref<65536xf32, #tpu.memory_space<vmem_shared>>) offsets(%arg33 : memref<2048xi32, #tpu.memory_space<vmem>>) semaphore(%run_scoped3A : memref<!tpu.dma_semaphore, #tpu.memory_space<semaphore_mem>>) {add = true}
        %dma_wait3A = arith.constant 0 : i32
        %dma_wait3A_154 = tpu.memref_slice %arg48[%dma_wait3A] : memref<65536xf32, #tpu.memory_space<vmem_shared>> -> memref<65536xf32, #tpu.memory_space<vmem_shared>>
        tpu.wait_indirect_dma semaphore(%run_scoped3A : memref<!tpu.dma_semaphore, #tpu.memory_space<semaphore_mem>>) src(%arg35 : memref<2048xf32, #tpu.memory_space<vmem>>) dst(%dma_wait3A_154 : memref<65536xf32, #tpu.memory_space<vmem_shared>>)
        tpu.yield
      }) : () -> ()
      "tpu.region"() ({
        %run_scoped3A = tpu.sem_alloc : memref<!tpu.dma_semaphore, #tpu.memory_space<semaphore_mem>>
        %dma_start3A = arith.constant 0 : i32
        %dma_start3A_153 = tpu.memref_slice %arg48[%dma_start3A] : memref<65536xf32, #tpu.memory_space<vmem_shared>> -> memref<65536xf32, #tpu.memory_space<vmem_shared>>
        tpu.enqueue_indirect_dma source(%arg35 : memref<2048xf32, #tpu.memory_space<vmem>>) target(%dma_start3A_153 : memref<65536xf32, #tpu.memory_space<vmem_shared>>) offsets(%arg34 : memref<2048xi32, #tpu.memory_space<vmem>>) semaphore(%run_scoped3A : memref<!tpu.dma_semaphore, #tpu.memory_space<semaphore_mem>>) {add = true}
        %dma_wait3A = arith.constant 0 : i32
        %dma_wait3A_154 = tpu.memref_slice %arg48[%dma_wait3A] : memref<65536xf32, #tpu.memory_space<vmem_shared>> -> memref<65536xf32, #tpu.memory_space<vmem_shared>>
        tpu.wait_indirect_dma semaphore(%run_scoped3A : memref<!tpu.dma_semaphore, #tpu.memory_space<semaphore_mem>>) src(%arg35 : memref<2048xf32, #tpu.memory_space<vmem>>) dst(%dma_wait3A_154 : memref<65536xf32, #tpu.memory_space<vmem_shared>>)
        tpu.yield
      }) : () -> ()
    }
    %scan3A_71 = arith.constant 5 : i32
    "tpu.region"() ({
      %run_scoped3A = tpu.sem_alloc : memref<!tpu.dma_semaphore, #tpu.memory_space<semaphore_mem>>
      tpu.enqueue_dma source(%arg12 : memref<16xf32, #tpu.memory_space<hbm>>) target(%arg46 : memref<16xf32, #tpu.memory_space<vmem>>) target_semaphore(%run_scoped3A : memref<!tpu.dma_semaphore, #tpu.memory_space<semaphore_mem>>)
      tpu.wait_dma2 semaphore(%run_scoped3A : memref<!tpu.dma_semaphore, #tpu.memory_space<semaphore_mem>>) src(%arg12 : memref<16xf32, #tpu.memory_space<hbm>>) dst(%arg46 : memref<16xf32, #tpu.memory_space<vmem>>)
      tpu.yield
    }) : () -> ()
    "tpu.region"() ({
      %run_scoped3A = tpu.sem_alloc : memref<!tpu.dma_semaphore, #tpu.memory_space<semaphore_mem>>
      %dma_start3A = tpu.memref_slice %arg8[%mul3A_0] : memref<65536xf32, #tpu.memory_space<hbm>> -> memref<4096xf32, #tpu.memory_space<hbm>>
      %dma_start3A_135 = tpu.memref_slice %arg8[%mul3A_0] : memref<65536xf32, #tpu.memory_space<hbm>> -> memref<4096xf32, #tpu.memory_space<hbm>>
      tpu.enqueue_dma source(%dma_start3A_135 : memref<4096xf32, #tpu.memory_space<hbm>>) target(%arg40 : memref<4096xf32, #tpu.memory_space<vmem>>) target_semaphore(%run_scoped3A : memref<!tpu.dma_semaphore, #tpu.memory_space<semaphore_mem>>)
      %dma_wait3A = tpu.memref_slice %arg8[%mul3A_0] : memref<65536xf32, #tpu.memory_space<hbm>> -> memref<4096xf32, #tpu.memory_space<hbm>>
      %dma_wait3A_136 = tpu.memref_slice %arg8[%mul3A_0] : memref<65536xf32, #tpu.memory_space<hbm>> -> memref<4096xf32, #tpu.memory_space<hbm>>
      tpu.wait_dma2 semaphore(%run_scoped3A : memref<!tpu.dma_semaphore, #tpu.memory_space<semaphore_mem>>) src(%dma_wait3A_136 : memref<4096xf32, #tpu.memory_space<hbm>>) dst(%arg40 : memref<4096xf32, #tpu.memory_space<vmem>>)
      tpu.yield
    }) : () -> ()
    "tpu.region"() ({
      %run_scoped3A = tpu.sem_alloc : memref<!tpu.dma_semaphore, #tpu.memory_space<semaphore_mem>>
      %dma_start3A = tpu.memref_slice %arg9[%mul3A_0] : memref<65536xf32, #tpu.memory_space<hbm>> -> memref<4096xf32, #tpu.memory_space<hbm>>
      %dma_start3A_135 = tpu.memref_slice %arg9[%mul3A_0] : memref<65536xf32, #tpu.memory_space<hbm>> -> memref<4096xf32, #tpu.memory_space<hbm>>
      tpu.enqueue_dma source(%dma_start3A_135 : memref<4096xf32, #tpu.memory_space<hbm>>) target(%arg42 : memref<4096xf32, #tpu.memory_space<vmem>>) target_semaphore(%run_scoped3A : memref<!tpu.dma_semaphore, #tpu.memory_space<semaphore_mem>>)
      %dma_wait3A = tpu.memref_slice %arg9[%mul3A_0] : memref<65536xf32, #tpu.memory_space<hbm>> -> memref<4096xf32, #tpu.memory_space<hbm>>
      %dma_wait3A_136 = tpu.memref_slice %arg9[%mul3A_0] : memref<65536xf32, #tpu.memory_space<hbm>> -> memref<4096xf32, #tpu.memory_space<hbm>>
      tpu.wait_dma2 semaphore(%run_scoped3A : memref<!tpu.dma_semaphore, #tpu.memory_space<semaphore_mem>>) src(%dma_wait3A_136 : memref<4096xf32, #tpu.memory_space<hbm>>) dst(%arg42 : memref<4096xf32, #tpu.memory_space<vmem>>)
      tpu.yield
    }) : () -> ()
    %scan3A_72 = arith.constant 0 : i32
    %scan3A_73 = arith.constant 0 : i32
    %scan3A_74 = arith.constant 256 : i32
    %scan3A_75 = arith.addi %scan3A_73, %scan3A_74 : i32
    %scan3A_76 = arith.constant 1 : i32
    scf.for %scan3A_135 = %scan3A_73 to %scan3A_75 step %scan3A_76  : i32 {
      %mul3A_136 = arith.constant 16 : i32
      %mul3A_137 = arith.muli %scan3A_135, %mul3A_136 : i32
      %get3A_138 = arith.index_cast %mul3A_137 : i32 to index
      %get3A_139 = tpu.vector_load %arg40[%get3A_138] {strides = array<i32>} : memref<4096xf32, #tpu.memory_space<vmem>>, vector<16xf32>,
      %get3A_140 = arith.index_cast %mul3A_137 : i32 to index
      %get3A_141 = tpu.vector_load %arg42[%get3A_140] {strides = array<i32>} : memref<4096xf32, #tpu.memory_space<vmem>>, vector<16xf32>,
      %mul3A_142 = arith.mulf %get3A_139, %get3A_141 : vector<16xf32>
      %swap3A_143 = arith.index_cast %mul3A_137 : i32 to index
      %swap3A_144 = tpu.vector_load %arg41[%swap3A_143] {strides = array<i32>} : memref<4096xf32, #tpu.memory_space<vmem>>, vector<16xf32>,
      tpu.vector_store %arg41[%swap3A_143], %mul3A_142 {strides = array<i32>} : memref<4096xf32, #tpu.memory_space<vmem>>, vector<16xf32>,
    }
    %scan3A_77 = arith.constant 256 : i32
    "tpu.region"() ({
      %run_scoped3A = tpu.sem_alloc : memref<!tpu.dma_semaphore, #tpu.memory_space<semaphore_mem>>
      %dma_start3A = tpu.memref_slice %arg10[%mul3A_0] : memref<65536xf32, #tpu.memory_space<hbm>> -> memref<4096xf32, #tpu.memory_space<hbm>>
      %dma_start3A_135 = tpu.memref_slice %arg10[%mul3A_0] : memref<65536xf32, #tpu.memory_space<hbm>> -> memref<4096xf32, #tpu.memory_space<hbm>>
      tpu.enqueue_dma source(%dma_start3A_135 : memref<4096xf32, #tpu.memory_space<hbm>>) target(%arg40 : memref<4096xf32, #tpu.memory_space<vmem>>) target_semaphore(%run_scoped3A : memref<!tpu.dma_semaphore, #tpu.memory_space<semaphore_mem>>)
      %dma_wait3A = tpu.memref_slice %arg10[%mul3A_0] : memref<65536xf32, #tpu.memory_space<hbm>> -> memref<4096xf32, #tpu.memory_space<hbm>>
      %dma_wait3A_136 = tpu.memref_slice %arg10[%mul3A_0] : memref<65536xf32, #tpu.memory_space<hbm>> -> memref<4096xf32, #tpu.memory_space<hbm>>
      tpu.wait_dma2 semaphore(%run_scoped3A : memref<!tpu.dma_semaphore, #tpu.memory_space<semaphore_mem>>) src(%dma_wait3A_136 : memref<4096xf32, #tpu.memory_space<hbm>>) dst(%arg40 : memref<4096xf32, #tpu.memory_space<vmem>>)
      tpu.yield
    }) : () -> ()
    %get3A = arith.constant 0 : index
    %get3A_78 = tpu.vector_load %arg46[%get3A] {strides = array<i32>} : memref<16xf32, #tpu.memory_space<vmem>>, vector<16xf32>,
    %scan3A_79 = arith.constant 0 : i32
    %scan3A_80 = arith.constant 0 : i32
    %scan3A_81 = arith.constant 256 : i32
    %scan3A_82 = arith.addi %scan3A_80, %scan3A_81 : i32
    %scan3A_83 = arith.constant 1 : i32
    scf.for %scan3A_135 = %scan3A_80 to %scan3A_82 step %scan3A_83  : i32 {
      %mul3A_136 = arith.constant 16 : i32
      %mul3A_137 = arith.muli %scan3A_135, %mul3A_136 : i32
      %get3A_138 = arith.index_cast %mul3A_137 : i32 to index
      %get3A_139 = tpu.vector_load %arg41[%get3A_138] {strides = array<i32>} : memref<4096xf32, #tpu.memory_space<vmem>>, vector<16xf32>,
      %get3A_140 = arith.index_cast %mul3A_137 : i32 to index
      %get3A_141 = tpu.vector_load %arg40[%get3A_140] {strides = array<i32>} : memref<4096xf32, #tpu.memory_space<vmem>>, vector<16xf32>,
      %mul3A_142 = arith.mulf %get3A_78, %get3A_141 : vector<16xf32>
      %add3A_143 = arith.addf %get3A_139, %mul3A_142 : vector<16xf32>
      %swap3A_144 = arith.index_cast %mul3A_137 : i32 to index
      %swap3A_145 = tpu.vector_load %arg41[%swap3A_144] {strides = array<i32>} : memref<4096xf32, #tpu.memory_space<vmem>>, vector<16xf32>,
      tpu.vector_store %arg41[%swap3A_144], %add3A_143 {strides = array<i32>} : memref<4096xf32, #tpu.memory_space<vmem>>, vector<16xf32>,
    }
    %scan3A_84 = arith.constant 256 : i32
    "tpu.region"() ({
      %run_scoped3A = tpu.sem_alloc : memref<!tpu.dma_semaphore, #tpu.memory_space<semaphore_mem>>
      %dma_start3A = tpu.memref_slice %arg11[%mul3A_0] : memref<65536xf32, #tpu.memory_space<hbm>> -> memref<4096xf32, #tpu.memory_space<hbm>>
      %dma_start3A_135 = tpu.memref_slice %arg11[%mul3A_0] : memref<65536xf32, #tpu.memory_space<hbm>> -> memref<4096xf32, #tpu.memory_space<hbm>>
      tpu.enqueue_dma source(%dma_start3A_135 : memref<4096xf32, #tpu.memory_space<hbm>>) target(%arg40 : memref<4096xf32, #tpu.memory_space<vmem>>) target_semaphore(%run_scoped3A : memref<!tpu.dma_semaphore, #tpu.memory_space<semaphore_mem>>)
      %dma_wait3A = tpu.memref_slice %arg11[%mul3A_0] : memref<65536xf32, #tpu.memory_space<hbm>> -> memref<4096xf32, #tpu.memory_space<hbm>>
      %dma_wait3A_136 = tpu.memref_slice %arg11[%mul3A_0] : memref<65536xf32, #tpu.memory_space<hbm>> -> memref<4096xf32, #tpu.memory_space<hbm>>
      tpu.wait_dma2 semaphore(%run_scoped3A : memref<!tpu.dma_semaphore, #tpu.memory_space<semaphore_mem>>) src(%dma_wait3A_136 : memref<4096xf32, #tpu.memory_space<hbm>>) dst(%arg40 : memref<4096xf32, #tpu.memory_space<vmem>>)
      tpu.yield
    }) : () -> ()
    %scan3A_85 = arith.constant 0 : i32
    %scan3A_86 = arith.constant 0 : i32
    %scan3A_87 = arith.constant 256 : i32
    %scan3A_88 = arith.addi %scan3A_86, %scan3A_87 : i32
    %scan3A_89 = arith.constant 1 : i32
    scf.for %scan3A_135 = %scan3A_86 to %scan3A_88 step %scan3A_89  : i32 {
      %mul3A_136 = arith.constant 16 : i32
      %mul3A_137 = arith.muli %scan3A_135, %mul3A_136 : i32
      %get3A_138 = arith.index_cast %mul3A_137 : i32 to index
      %get3A_139 = tpu.vector_load %arg41[%get3A_138] {strides = array<i32>} : memref<4096xf32, #tpu.memory_space<vmem>>, vector<16xf32>,
      %get3A_140 = arith.index_cast %mul3A_137 : i32 to index
      %get3A_141 = tpu.vector_load %arg40[%get3A_140] {strides = array<i32>} : memref<4096xf32, #tpu.memory_space<vmem>>, vector<16xf32>,
      %mul3A_142 = arith.mulf %get3A_139, %get3A_141 : vector<16xf32>
      %swap3A_143 = arith.index_cast %mul3A_137 : i32 to index
      %swap3A_144 = tpu.vector_load %arg38[%swap3A_143] {strides = array<i32>} : memref<4096xf32, #tpu.memory_space<vmem>>, vector<16xf32>,
      tpu.vector_store %arg38[%swap3A_143], %mul3A_142 {strides = array<i32>} : memref<4096xf32, #tpu.memory_space<vmem>>, vector<16xf32>,
      %swap3A_145 = arith.index_cast %mul3A_137 : i32 to index
      %swap3A_146 = tpu.vector_load %arg39[%swap3A_145] {strides = array<i32>} : memref<4096xf32, #tpu.memory_space<vmem>>, vector<16xf32>,
      tpu.vector_store %arg39[%swap3A_145], %mul3A_142 {strides = array<i32>} : memref<4096xf32, #tpu.memory_space<vmem>>, vector<16xf32>,
      %swap3A_147 = arith.index_cast %mul3A_137 : i32 to index
      %swap3A_148 = tpu.vector_load %arg37[%swap3A_147] {strides = array<i32>} : memref<4096xf32, #tpu.memory_space<vmem>>, vector<16xf32>,
      tpu.vector_store %arg37[%swap3A_147], %broadcast_in_dim3A_1 {strides = array<i32>} : memref<4096xf32, #tpu.memory_space<vmem>>, vector<16xf32>,
    }
    %scan3A_90 = arith.constant 256 : i32
    %barrier3A_91 = arith.constant 0 : index
    tpu.barrier barrier_id(%barrier3A_91)
    "tpu.region"() ({
      %run_scoped3A = tpu.sem_alloc : memref<!tpu.dma_semaphore, #tpu.memory_space<semaphore_mem>>
      %dma_start3A = tpu.memref_slice %arg47[%mul3A_0] : memref<65536xf32, #tpu.memory_space<vmem_shared>> -> memref<4096xf32, #tpu.memory_space<vmem_shared>>
      %dma_start3A_135 = tpu.memref_slice %arg47[%mul3A_0] : memref<65536xf32, #tpu.memory_space<vmem_shared>> -> memref<4096xf32, #tpu.memory_space<vmem_shared>>
      tpu.enqueue_dma source(%dma_start3A_135 : memref<4096xf32, #tpu.memory_space<vmem_shared>>) target(%arg42 : memref<4096xf32, #tpu.memory_space<vmem>>) target_semaphore(%run_scoped3A : memref<!tpu.dma_semaphore, #tpu.memory_space<semaphore_mem>>)
      %dma_wait3A = tpu.memref_slice %arg47[%mul3A_0] : memref<65536xf32, #tpu.memory_space<vmem_shared>> -> memref<4096xf32, #tpu.memory_space<vmem_shared>>
      %dma_wait3A_136 = tpu.memref_slice %arg47[%mul3A_0] : memref<65536xf32, #tpu.memory_space<vmem_shared>> -> memref<4096xf32, #tpu.memory_space<vmem_shared>>
      tpu.wait_dma2 semaphore(%run_scoped3A : memref<!tpu.dma_semaphore, #tpu.memory_space<semaphore_mem>>) src(%dma_wait3A_136 : memref<4096xf32, #tpu.memory_space<vmem_shared>>) dst(%arg42 : memref<4096xf32, #tpu.memory_space<vmem>>)
      tpu.yield
    }) : () -> ()
    "tpu.region"() ({
      %run_scoped3A = tpu.sem_alloc : memref<!tpu.dma_semaphore, #tpu.memory_space<semaphore_mem>>
      %dma_start3A = tpu.memref_slice %arg48[%mul3A_0] : memref<65536xf32, #tpu.memory_space<vmem_shared>> -> memref<4096xf32, #tpu.memory_space<vmem_shared>>
      %dma_start3A_135 = tpu.memref_slice %arg48[%mul3A_0] : memref<65536xf32, #tpu.memory_space<vmem_shared>> -> memref<4096xf32, #tpu.memory_space<vmem_shared>>
      tpu.enqueue_dma source(%dma_start3A_135 : memref<4096xf32, #tpu.memory_space<vmem_shared>>) target(%arg40 : memref<4096xf32, #tpu.memory_space<vmem>>) target_semaphore(%run_scoped3A : memref<!tpu.dma_semaphore, #tpu.memory_space<semaphore_mem>>)
      %dma_wait3A = tpu.memref_slice %arg48[%mul3A_0] : memref<65536xf32, #tpu.memory_space<vmem_shared>> -> memref<4096xf32, #tpu.memory_space<vmem_shared>>
      %dma_wait3A_136 = tpu.memref_slice %arg48[%mul3A_0] : memref<65536xf32, #tpu.memory_space<vmem_shared>> -> memref<4096xf32, #tpu.memory_space<vmem_shared>>
      tpu.wait_dma2 semaphore(%run_scoped3A : memref<!tpu.dma_semaphore, #tpu.memory_space<semaphore_mem>>) src(%dma_wait3A_136 : memref<4096xf32, #tpu.memory_space<vmem_shared>>) dst(%arg40 : memref<4096xf32, #tpu.memory_space<vmem>>)
      tpu.yield
    }) : () -> ()
    %scan3A_92 = arith.constant 0 : i32
    %scan3A_93 = arith.constant 0 : i32
    %scan3A_94 = arith.constant 256 : i32
    %scan3A_95 = arith.addi %scan3A_93, %scan3A_94 : i32
    %scan3A_96 = arith.constant 1 : i32
    scf.for %scan3A_135 = %scan3A_93 to %scan3A_95 step %scan3A_96  : i32 {
      %mul3A_136 = arith.constant 16 : i32
      %mul3A_137 = arith.muli %scan3A_135, %mul3A_136 : i32
      %get3A_138 = arith.index_cast %mul3A_137 : i32 to index
      %get3A_139 = tpu.vector_load %arg41[%get3A_138] {strides = array<i32>} : memref<4096xf32, #tpu.memory_space<vmem>>, vector<16xf32>,
      %get3A_140 = arith.index_cast %mul3A_137 : i32 to index
      %get3A_141 = tpu.vector_load %arg40[%get3A_140] {strides = array<i32>} : memref<4096xf32, #tpu.memory_space<vmem>>, vector<16xf32>,
      %add3A_142 = arith.addf %get3A_139, %get3A_141 : vector<16xf32>
      %swap3A_143 = arith.index_cast %mul3A_137 : i32 to index
      %swap3A_144 = tpu.vector_load %arg41[%swap3A_143] {strides = array<i32>} : memref<4096xf32, #tpu.memory_space<vmem>>, vector<16xf32>,
      tpu.vector_store %arg41[%swap3A_143], %add3A_142 {strides = array<i32>} : memref<4096xf32, #tpu.memory_space<vmem>>, vector<16xf32>,
    }
    %scan3A_97 = arith.constant 256 : i32
    %add3A_98 = arith.constant 0 : i32
    %add3A_99 = arith.addi %mul3A_0, %add3A_98 : i32
    "tpu.region"() ({
      %run_scoped3A = tpu.sem_alloc : memref<!tpu.dma_semaphore, #tpu.memory_space<semaphore_mem>>
      %dma_start3A = tpu.memref_slice %arg47[%add3A_99] : memref<65536xf32, #tpu.memory_space<vmem_shared>> -> memref<1024xf32, #tpu.memory_space<vmem_shared>>
      %dma_start3A_135 = tpu.memref_slice %arg47[%add3A_99] : memref<65536xf32, #tpu.memory_space<vmem_shared>> -> memref<1024xf32, #tpu.memory_space<vmem_shared>>
      tpu.enqueue_dma source(%arg24 : memref<1024xf32, #tpu.memory_space<vmem>>) target(%dma_start3A_135 : memref<1024xf32, #tpu.memory_space<vmem_shared>>) target_semaphore(%run_scoped3A : memref<!tpu.dma_semaphore, #tpu.memory_space<semaphore_mem>>)
      %dma_wait3A = tpu.memref_slice %arg47[%add3A_99] : memref<65536xf32, #tpu.memory_space<vmem_shared>> -> memref<1024xf32, #tpu.memory_space<vmem_shared>>
      %dma_wait3A_136 = tpu.memref_slice %arg47[%add3A_99] : memref<65536xf32, #tpu.memory_space<vmem_shared>> -> memref<1024xf32, #tpu.memory_space<vmem_shared>>
      tpu.wait_dma2 semaphore(%run_scoped3A : memref<!tpu.dma_semaphore, #tpu.memory_space<semaphore_mem>>) src(%arg24 : memref<1024xf32, #tpu.memory_space<vmem>>) dst(%dma_wait3A_136 : memref<1024xf32, #tpu.memory_space<vmem_shared>>)
      tpu.yield
    }) : () -> ()
    %add3A_100 = arith.constant 1024 : i32
    %add3A_101 = arith.addi %mul3A_0, %add3A_100 : i32
    "tpu.region"() ({
      %run_scoped3A = tpu.sem_alloc : memref<!tpu.dma_semaphore, #tpu.memory_space<semaphore_mem>>
      %dma_start3A = tpu.memref_slice %arg47[%add3A_101] : memref<65536xf32, #tpu.memory_space<vmem_shared>> -> memref<1024xf32, #tpu.memory_space<vmem_shared>>
      %dma_start3A_135 = tpu.memref_slice %arg47[%add3A_101] : memref<65536xf32, #tpu.memory_space<vmem_shared>> -> memref<1024xf32, #tpu.memory_space<vmem_shared>>
      tpu.enqueue_dma source(%arg24 : memref<1024xf32, #tpu.memory_space<vmem>>) target(%dma_start3A_135 : memref<1024xf32, #tpu.memory_space<vmem_shared>>) target_semaphore(%run_scoped3A : memref<!tpu.dma_semaphore, #tpu.memory_space<semaphore_mem>>)
      %dma_wait3A = tpu.memref_slice %arg47[%add3A_101] : memref<65536xf32, #tpu.memory_space<vmem_shared>> -> memref<1024xf32, #tpu.memory_space<vmem_shared>>
      %dma_wait3A_136 = tpu.memref_slice %arg47[%add3A_101] : memref<65536xf32, #tpu.memory_space<vmem_shared>> -> memref<1024xf32, #tpu.memory_space<vmem_shared>>
      tpu.wait_dma2 semaphore(%run_scoped3A : memref<!tpu.dma_semaphore, #tpu.memory_space<semaphore_mem>>) src(%arg24 : memref<1024xf32, #tpu.memory_space<vmem>>) dst(%dma_wait3A_136 : memref<1024xf32, #tpu.memory_space<vmem_shared>>)
      tpu.yield
    }) : () -> ()
    %add3A_102 = arith.constant 2048 : i32
    %add3A_103 = arith.addi %mul3A_0, %add3A_102 : i32
    "tpu.region"() ({
      %run_scoped3A = tpu.sem_alloc : memref<!tpu.dma_semaphore, #tpu.memory_space<semaphore_mem>>
      %dma_start3A = tpu.memref_slice %arg47[%add3A_103] : memref<65536xf32, #tpu.memory_space<vmem_shared>> -> memref<1024xf32, #tpu.memory_space<vmem_shared>>
      %dma_start3A_135 = tpu.memref_slice %arg47[%add3A_103] : memref<65536xf32, #tpu.memory_space<vmem_shared>> -> memref<1024xf32, #tpu.memory_space<vmem_shared>>
      tpu.enqueue_dma source(%arg24 : memref<1024xf32, #tpu.memory_space<vmem>>) target(%dma_start3A_135 : memref<1024xf32, #tpu.memory_space<vmem_shared>>) target_semaphore(%run_scoped3A : memref<!tpu.dma_semaphore, #tpu.memory_space<semaphore_mem>>)
      %dma_wait3A = tpu.memref_slice %arg47[%add3A_103] : memref<65536xf32, #tpu.memory_space<vmem_shared>> -> memref<1024xf32, #tpu.memory_space<vmem_shared>>
      %dma_wait3A_136 = tpu.memref_slice %arg47[%add3A_103] : memref<65536xf32, #tpu.memory_space<vmem_shared>> -> memref<1024xf32, #tpu.memory_space<vmem_shared>>
      tpu.wait_dma2 semaphore(%run_scoped3A : memref<!tpu.dma_semaphore, #tpu.memory_space<semaphore_mem>>) src(%arg24 : memref<1024xf32, #tpu.memory_space<vmem>>) dst(%dma_wait3A_136 : memref<1024xf32, #tpu.memory_space<vmem_shared>>)
      tpu.yield
    }) : () -> ()
    %add3A_104 = arith.constant 3072 : i32
    %add3A_105 = arith.addi %mul3A_0, %add3A_104 : i32
    "tpu.region"() ({
      %run_scoped3A = tpu.sem_alloc : memref<!tpu.dma_semaphore, #tpu.memory_space<semaphore_mem>>
      %dma_start3A = tpu.memref_slice %arg47[%add3A_105] : memref<65536xf32, #tpu.memory_space<vmem_shared>> -> memref<1024xf32, #tpu.memory_space<vmem_shared>>
      %dma_start3A_135 = tpu.memref_slice %arg47[%add3A_105] : memref<65536xf32, #tpu.memory_space<vmem_shared>> -> memref<1024xf32, #tpu.memory_space<vmem_shared>>
      tpu.enqueue_dma source(%arg24 : memref<1024xf32, #tpu.memory_space<vmem>>) target(%dma_start3A_135 : memref<1024xf32, #tpu.memory_space<vmem_shared>>) target_semaphore(%run_scoped3A : memref<!tpu.dma_semaphore, #tpu.memory_space<semaphore_mem>>)
      %dma_wait3A = tpu.memref_slice %arg47[%add3A_105] : memref<65536xf32, #tpu.memory_space<vmem_shared>> -> memref<1024xf32, #tpu.memory_space<vmem_shared>>
      %dma_wait3A_136 = tpu.memref_slice %arg47[%add3A_105] : memref<65536xf32, #tpu.memory_space<vmem_shared>> -> memref<1024xf32, #tpu.memory_space<vmem_shared>>
      tpu.wait_dma2 semaphore(%run_scoped3A : memref<!tpu.dma_semaphore, #tpu.memory_space<semaphore_mem>>) src(%arg24 : memref<1024xf32, #tpu.memory_space<vmem>>) dst(%dma_wait3A_136 : memref<1024xf32, #tpu.memory_space<vmem_shared>>)
      tpu.yield
    }) : () -> ()
    %add3A_106 = arith.constant 0 : i32
    %add3A_107 = arith.addi %mul3A_0, %add3A_106 : i32
    "tpu.region"() ({
      %run_scoped3A = tpu.sem_alloc : memref<!tpu.dma_semaphore, #tpu.memory_space<semaphore_mem>>
      %dma_start3A = tpu.memref_slice %arg48[%add3A_107] : memref<65536xf32, #tpu.memory_space<vmem_shared>> -> memref<1024xf32, #tpu.memory_space<vmem_shared>>
      %dma_start3A_135 = tpu.memref_slice %arg48[%add3A_107] : memref<65536xf32, #tpu.memory_space<vmem_shared>> -> memref<1024xf32, #tpu.memory_space<vmem_shared>>
      tpu.enqueue_dma source(%arg24 : memref<1024xf32, #tpu.memory_space<vmem>>) target(%dma_start3A_135 : memref<1024xf32, #tpu.memory_space<vmem_shared>>) target_semaphore(%run_scoped3A : memref<!tpu.dma_semaphore, #tpu.memory_space<semaphore_mem>>)
      %dma_wait3A = tpu.memref_slice %arg48[%add3A_107] : memref<65536xf32, #tpu.memory_space<vmem_shared>> -> memref<1024xf32, #tpu.memory_space<vmem_shared>>
      %dma_wait3A_136 = tpu.memref_slice %arg48[%add3A_107] : memref<65536xf32, #tpu.memory_space<vmem_shared>> -> memref<1024xf32, #tpu.memory_space<vmem_shared>>
      tpu.wait_dma2 semaphore(%run_scoped3A : memref<!tpu.dma_semaphore, #tpu.memory_space<semaphore_mem>>) src(%arg24 : memref<1024xf32, #tpu.memory_space<vmem>>) dst(%dma_wait3A_136 : memref<1024xf32, #tpu.memory_space<vmem_shared>>)
      tpu.yield
    }) : () -> ()
    %add3A_108 = arith.constant 1024 : i32
    %add3A_109 = arith.addi %mul3A_0, %add3A_108 : i32
    "tpu.region"() ({
      %run_scoped3A = tpu.sem_alloc : memref<!tpu.dma_semaphore, #tpu.memory_space<semaphore_mem>>
      %dma_start3A = tpu.memref_slice %arg48[%add3A_109] : memref<65536xf32, #tpu.memory_space<vmem_shared>> -> memref<1024xf32, #tpu.memory_space<vmem_shared>>
      %dma_start3A_135 = tpu.memref_slice %arg48[%add3A_109] : memref<65536xf32, #tpu.memory_space<vmem_shared>> -> memref<1024xf32, #tpu.memory_space<vmem_shared>>
      tpu.enqueue_dma source(%arg24 : memref<1024xf32, #tpu.memory_space<vmem>>) target(%dma_start3A_135 : memref<1024xf32, #tpu.memory_space<vmem_shared>>) target_semaphore(%run_scoped3A : memref<!tpu.dma_semaphore, #tpu.memory_space<semaphore_mem>>)
      %dma_wait3A = tpu.memref_slice %arg48[%add3A_109] : memref<65536xf32, #tpu.memory_space<vmem_shared>> -> memref<1024xf32, #tpu.memory_space<vmem_shared>>
      %dma_wait3A_136 = tpu.memref_slice %arg48[%add3A_109] : memref<65536xf32, #tpu.memory_space<vmem_shared>> -> memref<1024xf32, #tpu.memory_space<vmem_shared>>
      tpu.wait_dma2 semaphore(%run_scoped3A : memref<!tpu.dma_semaphore, #tpu.memory_space<semaphore_mem>>) src(%arg24 : memref<1024xf32, #tpu.memory_space<vmem>>) dst(%dma_wait3A_136 : memref<1024xf32, #tpu.memory_space<vmem_shared>>)
      tpu.yield
    }) : () -> ()
    %add3A_110 = arith.constant 2048 : i32
    %add3A_111 = arith.addi %mul3A_0, %add3A_110 : i32
    "tpu.region"() ({
      %run_scoped3A = tpu.sem_alloc : memref<!tpu.dma_semaphore, #tpu.memory_space<semaphore_mem>>
      %dma_start3A = tpu.memref_slice %arg48[%add3A_111] : memref<65536xf32, #tpu.memory_space<vmem_shared>> -> memref<1024xf32, #tpu.memory_space<vmem_shared>>
      %dma_start3A_135 = tpu.memref_slice %arg48[%add3A_111] : memref<65536xf32, #tpu.memory_space<vmem_shared>> -> memref<1024xf32, #tpu.memory_space<vmem_shared>>
      tpu.enqueue_dma source(%arg24 : memref<1024xf32, #tpu.memory_space<vmem>>) target(%dma_start3A_135 : memref<1024xf32, #tpu.memory_space<vmem_shared>>) target_semaphore(%run_scoped3A : memref<!tpu.dma_semaphore, #tpu.memory_space<semaphore_mem>>)
      %dma_wait3A = tpu.memref_slice %arg48[%add3A_111] : memref<65536xf32, #tpu.memory_space<vmem_shared>> -> memref<1024xf32, #tpu.memory_space<vmem_shared>>
      %dma_wait3A_136 = tpu.memref_slice %arg48[%add3A_111] : memref<65536xf32, #tpu.memory_space<vmem_shared>> -> memref<1024xf32, #tpu.memory_space<vmem_shared>>
      tpu.wait_dma2 semaphore(%run_scoped3A : memref<!tpu.dma_semaphore, #tpu.memory_space<semaphore_mem>>) src(%arg24 : memref<1024xf32, #tpu.memory_space<vmem>>) dst(%dma_wait3A_136 : memref<1024xf32, #tpu.memory_space<vmem_shared>>)
      tpu.yield
    }) : () -> ()
    %add3A_112 = arith.constant 3072 : i32
    %add3A_113 = arith.addi %mul3A_0, %add3A_112 : i32
    "tpu.region"() ({
      %run_scoped3A = tpu.sem_alloc : memref<!tpu.dma_semaphore, #tpu.memory_space<semaphore_mem>>
      %dma_start3A = tpu.memref_slice %arg48[%add3A_113] : memref<65536xf32, #tpu.memory_space<vmem_shared>> -> memref<1024xf32, #tpu.memory_space<vmem_shared>>
      %dma_start3A_135 = tpu.memref_slice %arg48[%add3A_113] : memref<65536xf32, #tpu.memory_space<vmem_shared>> -> memref<1024xf32, #tpu.memory_space<vmem_shared>>
      tpu.enqueue_dma source(%arg24 : memref<1024xf32, #tpu.memory_space<vmem>>) target(%dma_start3A_135 : memref<1024xf32, #tpu.memory_space<vmem_shared>>) target_semaphore(%run_scoped3A : memref<!tpu.dma_semaphore, #tpu.memory_space<semaphore_mem>>)
      %dma_wait3A = tpu.memref_slice %arg48[%add3A_113] : memref<65536xf32, #tpu.memory_space<vmem_shared>> -> memref<1024xf32, #tpu.memory_space<vmem_shared>>
      %dma_wait3A_136 = tpu.memref_slice %arg48[%add3A_113] : memref<65536xf32, #tpu.memory_space<vmem_shared>> -> memref<1024xf32, #tpu.memory_space<vmem_shared>>
      tpu.wait_dma2 semaphore(%run_scoped3A : memref<!tpu.dma_semaphore, #tpu.memory_space<semaphore_mem>>) src(%arg24 : memref<1024xf32, #tpu.memory_space<vmem>>) dst(%dma_wait3A_136 : memref<1024xf32, #tpu.memory_space<vmem_shared>>)
      tpu.yield
    }) : () -> ()
    %scan3A_114 = arith.constant 0 : i32
    %scan3A_115 = arith.constant 256 : i32
    %scan3A_116 = arith.addi %scan3A_114, %scan3A_115 : i32
    %scan3A_117 = arith.constant 1 : i32
    %scan3A_118 = scf.for %scan3A_135 = %scan3A_114 to %scan3A_116 step %scan3A_117 iter_args(%scan3A_136 = %broadcast_in_dim3A_1) -> (vector<16xf32>)  : i32 {
      %mul3A_137 = arith.constant 16 : i32
      %mul3A_138 = arith.muli %scan3A_135, %mul3A_137 : i32
      %get3A_139 = arith.index_cast %mul3A_138 : i32 to index
      %get3A_140 = tpu.vector_load %arg38[%get3A_139] {strides = array<i32>} : memref<4096xf32, #tpu.memory_space<vmem>>, vector<16xf32>,
      %get3A_141 = arith.index_cast %mul3A_138 : i32 to index
      %get3A_142 = tpu.vector_load %arg38[%get3A_141] {strides = array<i32>} : memref<4096xf32, #tpu.memory_space<vmem>>, vector<16xf32>,
      %mul3A_143 = arith.mulf %get3A_140, %get3A_142 : vector<16xf32>
      %add3A_144 = arith.addf %scan3A_136, %mul3A_143 : vector<16xf32>
      scf.yield %add3A_144 : vector<16xf32>
    }
    %scan3A_119 = arith.constant 256 : i32
    %swap3A_120 = arith.constant 0 : index
    %swap3A_121 = tpu.vector_load %arg43[%swap3A_120] {strides = array<i32>} : memref<16xf32, #tpu.memory_space<vmem>>, vector<16xf32>,
    tpu.vector_store %arg43[%swap3A_120], %scan3A_118 {strides = array<i32>} : memref<16xf32, #tpu.memory_space<vmem>>, vector<16xf32>,
    "tpu.region"() ({
      %run_scoped3A = tpu.sem_alloc : memref<!tpu.dma_semaphore, #tpu.memory_space<semaphore_mem>>
      %dma_start3A = arith.constant 0 : i32
      %dma_start3A_135 = tpu.memref_slice %arg51[%dma_start3A] : memref<16xf32, #tpu.memory_space<vmem_shared>> -> memref<16xf32, #tpu.memory_space<vmem_shared>>
      tpu.enqueue_indirect_dma source(%arg43 : memref<16xf32, #tpu.memory_space<vmem>>) target(%dma_start3A_135 : memref<16xf32, #tpu.memory_space<vmem_shared>>) offsets(%arg44 : memref<16xi32, #tpu.memory_space<vmem>>) semaphore(%run_scoped3A : memref<!tpu.dma_semaphore, #tpu.memory_space<semaphore_mem>>) {add = true}
      %dma_wait3A = arith.constant 0 : i32
      %dma_wait3A_136 = tpu.memref_slice %arg51[%dma_wait3A] : memref<16xf32, #tpu.memory_space<vmem_shared>> -> memref<16xf32, #tpu.memory_space<vmem_shared>>
      tpu.wait_indirect_dma semaphore(%run_scoped3A : memref<!tpu.dma_semaphore, #tpu.memory_space<semaphore_mem>>) src(%arg43 : memref<16xf32, #tpu.memory_space<vmem>>) dst(%dma_wait3A_136 : memref<16xf32, #tpu.memory_space<vmem_shared>>)
      tpu.yield
    }) : () -> ()
    "tpu.region"() ({
      %run_scoped3A = tpu.sem_alloc : memref<!tpu.dma_semaphore, #tpu.memory_space<semaphore_mem>>
      %dma_start3A = tpu.memref_slice %arg49[%mul3A_0] : memref<65536xf32, #tpu.memory_space<vmem_shared>> -> memref<4096xf32, #tpu.memory_space<vmem_shared>>
      %dma_start3A_135 = tpu.memref_slice %arg49[%mul3A_0] : memref<65536xf32, #tpu.memory_space<vmem_shared>> -> memref<4096xf32, #tpu.memory_space<vmem_shared>>
      tpu.enqueue_dma source(%arg39 : memref<4096xf32, #tpu.memory_space<vmem>>) target(%dma_start3A_135 : memref<4096xf32, #tpu.memory_space<vmem_shared>>) target_semaphore(%run_scoped3A : memref<!tpu.dma_semaphore, #tpu.memory_space<semaphore_mem>>)
      %dma_wait3A = tpu.memref_slice %arg49[%mul3A_0] : memref<65536xf32, #tpu.memory_space<vmem_shared>> -> memref<4096xf32, #tpu.memory_space<vmem_shared>>
      %dma_wait3A_136 = tpu.memref_slice %arg49[%mul3A_0] : memref<65536xf32, #tpu.memory_space<vmem_shared>> -> memref<4096xf32, #tpu.memory_space<vmem_shared>>
      tpu.wait_dma2 semaphore(%run_scoped3A : memref<!tpu.dma_semaphore, #tpu.memory_space<semaphore_mem>>) src(%arg39 : memref<4096xf32, #tpu.memory_space<vmem>>) dst(%dma_wait3A_136 : memref<4096xf32, #tpu.memory_space<vmem_shared>>)
      tpu.yield
    }) : () -> ()
    %barrier3A_122 = arith.constant 0 : index
    tpu.barrier barrier_id(%barrier3A_122)
    "tpu.region"() ({
      %run_scoped3A = tpu.sem_alloc : memref<!tpu.dma_semaphore, #tpu.memory_space<semaphore_mem>>
      tpu.enqueue_dma source(%arg51 : memref<16xf32, #tpu.memory_space<vmem_shared>>) target(%arg45 : memref<16xf32, #tpu.memory_space<vmem>>) target_semaphore(%run_scoped3A : memref<!tpu.dma_semaphore, #tpu.memory_space<semaphore_mem>>)
      tpu.wait_dma2 semaphore(%run_scoped3A : memref<!tpu.dma_semaphore, #tpu.memory_space<semaphore_mem>>) src(%arg51 : memref<16xf32, #tpu.memory_space<vmem_shared>>) dst(%arg45 : memref<16xf32, #tpu.memory_space<vmem>>)
      tpu.yield
    }) : () -> ()
    %get3A_123 = arith.constant 0 : index
    %get3A_124 = tpu.vector_load %arg45[%get3A_123] {strides = array<i32>} : memref<16xf32, #tpu.memory_space<vmem>>, vector<16xf32>,
    %reduce_sum3A = arith.constant true
    %reduce_sum3A_125 = vector.broadcast %reduce_sum3A : i1 to vector<16xi1>
    %reduce_sum3A_126 = tpu.scan <sum>, %get3A_124 masked %reduce_sum3A_125 : vector<16xf32>, vector<16xi1> -> vector<16xf32>
    %reduce_sum3A_127 = vector.extract %reduce_sum3A_126[15] : f32 from vector<16xf32>
    %broadcast_in_dim3A_128 = vector.broadcast %reduce_sum3A_127 : f32 to vector<16xf32>
    "tpu.region"() ({
      %run_scoped3A = tpu.sem_alloc : memref<!tpu.dma_semaphore, #tpu.memory_space<semaphore_mem>>
      tpu.enqueue_dma source(%arg49 : memref<65536xf32, #tpu.memory_space<vmem_shared>>) target(%arg23 : memref<65536xf32, #tpu.memory_space<vmem>>) target_semaphore(%run_scoped3A : memref<!tpu.dma_semaphore, #tpu.memory_space<semaphore_mem>>)
      tpu.wait_dma2 semaphore(%run_scoped3A : memref<!tpu.dma_semaphore, #tpu.memory_space<semaphore_mem>>) src(%arg49 : memref<65536xf32, #tpu.memory_space<vmem_shared>>) dst(%arg23 : memref<65536xf32, #tpu.memory_space<vmem>>)
      tpu.yield
    }) : () -> ()
    %scan3A_129 = arith.constant 0 : i32
    %scan3A_130 = arith.constant 50 : i32
    %scan3A_131 = arith.addi %scan3A_129, %scan3A_130 : i32
    %scan3A_132 = arith.constant 1 : i32
    %scan3A_133 = scf.for %scan3A_135 = %scan3A_129 to %scan3A_131 step %scan3A_132 iter_args(%scan3A_136 = %broadcast_in_dim3A_128) -> (vector<16xf32>)  : i32 {
      %mul3A_137 = arith.constant 81920 : i32
      %mul3A_138 = arith.muli %arg1, %mul3A_137 : i32
      %add3A_139 = arith.constant 0 : i32
      %add3A_140 = arith.addi %mul3A_138, %add3A_139 : i32
      %dma_start3A = tpu.memref_slice %arg2[%add3A_140] : memref<1310720xi32, #tpu.memory_space<hbm>> -> memref<2048xi32, #tpu.memory_space<hbm>>
      %dma_start3A_141 = tpu.memref_slice %arg2[%add3A_140] : memref<1310720xi32, #tpu.memory_space<hbm>> -> memref<2048xi32, #tpu.memory_space<hbm>>
      tpu.enqueue_dma source(%dma_start3A_141 : memref<2048xi32, #tpu.memory_space<hbm>>) target(%arg25 : memref<2048xi32, #tpu.memory_space<vmem>>) target_semaphore(%arg52 : memref<!tpu.dma_semaphore, #tpu.memory_space<semaphore_mem>>)
      %dma_start3A_142 = tpu.memref_slice %arg3[%add3A_140] : memref<1310720xi32, #tpu.memory_space<hbm>> -> memref<2048xi32, #tpu.memory_space<hbm>>
      %dma_start3A_143 = tpu.memref_slice %arg3[%add3A_140] : memref<1310720xi32, #tpu.memory_space<hbm>> -> memref<2048xi32, #tpu.memory_space<hbm>>
      tpu.enqueue_dma source(%dma_start3A_143 : memref<2048xi32, #tpu.memory_space<hbm>>) target(%arg26 : memref<2048xi32, #tpu.memory_space<vmem>>) target_semaphore(%arg52 : memref<!tpu.dma_semaphore, #tpu.memory_space<semaphore_mem>>)
      %dma_start3A_144 = tpu.memref_slice %arg22[%add3A_140] : memref<1310720xf32, #tpu.memory_space<hbm>> -> memref<2048xf32, #tpu.memory_space<hbm>>
      %dma_start3A_145 = tpu.memref_slice %arg22[%add3A_140] : memref<1310720xf32, #tpu.memory_space<hbm>> -> memref<2048xf32, #tpu.memory_space<hbm>>
      tpu.enqueue_dma source(%dma_start3A_145 : memref<2048xf32, #tpu.memory_space<hbm>>) target(%arg27 : memref<2048xf32, #tpu.memory_space<vmem>>) target_semaphore(%arg52 : memref<!tpu.dma_semaphore, #tpu.memory_space<semaphore_mem>>)
      %scan3A_146 = arith.constant 0 : i32
      %scan3A_147 = arith.constant 0 : i32
      %scan3A_148 = arith.constant 20 : i32
      %scan3A_149 = arith.addi %scan3A_147, %scan3A_148 : i32
      %scan3A_150 = arith.constant 1 : i32
      scf.for %scan3A_297 = %scan3A_147 to %scan3A_149 step %scan3A_150  : i32 {
        %mul3A_298 = arith.constant 2 : i32
        %mul3A_299 = arith.muli %scan3A_297, %mul3A_298 : i32
        %add3A_300 = arith.constant 0 : i32
        %add3A_301 = arith.addi %mul3A_299, %add3A_300 : i32
        %dma_wait3A = arith.constant 0 : i32
        %dma_wait3A_302 = tpu.memref_slice %arg2[%dma_wait3A] : memref<1310720xi32, #tpu.memory_space<hbm>> -> memref<2048xi32, #tpu.memory_space<hbm>>
        %dma_wait3A_303 = arith.constant 0 : i32
        %dma_wait3A_304 = tpu.memref_slice %arg2[%dma_wait3A_303] : memref<1310720xi32, #tpu.memory_space<hbm>> -> memref<2048xi32, #tpu.memory_space<hbm>>
        tpu.wait_dma2 semaphore(%arg52 : memref<!tpu.dma_semaphore, #tpu.memory_space<semaphore_mem>>) src(%dma_wait3A_304 : memref<2048xi32, #tpu.memory_space<hbm>>) dst(%arg25 : memref<2048xi32, #tpu.memory_space<vmem>>)
        %dma_wait3A_305 = arith.constant 0 : i32
        %dma_wait3A_306 = tpu.memref_slice %arg3[%dma_wait3A_305] : memref<1310720xi32, #tpu.memory_space<hbm>> -> memref<2048xi32, #tpu.memory_space<hbm>>
        %dma_wait3A_307 = arith.constant 0 : i32
        %dma_wait3A_308 = tpu.memref_slice %arg3[%dma_wait3A_307] : memref<1310720xi32, #tpu.memory_space<hbm>> -> memref<2048xi32, #tpu.memory_space<hbm>>
        tpu.wait_dma2 semaphore(%arg52 : memref<!tpu.dma_semaphore, #tpu.memory_space<semaphore_mem>>) src(%dma_wait3A_308 : memref<2048xi32, #tpu.memory_space<hbm>>) dst(%arg26 : memref<2048xi32, #tpu.memory_space<vmem>>)
        %dma_wait3A_309 = arith.constant 0 : i32
        %dma_wait3A_310 = tpu.memref_slice %arg22[%dma_wait3A_309] : memref<1310720xf32, #tpu.memory_space<hbm>> -> memref<2048xf32, #tpu.memory_space<hbm>>
        %dma_wait3A_311 = arith.constant 0 : i32
        %dma_wait3A_312 = tpu.memref_slice %arg22[%dma_wait3A_311] : memref<1310720xf32, #tpu.memory_space<hbm>> -> memref<2048xf32, #tpu.memory_space<hbm>>
        tpu.wait_dma2 semaphore(%arg52 : memref<!tpu.dma_semaphore, #tpu.memory_space<semaphore_mem>>) src(%dma_wait3A_312 : memref<2048xf32, #tpu.memory_space<hbm>>) dst(%arg27 : memref<2048xf32, #tpu.memory_space<vmem>>)
        %add3A_313 = arith.constant 1 : i32
        %add3A_314 = arith.addi %add3A_301, %add3A_313 : i32
        %lt3A = arith.constant 40 : i32
        %lt3A_315 = arith.cmpi slt, %add3A_314, %lt3A : i32
        %convert_element_type3A_316 = arith.extui %lt3A_315 : i1 to i32
        %cond3A_317 = arith.constant 0 : i32
        %cond3A_318 = arith.cmpi ne, %convert_element_type3A_316, %cond3A_317 : i32
        scf.if %cond3A_318 {
          %add3A_354 = arith.constant 1 : i32
          %add3A_355 = arith.addi %add3A_301, %add3A_354 : i32
          %mul3A_356 = arith.constant 81920 : i32
          %mul3A_357 = arith.muli %arg1, %mul3A_356 : i32
          %mul3A_358 = arith.constant 2048 : i32
          %mul3A_359 = arith.muli %add3A_355, %mul3A_358 : i32
          %add3A_360 = arith.addi %mul3A_357, %mul3A_359 : i32
          %dma_start3A_361 = tpu.memref_slice %arg2[%add3A_360] : memref<1310720xi32, #tpu.memory_space<hbm>> -> memref<2048xi32, #tpu.memory_space<hbm>>
          %dma_start3A_362 = tpu.memref_slice %arg2[%add3A_360] : memref<1310720xi32, #tpu.memory_space<hbm>> -> memref<2048xi32, #tpu.memory_space<hbm>>
          tpu.enqueue_dma source(%dma_start3A_362 : memref<2048xi32, #tpu.memory_space<hbm>>) target(%arg29 : memref<2048xi32, #tpu.memory_space<vmem>>) target_semaphore(%arg53 : memref<!tpu.dma_semaphore, #tpu.memory_space<semaphore_mem>>)
          %dma_start3A_363 = tpu.memref_slice %arg3[%add3A_360] : memref<1310720xi32, #tpu.memory_space<hbm>> -> memref<2048xi32, #tpu.memory_space<hbm>>
          %dma_start3A_364 = tpu.memref_slice %arg3[%add3A_360] : memref<1310720xi32, #tpu.memory_space<hbm>> -> memref<2048xi32, #tpu.memory_space<hbm>>
          tpu.enqueue_dma source(%dma_start3A_364 : memref<2048xi32, #tpu.memory_space<hbm>>) target(%arg30 : memref<2048xi32, #tpu.memory_space<vmem>>) target_semaphore(%arg53 : memref<!tpu.dma_semaphore, #tpu.memory_space<semaphore_mem>>)
          %dma_start3A_365 = tpu.memref_slice %arg22[%add3A_360] : memref<1310720xf32, #tpu.memory_space<hbm>> -> memref<2048xf32, #tpu.memory_space<hbm>>
          %dma_start3A_366 = tpu.memref_slice %arg22[%add3A_360] : memref<1310720xf32, #tpu.memory_space<hbm>> -> memref<2048xf32, #tpu.memory_space<hbm>>
          tpu.enqueue_dma source(%dma_start3A_366 : memref<2048xf32, #tpu.memory_space<hbm>>) target(%arg31 : memref<2048xf32, #tpu.memory_space<vmem>>) target_semaphore(%arg53 : memref<!tpu.dma_semaphore, #tpu.memory_space<semaphore_mem>>)
        } else {
        }
        %scan3A_319 = arith.constant 0 : i32
        %scan3A_320 = arith.constant 0 : i32
        %scan3A_321 = arith.constant 128 : i32
        %scan3A_322 = arith.addi %scan3A_320, %scan3A_321 : i32
        %scan3A_323 = arith.constant 1 : i32
        scf.for %scan3A_354 = %scan3A_320 to %scan3A_322 step %scan3A_323  : i32 {
          %mul3A_355 = arith.constant 16 : i32
          %mul3A_356 = arith.muli %scan3A_354, %mul3A_355 : i32
          %get3A_357 = arith.index_cast %mul3A_356 : i32 to index
          %get3A_358 = tpu.vector_load %arg27[%get3A_357] {strides = array<i32>} : memref<2048xf32, #tpu.memory_space<vmem>>, vector<16xf32>,
          %get3A_359 = arith.index_cast %mul3A_356 : i32 to index
          %get3A_360 = tpu.vector_load %arg26[%get3A_359] {strides = array<i32>} : memref<2048xi32, #tpu.memory_space<vmem>>, vector<16xi32>,
          %gather3A = tpu.vector_load_idx %arg23[%get3A_360] : memref<65536xf32, #tpu.memory_space<vmem>>[vector<16xi32>], vector<16xf32>,
          %mul3A_361 = arith.mulf %get3A_358, %gather3A : vector<16xf32>
          %swap3A_362 = arith.index_cast %mul3A_356 : i32 to index
          %swap3A_363 = tpu.vector_load %arg28[%swap3A_362] {strides = array<i32>} : memref<2048xf32, #tpu.memory_space<vmem>>, vector<16xf32>,
          tpu.vector_store %arg28[%swap3A_362], %mul3A_361 {strides = array<i32>} : memref<2048xf32, #tpu.memory_space<vmem>>, vector<16xf32>,
        }
        %scan3A_324 = arith.constant 128 : i32
        "tpu.region"() ({
          %run_scoped3A = tpu.sem_alloc : memref<!tpu.dma_semaphore, #tpu.memory_space<semaphore_mem>>
          %dma_start3A_354 = arith.constant 0 : i32
          %dma_start3A_355 = tpu.memref_slice %arg47[%dma_start3A_354] : memref<65536xf32, #tpu.memory_space<vmem_shared>> -> memref<65536xf32, #tpu.memory_space<vmem_shared>>
          tpu.enqueue_indirect_dma source(%arg28 : memref<2048xf32, #tpu.memory_space<vmem>>) target(%dma_start3A_355 : memref<65536xf32, #tpu.memory_space<vmem_shared>>) offsets(%arg25 : memref<2048xi32, #tpu.memory_space<vmem>>) semaphore(%run_scoped3A : memref<!tpu.dma_semaphore, #tpu.memory_space<semaphore_mem>>) {add = true}
          %dma_wait3A_356 = arith.constant 0 : i32
          %dma_wait3A_357 = tpu.memref_slice %arg47[%dma_wait3A_356] : memref<65536xf32, #tpu.memory_space<vmem_shared>> -> memref<65536xf32, #tpu.memory_space<vmem_shared>>
          tpu.wait_indirect_dma semaphore(%run_scoped3A : memref<!tpu.dma_semaphore, #tpu.memory_space<semaphore_mem>>) src(%arg28 : memref<2048xf32, #tpu.memory_space<vmem>>) dst(%dma_wait3A_357 : memref<65536xf32, #tpu.memory_space<vmem_shared>>)
          tpu.yield
        }) : () -> ()
        %mul3A_325 = arith.constant 2 : i32
        %mul3A_326 = arith.muli %scan3A_297, %mul3A_325 : i32
        %add3A_327 = arith.constant 1 : i32
        %add3A_328 = arith.addi %mul3A_326, %add3A_327 : i32
        %dma_wait3A_329 = arith.constant 0 : i32
        %dma_wait3A_330 = tpu.memref_slice %arg2[%dma_wait3A_329] : memref<1310720xi32, #tpu.memory_space<hbm>> -> memref<2048xi32, #tpu.memory_space<hbm>>
        %dma_wait3A_331 = arith.constant 0 : i32
        %dma_wait3A_332 = tpu.memref_slice %arg2[%dma_wait3A_331] : memref<1310720xi32, #tpu.memory_space<hbm>> -> memref<2048xi32, #tpu.memory_space<hbm>>
        tpu.wait_dma2 semaphore(%arg53 : memref<!tpu.dma_semaphore, #tpu.memory_space<semaphore_mem>>) src(%dma_wait3A_332 : memref<2048xi32, #tpu.memory_space<hbm>>) dst(%arg29 : memref<2048xi32, #tpu.memory_space<vmem>>)
        %dma_wait3A_333 = arith.constant 0 : i32
        %dma_wait3A_334 = tpu.memref_slice %arg3[%dma_wait3A_333] : memref<1310720xi32, #tpu.memory_space<hbm>> -> memref<2048xi32, #tpu.memory_space<hbm>>
        %dma_wait3A_335 = arith.constant 0 : i32
        %dma_wait3A_336 = tpu.memref_slice %arg3[%dma_wait3A_335] : memref<1310720xi32, #tpu.memory_space<hbm>> -> memref<2048xi32, #tpu.memory_space<hbm>>
        tpu.wait_dma2 semaphore(%arg53 : memref<!tpu.dma_semaphore, #tpu.memory_space<semaphore_mem>>) src(%dma_wait3A_336 : memref<2048xi32, #tpu.memory_space<hbm>>) dst(%arg30 : memref<2048xi32, #tpu.memory_space<vmem>>)
        %dma_wait3A_337 = arith.constant 0 : i32
        %dma_wait3A_338 = tpu.memref_slice %arg22[%dma_wait3A_337] : memref<1310720xf32, #tpu.memory_space<hbm>> -> memref<2048xf32, #tpu.memory_space<hbm>>
        %dma_wait3A_339 = arith.constant 0 : i32
        %dma_wait3A_340 = tpu.memref_slice %arg22[%dma_wait3A_339] : memref<1310720xf32, #tpu.memory_space<hbm>> -> memref<2048xf32, #tpu.memory_space<hbm>>
        tpu.wait_dma2 semaphore(%arg53 : memref<!tpu.dma_semaphore, #tpu.memory_space<semaphore_mem>>) src(%dma_wait3A_340 : memref<2048xf32, #tpu.memory_space<hbm>>) dst(%arg31 : memref<2048xf32, #tpu.memory_space<vmem>>)
        %add3A_341 = arith.constant 1 : i32
        %add3A_342 = arith.addi %add3A_328, %add3A_341 : i32
        %lt3A_343 = arith.constant 40 : i32
        %lt3A_344 = arith.cmpi slt, %add3A_342, %lt3A_343 : i32
        %convert_element_type3A_345 = arith.extui %lt3A_344 : i1 to i32
        %cond3A_346 = arith.constant 0 : i32
        %cond3A_347 = arith.cmpi ne, %convert_element_type3A_345, %cond3A_346 : i32
        scf.if %cond3A_347 {
          %add3A_354 = arith.constant 1 : i32
          %add3A_355 = arith.addi %add3A_328, %add3A_354 : i32
          %mul3A_356 = arith.constant 81920 : i32
          %mul3A_357 = arith.muli %arg1, %mul3A_356 : i32
          %mul3A_358 = arith.constant 2048 : i32
          %mul3A_359 = arith.muli %add3A_355, %mul3A_358 : i32
          %add3A_360 = arith.addi %mul3A_357, %mul3A_359 : i32
          %dma_start3A_361 = tpu.memref_slice %arg2[%add3A_360] : memref<1310720xi32, #tpu.memory_space<hbm>> -> memref<2048xi32, #tpu.memory_space<hbm>>
          %dma_start3A_362 = tpu.memref_slice %arg2[%add3A_360] : memref<1310720xi32, #tpu.memory_space<hbm>> -> memref<2048xi32, #tpu.memory_space<hbm>>
          tpu.enqueue_dma source(%dma_start3A_362 : memref<2048xi32, #tpu.memory_space<hbm>>) target(%arg25 : memref<2048xi32, #tpu.memory_space<vmem>>) target_semaphore(%arg52 : memref<!tpu.dma_semaphore, #tpu.memory_space<semaphore_mem>>)
          %dma_start3A_363 = tpu.memref_slice %arg3[%add3A_360] : memref<1310720xi32, #tpu.memory_space<hbm>> -> memref<2048xi32, #tpu.memory_space<hbm>>
          %dma_start3A_364 = tpu.memref_slice %arg3[%add3A_360] : memref<1310720xi32, #tpu.memory_space<hbm>> -> memref<2048xi32, #tpu.memory_space<hbm>>
          tpu.enqueue_dma source(%dma_start3A_364 : memref<2048xi32, #tpu.memory_space<hbm>>) target(%arg26 : memref<2048xi32, #tpu.memory_space<vmem>>) target_semaphore(%arg52 : memref<!tpu.dma_semaphore, #tpu.memory_space<semaphore_mem>>)
          %dma_start3A_365 = tpu.memref_slice %arg22[%add3A_360] : memref<1310720xf32, #tpu.memory_space<hbm>> -> memref<2048xf32, #tpu.memory_space<hbm>>
          %dma_start3A_366 = tpu.memref_slice %arg22[%add3A_360] : memref<1310720xf32, #tpu.memory_space<hbm>> -> memref<2048xf32, #tpu.memory_space<hbm>>
          tpu.enqueue_dma source(%dma_start3A_366 : memref<2048xf32, #tpu.memory_space<hbm>>) target(%arg27 : memref<2048xf32, #tpu.memory_space<vmem>>) target_semaphore(%arg52 : memref<!tpu.dma_semaphore, #tpu.memory_space<semaphore_mem>>)
        } else {
        }
        %scan3A_348 = arith.constant 0 : i32
        %scan3A_349 = arith.constant 0 : i32
        %scan3A_350 = arith.constant 128 : i32
        %scan3A_351 = arith.addi %scan3A_349, %scan3A_350 : i32
        %scan3A_352 = arith.constant 1 : i32
        scf.for %scan3A_354 = %scan3A_349 to %scan3A_351 step %scan3A_352  : i32 {
          %mul3A_355 = arith.constant 16 : i32
          %mul3A_356 = arith.muli %scan3A_354, %mul3A_355 : i32
          %get3A_357 = arith.index_cast %mul3A_356 : i32 to index
          %get3A_358 = tpu.vector_load %arg31[%get3A_357] {strides = array<i32>} : memref<2048xf32, #tpu.memory_space<vmem>>, vector<16xf32>,
          %get3A_359 = arith.index_cast %mul3A_356 : i32 to index
          %get3A_360 = tpu.vector_load %arg30[%get3A_359] {strides = array<i32>} : memref<2048xi32, #tpu.memory_space<vmem>>, vector<16xi32>,
          %gather3A = tpu.vector_load_idx %arg23[%get3A_360] : memref<65536xf32, #tpu.memory_space<vmem>>[vector<16xi32>], vector<16xf32>,
          %mul3A_361 = arith.mulf %get3A_358, %gather3A : vector<16xf32>
          %swap3A_362 = arith.index_cast %mul3A_356 : i32 to index
          %swap3A_363 = tpu.vector_load %arg32[%swap3A_362] {strides = array<i32>} : memref<2048xf32, #tpu.memory_space<vmem>>, vector<16xf32>,
          tpu.vector_store %arg32[%swap3A_362], %mul3A_361 {strides = array<i32>} : memref<2048xf32, #tpu.memory_space<vmem>>, vector<16xf32>,
        }
        %scan3A_353 = arith.constant 128 : i32
        "tpu.region"() ({
          %run_scoped3A = tpu.sem_alloc : memref<!tpu.dma_semaphore, #tpu.memory_space<semaphore_mem>>
          %dma_start3A_354 = arith.constant 0 : i32
          %dma_start3A_355 = tpu.memref_slice %arg47[%dma_start3A_354] : memref<65536xf32, #tpu.memory_space<vmem_shared>> -> memref<65536xf32, #tpu.memory_space<vmem_shared>>
          tpu.enqueue_indirect_dma source(%arg32 : memref<2048xf32, #tpu.memory_space<vmem>>) target(%dma_start3A_355 : memref<65536xf32, #tpu.memory_space<vmem_shared>>) offsets(%arg29 : memref<2048xi32, #tpu.memory_space<vmem>>) semaphore(%run_scoped3A : memref<!tpu.dma_semaphore, #tpu.memory_space<semaphore_mem>>) {add = true}
          %dma_wait3A_356 = arith.constant 0 : i32
          %dma_wait3A_357 = tpu.memref_slice %arg47[%dma_wait3A_356] : memref<65536xf32, #tpu.memory_space<vmem_shared>> -> memref<65536xf32, #tpu.memory_space<vmem_shared>>
          tpu.wait_indirect_dma semaphore(%run_scoped3A : memref<!tpu.dma_semaphore, #tpu.memory_space<semaphore_mem>>) src(%arg32 : memref<2048xf32, #tpu.memory_space<vmem>>) dst(%dma_wait3A_357 : memref<65536xf32, #tpu.memory_space<vmem_shared>>)
          tpu.yield
        }) : () -> ()
      }
      %scan3A_151 = arith.constant 20 : i32
      %scan3A_152 = arith.constant 0 : i32
      %scan3A_153 = arith.constant 0 : i32
      %scan3A_154 = arith.constant 7 : i32
      %scan3A_155 = arith.addi %scan3A_153, %scan3A_154 : i32
      %scan3A_156 = arith.constant 1 : i32
      scf.for %scan3A_297 = %scan3A_153 to %scan3A_155 step %scan3A_156  : i32 {
        %mul3A_298 = arith.constant 14336 : i32
        %mul3A_299 = arith.muli %arg1, %mul3A_298 : i32
        %mul3A_300 = arith.constant 2048 : i32
        %mul3A_301 = arith.muli %scan3A_297, %mul3A_300 : i32
        %add3A_302 = arith.addi %mul3A_299, %mul3A_301 : i32
        "tpu.region"() ({
          %run_scoped3A = tpu.sem_alloc : memref<!tpu.dma_semaphore, #tpu.memory_space<semaphore_mem>>
          %dma_start3A_315 = tpu.memref_slice %arg19[%add3A_302] : memref<229376xi32, #tpu.memory_space<hbm>> -> memref<2048xi32, #tpu.memory_space<hbm>>
          %dma_start3A_316 = tpu.memref_slice %arg19[%add3A_302] : memref<229376xi32, #tpu.memory_space<hbm>> -> memref<2048xi32, #tpu.memory_space<hbm>>
          tpu.enqueue_dma source(%dma_start3A_316 : memref<2048xi32, #tpu.memory_space<hbm>>) target(%arg33 : memref<2048xi32, #tpu.memory_space<vmem>>) target_semaphore(%run_scoped3A : memref<!tpu.dma_semaphore, #tpu.memory_space<semaphore_mem>>)
          %dma_wait3A = tpu.memref_slice %arg19[%add3A_302] : memref<229376xi32, #tpu.memory_space<hbm>> -> memref<2048xi32, #tpu.memory_space<hbm>>
          %dma_wait3A_317 = tpu.memref_slice %arg19[%add3A_302] : memref<229376xi32, #tpu.memory_space<hbm>> -> memref<2048xi32, #tpu.memory_space<hbm>>
          tpu.wait_dma2 semaphore(%run_scoped3A : memref<!tpu.dma_semaphore, #tpu.memory_space<semaphore_mem>>) src(%dma_wait3A_317 : memref<2048xi32, #tpu.memory_space<hbm>>) dst(%arg33 : memref<2048xi32, #tpu.memory_space<vmem>>)
          tpu.yield
        }) : () -> ()
        "tpu.region"() ({
          %run_scoped3A = tpu.sem_alloc : memref<!tpu.dma_semaphore, #tpu.memory_space<semaphore_mem>>
          %dma_start3A_315 = tpu.memref_slice %arg20[%add3A_302] : memref<229376xi32, #tpu.memory_space<hbm>> -> memref<2048xi32, #tpu.memory_space<hbm>>
          %dma_start3A_316 = tpu.memref_slice %arg20[%add3A_302] : memref<229376xi32, #tpu.memory_space<hbm>> -> memref<2048xi32, #tpu.memory_space<hbm>>
          tpu.enqueue_dma source(%dma_start3A_316 : memref<2048xi32, #tpu.memory_space<hbm>>) target(%arg34 : memref<2048xi32, #tpu.memory_space<vmem>>) target_semaphore(%run_scoped3A : memref<!tpu.dma_semaphore, #tpu.memory_space<semaphore_mem>>)
          %dma_wait3A = tpu.memref_slice %arg20[%add3A_302] : memref<229376xi32, #tpu.memory_space<hbm>> -> memref<2048xi32, #tpu.memory_space<hbm>>
          %dma_wait3A_317 = tpu.memref_slice %arg20[%add3A_302] : memref<229376xi32, #tpu.memory_space<hbm>> -> memref<2048xi32, #tpu.memory_space<hbm>>
          tpu.wait_dma2 semaphore(%run_scoped3A : memref<!tpu.dma_semaphore, #tpu.memory_space<semaphore_mem>>) src(%dma_wait3A_317 : memref<2048xi32, #tpu.memory_space<hbm>>) dst(%arg34 : memref<2048xi32, #tpu.memory_space<vmem>>)
          tpu.yield
        }) : () -> ()
        "tpu.region"() ({
          %run_scoped3A = tpu.sem_alloc : memref<!tpu.dma_semaphore, #tpu.memory_space<semaphore_mem>>
          %dma_start3A_315 = tpu.memref_slice %arg21[%add3A_302] : memref<229376xf32, #tpu.memory_space<hbm>> -> memref<2048xf32, #tpu.memory_space<hbm>>
          %dma_start3A_316 = tpu.memref_slice %arg21[%add3A_302] : memref<229376xf32, #tpu.memory_space<hbm>> -> memref<2048xf32, #tpu.memory_space<hbm>>
          tpu.enqueue_dma source(%dma_start3A_316 : memref<2048xf32, #tpu.memory_space<hbm>>) target(%arg35 : memref<2048xf32, #tpu.memory_space<vmem>>) target_semaphore(%run_scoped3A : memref<!tpu.dma_semaphore, #tpu.memory_space<semaphore_mem>>)
          %dma_wait3A = tpu.memref_slice %arg21[%add3A_302] : memref<229376xf32, #tpu.memory_space<hbm>> -> memref<2048xf32, #tpu.memory_space<hbm>>
          %dma_wait3A_317 = tpu.memref_slice %arg21[%add3A_302] : memref<229376xf32, #tpu.memory_space<hbm>> -> memref<2048xf32, #tpu.memory_space<hbm>>
          tpu.wait_dma2 semaphore(%run_scoped3A : memref<!tpu.dma_semaphore, #tpu.memory_space<semaphore_mem>>) src(%dma_wait3A_317 : memref<2048xf32, #tpu.memory_space<hbm>>) dst(%arg35 : memref<2048xf32, #tpu.memory_space<vmem>>)
          tpu.yield
        }) : () -> ()
        %scan3A_303 = arith.constant 0 : i32
        %scan3A_304 = arith.constant 0 : i32
        %scan3A_305 = arith.constant 128 : i32
        %scan3A_306 = arith.addi %scan3A_304, %scan3A_305 : i32
        %scan3A_307 = arith.constant 1 : i32
        scf.for %scan3A_315 = %scan3A_304 to %scan3A_306 step %scan3A_307  : i32 {
          %mul3A_316 = arith.constant 16 : i32
          %mul3A_317 = arith.muli %scan3A_315, %mul3A_316 : i32
          %get3A_318 = arith.index_cast %mul3A_317 : i32 to index
          %get3A_319 = tpu.vector_load %arg35[%get3A_318] {strides = array<i32>} : memref<2048xf32, #tpu.memory_space<vmem>>, vector<16xf32>,
          %get3A_320 = arith.index_cast %mul3A_317 : i32 to index
          %get3A_321 = tpu.vector_load %arg34[%get3A_320] {strides = array<i32>} : memref<2048xi32, #tpu.memory_space<vmem>>, vector<16xi32>,
          %gather3A = tpu.vector_load_idx %arg23[%get3A_321] : memref<65536xf32, #tpu.memory_space<vmem>>[vector<16xi32>], vector<16xf32>,
          %mul3A_322 = arith.mulf %get3A_319, %gather3A : vector<16xf32>
          %swap3A_323 = arith.index_cast %mul3A_317 : i32 to index
          %swap3A_324 = tpu.vector_load %arg36[%swap3A_323] {strides = array<i32>} : memref<2048xf32, #tpu.memory_space<vmem>>, vector<16xf32>,
          tpu.vector_store %arg36[%swap3A_323], %mul3A_322 {strides = array<i32>} : memref<2048xf32, #tpu.memory_space<vmem>>, vector<16xf32>,
        }
        %scan3A_308 = arith.constant 128 : i32
        "tpu.region"() ({
          %run_scoped3A = tpu.sem_alloc : memref<!tpu.dma_semaphore, #tpu.memory_space<semaphore_mem>>
          %dma_start3A_315 = arith.constant 0 : i32
          %dma_start3A_316 = tpu.memref_slice %arg48[%dma_start3A_315] : memref<65536xf32, #tpu.memory_space<vmem_shared>> -> memref<65536xf32, #tpu.memory_space<vmem_shared>>
          tpu.enqueue_indirect_dma source(%arg36 : memref<2048xf32, #tpu.memory_space<vmem>>) target(%dma_start3A_316 : memref<65536xf32, #tpu.memory_space<vmem_shared>>) offsets(%arg33 : memref<2048xi32, #tpu.memory_space<vmem>>) semaphore(%run_scoped3A : memref<!tpu.dma_semaphore, #tpu.memory_space<semaphore_mem>>) {add = true}
          %dma_wait3A = arith.constant 0 : i32
          %dma_wait3A_317 = tpu.memref_slice %arg48[%dma_wait3A] : memref<65536xf32, #tpu.memory_space<vmem_shared>> -> memref<65536xf32, #tpu.memory_space<vmem_shared>>
          tpu.wait_indirect_dma semaphore(%run_scoped3A : memref<!tpu.dma_semaphore, #tpu.memory_space<semaphore_mem>>) src(%arg36 : memref<2048xf32, #tpu.memory_space<vmem>>) dst(%dma_wait3A_317 : memref<65536xf32, #tpu.memory_space<vmem_shared>>)
          tpu.yield
        }) : () -> ()
        %scan3A_309 = arith.constant 0 : i32
        %scan3A_310 = arith.constant 0 : i32
        %scan3A_311 = arith.constant 128 : i32
        %scan3A_312 = arith.addi %scan3A_310, %scan3A_311 : i32
        %scan3A_313 = arith.constant 1 : i32
        scf.for %scan3A_315 = %scan3A_310 to %scan3A_312 step %scan3A_313  : i32 {
          %mul3A_316 = arith.constant 16 : i32
          %mul3A_317 = arith.muli %scan3A_315, %mul3A_316 : i32
          %get3A_318 = arith.index_cast %mul3A_317 : i32 to index
          %get3A_319 = tpu.vector_load %arg35[%get3A_318] {strides = array<i32>} : memref<2048xf32, #tpu.memory_space<vmem>>, vector<16xf32>,
          %get3A_320 = arith.index_cast %mul3A_317 : i32 to index
          %get3A_321 = tpu.vector_load %arg33[%get3A_320] {strides = array<i32>} : memref<2048xi32, #tpu.memory_space<vmem>>, vector<16xi32>,
          %gather3A = tpu.vector_load_idx %arg23[%get3A_321] : memref<65536xf32, #tpu.memory_space<vmem>>[vector<16xi32>], vector<16xf32>,
          %mul3A_322 = arith.mulf %get3A_319, %gather3A : vector<16xf32>
          %swap3A_323 = arith.index_cast %mul3A_317 : i32 to index
          %swap3A_324 = tpu.vector_load %arg36[%swap3A_323] {strides = array<i32>} : memref<2048xf32, #tpu.memory_space<vmem>>, vector<16xf32>,
          tpu.vector_store %arg36[%swap3A_323], %mul3A_322 {strides = array<i32>} : memref<2048xf32, #tpu.memory_space<vmem>>, vector<16xf32>,
        }
        %scan3A_314 = arith.constant 128 : i32
        "tpu.region"() ({
          %run_scoped3A = tpu.sem_alloc : memref<!tpu.dma_semaphore, #tpu.memory_space<semaphore_mem>>
          %dma_start3A_315 = arith.constant 0 : i32
          %dma_start3A_316 = tpu.memref_slice %arg48[%dma_start3A_315] : memref<65536xf32, #tpu.memory_space<vmem_shared>> -> memref<65536xf32, #tpu.memory_space<vmem_shared>>
          tpu.enqueue_indirect_dma source(%arg36 : memref<2048xf32, #tpu.memory_space<vmem>>) target(%dma_start3A_316 : memref<65536xf32, #tpu.memory_space<vmem_shared>>) offsets(%arg34 : memref<2048xi32, #tpu.memory_space<vmem>>) semaphore(%run_scoped3A : memref<!tpu.dma_semaphore, #tpu.memory_space<semaphore_mem>>) {add = true}
          %dma_wait3A = arith.constant 0 : i32
          %dma_wait3A_317 = tpu.memref_slice %arg48[%dma_wait3A] : memref<65536xf32, #tpu.memory_space<vmem_shared>> -> memref<65536xf32, #tpu.memory_space<vmem_shared>>
          tpu.wait_indirect_dma semaphore(%run_scoped3A : memref<!tpu.dma_semaphore, #tpu.memory_space<semaphore_mem>>) src(%arg36 : memref<2048xf32, #tpu.memory_space<vmem>>) dst(%dma_wait3A_317 : memref<65536xf32, #tpu.memory_space<vmem_shared>>)
          tpu.yield
        }) : () -> ()
      }
      %scan3A_157 = arith.constant 7 : i32
      %barrier3A_158 = arith.constant 0 : index
      tpu.barrier barrier_id(%barrier3A_158)
      %eq3A_159 = arith.constant 0 : i32
      %eq3A_160 = arith.cmpi eq, %arg1, %eq3A_159 : i32
      %convert_element_type3A_161 = arith.extui %eq3A_160 : i1 to i32
      %cond3A_162 = arith.constant 0 : i32
      %cond3A_163 = arith.cmpi ne, %convert_element_type3A_161, %cond3A_162 : i32
      scf.if %cond3A_163 {
        %swap3A_297 = arith.constant 0 : index
        %swap3A_298 = tpu.vector_load %arg43[%swap3A_297] {strides = array<i32>} : memref<16xf32, #tpu.memory_space<vmem>>, vector<16xf32>,
        tpu.vector_store %arg43[%swap3A_297], %broadcast_in_dim3A_1 {strides = array<i32>} : memref<16xf32, #tpu.memory_space<vmem>>, vector<16xf32>,
        "tpu.region"() ({
          %run_scoped3A = tpu.sem_alloc : memref<!tpu.dma_semaphore, #tpu.memory_space<semaphore_mem>>
          tpu.enqueue_dma source(%arg43 : memref<16xf32, #tpu.memory_space<vmem>>) target(%arg51 : memref<16xf32, #tpu.memory_space<vmem_shared>>) target_semaphore(%run_scoped3A : memref<!tpu.dma_semaphore, #tpu.memory_space<semaphore_mem>>)
          tpu.wait_dma2 semaphore(%run_scoped3A : memref<!tpu.dma_semaphore, #tpu.memory_space<semaphore_mem>>) src(%arg43 : memref<16xf32, #tpu.memory_space<vmem>>) dst(%arg51 : memref<16xf32, #tpu.memory_space<vmem_shared>>)
          tpu.yield
        }) : () -> ()
      } else {
      }
      %add3A_164 = arith.constant 0 : i32
      %add3A_165 = arith.addi %mul3A_0, %add3A_164 : i32
      "tpu.region"() ({
        %run_scoped3A = tpu.sem_alloc : memref<!tpu.dma_semaphore, #tpu.memory_space<semaphore_mem>>
        %dma_start3A_297 = tpu.memref_slice %arg47[%add3A_165] : memref<65536xf32, #tpu.memory_space<vmem_shared>> -> memref<2048xf32, #tpu.memory_space<vmem_shared>>
        %dma_start3A_298 = tpu.memref_slice %arg47[%add3A_165] : memref<65536xf32, #tpu.memory_space<vmem_shared>> -> memref<2048xf32, #tpu.memory_space<vmem_shared>>
        tpu.enqueue_dma source(%dma_start3A_298 : memref<2048xf32, #tpu.memory_space<vmem_shared>>) target(%arg27 : memref<2048xf32, #tpu.memory_space<vmem>>) target_semaphore(%run_scoped3A : memref<!tpu.dma_semaphore, #tpu.memory_space<semaphore_mem>>)
        %dma_wait3A = tpu.memref_slice %arg47[%add3A_165] : memref<65536xf32, #tpu.memory_space<vmem_shared>> -> memref<2048xf32, #tpu.memory_space<vmem_shared>>
        %dma_wait3A_299 = tpu.memref_slice %arg47[%add3A_165] : memref<65536xf32, #tpu.memory_space<vmem_shared>> -> memref<2048xf32, #tpu.memory_space<vmem_shared>>
        tpu.wait_dma2 semaphore(%run_scoped3A : memref<!tpu.dma_semaphore, #tpu.memory_space<semaphore_mem>>) src(%dma_wait3A_299 : memref<2048xf32, #tpu.memory_space<vmem_shared>>) dst(%arg27 : memref<2048xf32, #tpu.memory_space<vmem>>)
        tpu.yield
      }) : () -> ()
      %scan3A_166 = arith.constant 0 : i32
      %scan3A_167 = arith.constant 0 : i32
      %scan3A_168 = arith.constant 128 : i32
      %scan3A_169 = arith.addi %scan3A_167, %scan3A_168 : i32
      %scan3A_170 = arith.constant 1 : i32
      scf.for %scan3A_297 = %scan3A_167 to %scan3A_169 step %scan3A_170  : i32 {
        %mul3A_298 = arith.constant 16 : i32
        %mul3A_299 = arith.muli %scan3A_297, %mul3A_298 : i32
        %add3A_300 = arith.constant 0 : i32
        %add3A_301 = arith.addi %add3A_300, %mul3A_299 : i32
        %get3A_302 = arith.index_cast %add3A_301 : i32 to index
        %get3A_303 = tpu.vector_load %arg42[%get3A_302] {strides = array<i32>} : memref<4096xf32, #tpu.memory_space<vmem>>, vector<16xf32>,
        %get3A_304 = arith.index_cast %add3A_301 : i32 to index
        %get3A_305 = tpu.vector_load %arg39[%get3A_304] {strides = array<i32>} : memref<4096xf32, #tpu.memory_space<vmem>>, vector<16xf32>,
        %mul3A_306 = arith.mulf %get3A_303, %get3A_305 : vector<16xf32>
        %mul3A_307 = arith.constant 16 : i32
        %mul3A_308 = arith.muli %scan3A_297, %mul3A_307 : i32
        %get3A_309 = arith.index_cast %mul3A_308 : i32 to index
        %get3A_310 = tpu.vector_load %arg27[%get3A_309] {strides = array<i32>} : memref<2048xf32, #tpu.memory_space<vmem>>, vector<16xf32>,
        %sub3A = arith.subf %mul3A_306, %get3A_310 : vector<16xf32>
        %mul3A_311 = arith.constant 16 : i32
        %mul3A_312 = arith.muli %scan3A_297, %mul3A_311 : i32
        %swap3A_313 = arith.index_cast %mul3A_312 : i32 to index
        %swap3A_314 = tpu.vector_load %arg28[%swap3A_313] {strides = array<i32>} : memref<2048xf32, #tpu.memory_space<vmem>>, vector<16xf32>,
        tpu.vector_store %arg28[%swap3A_313], %sub3A {strides = array<i32>} : memref<2048xf32, #tpu.memory_space<vmem>>, vector<16xf32>,
      }
      %scan3A_171 = arith.constant 128 : i32
      %add3A_172 = arith.constant 0 : i32
      %add3A_173 = arith.addi %mul3A_0, %add3A_172 : i32
      "tpu.region"() ({
        %run_scoped3A = tpu.sem_alloc : memref<!tpu.dma_semaphore, #tpu.memory_space<semaphore_mem>>
        %dma_start3A_297 = tpu.memref_slice %arg49[%add3A_173] : memref<65536xf32, #tpu.memory_space<vmem_shared>> -> memref<2048xf32, #tpu.memory_space<vmem_shared>>
        %dma_start3A_298 = tpu.memref_slice %arg49[%add3A_173] : memref<65536xf32, #tpu.memory_space<vmem_shared>> -> memref<2048xf32, #tpu.memory_space<vmem_shared>>
        tpu.enqueue_dma source(%arg28 : memref<2048xf32, #tpu.memory_space<vmem>>) target(%dma_start3A_298 : memref<2048xf32, #tpu.memory_space<vmem_shared>>) target_semaphore(%run_scoped3A : memref<!tpu.dma_semaphore, #tpu.memory_space<semaphore_mem>>)
        %dma_wait3A = tpu.memref_slice %arg49[%add3A_173] : memref<65536xf32, #tpu.memory_space<vmem_shared>> -> memref<2048xf32, #tpu.memory_space<vmem_shared>>
        %dma_wait3A_299 = tpu.memref_slice %arg49[%add3A_173] : memref<65536xf32, #tpu.memory_space<vmem_shared>> -> memref<2048xf32, #tpu.memory_space<vmem_shared>>
        tpu.wait_dma2 semaphore(%run_scoped3A : memref<!tpu.dma_semaphore, #tpu.memory_space<semaphore_mem>>) src(%arg28 : memref<2048xf32, #tpu.memory_space<vmem>>) dst(%dma_wait3A_299 : memref<2048xf32, #tpu.memory_space<vmem_shared>>)
        tpu.yield
      }) : () -> ()
      %add3A_174 = arith.constant 2048 : i32
      %add3A_175 = arith.addi %mul3A_0, %add3A_174 : i32
      "tpu.region"() ({
        %run_scoped3A = tpu.sem_alloc : memref<!tpu.dma_semaphore, #tpu.memory_space<semaphore_mem>>
        %dma_start3A_297 = tpu.memref_slice %arg47[%add3A_175] : memref<65536xf32, #tpu.memory_space<vmem_shared>> -> memref<2048xf32, #tpu.memory_space<vmem_shared>>
        %dma_start3A_298 = tpu.memref_slice %arg47[%add3A_175] : memref<65536xf32, #tpu.memory_space<vmem_shared>> -> memref<2048xf32, #tpu.memory_space<vmem_shared>>
        tpu.enqueue_dma source(%dma_start3A_298 : memref<2048xf32, #tpu.memory_space<vmem_shared>>) target(%arg27 : memref<2048xf32, #tpu.memory_space<vmem>>) target_semaphore(%run_scoped3A : memref<!tpu.dma_semaphore, #tpu.memory_space<semaphore_mem>>)
        %dma_wait3A = tpu.memref_slice %arg47[%add3A_175] : memref<65536xf32, #tpu.memory_space<vmem_shared>> -> memref<2048xf32, #tpu.memory_space<vmem_shared>>
        %dma_wait3A_299 = tpu.memref_slice %arg47[%add3A_175] : memref<65536xf32, #tpu.memory_space<vmem_shared>> -> memref<2048xf32, #tpu.memory_space<vmem_shared>>
        tpu.wait_dma2 semaphore(%run_scoped3A : memref<!tpu.dma_semaphore, #tpu.memory_space<semaphore_mem>>) src(%dma_wait3A_299 : memref<2048xf32, #tpu.memory_space<vmem_shared>>) dst(%arg27 : memref<2048xf32, #tpu.memory_space<vmem>>)
        tpu.yield
      }) : () -> ()
      %scan3A_176 = arith.constant 0 : i32
      %scan3A_177 = arith.constant 0 : i32
      %scan3A_178 = arith.constant 128 : i32
      %scan3A_179 = arith.addi %scan3A_177, %scan3A_178 : i32
      %scan3A_180 = arith.constant 1 : i32
      scf.for %scan3A_297 = %scan3A_177 to %scan3A_179 step %scan3A_180  : i32 {
        %mul3A_298 = arith.constant 16 : i32
        %mul3A_299 = arith.muli %scan3A_297, %mul3A_298 : i32
        %add3A_300 = arith.constant 2048 : i32
        %add3A_301 = arith.addi %add3A_300, %mul3A_299 : i32
        %get3A_302 = arith.index_cast %add3A_301 : i32 to index
        %get3A_303 = tpu.vector_load %arg42[%get3A_302] {strides = array<i32>} : memref<4096xf32, #tpu.memory_space<vmem>>, vector<16xf32>,
        %get3A_304 = arith.index_cast %add3A_301 : i32 to index
        %get3A_305 = tpu.vector_load %arg39[%get3A_304] {strides = array<i32>} : memref<4096xf32, #tpu.memory_space<vmem>>, vector<16xf32>,
        %mul3A_306 = arith.mulf %get3A_303, %get3A_305 : vector<16xf32>
        %mul3A_307 = arith.constant 16 : i32
        %mul3A_308 = arith.muli %scan3A_297, %mul3A_307 : i32
        %get3A_309 = arith.index_cast %mul3A_308 : i32 to index
        %get3A_310 = tpu.vector_load %arg27[%get3A_309] {strides = array<i32>} : memref<2048xf32, #tpu.memory_space<vmem>>, vector<16xf32>,
        %sub3A = arith.subf %mul3A_306, %get3A_310 : vector<16xf32>
        %mul3A_311 = arith.constant 16 : i32
        %mul3A_312 = arith.muli %scan3A_297, %mul3A_311 : i32
        %swap3A_313 = arith.index_cast %mul3A_312 : i32 to index
        %swap3A_314 = tpu.vector_load %arg28[%swap3A_313] {strides = array<i32>} : memref<2048xf32, #tpu.memory_space<vmem>>, vector<16xf32>,
        tpu.vector_store %arg28[%swap3A_313], %sub3A {strides = array<i32>} : memref<2048xf32, #tpu.memory_space<vmem>>, vector<16xf32>,
      }
      %scan3A_181 = arith.constant 128 : i32
      %add3A_182 = arith.constant 2048 : i32
      %add3A_183 = arith.addi %mul3A_0, %add3A_182 : i32
      "tpu.region"() ({
        %run_scoped3A = tpu.sem_alloc : memref<!tpu.dma_semaphore, #tpu.memory_space<semaphore_mem>>
        %dma_start3A_297 = tpu.memref_slice %arg49[%add3A_183] : memref<65536xf32, #tpu.memory_space<vmem_shared>> -> memref<2048xf32, #tpu.memory_space<vmem_shared>>
        %dma_start3A_298 = tpu.memref_slice %arg49[%add3A_183] : memref<65536xf32, #tpu.memory_space<vmem_shared>> -> memref<2048xf32, #tpu.memory_space<vmem_shared>>
        tpu.enqueue_dma source(%arg28 : memref<2048xf32, #tpu.memory_space<vmem>>) target(%dma_start3A_298 : memref<2048xf32, #tpu.memory_space<vmem_shared>>) target_semaphore(%run_scoped3A : memref<!tpu.dma_semaphore, #tpu.memory_space<semaphore_mem>>)
        %dma_wait3A = tpu.memref_slice %arg49[%add3A_183] : memref<65536xf32, #tpu.memory_space<vmem_shared>> -> memref<2048xf32, #tpu.memory_space<vmem_shared>>
        %dma_wait3A_299 = tpu.memref_slice %arg49[%add3A_183] : memref<65536xf32, #tpu.memory_space<vmem_shared>> -> memref<2048xf32, #tpu.memory_space<vmem_shared>>
        tpu.wait_dma2 semaphore(%run_scoped3A : memref<!tpu.dma_semaphore, #tpu.memory_space<semaphore_mem>>) src(%arg28 : memref<2048xf32, #tpu.memory_space<vmem>>) dst(%dma_wait3A_299 : memref<2048xf32, #tpu.memory_space<vmem_shared>>)
        tpu.yield
      }) : () -> ()
      %add3A_184 = arith.constant 0 : i32
      %add3A_185 = arith.addi %mul3A_0, %add3A_184 : i32
      "tpu.region"() ({
        %run_scoped3A = tpu.sem_alloc : memref<!tpu.dma_semaphore, #tpu.memory_space<semaphore_mem>>
        %dma_start3A_297 = tpu.memref_slice %arg47[%add3A_185] : memref<65536xf32, #tpu.memory_space<vmem_shared>> -> memref<1024xf32, #tpu.memory_space<vmem_shared>>
        %dma_start3A_298 = tpu.memref_slice %arg47[%add3A_185] : memref<65536xf32, #tpu.memory_space<vmem_shared>> -> memref<1024xf32, #tpu.memory_space<vmem_shared>>
        tpu.enqueue_dma source(%arg24 : memref<1024xf32, #tpu.memory_space<vmem>>) target(%dma_start3A_298 : memref<1024xf32, #tpu.memory_space<vmem_shared>>) target_semaphore(%run_scoped3A : memref<!tpu.dma_semaphore, #tpu.memory_space<semaphore_mem>>)
        %dma_wait3A = tpu.memref_slice %arg47[%add3A_185] : memref<65536xf32, #tpu.memory_space<vmem_shared>> -> memref<1024xf32, #tpu.memory_space<vmem_shared>>
        %dma_wait3A_299 = tpu.memref_slice %arg47[%add3A_185] : memref<65536xf32, #tpu.memory_space<vmem_shared>> -> memref<1024xf32, #tpu.memory_space<vmem_shared>>
        tpu.wait_dma2 semaphore(%run_scoped3A : memref<!tpu.dma_semaphore, #tpu.memory_space<semaphore_mem>>) src(%arg24 : memref<1024xf32, #tpu.memory_space<vmem>>) dst(%dma_wait3A_299 : memref<1024xf32, #tpu.memory_space<vmem_shared>>)
        tpu.yield
      }) : () -> ()
      %add3A_186 = arith.constant 1024 : i32
      %add3A_187 = arith.addi %mul3A_0, %add3A_186 : i32
      "tpu.region"() ({
        %run_scoped3A = tpu.sem_alloc : memref<!tpu.dma_semaphore, #tpu.memory_space<semaphore_mem>>
        %dma_start3A_297 = tpu.memref_slice %arg47[%add3A_187] : memref<65536xf32, #tpu.memory_space<vmem_shared>> -> memref<1024xf32, #tpu.memory_space<vmem_shared>>
        %dma_start3A_298 = tpu.memref_slice %arg47[%add3A_187] : memref<65536xf32, #tpu.memory_space<vmem_shared>> -> memref<1024xf32, #tpu.memory_space<vmem_shared>>
        tpu.enqueue_dma source(%arg24 : memref<1024xf32, #tpu.memory_space<vmem>>) target(%dma_start3A_298 : memref<1024xf32, #tpu.memory_space<vmem_shared>>) target_semaphore(%run_scoped3A : memref<!tpu.dma_semaphore, #tpu.memory_space<semaphore_mem>>)
        %dma_wait3A = tpu.memref_slice %arg47[%add3A_187] : memref<65536xf32, #tpu.memory_space<vmem_shared>> -> memref<1024xf32, #tpu.memory_space<vmem_shared>>
        %dma_wait3A_299 = tpu.memref_slice %arg47[%add3A_187] : memref<65536xf32, #tpu.memory_space<vmem_shared>> -> memref<1024xf32, #tpu.memory_space<vmem_shared>>
        tpu.wait_dma2 semaphore(%run_scoped3A : memref<!tpu.dma_semaphore, #tpu.memory_space<semaphore_mem>>) src(%arg24 : memref<1024xf32, #tpu.memory_space<vmem>>) dst(%dma_wait3A_299 : memref<1024xf32, #tpu.memory_space<vmem_shared>>)
        tpu.yield
      }) : () -> ()
      %add3A_188 = arith.constant 2048 : i32
      %add3A_189 = arith.addi %mul3A_0, %add3A_188 : i32
      "tpu.region"() ({
        %run_scoped3A = tpu.sem_alloc : memref<!tpu.dma_semaphore, #tpu.memory_space<semaphore_mem>>
        %dma_start3A_297 = tpu.memref_slice %arg47[%add3A_189] : memref<65536xf32, #tpu.memory_space<vmem_shared>> -> memref<1024xf32, #tpu.memory_space<vmem_shared>>
        %dma_start3A_298 = tpu.memref_slice %arg47[%add3A_189] : memref<65536xf32, #tpu.memory_space<vmem_shared>> -> memref<1024xf32, #tpu.memory_space<vmem_shared>>
        tpu.enqueue_dma source(%arg24 : memref<1024xf32, #tpu.memory_space<vmem>>) target(%dma_start3A_298 : memref<1024xf32, #tpu.memory_space<vmem_shared>>) target_semaphore(%run_scoped3A : memref<!tpu.dma_semaphore, #tpu.memory_space<semaphore_mem>>)
        %dma_wait3A = tpu.memref_slice %arg47[%add3A_189] : memref<65536xf32, #tpu.memory_space<vmem_shared>> -> memref<1024xf32, #tpu.memory_space<vmem_shared>>
        %dma_wait3A_299 = tpu.memref_slice %arg47[%add3A_189] : memref<65536xf32, #tpu.memory_space<vmem_shared>> -> memref<1024xf32, #tpu.memory_space<vmem_shared>>
        tpu.wait_dma2 semaphore(%run_scoped3A : memref<!tpu.dma_semaphore, #tpu.memory_space<semaphore_mem>>) src(%arg24 : memref<1024xf32, #tpu.memory_space<vmem>>) dst(%dma_wait3A_299 : memref<1024xf32, #tpu.memory_space<vmem_shared>>)
        tpu.yield
      }) : () -> ()
      %add3A_190 = arith.constant 3072 : i32
      %add3A_191 = arith.addi %mul3A_0, %add3A_190 : i32
      "tpu.region"() ({
        %run_scoped3A = tpu.sem_alloc : memref<!tpu.dma_semaphore, #tpu.memory_space<semaphore_mem>>
        %dma_start3A_297 = tpu.memref_slice %arg47[%add3A_191] : memref<65536xf32, #tpu.memory_space<vmem_shared>> -> memref<1024xf32, #tpu.memory_space<vmem_shared>>
        %dma_start3A_298 = tpu.memref_slice %arg47[%add3A_191] : memref<65536xf32, #tpu.memory_space<vmem_shared>> -> memref<1024xf32, #tpu.memory_space<vmem_shared>>
        tpu.enqueue_dma source(%arg24 : memref<1024xf32, #tpu.memory_space<vmem>>) target(%dma_start3A_298 : memref<1024xf32, #tpu.memory_space<vmem_shared>>) target_semaphore(%run_scoped3A : memref<!tpu.dma_semaphore, #tpu.memory_space<semaphore_mem>>)
        %dma_wait3A = tpu.memref_slice %arg47[%add3A_191] : memref<65536xf32, #tpu.memory_space<vmem_shared>> -> memref<1024xf32, #tpu.memory_space<vmem_shared>>
        %dma_wait3A_299 = tpu.memref_slice %arg47[%add3A_191] : memref<65536xf32, #tpu.memory_space<vmem_shared>> -> memref<1024xf32, #tpu.memory_space<vmem_shared>>
        tpu.wait_dma2 semaphore(%run_scoped3A : memref<!tpu.dma_semaphore, #tpu.memory_space<semaphore_mem>>) src(%arg24 : memref<1024xf32, #tpu.memory_space<vmem>>) dst(%dma_wait3A_299 : memref<1024xf32, #tpu.memory_space<vmem_shared>>)
        tpu.yield
      }) : () -> ()
      %barrier3A_192 = arith.constant 0 : index
      tpu.barrier barrier_id(%barrier3A_192)
      "tpu.region"() ({
        %run_scoped3A = tpu.sem_alloc : memref<!tpu.dma_semaphore, #tpu.memory_space<semaphore_mem>>
        tpu.enqueue_dma source(%arg49 : memref<65536xf32, #tpu.memory_space<vmem_shared>>) target(%arg23 : memref<65536xf32, #tpu.memory_space<vmem>>) target_semaphore(%run_scoped3A : memref<!tpu.dma_semaphore, #tpu.memory_space<semaphore_mem>>)
        tpu.wait_dma2 semaphore(%run_scoped3A : memref<!tpu.dma_semaphore, #tpu.memory_space<semaphore_mem>>) src(%arg49 : memref<65536xf32, #tpu.memory_space<vmem_shared>>) dst(%arg23 : memref<65536xf32, #tpu.memory_space<vmem>>)
        tpu.yield
      }) : () -> ()
      %mul3A_193 = arith.constant 81920 : i32
      %mul3A_194 = arith.muli %arg1, %mul3A_193 : i32
      %add3A_195 = arith.constant 0 : i32
      %add3A_196 = arith.addi %mul3A_194, %add3A_195 : i32
      %dma_start3A_197 = tpu.memref_slice %arg2[%add3A_196] : memref<1310720xi32, #tpu.memory_space<hbm>> -> memref<2048xi32, #tpu.memory_space<hbm>>
      %dma_start3A_198 = tpu.memref_slice %arg2[%add3A_196] : memref<1310720xi32, #tpu.memory_space<hbm>> -> memref<2048xi32, #tpu.memory_space<hbm>>
      tpu.enqueue_dma source(%dma_start3A_198 : memref<2048xi32, #tpu.memory_space<hbm>>) target(%arg25 : memref<2048xi32, #tpu.memory_space<vmem>>) target_semaphore(%arg52 : memref<!tpu.dma_semaphore, #tpu.memory_space<semaphore_mem>>)
      %dma_start3A_199 = tpu.memref_slice %arg3[%add3A_196] : memref<1310720xi32, #tpu.memory_space<hbm>> -> memref<2048xi32, #tpu.memory_space<hbm>>
      %dma_start3A_200 = tpu.memref_slice %arg3[%add3A_196] : memref<1310720xi32, #tpu.memory_space<hbm>> -> memref<2048xi32, #tpu.memory_space<hbm>>
      tpu.enqueue_dma source(%dma_start3A_200 : memref<2048xi32, #tpu.memory_space<hbm>>) target(%arg26 : memref<2048xi32, #tpu.memory_space<vmem>>) target_semaphore(%arg52 : memref<!tpu.dma_semaphore, #tpu.memory_space<semaphore_mem>>)
      %dma_start3A_201 = tpu.memref_slice %arg22[%add3A_196] : memref<1310720xf32, #tpu.memory_space<hbm>> -> memref<2048xf32, #tpu.memory_space<hbm>>
      %dma_start3A_202 = tpu.memref_slice %arg22[%add3A_196] : memref<1310720xf32, #tpu.memory_space<hbm>> -> memref<2048xf32, #tpu.memory_space<hbm>>
      tpu.enqueue_dma source(%dma_start3A_202 : memref<2048xf32, #tpu.memory_space<hbm>>) target(%arg27 : memref<2048xf32, #tpu.memory_space<vmem>>) target_semaphore(%arg52 : memref<!tpu.dma_semaphore, #tpu.memory_space<semaphore_mem>>)
      %scan3A_203 = arith.constant 0 : i32
      %scan3A_204 = arith.constant 0 : i32
      %scan3A_205 = arith.constant 20 : i32
      %scan3A_206 = arith.addi %scan3A_204, %scan3A_205 : i32
      %scan3A_207 = arith.constant 1 : i32
      scf.for %scan3A_297 = %scan3A_204 to %scan3A_206 step %scan3A_207  : i32 {
        %mul3A_298 = arith.constant 2 : i32
        %mul3A_299 = arith.muli %scan3A_297, %mul3A_298 : i32
        %add3A_300 = arith.constant 0 : i32
        %add3A_301 = arith.addi %mul3A_299, %add3A_300 : i32
        %dma_wait3A = arith.constant 0 : i32
        %dma_wait3A_302 = tpu.memref_slice %arg2[%dma_wait3A] : memref<1310720xi32, #tpu.memory_space<hbm>> -> memref<2048xi32, #tpu.memory_space<hbm>>
        %dma_wait3A_303 = arith.constant 0 : i32
        %dma_wait3A_304 = tpu.memref_slice %arg2[%dma_wait3A_303] : memref<1310720xi32, #tpu.memory_space<hbm>> -> memref<2048xi32, #tpu.memory_space<hbm>>
        tpu.wait_dma2 semaphore(%arg52 : memref<!tpu.dma_semaphore, #tpu.memory_space<semaphore_mem>>) src(%dma_wait3A_304 : memref<2048xi32, #tpu.memory_space<hbm>>) dst(%arg25 : memref<2048xi32, #tpu.memory_space<vmem>>)
        %dma_wait3A_305 = arith.constant 0 : i32
        %dma_wait3A_306 = tpu.memref_slice %arg3[%dma_wait3A_305] : memref<1310720xi32, #tpu.memory_space<hbm>> -> memref<2048xi32, #tpu.memory_space<hbm>>
        %dma_wait3A_307 = arith.constant 0 : i32
        %dma_wait3A_308 = tpu.memref_slice %arg3[%dma_wait3A_307] : memref<1310720xi32, #tpu.memory_space<hbm>> -> memref<2048xi32, #tpu.memory_space<hbm>>
        tpu.wait_dma2 semaphore(%arg52 : memref<!tpu.dma_semaphore, #tpu.memory_space<semaphore_mem>>) src(%dma_wait3A_308 : memref<2048xi32, #tpu.memory_space<hbm>>) dst(%arg26 : memref<2048xi32, #tpu.memory_space<vmem>>)
        %dma_wait3A_309 = arith.constant 0 : i32
        %dma_wait3A_310 = tpu.memref_slice %arg22[%dma_wait3A_309] : memref<1310720xf32, #tpu.memory_space<hbm>> -> memref<2048xf32, #tpu.memory_space<hbm>>
        %dma_wait3A_311 = arith.constant 0 : i32
        %dma_wait3A_312 = tpu.memref_slice %arg22[%dma_wait3A_311] : memref<1310720xf32, #tpu.memory_space<hbm>> -> memref<2048xf32, #tpu.memory_space<hbm>>
        tpu.wait_dma2 semaphore(%arg52 : memref<!tpu.dma_semaphore, #tpu.memory_space<semaphore_mem>>) src(%dma_wait3A_312 : memref<2048xf32, #tpu.memory_space<hbm>>) dst(%arg27 : memref<2048xf32, #tpu.memory_space<vmem>>)
        %add3A_313 = arith.constant 1 : i32
        %add3A_314 = arith.addi %add3A_301, %add3A_313 : i32
        %lt3A = arith.constant 40 : i32
        %lt3A_315 = arith.cmpi slt, %add3A_314, %lt3A : i32
        %convert_element_type3A_316 = arith.extui %lt3A_315 : i1 to i32
        %cond3A_317 = arith.constant 0 : i32
        %cond3A_318 = arith.cmpi ne, %convert_element_type3A_316, %cond3A_317 : i32
        scf.if %cond3A_318 {
          %add3A_354 = arith.constant 1 : i32
          %add3A_355 = arith.addi %add3A_301, %add3A_354 : i32
          %mul3A_356 = arith.constant 81920 : i32
          %mul3A_357 = arith.muli %arg1, %mul3A_356 : i32
          %mul3A_358 = arith.constant 2048 : i32
          %mul3A_359 = arith.muli %add3A_355, %mul3A_358 : i32
          %add3A_360 = arith.addi %mul3A_357, %mul3A_359 : i32
          %dma_start3A_361 = tpu.memref_slice %arg2[%add3A_360] : memref<1310720xi32, #tpu.memory_space<hbm>> -> memref<2048xi32, #tpu.memory_space<hbm>>
          %dma_start3A_362 = tpu.memref_slice %arg2[%add3A_360] : memref<1310720xi32, #tpu.memory_space<hbm>> -> memref<2048xi32, #tpu.memory_space<hbm>>
          tpu.enqueue_dma source(%dma_start3A_362 : memref<2048xi32, #tpu.memory_space<hbm>>) target(%arg29 : memref<2048xi32, #tpu.memory_space<vmem>>) target_semaphore(%arg53 : memref<!tpu.dma_semaphore, #tpu.memory_space<semaphore_mem>>)
          %dma_start3A_363 = tpu.memref_slice %arg3[%add3A_360] : memref<1310720xi32, #tpu.memory_space<hbm>> -> memref<2048xi32, #tpu.memory_space<hbm>>
          %dma_start3A_364 = tpu.memref_slice %arg3[%add3A_360] : memref<1310720xi32, #tpu.memory_space<hbm>> -> memref<2048xi32, #tpu.memory_space<hbm>>
          tpu.enqueue_dma source(%dma_start3A_364 : memref<2048xi32, #tpu.memory_space<hbm>>) target(%arg30 : memref<2048xi32, #tpu.memory_space<vmem>>) target_semaphore(%arg53 : memref<!tpu.dma_semaphore, #tpu.memory_space<semaphore_mem>>)
          %dma_start3A_365 = tpu.memref_slice %arg22[%add3A_360] : memref<1310720xf32, #tpu.memory_space<hbm>> -> memref<2048xf32, #tpu.memory_space<hbm>>
          %dma_start3A_366 = tpu.memref_slice %arg22[%add3A_360] : memref<1310720xf32, #tpu.memory_space<hbm>> -> memref<2048xf32, #tpu.memory_space<hbm>>
          tpu.enqueue_dma source(%dma_start3A_366 : memref<2048xf32, #tpu.memory_space<hbm>>) target(%arg31 : memref<2048xf32, #tpu.memory_space<vmem>>) target_semaphore(%arg53 : memref<!tpu.dma_semaphore, #tpu.memory_space<semaphore_mem>>)
        } else {
        }
        %scan3A_319 = arith.constant 0 : i32
        %scan3A_320 = arith.constant 0 : i32
        %scan3A_321 = arith.constant 128 : i32
        %scan3A_322 = arith.addi %scan3A_320, %scan3A_321 : i32
        %scan3A_323 = arith.constant 1 : i32
        scf.for %scan3A_354 = %scan3A_320 to %scan3A_322 step %scan3A_323  : i32 {
          %mul3A_355 = arith.constant 16 : i32
          %mul3A_356 = arith.muli %scan3A_354, %mul3A_355 : i32
          %get3A_357 = arith.index_cast %mul3A_356 : i32 to index
          %get3A_358 = tpu.vector_load %arg27[%get3A_357] {strides = array<i32>} : memref<2048xf32, #tpu.memory_space<vmem>>, vector<16xf32>,
          %get3A_359 = arith.index_cast %mul3A_356 : i32 to index
          %get3A_360 = tpu.vector_load %arg25[%get3A_359] {strides = array<i32>} : memref<2048xi32, #tpu.memory_space<vmem>>, vector<16xi32>,
          %gather3A = tpu.vector_load_idx %arg23[%get3A_360] : memref<65536xf32, #tpu.memory_space<vmem>>[vector<16xi32>], vector<16xf32>,
          %mul3A_361 = arith.mulf %get3A_358, %gather3A : vector<16xf32>
          %swap3A_362 = arith.index_cast %mul3A_356 : i32 to index
          %swap3A_363 = tpu.vector_load %arg28[%swap3A_362] {strides = array<i32>} : memref<2048xf32, #tpu.memory_space<vmem>>, vector<16xf32>,
          tpu.vector_store %arg28[%swap3A_362], %mul3A_361 {strides = array<i32>} : memref<2048xf32, #tpu.memory_space<vmem>>, vector<16xf32>,
        }
        %scan3A_324 = arith.constant 128 : i32
        "tpu.region"() ({
          %run_scoped3A = tpu.sem_alloc : memref<!tpu.dma_semaphore, #tpu.memory_space<semaphore_mem>>
          %dma_start3A_354 = arith.constant 0 : i32
          %dma_start3A_355 = tpu.memref_slice %arg47[%dma_start3A_354] : memref<65536xf32, #tpu.memory_space<vmem_shared>> -> memref<65536xf32, #tpu.memory_space<vmem_shared>>
          tpu.enqueue_indirect_dma source(%arg28 : memref<2048xf32, #tpu.memory_space<vmem>>) target(%dma_start3A_355 : memref<65536xf32, #tpu.memory_space<vmem_shared>>) offsets(%arg26 : memref<2048xi32, #tpu.memory_space<vmem>>) semaphore(%run_scoped3A : memref<!tpu.dma_semaphore, #tpu.memory_space<semaphore_mem>>) {add = true}
          %dma_wait3A_356 = arith.constant 0 : i32
          %dma_wait3A_357 = tpu.memref_slice %arg47[%dma_wait3A_356] : memref<65536xf32, #tpu.memory_space<vmem_shared>> -> memref<65536xf32, #tpu.memory_space<vmem_shared>>
          tpu.wait_indirect_dma semaphore(%run_scoped3A : memref<!tpu.dma_semaphore, #tpu.memory_space<semaphore_mem>>) src(%arg28 : memref<2048xf32, #tpu.memory_space<vmem>>) dst(%dma_wait3A_357 : memref<65536xf32, #tpu.memory_space<vmem_shared>>)
          tpu.yield
        }) : () -> ()
        %mul3A_325 = arith.constant 2 : i32
        %mul3A_326 = arith.muli %scan3A_297, %mul3A_325 : i32
        %add3A_327 = arith.constant 1 : i32
        %add3A_328 = arith.addi %mul3A_326, %add3A_327 : i32
        %dma_wait3A_329 = arith.constant 0 : i32
        %dma_wait3A_330 = tpu.memref_slice %arg2[%dma_wait3A_329] : memref<1310720xi32, #tpu.memory_space<hbm>> -> memref<2048xi32, #tpu.memory_space<hbm>>
        %dma_wait3A_331 = arith.constant 0 : i32
        %dma_wait3A_332 = tpu.memref_slice %arg2[%dma_wait3A_331] : memref<1310720xi32, #tpu.memory_space<hbm>> -> memref<2048xi32, #tpu.memory_space<hbm>>
        tpu.wait_dma2 semaphore(%arg53 : memref<!tpu.dma_semaphore, #tpu.memory_space<semaphore_mem>>) src(%dma_wait3A_332 : memref<2048xi32, #tpu.memory_space<hbm>>) dst(%arg29 : memref<2048xi32, #tpu.memory_space<vmem>>)
        %dma_wait3A_333 = arith.constant 0 : i32
        %dma_wait3A_334 = tpu.memref_slice %arg3[%dma_wait3A_333] : memref<1310720xi32, #tpu.memory_space<hbm>> -> memref<2048xi32, #tpu.memory_space<hbm>>
        %dma_wait3A_335 = arith.constant 0 : i32
        %dma_wait3A_336 = tpu.memref_slice %arg3[%dma_wait3A_335] : memref<1310720xi32, #tpu.memory_space<hbm>> -> memref<2048xi32, #tpu.memory_space<hbm>>
        tpu.wait_dma2 semaphore(%arg53 : memref<!tpu.dma_semaphore, #tpu.memory_space<semaphore_mem>>) src(%dma_wait3A_336 : memref<2048xi32, #tpu.memory_space<hbm>>) dst(%arg30 : memref<2048xi32, #tpu.memory_space<vmem>>)
        %dma_wait3A_337 = arith.constant 0 : i32
        %dma_wait3A_338 = tpu.memref_slice %arg22[%dma_wait3A_337] : memref<1310720xf32, #tpu.memory_space<hbm>> -> memref<2048xf32, #tpu.memory_space<hbm>>
        %dma_wait3A_339 = arith.constant 0 : i32
        %dma_wait3A_340 = tpu.memref_slice %arg22[%dma_wait3A_339] : memref<1310720xf32, #tpu.memory_space<hbm>> -> memref<2048xf32, #tpu.memory_space<hbm>>
        tpu.wait_dma2 semaphore(%arg53 : memref<!tpu.dma_semaphore, #tpu.memory_space<semaphore_mem>>) src(%dma_wait3A_340 : memref<2048xf32, #tpu.memory_space<hbm>>) dst(%arg31 : memref<2048xf32, #tpu.memory_space<vmem>>)
        %add3A_341 = arith.constant 1 : i32
        %add3A_342 = arith.addi %add3A_328, %add3A_341 : i32
        %lt3A_343 = arith.constant 40 : i32
        %lt3A_344 = arith.cmpi slt, %add3A_342, %lt3A_343 : i32
        %convert_element_type3A_345 = arith.extui %lt3A_344 : i1 to i32
        %cond3A_346 = arith.constant 0 : i32
        %cond3A_347 = arith.cmpi ne, %convert_element_type3A_345, %cond3A_346 : i32
        scf.if %cond3A_347 {
          %add3A_354 = arith.constant 1 : i32
          %add3A_355 = arith.addi %add3A_328, %add3A_354 : i32
          %mul3A_356 = arith.constant 81920 : i32
          %mul3A_357 = arith.muli %arg1, %mul3A_356 : i32
          %mul3A_358 = arith.constant 2048 : i32
          %mul3A_359 = arith.muli %add3A_355, %mul3A_358 : i32
          %add3A_360 = arith.addi %mul3A_357, %mul3A_359 : i32
          %dma_start3A_361 = tpu.memref_slice %arg2[%add3A_360] : memref<1310720xi32, #tpu.memory_space<hbm>> -> memref<2048xi32, #tpu.memory_space<hbm>>
          %dma_start3A_362 = tpu.memref_slice %arg2[%add3A_360] : memref<1310720xi32, #tpu.memory_space<hbm>> -> memref<2048xi32, #tpu.memory_space<hbm>>
          tpu.enqueue_dma source(%dma_start3A_362 : memref<2048xi32, #tpu.memory_space<hbm>>) target(%arg25 : memref<2048xi32, #tpu.memory_space<vmem>>) target_semaphore(%arg52 : memref<!tpu.dma_semaphore, #tpu.memory_space<semaphore_mem>>)
          %dma_start3A_363 = tpu.memref_slice %arg3[%add3A_360] : memref<1310720xi32, #tpu.memory_space<hbm>> -> memref<2048xi32, #tpu.memory_space<hbm>>
          %dma_start3A_364 = tpu.memref_slice %arg3[%add3A_360] : memref<1310720xi32, #tpu.memory_space<hbm>> -> memref<2048xi32, #tpu.memory_space<hbm>>
          tpu.enqueue_dma source(%dma_start3A_364 : memref<2048xi32, #tpu.memory_space<hbm>>) target(%arg26 : memref<2048xi32, #tpu.memory_space<vmem>>) target_semaphore(%arg52 : memref<!tpu.dma_semaphore, #tpu.memory_space<semaphore_mem>>)
          %dma_start3A_365 = tpu.memref_slice %arg22[%add3A_360] : memref<1310720xf32, #tpu.memory_space<hbm>> -> memref<2048xf32, #tpu.memory_space<hbm>>
          %dma_start3A_366 = tpu.memref_slice %arg22[%add3A_360] : memref<1310720xf32, #tpu.memory_space<hbm>> -> memref<2048xf32, #tpu.memory_space<hbm>>
          tpu.enqueue_dma source(%dma_start3A_366 : memref<2048xf32, #tpu.memory_space<hbm>>) target(%arg27 : memref<2048xf32, #tpu.memory_space<vmem>>) target_semaphore(%arg52 : memref<!tpu.dma_semaphore, #tpu.memory_space<semaphore_mem>>)
        } else {
        }
        %scan3A_348 = arith.constant 0 : i32
        %scan3A_349 = arith.constant 0 : i32
        %scan3A_350 = arith.constant 128 : i32
        %scan3A_351 = arith.addi %scan3A_349, %scan3A_350 : i32
        %scan3A_352 = arith.constant 1 : i32
        scf.for %scan3A_354 = %scan3A_349 to %scan3A_351 step %scan3A_352  : i32 {
          %mul3A_355 = arith.constant 16 : i32
          %mul3A_356 = arith.muli %scan3A_354, %mul3A_355 : i32
          %get3A_357 = arith.index_cast %mul3A_356 : i32 to index
          %get3A_358 = tpu.vector_load %arg31[%get3A_357] {strides = array<i32>} : memref<2048xf32, #tpu.memory_space<vmem>>, vector<16xf32>,
          %get3A_359 = arith.index_cast %mul3A_356 : i32 to index
          %get3A_360 = tpu.vector_load %arg29[%get3A_359] {strides = array<i32>} : memref<2048xi32, #tpu.memory_space<vmem>>, vector<16xi32>,
          %gather3A = tpu.vector_load_idx %arg23[%get3A_360] : memref<65536xf32, #tpu.memory_space<vmem>>[vector<16xi32>], vector<16xf32>,
          %mul3A_361 = arith.mulf %get3A_358, %gather3A : vector<16xf32>
          %swap3A_362 = arith.index_cast %mul3A_356 : i32 to index
          %swap3A_363 = tpu.vector_load %arg32[%swap3A_362] {strides = array<i32>} : memref<2048xf32, #tpu.memory_space<vmem>>, vector<16xf32>,
          tpu.vector_store %arg32[%swap3A_362], %mul3A_361 {strides = array<i32>} : memref<2048xf32, #tpu.memory_space<vmem>>, vector<16xf32>,
        }
        %scan3A_353 = arith.constant 128 : i32
        "tpu.region"() ({
          %run_scoped3A = tpu.sem_alloc : memref<!tpu.dma_semaphore, #tpu.memory_space<semaphore_mem>>
          %dma_start3A_354 = arith.constant 0 : i32
          %dma_start3A_355 = tpu.memref_slice %arg47[%dma_start3A_354] : memref<65536xf32, #tpu.memory_space<vmem_shared>> -> memref<65536xf32, #tpu.memory_space<vmem_shared>>
          tpu.enqueue_indirect_dma source(%arg32 : memref<2048xf32, #tpu.memory_space<vmem>>) target(%dma_start3A_355 : memref<65536xf32, #tpu.memory_space<vmem_shared>>) offsets(%arg30 : memref<2048xi32, #tpu.memory_space<vmem>>) semaphore(%run_scoped3A : memref<!tpu.dma_semaphore, #tpu.memory_space<semaphore_mem>>) {add = true}
          %dma_wait3A_356 = arith.constant 0 : i32
          %dma_wait3A_357 = tpu.memref_slice %arg47[%dma_wait3A_356] : memref<65536xf32, #tpu.memory_space<vmem_shared>> -> memref<65536xf32, #tpu.memory_space<vmem_shared>>
          tpu.wait_indirect_dma semaphore(%run_scoped3A : memref<!tpu.dma_semaphore, #tpu.memory_space<semaphore_mem>>) src(%arg32 : memref<2048xf32, #tpu.memory_space<vmem>>) dst(%dma_wait3A_357 : memref<65536xf32, #tpu.memory_space<vmem_shared>>)
          tpu.yield
        }) : () -> ()
      }
      %scan3A_208 = arith.constant 20 : i32
      %barrier3A_209 = arith.constant 0 : index
      tpu.barrier barrier_id(%barrier3A_209)
      %add3A_210 = arith.constant 0 : i32
      %add3A_211 = arith.addi %mul3A_0, %add3A_210 : i32
      "tpu.region"() ({
        %run_scoped3A = tpu.sem_alloc : memref<!tpu.dma_semaphore, #tpu.memory_space<semaphore_mem>>
        %dma_start3A_297 = tpu.memref_slice %arg47[%add3A_211] : memref<65536xf32, #tpu.memory_space<vmem_shared>> -> memref<2048xf32, #tpu.memory_space<vmem_shared>>
        %dma_start3A_298 = tpu.memref_slice %arg47[%add3A_211] : memref<65536xf32, #tpu.memory_space<vmem_shared>> -> memref<2048xf32, #tpu.memory_space<vmem_shared>>
        tpu.enqueue_dma source(%dma_start3A_298 : memref<2048xf32, #tpu.memory_space<vmem_shared>>) target(%arg27 : memref<2048xf32, #tpu.memory_space<vmem>>) target_semaphore(%run_scoped3A : memref<!tpu.dma_semaphore, #tpu.memory_space<semaphore_mem>>)
        %dma_wait3A = tpu.memref_slice %arg47[%add3A_211] : memref<65536xf32, #tpu.memory_space<vmem_shared>> -> memref<2048xf32, #tpu.memory_space<vmem_shared>>
        %dma_wait3A_299 = tpu.memref_slice %arg47[%add3A_211] : memref<65536xf32, #tpu.memory_space<vmem_shared>> -> memref<2048xf32, #tpu.memory_space<vmem_shared>>
        tpu.wait_dma2 semaphore(%run_scoped3A : memref<!tpu.dma_semaphore, #tpu.memory_space<semaphore_mem>>) src(%dma_wait3A_299 : memref<2048xf32, #tpu.memory_space<vmem_shared>>) dst(%arg27 : memref<2048xf32, #tpu.memory_space<vmem>>)
        tpu.yield
      }) : () -> ()
      %add3A_212 = arith.constant 0 : i32
      %add3A_213 = arith.addi %mul3A_0, %add3A_212 : i32
      "tpu.region"() ({
        %run_scoped3A = tpu.sem_alloc : memref<!tpu.dma_semaphore, #tpu.memory_space<semaphore_mem>>
        %dma_start3A_297 = tpu.memref_slice %arg48[%add3A_213] : memref<65536xf32, #tpu.memory_space<vmem_shared>> -> memref<2048xf32, #tpu.memory_space<vmem_shared>>
        %dma_start3A_298 = tpu.memref_slice %arg48[%add3A_213] : memref<65536xf32, #tpu.memory_space<vmem_shared>> -> memref<2048xf32, #tpu.memory_space<vmem_shared>>
        tpu.enqueue_dma source(%dma_start3A_298 : memref<2048xf32, #tpu.memory_space<vmem_shared>>) target(%arg31 : memref<2048xf32, #tpu.memory_space<vmem>>) target_semaphore(%run_scoped3A : memref<!tpu.dma_semaphore, #tpu.memory_space<semaphore_mem>>)
        %dma_wait3A = tpu.memref_slice %arg48[%add3A_213] : memref<65536xf32, #tpu.memory_space<vmem_shared>> -> memref<2048xf32, #tpu.memory_space<vmem_shared>>
        %dma_wait3A_299 = tpu.memref_slice %arg48[%add3A_213] : memref<65536xf32, #tpu.memory_space<vmem_shared>> -> memref<2048xf32, #tpu.memory_space<vmem_shared>>
        tpu.wait_dma2 semaphore(%run_scoped3A : memref<!tpu.dma_semaphore, #tpu.memory_space<semaphore_mem>>) src(%dma_wait3A_299 : memref<2048xf32, #tpu.memory_space<vmem_shared>>) dst(%arg31 : memref<2048xf32, #tpu.memory_space<vmem>>)
        tpu.yield
      }) : () -> ()
      %scan3A_214 = arith.constant 0 : i32
      %scan3A_215 = arith.constant 0 : i32
      %scan3A_216 = arith.constant 128 : i32
      %scan3A_217 = arith.addi %scan3A_215, %scan3A_216 : i32
      %scan3A_218 = arith.constant 1 : i32
      scf.for %scan3A_297 = %scan3A_215 to %scan3A_217 step %scan3A_218  : i32 {
        %mul3A_298 = arith.constant 16 : i32
        %mul3A_299 = arith.muli %scan3A_297, %mul3A_298 : i32
        %add3A_300 = arith.constant 0 : i32
        %add3A_301 = arith.addi %add3A_300, %mul3A_299 : i32
        %mul3A_302 = arith.constant 16 : i32
        %mul3A_303 = arith.muli %scan3A_297, %mul3A_302 : i32
        %add3A_304 = arith.constant 0 : i32
        %add3A_305 = arith.addi %mul3A_0, %add3A_304 : i32
        %mul3A_306 = arith.constant 16 : i32
        %mul3A_307 = arith.muli %scan3A_297, %mul3A_306 : i32
        %add3A_308 = arith.addi %add3A_305, %mul3A_307 : i32
        %get3A_309 = arith.index_cast %add3A_308 : i32 to index
        %get3A_310 = tpu.vector_load %arg23[%get3A_309] {strides = array<i32>} : memref<65536xf32, #tpu.memory_space<vmem>>, vector<16xf32>,
        %get3A_311 = arith.index_cast %add3A_301 : i32 to index
        %get3A_312 = tpu.vector_load %arg41[%get3A_311] {strides = array<i32>} : memref<4096xf32, #tpu.memory_space<vmem>>, vector<16xf32>,
        %get3A_313 = arith.index_cast %add3A_301 : i32 to index
        %get3A_314 = tpu.vector_load %arg39[%get3A_313] {strides = array<i32>} : memref<4096xf32, #tpu.memory_space<vmem>>, vector<16xf32>,
        %mul3A_315 = arith.mulf %get3A_312, %get3A_314 : vector<16xf32>
        %get3A_316 = arith.index_cast %add3A_301 : i32 to index
        %get3A_317 = tpu.vector_load %arg42[%get3A_316] {strides = array<i32>} : memref<4096xf32, #tpu.memory_space<vmem>>, vector<16xf32>,
        %mul3A_318 = arith.mulf %get3A_317, %get3A_310 : vector<16xf32>
        %add3A_319 = arith.addf %mul3A_315, %mul3A_318 : vector<16xf32>
        %get3A_320 = arith.index_cast %mul3A_303 : i32 to index
        %get3A_321 = tpu.vector_load %arg31[%get3A_320] {strides = array<i32>} : memref<2048xf32, #tpu.memory_space<vmem>>, vector<16xf32>,
        %sub3A = arith.subf %add3A_319, %get3A_321 : vector<16xf32>
        %get3A_322 = arith.index_cast %mul3A_303 : i32 to index
        %get3A_323 = tpu.vector_load %arg27[%get3A_322] {strides = array<i32>} : memref<2048xf32, #tpu.memory_space<vmem>>, vector<16xf32>,
        %sub3A_324 = arith.subf %sub3A, %get3A_323 : vector<16xf32>
        %swap3A_325 = arith.index_cast %add3A_301 : i32 to index
        %swap3A_326 = tpu.vector_load %arg40[%swap3A_325] {strides = array<i32>} : memref<4096xf32, #tpu.memory_space<vmem>>, vector<16xf32>,
        tpu.vector_store %arg40[%swap3A_325], %sub3A_324 {strides = array<i32>} : memref<4096xf32, #tpu.memory_space<vmem>>, vector<16xf32>,
      }
      %scan3A_219 = arith.constant 128 : i32
      %add3A_220 = arith.constant 2048 : i32
      %add3A_221 = arith.addi %mul3A_0, %add3A_220 : i32
      "tpu.region"() ({
        %run_scoped3A = tpu.sem_alloc : memref<!tpu.dma_semaphore, #tpu.memory_space<semaphore_mem>>
        %dma_start3A_297 = tpu.memref_slice %arg47[%add3A_221] : memref<65536xf32, #tpu.memory_space<vmem_shared>> -> memref<2048xf32, #tpu.memory_space<vmem_shared>>
        %dma_start3A_298 = tpu.memref_slice %arg47[%add3A_221] : memref<65536xf32, #tpu.memory_space<vmem_shared>> -> memref<2048xf32, #tpu.memory_space<vmem_shared>>
        tpu.enqueue_dma source(%dma_start3A_298 : memref<2048xf32, #tpu.memory_space<vmem_shared>>) target(%arg27 : memref<2048xf32, #tpu.memory_space<vmem>>) target_semaphore(%run_scoped3A : memref<!tpu.dma_semaphore, #tpu.memory_space<semaphore_mem>>)
        %dma_wait3A = tpu.memref_slice %arg47[%add3A_221] : memref<65536xf32, #tpu.memory_space<vmem_shared>> -> memref<2048xf32, #tpu.memory_space<vmem_shared>>
        %dma_wait3A_299 = tpu.memref_slice %arg47[%add3A_221] : memref<65536xf32, #tpu.memory_space<vmem_shared>> -> memref<2048xf32, #tpu.memory_space<vmem_shared>>
        tpu.wait_dma2 semaphore(%run_scoped3A : memref<!tpu.dma_semaphore, #tpu.memory_space<semaphore_mem>>) src(%dma_wait3A_299 : memref<2048xf32, #tpu.memory_space<vmem_shared>>) dst(%arg27 : memref<2048xf32, #tpu.memory_space<vmem>>)
        tpu.yield
      }) : () -> ()
      %add3A_222 = arith.constant 2048 : i32
      %add3A_223 = arith.addi %mul3A_0, %add3A_222 : i32
      "tpu.region"() ({
        %run_scoped3A = tpu.sem_alloc : memref<!tpu.dma_semaphore, #tpu.memory_space<semaphore_mem>>
        %dma_start3A_297 = tpu.memref_slice %arg48[%add3A_223] : memref<65536xf32, #tpu.memory_space<vmem_shared>> -> memref<2048xf32, #tpu.memory_space<vmem_shared>>
        %dma_start3A_298 = tpu.memref_slice %arg48[%add3A_223] : memref<65536xf32, #tpu.memory_space<vmem_shared>> -> memref<2048xf32, #tpu.memory_space<vmem_shared>>
        tpu.enqueue_dma source(%dma_start3A_298 : memref<2048xf32, #tpu.memory_space<vmem_shared>>) target(%arg31 : memref<2048xf32, #tpu.memory_space<vmem>>) target_semaphore(%run_scoped3A : memref<!tpu.dma_semaphore, #tpu.memory_space<semaphore_mem>>)
        %dma_wait3A = tpu.memref_slice %arg48[%add3A_223] : memref<65536xf32, #tpu.memory_space<vmem_shared>> -> memref<2048xf32, #tpu.memory_space<vmem_shared>>
        %dma_wait3A_299 = tpu.memref_slice %arg48[%add3A_223] : memref<65536xf32, #tpu.memory_space<vmem_shared>> -> memref<2048xf32, #tpu.memory_space<vmem_shared>>
        tpu.wait_dma2 semaphore(%run_scoped3A : memref<!tpu.dma_semaphore, #tpu.memory_space<semaphore_mem>>) src(%dma_wait3A_299 : memref<2048xf32, #tpu.memory_space<vmem_shared>>) dst(%arg31 : memref<2048xf32, #tpu.memory_space<vmem>>)
        tpu.yield
      }) : () -> ()
      %scan3A_224 = arith.constant 0 : i32
      %scan3A_225 = arith.constant 0 : i32
      %scan3A_226 = arith.constant 128 : i32
      %scan3A_227 = arith.addi %scan3A_225, %scan3A_226 : i32
      %scan3A_228 = arith.constant 1 : i32
      scf.for %scan3A_297 = %scan3A_225 to %scan3A_227 step %scan3A_228  : i32 {
        %mul3A_298 = arith.constant 16 : i32
        %mul3A_299 = arith.muli %scan3A_297, %mul3A_298 : i32
        %add3A_300 = arith.constant 2048 : i32
        %add3A_301 = arith.addi %add3A_300, %mul3A_299 : i32
        %mul3A_302 = arith.constant 16 : i32
        %mul3A_303 = arith.muli %scan3A_297, %mul3A_302 : i32
        %add3A_304 = arith.constant 2048 : i32
        %add3A_305 = arith.addi %mul3A_0, %add3A_304 : i32
        %mul3A_306 = arith.constant 16 : i32
        %mul3A_307 = arith.muli %scan3A_297, %mul3A_306 : i32
        %add3A_308 = arith.addi %add3A_305, %mul3A_307 : i32
        %get3A_309 = arith.index_cast %add3A_308 : i32 to index
        %get3A_310 = tpu.vector_load %arg23[%get3A_309] {strides = array<i32>} : memref<65536xf32, #tpu.memory_space<vmem>>, vector<16xf32>,
        %get3A_311 = arith.index_cast %add3A_301 : i32 to index
        %get3A_312 = tpu.vector_load %arg41[%get3A_311] {strides = array<i32>} : memref<4096xf32, #tpu.memory_space<vmem>>, vector<16xf32>,
        %get3A_313 = arith.index_cast %add3A_301 : i32 to index
        %get3A_314 = tpu.vector_load %arg39[%get3A_313] {strides = array<i32>} : memref<4096xf32, #tpu.memory_space<vmem>>, vector<16xf32>,
        %mul3A_315 = arith.mulf %get3A_312, %get3A_314 : vector<16xf32>
        %get3A_316 = arith.index_cast %add3A_301 : i32 to index
        %get3A_317 = tpu.vector_load %arg42[%get3A_316] {strides = array<i32>} : memref<4096xf32, #tpu.memory_space<vmem>>, vector<16xf32>,
        %mul3A_318 = arith.mulf %get3A_317, %get3A_310 : vector<16xf32>
        %add3A_319 = arith.addf %mul3A_315, %mul3A_318 : vector<16xf32>
        %get3A_320 = arith.index_cast %mul3A_303 : i32 to index
        %get3A_321 = tpu.vector_load %arg31[%get3A_320] {strides = array<i32>} : memref<2048xf32, #tpu.memory_space<vmem>>, vector<16xf32>,
        %sub3A = arith.subf %add3A_319, %get3A_321 : vector<16xf32>
        %get3A_322 = arith.index_cast %mul3A_303 : i32 to index
        %get3A_323 = tpu.vector_load %arg27[%get3A_322] {strides = array<i32>} : memref<2048xf32, #tpu.memory_space<vmem>>, vector<16xf32>,
        %sub3A_324 = arith.subf %sub3A, %get3A_323 : vector<16xf32>
        %swap3A_325 = arith.index_cast %add3A_301 : i32 to index
        %swap3A_326 = tpu.vector_load %arg40[%swap3A_325] {strides = array<i32>} : memref<4096xf32, #tpu.memory_space<vmem>>, vector<16xf32>,
        tpu.vector_store %arg40[%swap3A_325], %sub3A_324 {strides = array<i32>} : memref<4096xf32, #tpu.memory_space<vmem>>, vector<16xf32>,
      }
      %scan3A_229 = arith.constant 128 : i32
      %add3A_230 = arith.constant 0 : i32
      %add3A_231 = arith.addi %mul3A_0, %add3A_230 : i32
      "tpu.region"() ({
        %run_scoped3A = tpu.sem_alloc : memref<!tpu.dma_semaphore, #tpu.memory_space<semaphore_mem>>
        %dma_start3A_297 = tpu.memref_slice %arg47[%add3A_231] : memref<65536xf32, #tpu.memory_space<vmem_shared>> -> memref<1024xf32, #tpu.memory_space<vmem_shared>>
        %dma_start3A_298 = tpu.memref_slice %arg47[%add3A_231] : memref<65536xf32, #tpu.memory_space<vmem_shared>> -> memref<1024xf32, #tpu.memory_space<vmem_shared>>
        tpu.enqueue_dma source(%arg24 : memref<1024xf32, #tpu.memory_space<vmem>>) target(%dma_start3A_298 : memref<1024xf32, #tpu.memory_space<vmem_shared>>) target_semaphore(%run_scoped3A : memref<!tpu.dma_semaphore, #tpu.memory_space<semaphore_mem>>)
        %dma_wait3A = tpu.memref_slice %arg47[%add3A_231] : memref<65536xf32, #tpu.memory_space<vmem_shared>> -> memref<1024xf32, #tpu.memory_space<vmem_shared>>
        %dma_wait3A_299 = tpu.memref_slice %arg47[%add3A_231] : memref<65536xf32, #tpu.memory_space<vmem_shared>> -> memref<1024xf32, #tpu.memory_space<vmem_shared>>
        tpu.wait_dma2 semaphore(%run_scoped3A : memref<!tpu.dma_semaphore, #tpu.memory_space<semaphore_mem>>) src(%arg24 : memref<1024xf32, #tpu.memory_space<vmem>>) dst(%dma_wait3A_299 : memref<1024xf32, #tpu.memory_space<vmem_shared>>)
        tpu.yield
      }) : () -> ()
      %add3A_232 = arith.constant 1024 : i32
      %add3A_233 = arith.addi %mul3A_0, %add3A_232 : i32
      "tpu.region"() ({
        %run_scoped3A = tpu.sem_alloc : memref<!tpu.dma_semaphore, #tpu.memory_space<semaphore_mem>>
        %dma_start3A_297 = tpu.memref_slice %arg47[%add3A_233] : memref<65536xf32, #tpu.memory_space<vmem_shared>> -> memref<1024xf32, #tpu.memory_space<vmem_shared>>
        %dma_start3A_298 = tpu.memref_slice %arg47[%add3A_233] : memref<65536xf32, #tpu.memory_space<vmem_shared>> -> memref<1024xf32, #tpu.memory_space<vmem_shared>>
        tpu.enqueue_dma source(%arg24 : memref<1024xf32, #tpu.memory_space<vmem>>) target(%dma_start3A_298 : memref<1024xf32, #tpu.memory_space<vmem_shared>>) target_semaphore(%run_scoped3A : memref<!tpu.dma_semaphore, #tpu.memory_space<semaphore_mem>>)
        %dma_wait3A = tpu.memref_slice %arg47[%add3A_233] : memref<65536xf32, #tpu.memory_space<vmem_shared>> -> memref<1024xf32, #tpu.memory_space<vmem_shared>>
        %dma_wait3A_299 = tpu.memref_slice %arg47[%add3A_233] : memref<65536xf32, #tpu.memory_space<vmem_shared>> -> memref<1024xf32, #tpu.memory_space<vmem_shared>>
        tpu.wait_dma2 semaphore(%run_scoped3A : memref<!tpu.dma_semaphore, #tpu.memory_space<semaphore_mem>>) src(%arg24 : memref<1024xf32, #tpu.memory_space<vmem>>) dst(%dma_wait3A_299 : memref<1024xf32, #tpu.memory_space<vmem_shared>>)
        tpu.yield
      }) : () -> ()
      %add3A_234 = arith.constant 2048 : i32
      %add3A_235 = arith.addi %mul3A_0, %add3A_234 : i32
      "tpu.region"() ({
        %run_scoped3A = tpu.sem_alloc : memref<!tpu.dma_semaphore, #tpu.memory_space<semaphore_mem>>
        %dma_start3A_297 = tpu.memref_slice %arg47[%add3A_235] : memref<65536xf32, #tpu.memory_space<vmem_shared>> -> memref<1024xf32, #tpu.memory_space<vmem_shared>>
        %dma_start3A_298 = tpu.memref_slice %arg47[%add3A_235] : memref<65536xf32, #tpu.memory_space<vmem_shared>> -> memref<1024xf32, #tpu.memory_space<vmem_shared>>
        tpu.enqueue_dma source(%arg24 : memref<1024xf32, #tpu.memory_space<vmem>>) target(%dma_start3A_298 : memref<1024xf32, #tpu.memory_space<vmem_shared>>) target_semaphore(%run_scoped3A : memref<!tpu.dma_semaphore, #tpu.memory_space<semaphore_mem>>)
        %dma_wait3A = tpu.memref_slice %arg47[%add3A_235] : memref<65536xf32, #tpu.memory_space<vmem_shared>> -> memref<1024xf32, #tpu.memory_space<vmem_shared>>
        %dma_wait3A_299 = tpu.memref_slice %arg47[%add3A_235] : memref<65536xf32, #tpu.memory_space<vmem_shared>> -> memref<1024xf32, #tpu.memory_space<vmem_shared>>
        tpu.wait_dma2 semaphore(%run_scoped3A : memref<!tpu.dma_semaphore, #tpu.memory_space<semaphore_mem>>) src(%arg24 : memref<1024xf32, #tpu.memory_space<vmem>>) dst(%dma_wait3A_299 : memref<1024xf32, #tpu.memory_space<vmem_shared>>)
        tpu.yield
      }) : () -> ()
      %add3A_236 = arith.constant 3072 : i32
      %add3A_237 = arith.addi %mul3A_0, %add3A_236 : i32
      "tpu.region"() ({
        %run_scoped3A = tpu.sem_alloc : memref<!tpu.dma_semaphore, #tpu.memory_space<semaphore_mem>>
        %dma_start3A_297 = tpu.memref_slice %arg47[%add3A_237] : memref<65536xf32, #tpu.memory_space<vmem_shared>> -> memref<1024xf32, #tpu.memory_space<vmem_shared>>
        %dma_start3A_298 = tpu.memref_slice %arg47[%add3A_237] : memref<65536xf32, #tpu.memory_space<vmem_shared>> -> memref<1024xf32, #tpu.memory_space<vmem_shared>>
        tpu.enqueue_dma source(%arg24 : memref<1024xf32, #tpu.memory_space<vmem>>) target(%dma_start3A_298 : memref<1024xf32, #tpu.memory_space<vmem_shared>>) target_semaphore(%run_scoped3A : memref<!tpu.dma_semaphore, #tpu.memory_space<semaphore_mem>>)
        %dma_wait3A = tpu.memref_slice %arg47[%add3A_237] : memref<65536xf32, #tpu.memory_space<vmem_shared>> -> memref<1024xf32, #tpu.memory_space<vmem_shared>>
        %dma_wait3A_299 = tpu.memref_slice %arg47[%add3A_237] : memref<65536xf32, #tpu.memory_space<vmem_shared>> -> memref<1024xf32, #tpu.memory_space<vmem_shared>>
        tpu.wait_dma2 semaphore(%run_scoped3A : memref<!tpu.dma_semaphore, #tpu.memory_space<semaphore_mem>>) src(%arg24 : memref<1024xf32, #tpu.memory_space<vmem>>) dst(%dma_wait3A_299 : memref<1024xf32, #tpu.memory_space<vmem_shared>>)
        tpu.yield
      }) : () -> ()
      %add3A_238 = arith.constant 0 : i32
      %add3A_239 = arith.addi %mul3A_0, %add3A_238 : i32
      "tpu.region"() ({
        %run_scoped3A = tpu.sem_alloc : memref<!tpu.dma_semaphore, #tpu.memory_space<semaphore_mem>>
        %dma_start3A_297 = tpu.memref_slice %arg48[%add3A_239] : memref<65536xf32, #tpu.memory_space<vmem_shared>> -> memref<1024xf32, #tpu.memory_space<vmem_shared>>
        %dma_start3A_298 = tpu.memref_slice %arg48[%add3A_239] : memref<65536xf32, #tpu.memory_space<vmem_shared>> -> memref<1024xf32, #tpu.memory_space<vmem_shared>>
        tpu.enqueue_dma source(%arg24 : memref<1024xf32, #tpu.memory_space<vmem>>) target(%dma_start3A_298 : memref<1024xf32, #tpu.memory_space<vmem_shared>>) target_semaphore(%run_scoped3A : memref<!tpu.dma_semaphore, #tpu.memory_space<semaphore_mem>>)
        %dma_wait3A = tpu.memref_slice %arg48[%add3A_239] : memref<65536xf32, #tpu.memory_space<vmem_shared>> -> memref<1024xf32, #tpu.memory_space<vmem_shared>>
        %dma_wait3A_299 = tpu.memref_slice %arg48[%add3A_239] : memref<65536xf32, #tpu.memory_space<vmem_shared>> -> memref<1024xf32, #tpu.memory_space<vmem_shared>>
        tpu.wait_dma2 semaphore(%run_scoped3A : memref<!tpu.dma_semaphore, #tpu.memory_space<semaphore_mem>>) src(%arg24 : memref<1024xf32, #tpu.memory_space<vmem>>) dst(%dma_wait3A_299 : memref<1024xf32, #tpu.memory_space<vmem_shared>>)
        tpu.yield
      }) : () -> ()
      %add3A_240 = arith.constant 1024 : i32
      %add3A_241 = arith.addi %mul3A_0, %add3A_240 : i32
      "tpu.region"() ({
        %run_scoped3A = tpu.sem_alloc : memref<!tpu.dma_semaphore, #tpu.memory_space<semaphore_mem>>
        %dma_start3A_297 = tpu.memref_slice %arg48[%add3A_241] : memref<65536xf32, #tpu.memory_space<vmem_shared>> -> memref<1024xf32, #tpu.memory_space<vmem_shared>>
        %dma_start3A_298 = tpu.memref_slice %arg48[%add3A_241] : memref<65536xf32, #tpu.memory_space<vmem_shared>> -> memref<1024xf32, #tpu.memory_space<vmem_shared>>
        tpu.enqueue_dma source(%arg24 : memref<1024xf32, #tpu.memory_space<vmem>>) target(%dma_start3A_298 : memref<1024xf32, #tpu.memory_space<vmem_shared>>) target_semaphore(%run_scoped3A : memref<!tpu.dma_semaphore, #tpu.memory_space<semaphore_mem>>)
        %dma_wait3A = tpu.memref_slice %arg48[%add3A_241] : memref<65536xf32, #tpu.memory_space<vmem_shared>> -> memref<1024xf32, #tpu.memory_space<vmem_shared>>
        %dma_wait3A_299 = tpu.memref_slice %arg48[%add3A_241] : memref<65536xf32, #tpu.memory_space<vmem_shared>> -> memref<1024xf32, #tpu.memory_space<vmem_shared>>
        tpu.wait_dma2 semaphore(%run_scoped3A : memref<!tpu.dma_semaphore, #tpu.memory_space<semaphore_mem>>) src(%arg24 : memref<1024xf32, #tpu.memory_space<vmem>>) dst(%dma_wait3A_299 : memref<1024xf32, #tpu.memory_space<vmem_shared>>)
        tpu.yield
      }) : () -> ()
      %add3A_242 = arith.constant 2048 : i32
      %add3A_243 = arith.addi %mul3A_0, %add3A_242 : i32
      "tpu.region"() ({
        %run_scoped3A = tpu.sem_alloc : memref<!tpu.dma_semaphore, #tpu.memory_space<semaphore_mem>>
        %dma_start3A_297 = tpu.memref_slice %arg48[%add3A_243] : memref<65536xf32, #tpu.memory_space<vmem_shared>> -> memref<1024xf32, #tpu.memory_space<vmem_shared>>
        %dma_start3A_298 = tpu.memref_slice %arg48[%add3A_243] : memref<65536xf32, #tpu.memory_space<vmem_shared>> -> memref<1024xf32, #tpu.memory_space<vmem_shared>>
        tpu.enqueue_dma source(%arg24 : memref<1024xf32, #tpu.memory_space<vmem>>) target(%dma_start3A_298 : memref<1024xf32, #tpu.memory_space<vmem_shared>>) target_semaphore(%run_scoped3A : memref<!tpu.dma_semaphore, #tpu.memory_space<semaphore_mem>>)
        %dma_wait3A = tpu.memref_slice %arg48[%add3A_243] : memref<65536xf32, #tpu.memory_space<vmem_shared>> -> memref<1024xf32, #tpu.memory_space<vmem_shared>>
        %dma_wait3A_299 = tpu.memref_slice %arg48[%add3A_243] : memref<65536xf32, #tpu.memory_space<vmem_shared>> -> memref<1024xf32, #tpu.memory_space<vmem_shared>>
        tpu.wait_dma2 semaphore(%run_scoped3A : memref<!tpu.dma_semaphore, #tpu.memory_space<semaphore_mem>>) src(%arg24 : memref<1024xf32, #tpu.memory_space<vmem>>) dst(%dma_wait3A_299 : memref<1024xf32, #tpu.memory_space<vmem_shared>>)
        tpu.yield
      }) : () -> ()
      %add3A_244 = arith.constant 3072 : i32
      %add3A_245 = arith.addi %mul3A_0, %add3A_244 : i32
      "tpu.region"() ({
        %run_scoped3A = tpu.sem_alloc : memref<!tpu.dma_semaphore, #tpu.memory_space<semaphore_mem>>
        %dma_start3A_297 = tpu.memref_slice %arg48[%add3A_245] : memref<65536xf32, #tpu.memory_space<vmem_shared>> -> memref<1024xf32, #tpu.memory_space<vmem_shared>>
        %dma_start3A_298 = tpu.memref_slice %arg48[%add3A_245] : memref<65536xf32, #tpu.memory_space<vmem_shared>> -> memref<1024xf32, #tpu.memory_space<vmem_shared>>
        tpu.enqueue_dma source(%arg24 : memref<1024xf32, #tpu.memory_space<vmem>>) target(%dma_start3A_298 : memref<1024xf32, #tpu.memory_space<vmem_shared>>) target_semaphore(%run_scoped3A : memref<!tpu.dma_semaphore, #tpu.memory_space<semaphore_mem>>)
        %dma_wait3A = tpu.memref_slice %arg48[%add3A_245] : memref<65536xf32, #tpu.memory_space<vmem_shared>> -> memref<1024xf32, #tpu.memory_space<vmem_shared>>
        %dma_wait3A_299 = tpu.memref_slice %arg48[%add3A_245] : memref<65536xf32, #tpu.memory_space<vmem_shared>> -> memref<1024xf32, #tpu.memory_space<vmem_shared>>
        tpu.wait_dma2 semaphore(%run_scoped3A : memref<!tpu.dma_semaphore, #tpu.memory_space<semaphore_mem>>) src(%arg24 : memref<1024xf32, #tpu.memory_space<vmem>>) dst(%dma_wait3A_299 : memref<1024xf32, #tpu.memory_space<vmem_shared>>)
        tpu.yield
      }) : () -> ()
      %scan3A_246 = arith.constant 0 : i32
      %scan3A_247 = arith.constant 256 : i32
      %scan3A_248 = arith.addi %scan3A_246, %scan3A_247 : i32
      %scan3A_249 = arith.constant 1 : i32
      %scan3A_250 = scf.for %scan3A_297 = %scan3A_246 to %scan3A_248 step %scan3A_249 iter_args(%scan3A_298 = %broadcast_in_dim3A_1) -> (vector<16xf32>)  : i32 {
        %mul3A_299 = arith.constant 16 : i32
        %mul3A_300 = arith.muli %scan3A_297, %mul3A_299 : i32
        %get3A_301 = arith.index_cast %mul3A_300 : i32 to index
        %get3A_302 = tpu.vector_load %arg39[%get3A_301] {strides = array<i32>} : memref<4096xf32, #tpu.memory_space<vmem>>, vector<16xf32>,
        %get3A_303 = arith.index_cast %mul3A_300 : i32 to index
        %get3A_304 = tpu.vector_load %arg40[%get3A_303] {strides = array<i32>} : memref<4096xf32, #tpu.memory_space<vmem>>, vector<16xf32>,
        %mul3A_305 = arith.mulf %get3A_302, %get3A_304 : vector<16xf32>
        %add3A_306 = arith.addf %scan3A_298, %mul3A_305 : vector<16xf32>
        scf.yield %add3A_306 : vector<16xf32>
      }
      %scan3A_251 = arith.constant 256 : i32
      %swap3A_252 = arith.constant 0 : index
      %swap3A_253 = tpu.vector_load %arg43[%swap3A_252] {strides = array<i32>} : memref<16xf32, #tpu.memory_space<vmem>>, vector<16xf32>,
      tpu.vector_store %arg43[%swap3A_252], %scan3A_250 {strides = array<i32>} : memref<16xf32, #tpu.memory_space<vmem>>, vector<16xf32>,
      "tpu.region"() ({
        %run_scoped3A = tpu.sem_alloc : memref<!tpu.dma_semaphore, #tpu.memory_space<semaphore_mem>>
        %dma_start3A_297 = arith.constant 0 : i32
        %dma_start3A_298 = tpu.memref_slice %arg50[%dma_start3A_297] : memref<16xf32, #tpu.memory_space<vmem_shared>> -> memref<16xf32, #tpu.memory_space<vmem_shared>>
        tpu.enqueue_indirect_dma source(%arg43 : memref<16xf32, #tpu.memory_space<vmem>>) target(%dma_start3A_298 : memref<16xf32, #tpu.memory_space<vmem_shared>>) offsets(%arg44 : memref<16xi32, #tpu.memory_space<vmem>>) semaphore(%run_scoped3A : memref<!tpu.dma_semaphore, #tpu.memory_space<semaphore_mem>>) {add = true}
        %dma_wait3A = arith.constant 0 : i32
        %dma_wait3A_299 = tpu.memref_slice %arg50[%dma_wait3A] : memref<16xf32, #tpu.memory_space<vmem_shared>> -> memref<16xf32, #tpu.memory_space<vmem_shared>>
        tpu.wait_indirect_dma semaphore(%run_scoped3A : memref<!tpu.dma_semaphore, #tpu.memory_space<semaphore_mem>>) src(%arg43 : memref<16xf32, #tpu.memory_space<vmem>>) dst(%dma_wait3A_299 : memref<16xf32, #tpu.memory_space<vmem_shared>>)
        tpu.yield
      }) : () -> ()
      %barrier3A_254 = arith.constant 0 : index
      tpu.barrier barrier_id(%barrier3A_254)
      "tpu.region"() ({
        %run_scoped3A = tpu.sem_alloc : memref<!tpu.dma_semaphore, #tpu.memory_space<semaphore_mem>>
        tpu.enqueue_dma source(%arg50 : memref<16xf32, #tpu.memory_space<vmem_shared>>) target(%arg45 : memref<16xf32, #tpu.memory_space<vmem>>) target_semaphore(%run_scoped3A : memref<!tpu.dma_semaphore, #tpu.memory_space<semaphore_mem>>)
        tpu.wait_dma2 semaphore(%run_scoped3A : memref<!tpu.dma_semaphore, #tpu.memory_space<semaphore_mem>>) src(%arg50 : memref<16xf32, #tpu.memory_space<vmem_shared>>) dst(%arg45 : memref<16xf32, #tpu.memory_space<vmem>>)
        tpu.yield
      }) : () -> ()
      %get3A_255 = arith.constant 0 : index
      %get3A_256 = tpu.vector_load %arg45[%get3A_255] {strides = array<i32>} : memref<16xf32, #tpu.memory_space<vmem>>, vector<16xf32>,
      %reduce_sum3A_257 = arith.constant true
      %reduce_sum3A_258 = vector.broadcast %reduce_sum3A_257 : i1 to vector<16xi1>
      %reduce_sum3A_259 = tpu.scan <sum>, %get3A_256 masked %reduce_sum3A_258 : vector<16xf32>, vector<16xi1> -> vector<16xf32>
      %reduce_sum3A_260 = vector.extract %reduce_sum3A_259[15] : f32 from vector<16xf32>
      %broadcast_in_dim3A_261 = vector.broadcast %reduce_sum3A_260 : f32 to vector<16xf32>
      %add3A_262 = arith.constant 9.99999996E-13 : f32
      %add3A_263 = vector.broadcast %add3A_262 : f32 to vector<16xf32>
      %add3A_264 = arith.addf %broadcast_in_dim3A_261, %add3A_263 : vector<16xf32>
      %div3A = arith.divf %scan3A_136, %add3A_264 : vector<16xf32>
      %scan3A_265 = arith.constant 0 : i32
      %scan3A_266 = arith.constant 256 : i32
      %scan3A_267 = arith.addi %scan3A_265, %scan3A_266 : i32
      %scan3A_268 = arith.constant 1 : i32
      %scan3A_269 = scf.for %scan3A_297 = %scan3A_265 to %scan3A_267 step %scan3A_268 iter_args(%scan3A_298 = %broadcast_in_dim3A_1) -> (vector<16xf32>)  : i32 {
        %mul3A_299 = arith.constant 16 : i32
        %mul3A_300 = arith.muli %scan3A_297, %mul3A_299 : i32
        %get3A_301 = arith.index_cast %mul3A_300 : i32 to index
        %get3A_302 = tpu.vector_load %arg37[%get3A_301] {strides = array<i32>} : memref<4096xf32, #tpu.memory_space<vmem>>, vector<16xf32>,
        %get3A_303 = arith.index_cast %mul3A_300 : i32 to index
        %get3A_304 = tpu.vector_load %arg39[%get3A_303] {strides = array<i32>} : memref<4096xf32, #tpu.memory_space<vmem>>, vector<16xf32>,
        %mul3A_305 = arith.mulf %div3A, %get3A_304 : vector<16xf32>
        %add3A_306 = arith.addf %get3A_302, %mul3A_305 : vector<16xf32>
        %swap3A_307 = arith.index_cast %mul3A_300 : i32 to index
        %swap3A_308 = tpu.vector_load %arg37[%swap3A_307] {strides = array<i32>} : memref<4096xf32, #tpu.memory_space<vmem>>, vector<16xf32>,
        tpu.vector_store %arg37[%swap3A_307], %add3A_306 {strides = array<i32>} : memref<4096xf32, #tpu.memory_space<vmem>>, vector<16xf32>,
        %get3A_309 = arith.index_cast %mul3A_300 : i32 to index
        %get3A_310 = tpu.vector_load %arg38[%get3A_309] {strides = array<i32>} : memref<4096xf32, #tpu.memory_space<vmem>>, vector<16xf32>,
        %get3A_311 = arith.index_cast %mul3A_300 : i32 to index
        %get3A_312 = tpu.vector_load %arg40[%get3A_311] {strides = array<i32>} : memref<4096xf32, #tpu.memory_space<vmem>>, vector<16xf32>,
        %mul3A_313 = arith.mulf %div3A, %get3A_312 : vector<16xf32>
        %sub3A = arith.subf %get3A_310, %mul3A_313 : vector<16xf32>
        %swap3A_314 = arith.index_cast %mul3A_300 : i32 to index
        %swap3A_315 = tpu.vector_load %arg38[%swap3A_314] {strides = array<i32>} : memref<4096xf32, #tpu.memory_space<vmem>>, vector<16xf32>,
        tpu.vector_store %arg38[%swap3A_314], %sub3A {strides = array<i32>} : memref<4096xf32, #tpu.memory_space<vmem>>, vector<16xf32>,
        %mul3A_316 = arith.mulf %sub3A, %sub3A : vector<16xf32>
        %add3A_317 = arith.addf %scan3A_298, %mul3A_316 : vector<16xf32>
        scf.yield %add3A_317 : vector<16xf32>
      }
      %scan3A_270 = arith.constant 256 : i32
      %swap3A_271 = arith.constant 0 : index
      %swap3A_272 = tpu.vector_load %arg43[%swap3A_271] {strides = array<i32>} : memref<16xf32, #tpu.memory_space<vmem>>, vector<16xf32>,
      tpu.vector_store %arg43[%swap3A_271], %scan3A_269 {strides = array<i32>} : memref<16xf32, #tpu.memory_space<vmem>>, vector<16xf32>,
      "tpu.region"() ({
        %run_scoped3A = tpu.sem_alloc : memref<!tpu.dma_semaphore, #tpu.memory_space<semaphore_mem>>
        %dma_start3A_297 = arith.constant 0 : i32
        %dma_start3A_298 = tpu.memref_slice %arg51[%dma_start3A_297] : memref<16xf32, #tpu.memory_space<vmem_shared>> -> memref<16xf32, #tpu.memory_space<vmem_shared>>
        tpu.enqueue_indirect_dma source(%arg43 : memref<16xf32, #tpu.memory_space<vmem>>) target(%dma_start3A_298 : memref<16xf32, #tpu.memory_space<vmem_shared>>) offsets(%arg44 : memref<16xi32, #tpu.memory_space<vmem>>) semaphore(%run_scoped3A : memref<!tpu.dma_semaphore, #tpu.memory_space<semaphore_mem>>) {add = true}
        %dma_wait3A = arith.constant 0 : i32
        %dma_wait3A_299 = tpu.memref_slice %arg51[%dma_wait3A] : memref<16xf32, #tpu.memory_space<vmem_shared>> -> memref<16xf32, #tpu.memory_space<vmem_shared>>
        tpu.wait_indirect_dma semaphore(%run_scoped3A : memref<!tpu.dma_semaphore, #tpu.memory_space<semaphore_mem>>) src(%arg43 : memref<16xf32, #tpu.memory_space<vmem>>) dst(%dma_wait3A_299 : memref<16xf32, #tpu.memory_space<vmem_shared>>)
        tpu.yield
      }) : () -> ()
      %barrier3A_273 = arith.constant 0 : index
      tpu.barrier barrier_id(%barrier3A_273)
      %eq3A_274 = arith.constant 0 : i32
      %eq3A_275 = arith.cmpi eq, %arg1, %eq3A_274 : i32
      %convert_element_type3A_276 = arith.extui %eq3A_275 : i1 to i32
      %cond3A_277 = arith.constant 0 : i32
      %cond3A_278 = arith.cmpi ne, %convert_element_type3A_276, %cond3A_277 : i32
      scf.if %cond3A_278 {
        %swap3A_297 = arith.constant 0 : index
        %swap3A_298 = tpu.vector_load %arg43[%swap3A_297] {strides = array<i32>} : memref<16xf32, #tpu.memory_space<vmem>>, vector<16xf32>,
        tpu.vector_store %arg43[%swap3A_297], %broadcast_in_dim3A_1 {strides = array<i32>} : memref<16xf32, #tpu.memory_space<vmem>>, vector<16xf32>,
        "tpu.region"() ({
          %run_scoped3A = tpu.sem_alloc : memref<!tpu.dma_semaphore, #tpu.memory_space<semaphore_mem>>
          tpu.enqueue_dma source(%arg43 : memref<16xf32, #tpu.memory_space<vmem>>) target(%arg50 : memref<16xf32, #tpu.memory_space<vmem_shared>>) target_semaphore(%run_scoped3A : memref<!tpu.dma_semaphore, #tpu.memory_space<semaphore_mem>>)
          tpu.wait_dma2 semaphore(%run_scoped3A : memref<!tpu.dma_semaphore, #tpu.memory_space<semaphore_mem>>) src(%arg43 : memref<16xf32, #tpu.memory_space<vmem>>) dst(%arg50 : memref<16xf32, #tpu.memory_space<vmem_shared>>)
          tpu.yield
        }) : () -> ()
      } else {
      }
      "tpu.region"() ({
        %run_scoped3A = tpu.sem_alloc : memref<!tpu.dma_semaphore, #tpu.memory_space<semaphore_mem>>
        tpu.enqueue_dma source(%arg51 : memref<16xf32, #tpu.memory_space<vmem_shared>>) target(%arg45 : memref<16xf32, #tpu.memory_space<vmem>>) target_semaphore(%run_scoped3A : memref<!tpu.dma_semaphore, #tpu.memory_space<semaphore_mem>>)
        tpu.wait_dma2 semaphore(%run_scoped3A : memref<!tpu.dma_semaphore, #tpu.memory_space<semaphore_mem>>) src(%arg51 : memref<16xf32, #tpu.memory_space<vmem_shared>>) dst(%arg45 : memref<16xf32, #tpu.memory_space<vmem>>)
        tpu.yield
      }) : () -> ()
      %get3A_279 = arith.constant 0 : index
      %get3A_280 = tpu.vector_load %arg45[%get3A_279] {strides = array<i32>} : memref<16xf32, #tpu.memory_space<vmem>>, vector<16xf32>,
      %reduce_sum3A_281 = arith.constant true
      %reduce_sum3A_282 = vector.broadcast %reduce_sum3A_281 : i1 to vector<16xi1>
      %reduce_sum3A_283 = tpu.scan <sum>, %get3A_280 masked %reduce_sum3A_282 : vector<16xf32>, vector<16xi1> -> vector<16xf32>
      %reduce_sum3A_284 = vector.extract %reduce_sum3A_283[15] : f32 from vector<16xf32>
      %broadcast_in_dim3A_285 = vector.broadcast %reduce_sum3A_284 : f32 to vector<16xf32>
      %add3A_286 = arith.constant 9.99999996E-13 : f32
      %add3A_287 = vector.broadcast %add3A_286 : f32 to vector<16xf32>
      %add3A_288 = arith.addf %scan3A_136, %add3A_287 : vector<16xf32>
      %div3A_289 = arith.divf %broadcast_in_dim3A_285, %add3A_288 : vector<16xf32>
      %scan3A_290 = arith.constant 0 : i32
      %scan3A_291 = arith.constant 0 : i32
      %scan3A_292 = arith.constant 256 : i32
      %scan3A_293 = arith.addi %scan3A_291, %scan3A_292 : i32
      %scan3A_294 = arith.constant 1 : i32
      scf.for %scan3A_297 = %scan3A_291 to %scan3A_293 step %scan3A_294  : i32 {
        %mul3A_298 = arith.constant 16 : i32
        %mul3A_299 = arith.muli %scan3A_297, %mul3A_298 : i32
        %get3A_300 = arith.index_cast %mul3A_299 : i32 to index
        %get3A_301 = tpu.vector_load %arg38[%get3A_300] {strides = array<i32>} : memref<4096xf32, #tpu.memory_space<vmem>>, vector<16xf32>,
        %get3A_302 = arith.index_cast %mul3A_299 : i32 to index
        %get3A_303 = tpu.vector_load %arg39[%get3A_302] {strides = array<i32>} : memref<4096xf32, #tpu.memory_space<vmem>>, vector<16xf32>,
        %mul3A_304 = arith.mulf %div3A_289, %get3A_303 : vector<16xf32>
        %add3A_305 = arith.addf %get3A_301, %mul3A_304 : vector<16xf32>
        %swap3A_306 = arith.index_cast %mul3A_299 : i32 to index
        %swap3A_307 = tpu.vector_load %arg39[%swap3A_306] {strides = array<i32>} : memref<4096xf32, #tpu.memory_space<vmem>>, vector<16xf32>,
        tpu.vector_store %arg39[%swap3A_306], %add3A_305 {strides = array<i32>} : memref<4096xf32, #tpu.memory_space<vmem>>, vector<16xf32>,
      }
      %scan3A_295 = arith.constant 256 : i32
      "tpu.region"() ({
        %run_scoped3A = tpu.sem_alloc : memref<!tpu.dma_semaphore, #tpu.memory_space<semaphore_mem>>
        %dma_start3A_297 = tpu.memref_slice %arg49[%mul3A_0] : memref<65536xf32, #tpu.memory_space<vmem_shared>> -> memref<4096xf32, #tpu.memory_space<vmem_shared>>
        %dma_start3A_298 = tpu.memref_slice %arg49[%mul3A_0] : memref<65536xf32, #tpu.memory_space<vmem_shared>> -> memref<4096xf32, #tpu.memory_space<vmem_shared>>
        tpu.enqueue_dma source(%arg39 : memref<4096xf32, #tpu.memory_space<vmem>>) target(%dma_start3A_298 : memref<4096xf32, #tpu.memory_space<vmem_shared>>) target_semaphore(%run_scoped3A : memref<!tpu.dma_semaphore, #tpu.memory_space<semaphore_mem>>)
        %dma_wait3A = tpu.memref_slice %arg49[%mul3A_0] : memref<65536xf32, #tpu.memory_space<vmem_shared>> -> memref<4096xf32, #tpu.memory_space<vmem_shared>>
        %dma_wait3A_299 = tpu.memref_slice %arg49[%mul3A_0] : memref<65536xf32, #tpu.memory_space<vmem_shared>> -> memref<4096xf32, #tpu.memory_space<vmem_shared>>
        tpu.wait_dma2 semaphore(%run_scoped3A : memref<!tpu.dma_semaphore, #tpu.memory_space<semaphore_mem>>) src(%arg39 : memref<4096xf32, #tpu.memory_space<vmem>>) dst(%dma_wait3A_299 : memref<4096xf32, #tpu.memory_space<vmem_shared>>)
        tpu.yield
      }) : () -> ()
      %barrier3A_296 = arith.constant 0 : index
      tpu.barrier barrier_id(%barrier3A_296)
      "tpu.region"() ({
        %run_scoped3A = tpu.sem_alloc : memref<!tpu.dma_semaphore, #tpu.memory_space<semaphore_mem>>
        tpu.enqueue_dma source(%arg49 : memref<65536xf32, #tpu.memory_space<vmem_shared>>) target(%arg23 : memref<65536xf32, #tpu.memory_space<vmem>>) target_semaphore(%run_scoped3A : memref<!tpu.dma_semaphore, #tpu.memory_space<semaphore_mem>>)
        tpu.wait_dma2 semaphore(%run_scoped3A : memref<!tpu.dma_semaphore, #tpu.memory_space<semaphore_mem>>) src(%arg49 : memref<65536xf32, #tpu.memory_space<vmem_shared>>) dst(%arg23 : memref<65536xf32, #tpu.memory_space<vmem>>)
        tpu.yield
      }) : () -> ()
      scf.yield %broadcast_in_dim3A_285 : vector<16xf32>
    }
    %scan3A_134 = arith.constant 50 : i32
    "tpu.region"() ({
      %run_scoped3A = tpu.sem_alloc : memref<!tpu.dma_semaphore, #tpu.memory_space<semaphore_mem>>
      %dma_start3A = tpu.memref_slice %arg18[%mul3A_0] : memref<65536xf32, #tpu.memory_space<hbm>> -> memref<4096xf32, #tpu.memory_space<hbm>>
      %dma_start3A_135 = tpu.memref_slice %arg18[%mul3A_0] : memref<65536xf32, #tpu.memory_space<hbm>> -> memref<4096xf32, #tpu.memory_space<hbm>>
      tpu.enqueue_dma source(%arg37 : memref<4096xf32, #tpu.memory_space<vmem>>) target(%dma_start3A_135 : memref<4096xf32, #tpu.memory_space<hbm>>) target_semaphore(%run_scoped3A : memref<!tpu.dma_semaphore, #tpu.memory_space<semaphore_mem>>)
      %dma_wait3A = tpu.memref_slice %arg18[%mul3A_0] : memref<65536xf32, #tpu.memory_space<hbm>> -> memref<4096xf32, #tpu.memory_space<hbm>>
      %dma_wait3A_136 = tpu.memref_slice %arg18[%mul3A_0] : memref<65536xf32, #tpu.memory_space<hbm>> -> memref<4096xf32, #tpu.memory_space<hbm>>
      tpu.wait_dma2 semaphore(%run_scoped3A : memref<!tpu.dma_semaphore, #tpu.memory_space<semaphore_mem>>) src(%arg37 : memref<4096xf32, #tpu.memory_space<vmem>>) dst(%dma_wait3A_136 : memref<4096xf32, #tpu.memory_space<hbm>>)
      tpu.yield
    }) : () -> ()
    return
  }
}

module attributes {stable_mosaic.version = 14 : i64} {
  func.func @_l1_body(%arg0: i32, %arg1: memref<3x4096xf32, #tpu.memory_space<vmem>>, %arg2: memref<64x3xf32, #tpu.memory_space<vmem>>, %arg3: memref<64x1xf32, #tpu.memory_space<vmem>>, %arg4: memref<64x4096xf32, #tpu.memory_space<vmem>>, %arg5: memref<8x128xf32, #tpu.memory_space<vmem>>) attributes {dimension_semantics = [#tpu.dimension_semantics<arbitrary>], iteration_bounds = array<i64: 16>, scalar_prefetch = 0 : i64, scratch_operands = 0 : i64, tpu.core_type = #tpu.core_type<tc>, window_params = [{transform_indices = @transform_0, window_bounds = array<i64: 3, 4096>}, {pipeline_mode = #tpu.pipeline_mode<synchronous>, transform_indices = @transform_1, window_bounds = array<i64: 64, 3>}, {pipeline_mode = #tpu.pipeline_mode<synchronous>, transform_indices = @transform_2, window_bounds = array<i64: 64, 1>}, {transform_indices = @transform_3, window_bounds = array<i64: 64, 4096>}, {transform_indices = @transform_4, window_bounds = array<i64: 8, 128>}]} {
    %get3A = arith.constant 0 : index
    %get3A_0 = arith.constant 0 : index
    %get3A_1 = vector.load %arg2[%get3A, %get3A_0] : memref<64x3xf32, #tpu.memory_space<vmem>>, vector<64x3xf32>
    %get3A_2 = arith.constant 0 : index
    %get3A_3 = arith.constant 0 : index
    %get3A_4 = vector.load %arg1[%get3A_2, %get3A_3] : memref<3x4096xf32, #tpu.memory_space<vmem>>, vector<3x4096xf32>
    %dot_general3A = arith.constant dense<0.000000e+00> : vector<64x4096xf32>
    %dot_general3A_5 = tpu.matmul %get3A_1, %get3A_4, %dot_general3A {dimension_numbers = #tpu.dot_dimension_numbers<[1], [0], [0], [1], [0, 0, 1, 1], [], []>, transpose_lhs_hint = false} : vector<64x3xf32>, vector<3x4096xf32>, vector<64x4096xf32> -> vector<64x4096xf32>
    %get3A_6 = arith.constant 0 : index
    %get3A_7 = arith.constant 0 : index
    %get3A_8 = vector.load %arg3[%get3A_6, %get3A_7] : memref<64x1xf32, #tpu.memory_space<vmem>>, vector<64x1xf32>
    %add3A = vector.broadcast %get3A_8 : vector<64x1xf32> to vector<64x4096xf32>
    %add3A_9 = arith.addf %dot_general3A_5, %add3A : vector<64x4096xf32>
    %swap3A = arith.constant 0 : index
    %swap3A_10 = arith.constant 0 : index
    %swap3A_11 = vector.load %arg4[%swap3A, %swap3A_10] : memref<64x4096xf32, #tpu.memory_space<vmem>>, vector<64x4096xf32>
    tpu.vector_store %arg4[%swap3A, %swap3A_10], %add3A_9 {strides = array<i32>} : memref<64x4096xf32, #tpu.memory_space<vmem>>, vector<64x4096xf32>,
    %broadcast_in_dim3A = arith.constant 0.000000e+00 : f32
    %broadcast_in_dim3A_12 = vector.broadcast %broadcast_in_dim3A : f32 to vector<64xf32>
    %reduce_sum3A = arith.constant dense<0.000000e+00> : vector<64xf32>
    %reduce_sum3A_13 = vector.multi_reduction <add>, %add3A_9, %reduce_sum3A [1] : vector<64x4096xf32> to vector<64xf32>
    %concatenate3A = tpu.concatenate %reduce_sum3A_13, %broadcast_in_dim3A_12 in 0 : vector<64xf32>, vector<64xf32> -> vector<128xf32>
    %mul3A = arith.mulf %add3A_9, %add3A_9 : vector<64x4096xf32>
    %reduce_sum3A_14 = arith.constant dense<0.000000e+00> : vector<64xf32>
    %reduce_sum3A_15 = vector.multi_reduction <add>, %mul3A, %reduce_sum3A_14 [1] : vector<64x4096xf32> to vector<64xf32>
    %concatenate3A_16 = tpu.concatenate %reduce_sum3A_15, %broadcast_in_dim3A_12 in 0 : vector<64xf32>, vector<64xf32> -> vector<128xf32>
    %broadcast_in_dim3A_17 = arith.constant 0.000000e+00 : f32
    %broadcast_in_dim3A_18 = vector.broadcast %broadcast_in_dim3A_17 : f32 to vector<128xf32>
    %stack3A = vector.shape_cast %concatenate3A : vector<128xf32> to vector<1x128xf32>
    %stack3A_19 = vector.shape_cast %concatenate3A_16 : vector<128xf32> to vector<1x128xf32>
    %stack3A_20 = vector.shape_cast %broadcast_in_dim3A_18 : vector<128xf32> to vector<1x128xf32>
    %stack3A_21 = vector.shape_cast %broadcast_in_dim3A_18 : vector<128xf32> to vector<1x128xf32>
    %stack3A_22 = vector.shape_cast %broadcast_in_dim3A_18 : vector<128xf32> to vector<1x128xf32>
    %stack3A_23 = vector.shape_cast %broadcast_in_dim3A_18 : vector<128xf32> to vector<1x128xf32>
    %stack3A_24 = vector.shape_cast %broadcast_in_dim3A_18 : vector<128xf32> to vector<1x128xf32>
    %stack3A_25 = vector.shape_cast %broadcast_in_dim3A_18 : vector<128xf32> to vector<1x128xf32>
    %stack3A_26 = tpu.concatenate %stack3A, %stack3A_19, %stack3A_20, %stack3A_21, %stack3A_22, %stack3A_23, %stack3A_24, %stack3A_25 in 0 : vector<1x128xf32>, vector<1x128xf32>, vector<1x128xf32>, vector<1x128xf32>, vector<1x128xf32>, vector<1x128xf32>, vector<1x128xf32>, vector<1x128xf32> -> vector<8x128xf32>
    %swap3A_27 = arith.constant 0 : index
    %swap3A_28 = arith.constant 0 : index
    %swap3A_29 = vector.load %arg5[%swap3A_27, %swap3A_28] : memref<8x128xf32, #tpu.memory_space<vmem>>, vector<8x128xf32>
    tpu.vector_store %arg5[%swap3A_27, %swap3A_28], %stack3A_26 {strides = array<i32>} : memref<8x128xf32, #tpu.memory_space<vmem>>, vector<8x128xf32>,
    return
  }
  func.func @transform_0(%arg0: i32) -> (i32, i32) {
    %c0_i32 = arith.constant 0 : i32
    %c0_i32_0 = arith.constant 0 : i32
    return %c0_i32, %arg0 : i32, i32
  }
  func.func @transform_1(%arg0: i32) -> (i32, i32) {
    %c0_i32 = arith.constant 0 : i32
    %c0_i32_0 = arith.constant 0 : i32
    %c0_i32_1 = arith.constant 0 : i32
    return %c0_i32, %c0_i32_0 : i32, i32
  }
  func.func @transform_2(%arg0: i32) -> (i32, i32) {
    %c0_i32 = arith.constant 0 : i32
    %c0_i32_0 = arith.constant 0 : i32
    %c0_i32_1 = arith.constant 0 : i32
    return %c0_i32, %c0_i32_0 : i32, i32
  }
  func.func @transform_3(%arg0: i32) -> (i32, i32) {
    %c0_i32 = arith.constant 0 : i32
    %c0_i32_0 = arith.constant 0 : i32
    return %c0_i32, %arg0 : i32, i32
  }
  func.func @transform_4(%arg0: i32) -> (i32, i32) {
    %c0_i32 = arith.constant 0 : i32
    %c0_i32_0 = arith.constant 0 : i32
    return %arg0, %c0_i32 : i32, i32
  }
}

module attributes {stable_mosaic.version = 14 : i64} {
  func.func @_l2_body(%arg0: i32, %arg1: memref<64x4096xf32, #tpu.memory_space<vmem>>, %arg2: memref<64x64xf32, #tpu.memory_space<vmem>>, %arg3: memref<64x1xf32, #tpu.memory_space<vmem>>, %arg4: memref<64x1xf32, #tpu.memory_space<vmem>>, %arg5: memref<64x1xf32, #tpu.memory_space<vmem>>, %arg6: memref<64x4096xf32, #tpu.memory_space<vmem>>, %arg7: memref<8x128xf32, #tpu.memory_space<vmem>>) attributes {dimension_semantics = [#tpu.dimension_semantics<arbitrary>], iteration_bounds = array<i64: 16>, scalar_prefetch = 0 : i64, scratch_operands = 0 : i64, tpu.core_type = #tpu.core_type<tc>, window_params = [{transform_indices = @transform_0, window_bounds = array<i64: 64, 4096>}, {pipeline_mode = #tpu.pipeline_mode<synchronous>, transform_indices = @transform_1, window_bounds = array<i64: 64, 64>}, {pipeline_mode = #tpu.pipeline_mode<synchronous>, transform_indices = @transform_2, window_bounds = array<i64: 64, 1>}, {pipeline_mode = #tpu.pipeline_mode<synchronous>, transform_indices = @transform_3, window_bounds = array<i64: 64, 1>}, {pipeline_mode = #tpu.pipeline_mode<synchronous>, transform_indices = @transform_4, window_bounds = array<i64: 64, 1>}, {transform_indices = @transform_5, window_bounds = array<i64: 64, 4096>}, {transform_indices = @transform_6, window_bounds = array<i64: 8, 128>}]} {
    %get3A = arith.constant 0 : index
    %get3A_0 = arith.constant 0 : index
    %get3A_1 = vector.load %arg4[%get3A, %get3A_0] : memref<64x1xf32, #tpu.memory_space<vmem>>, vector<64x1xf32>
    %get3A_2 = arith.constant 0 : index
    %get3A_3 = arith.constant 0 : index
    %get3A_4 = vector.load %arg1[%get3A_2, %get3A_3] : memref<64x4096xf32, #tpu.memory_space<vmem>>, vector<64x4096xf32>
    %mul3A = vector.broadcast %get3A_1 : vector<64x1xf32> to vector<64x4096xf32>
    %mul3A_5 = arith.mulf %mul3A, %get3A_4 : vector<64x4096xf32>
    %get3A_6 = arith.constant 0 : index
    %get3A_7 = arith.constant 0 : index
    %get3A_8 = vector.load %arg5[%get3A_6, %get3A_7] : memref<64x1xf32, #tpu.memory_space<vmem>>, vector<64x1xf32>
    %add3A = vector.broadcast %get3A_8 : vector<64x1xf32> to vector<64x4096xf32>
    %add3A_9 = arith.addf %mul3A_5, %add3A : vector<64x4096xf32>
    %gt3A = arith.constant 0.000000e+00 : f32
    %gt3A_10 = vector.broadcast %gt3A : f32 to vector<64x4096xf32>
    %gt3A_11 = arith.cmpf ogt, %add3A_9, %gt3A_10 : vector<64x4096xf32>
    %mul3A_12 = arith.constant 0.00999999977 : f32
    %mul3A_13 = vector.broadcast %mul3A_12 : f32 to vector<64x4096xf32>
    %mul3A_14 = arith.mulf %mul3A_13, %add3A_9 : vector<64x4096xf32>
    %select_n3A = arith.select %gt3A_11, %add3A_9, %mul3A_14 : vector<64x4096xi1>, vector<64x4096xf32>
    %get3A_15 = arith.constant 0 : index
    %get3A_16 = arith.constant 0 : index
    %get3A_17 = vector.load %arg2[%get3A_15, %get3A_16] : memref<64x64xf32, #tpu.memory_space<vmem>>, vector<64x64xf32>
    %dot_general3A = arith.constant dense<0.000000e+00> : vector<64x4096xf32>
    %dot_general3A_18 = tpu.matmul %get3A_17, %select_n3A, %dot_general3A {dimension_numbers = #tpu.dot_dimension_numbers<[1], [0], [0], [1], [0, 0, 1, 1], [], []>, transpose_lhs_hint = false} : vector<64x64xf32>, vector<64x4096xf32>, vector<64x4096xf32> -> vector<64x4096xf32>
    %get3A_19 = arith.constant 0 : index
    %get3A_20 = arith.constant 0 : index
    %get3A_21 = vector.load %arg3[%get3A_19, %get3A_20] : memref<64x1xf32, #tpu.memory_space<vmem>>, vector<64x1xf32>
    %add3A_22 = vector.broadcast %get3A_21 : vector<64x1xf32> to vector<64x4096xf32>
    %add3A_23 = arith.addf %dot_general3A_18, %add3A_22 : vector<64x4096xf32>
    %swap3A = arith.constant 0 : index
    %swap3A_24 = arith.constant 0 : index
    %swap3A_25 = vector.load %arg6[%swap3A, %swap3A_24] : memref<64x4096xf32, #tpu.memory_space<vmem>>, vector<64x4096xf32>
    tpu.vector_store %arg6[%swap3A, %swap3A_24], %add3A_23 {strides = array<i32>} : memref<64x4096xf32, #tpu.memory_space<vmem>>, vector<64x4096xf32>,
    %broadcast_in_dim3A = arith.constant 0.000000e+00 : f32
    %broadcast_in_dim3A_26 = vector.broadcast %broadcast_in_dim3A : f32 to vector<64xf32>
    %reduce_sum3A = arith.constant dense<0.000000e+00> : vector<64xf32>
    %reduce_sum3A_27 = vector.multi_reduction <add>, %add3A_23, %reduce_sum3A [1] : vector<64x4096xf32> to vector<64xf32>
    %concatenate3A = tpu.concatenate %reduce_sum3A_27, %broadcast_in_dim3A_26 in 0 : vector<64xf32>, vector<64xf32> -> vector<128xf32>
    %mul3A_28 = arith.mulf %add3A_23, %add3A_23 : vector<64x4096xf32>
    %reduce_sum3A_29 = arith.constant dense<0.000000e+00> : vector<64xf32>
    %reduce_sum3A_30 = vector.multi_reduction <add>, %mul3A_28, %reduce_sum3A_29 [1] : vector<64x4096xf32> to vector<64xf32>
    %concatenate3A_31 = tpu.concatenate %reduce_sum3A_30, %broadcast_in_dim3A_26 in 0 : vector<64xf32>, vector<64xf32> -> vector<128xf32>
    %broadcast_in_dim3A_32 = arith.constant 0.000000e+00 : f32
    %broadcast_in_dim3A_33 = vector.broadcast %broadcast_in_dim3A_32 : f32 to vector<128xf32>
    %stack3A = vector.shape_cast %concatenate3A : vector<128xf32> to vector<1x128xf32>
    %stack3A_34 = vector.shape_cast %concatenate3A_31 : vector<128xf32> to vector<1x128xf32>
    %stack3A_35 = vector.shape_cast %broadcast_in_dim3A_33 : vector<128xf32> to vector<1x128xf32>
    %stack3A_36 = vector.shape_cast %broadcast_in_dim3A_33 : vector<128xf32> to vector<1x128xf32>
    %stack3A_37 = vector.shape_cast %broadcast_in_dim3A_33 : vector<128xf32> to vector<1x128xf32>
    %stack3A_38 = vector.shape_cast %broadcast_in_dim3A_33 : vector<128xf32> to vector<1x128xf32>
    %stack3A_39 = vector.shape_cast %broadcast_in_dim3A_33 : vector<128xf32> to vector<1x128xf32>
    %stack3A_40 = vector.shape_cast %broadcast_in_dim3A_33 : vector<128xf32> to vector<1x128xf32>
    %stack3A_41 = tpu.concatenate %stack3A, %stack3A_34, %stack3A_35, %stack3A_36, %stack3A_37, %stack3A_38, %stack3A_39, %stack3A_40 in 0 : vector<1x128xf32>, vector<1x128xf32>, vector<1x128xf32>, vector<1x128xf32>, vector<1x128xf32>, vector<1x128xf32>, vector<1x128xf32>, vector<1x128xf32> -> vector<8x128xf32>
    %swap3A_42 = arith.constant 0 : index
    %swap3A_43 = arith.constant 0 : index
    %swap3A_44 = vector.load %arg7[%swap3A_42, %swap3A_43] : memref<8x128xf32, #tpu.memory_space<vmem>>, vector<8x128xf32>
    tpu.vector_store %arg7[%swap3A_42, %swap3A_43], %stack3A_41 {strides = array<i32>} : memref<8x128xf32, #tpu.memory_space<vmem>>, vector<8x128xf32>,
    return
  }
  func.func @transform_0(%arg0: i32) -> (i32, i32) {
    %c0_i32 = arith.constant 0 : i32
    %c0_i32_0 = arith.constant 0 : i32
    return %c0_i32, %arg0 : i32, i32
  }
  func.func @transform_1(%arg0: i32) -> (i32, i32) {
    %c0_i32 = arith.constant 0 : i32
    %c0_i32_0 = arith.constant 0 : i32
    %c0_i32_1 = arith.constant 0 : i32
    return %c0_i32, %c0_i32_0 : i32, i32
  }
  func.func @transform_2(%arg0: i32) -> (i32, i32) {
    %c0_i32 = arith.constant 0 : i32
    %c0_i32_0 = arith.constant 0 : i32
    %c0_i32_1 = arith.constant 0 : i32
    return %c0_i32, %c0_i32_0 : i32, i32
  }
  func.func @transform_3(%arg0: i32) -> (i32, i32) {
    %c0_i32 = arith.constant 0 : i32
    %c0_i32_0 = arith.constant 0 : i32
    %c0_i32_1 = arith.constant 0 : i32
    return %c0_i32, %c0_i32_0 : i32, i32
  }
  func.func @transform_4(%arg0: i32) -> (i32, i32) {
    %c0_i32 = arith.constant 0 : i32
    %c0_i32_0 = arith.constant 0 : i32
    %c0_i32_1 = arith.constant 0 : i32
    return %c0_i32, %c0_i32_0 : i32, i32
  }
  func.func @transform_5(%arg0: i32) -> (i32, i32) {
    %c0_i32 = arith.constant 0 : i32
    %c0_i32_0 = arith.constant 0 : i32
    return %c0_i32, %arg0 : i32, i32
  }
  func.func @transform_6(%arg0: i32) -> (i32, i32) {
    %c0_i32 = arith.constant 0 : i32
    %c0_i32_0 = arith.constant 0 : i32
    return %arg0, %c0_i32 : i32, i32
  }
}

module attributes {stable_mosaic.version = 14 : i64} {
  func.func @_l3_body(%arg0: i32, %arg1: memref<64x4096xf32, #tpu.memory_space<vmem>>, %arg2: memref<4x64xf32, #tpu.memory_space<vmem>>, %arg3: memref<4x1xf32, #tpu.memory_space<vmem>>, %arg4: memref<64x1xf32, #tpu.memory_space<vmem>>, %arg5: memref<64x1xf32, #tpu.memory_space<vmem>>, %arg6: memref<4x4096xf32, #tpu.memory_space<vmem>>) attributes {dimension_semantics = [#tpu.dimension_semantics<arbitrary>], iteration_bounds = array<i64: 16>, scalar_prefetch = 0 : i64, scratch_operands = 0 : i64, tpu.core_type = #tpu.core_type<tc>, window_params = [{transform_indices = @transform_0, window_bounds = array<i64: 64, 4096>}, {pipeline_mode = #tpu.pipeline_mode<synchronous>, transform_indices = @transform_1, window_bounds = array<i64: 4, 64>}, {pipeline_mode = #tpu.pipeline_mode<synchronous>, transform_indices = @transform_2, window_bounds = array<i64: 4, 1>}, {pipeline_mode = #tpu.pipeline_mode<synchronous>, transform_indices = @transform_3, window_bounds = array<i64: 64, 1>}, {pipeline_mode = #tpu.pipeline_mode<synchronous>, transform_indices = @transform_4, window_bounds = array<i64: 64, 1>}, {transform_indices = @transform_5, window_bounds = array<i64: 4, 4096>}]} {
    %get3A = arith.constant 0 : index
    %get3A_0 = arith.constant 0 : index
    %get3A_1 = vector.load %arg4[%get3A, %get3A_0] : memref<64x1xf32, #tpu.memory_space<vmem>>, vector<64x1xf32>
    %get3A_2 = arith.constant 0 : index
    %get3A_3 = arith.constant 0 : index
    %get3A_4 = vector.load %arg1[%get3A_2, %get3A_3] : memref<64x4096xf32, #tpu.memory_space<vmem>>, vector<64x4096xf32>
    %mul3A = vector.broadcast %get3A_1 : vector<64x1xf32> to vector<64x4096xf32>
    %mul3A_5 = arith.mulf %mul3A, %get3A_4 : vector<64x4096xf32>
    %get3A_6 = arith.constant 0 : index
    %get3A_7 = arith.constant 0 : index
    %get3A_8 = vector.load %arg5[%get3A_6, %get3A_7] : memref<64x1xf32, #tpu.memory_space<vmem>>, vector<64x1xf32>
    %add3A = vector.broadcast %get3A_8 : vector<64x1xf32> to vector<64x4096xf32>
    %add3A_9 = arith.addf %mul3A_5, %add3A : vector<64x4096xf32>
    %gt3A = arith.constant 0.000000e+00 : f32
    %gt3A_10 = vector.broadcast %gt3A : f32 to vector<64x4096xf32>
    %gt3A_11 = arith.cmpf ogt, %add3A_9, %gt3A_10 : vector<64x4096xf32>
    %mul3A_12 = arith.constant 0.00999999977 : f32
    %mul3A_13 = vector.broadcast %mul3A_12 : f32 to vector<64x4096xf32>
    %mul3A_14 = arith.mulf %mul3A_13, %add3A_9 : vector<64x4096xf32>
    %select_n3A = arith.select %gt3A_11, %add3A_9, %mul3A_14 : vector<64x4096xi1>, vector<64x4096xf32>
    %get3A_15 = arith.constant 0 : index
    %get3A_16 = arith.constant 0 : index
    %get3A_17 = vector.load %arg2[%get3A_15, %get3A_16] : memref<4x64xf32, #tpu.memory_space<vmem>>, vector<4x64xf32>
    %dot_general3A = arith.constant dense<0.000000e+00> : vector<4x4096xf32>
    %dot_general3A_18 = tpu.matmul %get3A_17, %select_n3A, %dot_general3A {dimension_numbers = #tpu.dot_dimension_numbers<[1], [0], [0], [1], [0, 0, 1, 1], [], []>, transpose_lhs_hint = false} : vector<4x64xf32>, vector<64x4096xf32>, vector<4x4096xf32> -> vector<4x4096xf32>
    %get3A_19 = arith.constant 0 : index
    %get3A_20 = arith.constant 0 : index
    %get3A_21 = vector.load %arg3[%get3A_19, %get3A_20] : memref<4x1xf32, #tpu.memory_space<vmem>>, vector<4x1xf32>
    %add3A_22 = vector.broadcast %get3A_21 : vector<4x1xf32> to vector<4x4096xf32>
    %add3A_23 = arith.addf %dot_general3A_18, %add3A_22 : vector<4x4096xf32>
    %swap3A = arith.constant 0 : index
    %swap3A_24 = arith.constant 0 : index
    %swap3A_25 = vector.load %arg6[%swap3A, %swap3A_24] : memref<4x4096xf32, #tpu.memory_space<vmem>>, vector<4x4096xf32>
    tpu.vector_store %arg6[%swap3A, %swap3A_24], %add3A_23 {strides = array<i32>} : memref<4x4096xf32, #tpu.memory_space<vmem>>, vector<4x4096xf32>,
    return
  }
  func.func @transform_0(%arg0: i32) -> (i32, i32) {
    %c0_i32 = arith.constant 0 : i32
    %c0_i32_0 = arith.constant 0 : i32
    return %c0_i32, %arg0 : i32, i32
  }
  func.func @transform_1(%arg0: i32) -> (i32, i32) {
    %c0_i32 = arith.constant 0 : i32
    %c0_i32_0 = arith.constant 0 : i32
    %c0_i32_1 = arith.constant 0 : i32
    return %c0_i32, %c0_i32_0 : i32, i32
  }
  func.func @transform_2(%arg0: i32) -> (i32, i32) {
    %c0_i32 = arith.constant 0 : i32
    %c0_i32_0 = arith.constant 0 : i32
    %c0_i32_1 = arith.constant 0 : i32
    return %c0_i32, %c0_i32_0 : i32, i32
  }
  func.func @transform_3(%arg0: i32) -> (i32, i32) {
    %c0_i32 = arith.constant 0 : i32
    %c0_i32_0 = arith.constant 0 : i32
    %c0_i32_1 = arith.constant 0 : i32
    return %c0_i32, %c0_i32_0 : i32, i32
  }
  func.func @transform_4(%arg0: i32) -> (i32, i32) {
    %c0_i32 = arith.constant 0 : i32
    %c0_i32_0 = arith.constant 0 : i32
    %c0_i32_1 = arith.constant 0 : i32
    return %c0_i32, %c0_i32_0 : i32, i32
  }
  func.func @transform_5(%arg0: i32) -> (i32, i32) {
    %c0_i32 = arith.constant 0 : i32
    %c0_i32_0 = arith.constant 0 : i32
    return %c0_i32, %arg0 : i32, i32
  }
}

</mosaic_0001>

<sc_bundles>
// kernel: kernel.6.cloned.1.call-start
scs
__scs_entry_jumppad:
0x0: {  	(pc) =	sbr.rel $0x88, $3  }
0x1: {  	(tag) =	ssettag $0x0;
	lr =	simm.s32 $0x1  }
0x2: {  	[smem:$0x3F8A] =	sst lr;
	_ =	strace $0xD0000000  }
0x3: {  	_ = 	snop  }
0x4: {  	_ = 	snop  }
0x5: {  	_ = 	snop  }
0x6: {  	_ = 	snop  }
0x7: {  	_ = 	snop  }
__scs_overlays_trampoline_lowered:
0x8: {  	[smem:$0x3F99] =	sst s0  }
0x9: {  	[smem:$0x3F9A] =	sst s1  }
0xa: {  	[smem:$0x3F9B] =	sst s2  }
0xb: {  	[smem:$0x3F9C] =	sst s3  }
0xc: {  	[smem:$0x3F9D] =	sst s4  }
0xd: {  	[smem:$0x3F9E] =	sst s5  }
0xe: {  	[smem:$0x3F9F] =	sst s6  }
0xf: {  	[smem:$0x3FA0] =	sst s7  }
0x10: {  	[smem:$0x3FA1] =	sst s8  }
0x11: {  	[smem:$0x3FA2] =	sst s9;
	s0 =	simm.s32 @!p0 $0x0  }
0x12: {  	s1 =	sld [smem:$0x3F88];
	s0 =	simm.s32 @p0 $0x1  }
0x13: {  	[smem:$0x3FA3] =	sst s0;
	s0 =	simm.s32 @!p1 $0x0  }
0x14: {  	s2 =	sld [smem:$0x3F87];
	s0 =	simm.s32 @p1 $0x1  }
0x15: {  	[smem:$0x3FA4] =	sst s0;
	s0 =	simm.s32 @!p2 $0x0  }
0x16: {  	s3 =	sld [smem:$0x3FDB];
	s0 =	simm.s32 @p2 $0x1  }
0x17: {  	s4 =	simm.s32 $0x1BF5;
	[smem:$0x3FA6] =	sst s0  }
0x18: {  	s0 =	sld [smem:$0x3F89];
	_ =	swait.ge [sflag:s4], $0x0  }
0x19: {  	s7 =	sld [smem:$0x3F8A]  }
0x1a: {  	s8 =	sadd.s32 $0xFFFFE003, lr  }
0x1b: {  	s9 =	sadd.s32 $0xFFFFFEF7, lr;
	s5 =	simm.s32 $0xFFFFFFFF;
	p2 =	slt.u32 s8, $0xFFFFF086  }
0x1c: {  	p1 =	slt.u32 s9, $0xF7A;
	s5 =	simm.s32 @!p2 $0x0  }
0x1d: {  	s5 =	simm.s32 @p1 $0x1;
	p0 =	seq.s32 s7, s2  }
0x1e: {  	s7 =	smul.u32 @!p0 $0xF7A, s2;
	p2 =	seq.s32 @!p0 s5, $0x0  }
0x1f: {  	s9 =	smul.u32 $0xF7A, s1;
	s8 =	simm.s32 @!p0 $0x1BF5;
	p2 =	por !p2, p0  }
0x20: {  	[sflag:s8] =	ssyncset.s32 @!p0 $0xFFFFF086;
	s6 =	sadd.s32 @!p0 s3, s7;
	s7 =	simm.s32 @!p0 $0x108  }
0x21: {  	s3 =	sadd.s32 s3, s9;
	s6 =	sadd.s32 @!p0 $0x88, s6;
	s7 =	simm.s32 @p2 $0x1082  }
0x22: {  	[simem:s7], [sflag:s8] =	dma.local @!p0 [hbm:s6], $0xF7A  }
0x23: {  	s9 =	sor.u32 $0xD0000000, s2;
	s6 =	simm.s32 $0x108;
	_ =	swait.ge @!p0 [sflag:s8], $0x0  }
0x24: {  	s3 =	sadd.s32 $0x88, s3;
	s6 =	simm.s32 @!p1 $0x1082;
	[sflag:s4] =	ssyncset.s32 $0xFFFFF086  }
0x25: {  	[simem:s6], [sflag:s4] =	dma.local [hbm:s3], $0xF7A  }
0x26: {  	[smem:$0x3F8A] =	sst s1;
	(tag) =	ssettag s2;
	_ =	strace s9  }
0x27: {  	s1 =	sld [smem:$0x3F9A]  }
0x28: {  	s2 =	sld [smem:$0x3F9B]  }
0x29: {  	s4 =	sld [smem:$0x3F9D]  }
0x2a: {  	p0 =	seq.s32 s5, $0x0;
	s5 =	sld [smem:$0x3F9E]  }
0x2b: {  	s6 =	sld [smem:$0x3F9F]  }
0x2c: {  	s7 =	sld [smem:$0x3FA0]  }
0x2d: {  	s3 =	simm.s32 $0x108;
	s8 =	sld [smem:$0x3FA1]  }
0x2e: {  	s3 =	simm.s32 @!p0 $0x1082;
	s9 =	sld [smem:$0x3FA2]  }
0x2f: {  	lr =	sadd.s32 s0, s3;
	s0 =	sld [smem:$0x3F99]  }
0x30: {  	s3 =	sld [smem:$0x3F9C]  }
0x31: {  	[smem:$0x3FA5] =	sst s10  }
0x32: {  	s10 =	sld [smem:$0x3FA3];
	_ =	sdelay $0x3  }
0x33: {  	p0 =	seq.s32 s10, $0x1;
	s10 =	sld [smem:$0x3FA5];
	_ =	sdelay $0x3  }
0x34: {  	[smem:$0x3FA5] =	sst s10  }
0x35: {  	s10 =	sld [smem:$0x3FA4];
	_ =	sdelay $0x3  }
0x36: {  	p1 =	seq.s32 s10, $0x1;
	s10 =	sld [smem:$0x3FA5];
	_ =	sdelay $0x3  }
0x37: {  	[smem:$0x3FA5] =	sst s10  }
0x38: {  	s10 =	sld [smem:$0x3FA6]  }
0x39: {  	_ = 	snop;
	(pc) =	sbr.ind lr, $3  }
0x3a: {  	_ = 	snop  }
0x3b: {  	_ = 	snop  }
0x3c: {  	p2 =	seq.s32 s10, $0x1;
	s10 =	sld [smem:$0x3FA5]  }
0x3d: {  	_ =	shalt  }
0x3e: {  	_ =	shalt  }
0x3f: {  	_ =	shalt  }
0x40: {  	_ =	shalt  }
0x41: {  	_ =	shalt  }
0x42: {  	_ =	shalt  }
0x43: {  	_ =	shalt  }
0x44: {  	_ =	shalt  }
0x45: {  	_ =	shalt  }
0x46: {  	_ =	shalt  }
0x47: {  	_ =	shalt  }
0x48: {  	_ =	shalt  }
0x49: {  	_ =	shalt  }
0x4a: {  	_ =	shalt  }
0x4b: {  	_ =	shalt  }
0x4c: {  	_ =	shalt  }
0x4d: {  	_ =	shalt  }
0x4e: {  	_ =	shalt  }
0x4f: {  	_ =	shalt  }
0x50: {  	_ =	shalt  }
0x51: {  	_ =	shalt  }
0x52: {  	_ =	shalt  }
0x53: {  	_ =	shalt  }
0x54: {  	_ =	shalt  }
0x55: {  	_ =	shalt  }
0x56: {  	_ =	shalt  }
0x57: {  	_ =	shalt  }
0x58: {  	_ =	shalt  }
0x59: {  	_ =	shalt  }
0x5a: {  	_ =	shalt  }
0x5b: {  	_ =	shalt  }
0x5c: {  	_ =	shalt  }
0x5d: {  	_ =	shalt  }
0x5e: {  	_ =	shalt  }
0x5f: {  	_ =	shalt  }
0x60: {  	_ =	shalt  }
0x61: {  	_ =	shalt  }
0x62: {  	_ =	shalt  }
0x63: {  	_ =	shalt  }
0x64: {  	_ =	shalt  }
0x65: {  	_ =	shalt  }
0x66: {  	_ =	shalt  }
0x67: {  	_ =	shalt  }
0x68: {  	_ =	shalt  }
0x69: {  	_ =	shalt  }
0x6a: {  	_ =	shalt  }
0x6b: {  	_ =	shalt  }
0x6c: {  	_ =	shalt  }
0x6d: {  	_ =	shalt  }
0x6e: {  	_ =	shalt  }
0x6f: {  	_ =	shalt  }
0x70: {  	_ =	shalt  }
0x71: {  	_ =	shalt  }
0x72: {  	_ =	shalt  }
0x73: {  	_ =	shalt  }
0x74: {  	_ =	shalt  }
0x75: {  	_ =	shalt  }
0x76: {  	_ =	shalt  }
0x77: {  	_ =	shalt  }
0x78: {  	_ =	shalt  }
0x79: {  	_ =	shalt  }
0x7a: {  	_ =	shalt  }
0x7b: {  	_ =	shalt  }
0x7c: {  	_ =	shalt  }
0x7d: {  	_ =	shalt  }
0x7e: {  	_ =	shalt  }
0x7f: {  	_ =	shalt  }
0x80: {  	_ =	shalt  }
0x81: {  	_ =	shalt  }
0x82: {  	_ =	shalt  }
0x83: {  	_ =	shalt  }
0x84: {  	_ =	shalt  }
0x85: {  	_ =	shalt  }
0x86: {  	_ =	shalt  }
0x87: {  	_ =	shalt  }
.Lfunc_end0:
.L_simem_size_0:
called_computation_lowered:
.L_overlay_start_0:
0x88: {  	s0 =	sld [smem:$0x3FD9]  }
0x89: {  	s1 =	sld [smem:$0x3FFE];
	_ =	sdelay $0x3  }
0x8a: {  	s0 =	sadd.s32 s1, s0  }
0x8b: {  	[smem:$0x3FB1] =	sst s0  }
0x8c: {  	_ = 	snop  }
0x8d: {  	s26 =	sld [smem:$0x3FC8]  }
0x8e: {  	s2 =	sld [smem:$0x3FC7]  }
0x8f: {  	s3 =	sld [smem:$0x3FC6]  }
0x90: {  	s7 =	sld [smem:$0x3FC5]  }
0x91: {  	s0 =	sld [smem:$0x3FC3]  }
0x92: {  	s9 =	sld [smem:$0x3FB7]  }
0x93: {  	s10 =	sld [smem:$0x3FB6]  }
0x94: {  	s4 =	sld [smem:$0x3FB5]  }
0x95: {  	s5 =	sld [smem:$0x3FB4]  }
0x96: {  	s6 =	sld [smem:$0x3FB3]  }
0x97: {  	s11 =	sld [smem:$0x3FD0];
	(tm) =	ssettm $0x1  }
0x98: {  	s8 =	sld [smem:$0x3FFB];
	_ =	sdelay $0x3  }
0x99: {  	_ =	strace s8  }
0x9a: {  	s8 =	sld [smem:$0x3FFC];
	_ =	sdelay $0x3  }
0x9b: {  	_ =	strace s8  }
0x9c: {  	s8 =	sld [smem:$0x3FFD];
	_ =	sdelay $0x3  }
0x9d: {  	_ =	strace s8  }
0x9e: {  	_ =	strace $0x8FFFFFFF  }
0x9f: {  	s28 =	sld [smem:$0x3FDB];
	_ =	sdelay $0x1  }
0xa0: {  	s12 =	simm.s32 $_scs_section_size  }
0xa1: {  	s13 =	simm.s32 $_size__tile_task_arg_handler_lowered;
	s14 =	simm.s32 $_tile_task_arg_handler_lowered  }
0xa2: {  	s31 =	simm.s32 $0x1BFF;
	s30 =	sshll.u32 s14, $0x1;
	s12 =	sadd.s32 s12, s28  }
0xa3: {  	s15 =	simm.s32 $0x60;
	s29 =	sshll.u32 s13, $0x1;
	s13 =	sadd.s32 s30, s12  }
0xa4: {  	[timem:s15], [sflag:s31] =	dma.local [hbm:s13], s29  }
0xa5: {  	_ =	swait.ge [sflag:s31], s29  }
0xa6: {  	s16 =	simm.s32 $_tile_overlayer_lowered;
	s8 =	ssub.s32 $0x0, s29;
	[sflag:s31] =	ssyncset.done $0x0  }
0xa7: {  	s17 =	simm.s32 $_size__tile_overlayer_lowered;
	s13 =	sshll.u32 s16, $0x1;
	[sflag:s31] =	ssyncadd.s32 s8  }
0xa8: {  	s19 =	simm.s32 $0x0;
	s18 =	sshll.u32 s17, $0x1;
	s13 =	sadd.s32 s13, s12  }
0xa9: {  	[timem:s19], [sflag:s31] =	dma.local [hbm:s13], s18  }
0xaa: {  	_ =	swait.ge [sflag:s31], s18  }
0xab: {  	s20 =	ssub.s32 $0x0, s18;
	[sflag:s31] =	ssyncset.done $0x0  }
0xac: {  	[sflag:s31] =	ssyncadd.s32 s20;
	_ =	sdelay $0x1  }
0xad: {  	s21 =	simm.s32 $0x1B8B  }
0xae: {  	_ =	swait.ge [sflag:s21], $0x1  }
0xaf: {  	[sflag:s21] =	ssyncset.done $0x0  }
0xb0: {  	s23 =	simm.s32 $0x1B8E;
	s22 =	sld [smem:$0x3FFE];
	[sflag:s21] =	ssyncadd.s32 $0xFFFFFFFF  }
0xb1: {  	s24 =	simm.s32 $execute0_lowered;
	[smem:$0x3FD2] =	sst s23  }
0xb2: {  	s14 =	sshll.u32 s24, $0x1;
	_ =	strace $0x80000046;
	[dreg:$0x1] =	wrdreg $0xFFFFFFFF  }
0xb3: {  	s25 =	simm.s32 $_size_execute0_lowered;
	s12 =	sadd.s32 s12, s14;
	[dreg:$0x0] =	wrdreg $0x0  }
0xb4: {  	s14 =	sshll.u32 s25, $0x1;
	[dreg:$0x2] =	wrdreg s12  }
0xb5: {  	[dreg:$0x3] =	wrdreg s14  }
0xb6: {  	[dreg:$0x4] =	wrdreg $0xC0  }
0xb7: {  	_ =	task [dreg:s19], $0x5FFFF  }
0xb8: {  	[dreg:$0x1] =	wrdreg $0xFFFFFFFF  }
0xb9: {  	[dreg:$0x0] =	wrdreg $0x30  }
0xba: {  	[dreg:$0x2] =	wrdreg $0x0  }
0xbb: {  	[dreg:$0x3] =	wrdreg $0x1F6000  }
0xbc: {  	[dreg:$0x4] =	wrdreg $0x1F6080  }
0xbd: {  	[dreg:$0x5] =	wrdreg $0x1E6000  }
0xbe: {  	[dreg:$0x6] =	wrdreg $0x9  }
0xbf: {  	_ =	task [dreg:s19], $0x7FFFF  }
0xc0: {  	[dreg:$0x1] =	wrdreg $0xFFFFFFFF  }
0xc1: {  	[dreg:$0x0] =	wrdreg $0x60  }
0xc2: {  	[dreg:$0x2] =	wrdreg s9  }
0xc3: {  	[dreg:$0x3] =	wrdreg s10  }
0xc4: {  	[dreg:$0x4] =	wrdreg s7  }
0xc5: {  	[dreg:$0x5] =	wrdreg s22  }
0xc6: {  	[dreg:$0x6] =	wrdreg s11  }
0xc7: {  	[dreg:$0x7] =	wrdreg s26  }
0xc8: {  	[dreg:$0x8] =	wrdreg s2  }
0xc9: {  	[dreg:$0x9] =	wrdreg s3  }
0xca: {  	[dreg:$0xa] =	wrdreg s4  }
0xcb: {  	[dreg:$0xb] =	wrdreg s5  }
0xcc: {  	[dreg:$0xc] =	wrdreg s6  }
0xcd: {  	[dreg:$0xd] =	wrdreg s0  }
0xce: {  	[dreg:$0xe] =	wrdreg $0x1C6000  }
0xcf: {  	[dreg:$0xf] =	wrdreg $0x1D6000  }
0xd0: {  	_ =	task.clear_ibuf [dreg:s19], $0x10FFFF;
	_ =	strace $0x90000046  }
0xd1: {  	s26 =	simm.s32 $0x9;
	_ =	strace $0x80000048  }
0xd2: {  	_ =	swait.ge [sflag:s26], $0x1  }
0xd3: {  	[sflag:s26] =	ssyncadd.s32 $0xFFFFFFFF  }
0xd4: {  	_ =	strace $0x90000048  }
0xd5: {  	_ =	sfence  }
0xd6: {  	s28 =	sld [smem:$0x0];
	_ =	sdelay $0x1  }
0xd7: {  	s29 =	srdreg.scid  }
0xd8: {  	s30 =	sshll.u32 s29, $0xD;
	s31 =	sshrl.u32 s29, $0x2  }
0xd9: {  	s1 =	sand.u32 $0x1, s29;
	s2 =	sand.u32 $0x4000, s30;
	s0 =	sadd.s32 s31, s28  }
0xda: {  	s1 =	sor.u32 s2, s1;
	s0 =	sshll.u32 s0, $0x11  }
0xdb: {  	s0 =	sor.u32 s0, s1  }
0xdc: {  	s0 =	sadd.s32 $0x8F2B, s0  }
0xdd: {  	[sflag:s0] =	ssyncadd.remote.s32 $0x1  }
0xde: {  	_ =	sfence.sel $0xFFFF  }
0xdf: {  	[dreg:$0x0] =	wrdreg $0xFFFFFFFF;
	(pc) =	sbr.abs _section_cstart, $3  }
0xe0: {  	[dreg:$0x1] =	wrdreg $0xFFFFFFFF  }
0xe1: {  	_ =	task.clear_ibuf [dreg:s19], $0x2FFFF;
	_ =	strace $0x9FFFFFFF  }
0xe2: {  	(tm) =	ssettm $0x7FFFFFFF  }
0xe3: {  	_ =	shalt  }
tec
_tile_task_arg_handler_lowered:
.L_overlay_start_1:
0x0: {  	(tag) =	ssettag $0x1  }
0x1: {  	s0 =	rddreg [dreg:$0x0]  }
0x2: {  	s1 =	rddreg [dreg:$0x1]  }
0x3: {  	s2 =	rddreg [dreg:$0x2]  }
0x4: {  	s3 =	rddreg [dreg:$0x3]  }
0x5: {  	s4 =	rddreg [dreg:$0x4]  }
0x6: {  	s5 =	rddreg [dreg:$0x5]  }
0x7: {  	s6 =	rddreg [dreg:$0x6]  }
0x8: {  	s7 =	rddreg [dreg:$0x7]  }
0x9: {  	s8 =	rddreg [dreg:$0x8]  }
0xa: {  	s9 =	rddreg [dreg:$0x9]  }
0xb: {  	s10 =	rddreg [dreg:$0xa]  }
0xc: {  	s11 =	rddreg [dreg:$0xb]  }
0xd: {  	s12 =	rddreg [dreg:$0xc]  }
0xe: {  	s13 =	rddreg [dreg:$0xd]  }
0xf: {  	[smem:s0] =	sst s1  }
0x10: {  	[smem:s0+$0x1] =	sst s2  }
0x11: {  	[smem:s0+$0x2] =	sst s3  }
0x12: {  	[smem:s0+$0x3] =	sst s4  }
0x13: {  	[smem:s0+$0x4] =	sst s5  }
0x14: {  	[smem:s0+$0x5] =	sst s6  }
0x15: {  	[smem:s0+$0x6] =	sst s7  }
0x16: {  	[smem:s0+$0x7] =	sst s8  }
0x17: {  	[smem:s0+$0x8] =	sst s9  }
0x18: {  	[smem:s0+$0x9] =	sst s10  }
0x19: {  	[smem:s0+$0xA] =	sst s11  }
0x1a: {  	[smem:s0+$0xB] =	sst s12  }
0x1b: {  	[smem:s0+$0xC] =	sst s13;
	_ =	shalt  }
.Lfunc_end2:
execute0_lowered:
.L_overlay_start_2:
0x1c: {  	(tag) =	ssettag $0x2  }
0x1d: {  	s0 =	rddreg [dreg:$0x0]  }
0x1e: {  	s1 =	rddreg [dreg:$0x1]  }
0x1f: {  	s23 =	rddreg [dreg:$0x2]  }
0x20: {  	s4 =	rddreg [dreg:$0x3]  }
0x21: {  	s13 =	rddreg [dreg:$0x4]  }
0x22: {  	s14 =	rddreg [dreg:$0x5]  }
0x23: {  	s6 =	rddreg [dreg:$0x6]  }
0x24: {  	s7 =	rddreg [dreg:$0x7]  }
0x25: {  	s20 =	rddreg [dreg:$0x8]  }
0x26: {  	s17 =	rddreg [dreg:$0x9]  }
0x27: {  	s2 =	rddreg [dreg:$0xa]  }
0x28: {  	s5 =	rddreg [dreg:$0xb]  }
0x29: {  	s3 =	rddreg [dreg:$0xc]  }
0x2a: {  	s10 =	rddreg [dreg:$0xd];
	s8 =	simm.s32 $0x0  }
0x2b: {  	[smem:$0x7FF] =	sst s8  }
0x2c: {  	s8 =	sld [smem:$0x0]  }
0x2d: {  	s21 =	sld [smem:$0x1]  }
0x2e: {  	s22 =	sld [smem:$0x2]  }
0x2f: {  	s24 =	sld [smem:$0x3]  }
0x30: {  	[dreg:$0xf] =	wrdreg s8  }
0x31: {  	[dreg:$0x10] =	wrdreg s21  }
0x32: {  	s28 =	stileid.u32;
	s19 =	sadd.s32 $0x5000, s4;
	[dreg:$0x11] =	wrdreg s22  }
0x33: {  	s25 =	sadd.s32 $0x1000, s4;
	s26 =	sadd.s32 $0xF200, s4;
	[dreg:$0xe] =	wrdreg s24  }
0x34: {  	s29 =	sadd.s32 $0xF400, s4;
	_ =	strace $0x80000047;
	[smem:$0x7FC] =	sst s25  }
0x35: {  	s30 =	sadd.s32 $0x16400, s4;
	s31 =	sadd.s32 $0x1D400, s4;
	[smem:$0x7FD] =	sst s26  }
0x36: {  	s11 =	sadd.s32 $0x24400, s4;
	s22 =	sadd.s32 $0x3000, s4;
	[dreg:$0x12] =	wrdreg s29  }
0x37: {  	s21 =	sadd.s32 $0x7000, s4;
	s8 =	simm.s32 $0x0;
	[dreg:$0x13] =	wrdreg s30  }
0x38: {  	v0 =	vimm.f32 $0.0e+00;
	s26 =	sadd.s32 $0x4C400, s4;
	[dreg:$0x14] =	wrdreg s31;
	s4 =	simm.s32 $0x40  }
.LBB3_1:
0x39: {  	p0 =	sne.s32 s4, $0xFC0;
	[tilespmem:s8+$0x10000] =	vst v0;
	s8 =	smov.u32 s4;
	s4 =	sadd.s32 $0x40, s4  }
.Ltmp0:
0x3a: {  	(pc) =	sbr.rel @p0 .LBB3_1-.Ltmp0, $2  }
0x3b: {  	_ =	sdelay $0x2  }
0x3c: {  	s8 =	sshra.s32 s8, $0x2  }
0x3d: {  	[tilespmem:s8+$0x10000] =	vst v0;
	s12 =	sshll.u32 s28, $0xC;
	v63 =	vlaneseq.u32  }
0x3e: {  	s4 =	simm.s32 $0x10000;
	s24 =	sadd.s32 s12, s3;
	[tilespmem:$0x1C480] =	vst v63  }
0x3f: {  	[spmem:s24] =	stream.linear.scatter [tilespmem:s4], [sflag:$0x3], $0x400, $0x38;
	[tilespmem:$0x1F610] =	vst v63  }
0x40: {  	[dreg:$0x15] =	wrdreg s24;
	s24 =	simm.s32 $0x3  }
0x41: {  	s25 =	sor.u32 $0x400, s12;
	_ =	swait.ge [sflag:s24], $0x400  }
0x42: {  	s9 =	sadd.s32 s25, s3;
	[sflag:s24] =	ssyncset.done $0x0  }
0x43: {  	[dreg:$0x16] =	wrdreg s9;
	[sflag:s24] =	ssyncadd.s32 $0xFFFFFC00  }
0x44: {  	[spmem:s9] =	stream.linear.scatter [tilespmem:s4], [sflag:$0x3], $0x400, $0x38;
	[tilespmem:$0x1F610] =	vst v63  }
0x45: {  	s15 =	sor.u32 $0x800, s12;
	_ =	swait.ge [sflag:s24], $0x400  }
0x46: {  	s16 =	sadd.s32 s15, s3;
	[sflag:s24] =	ssyncset.done $0x0  }
0x47: {  	[dreg:$0x17] =	wrdreg s16;
	[sflag:s24] =	ssyncadd.s32 $0xFFFFFC00  }
0x48: {  	[spmem:s16] =	stream.linear.scatter [tilespmem:s4], [sflag:$0x3], $0x400, $0x38;
	[tilespmem:$0x1F610] =	vst v63  }
0x49: {  	s9 =	sor.u32 $0xC00, s12;
	_ =	swait.ge [sflag:s24], $0x400  }
0x4a: {  	s16 =	sadd.s32 s9, s3;
	[sflag:s24] =	ssyncset.done $0x0  }
0x4b: {  	[dreg:$0x18] =	wrdreg s16;
	[sflag:s24] =	ssyncadd.s32 $0xFFFFFC00  }
0x4c: {  	[spmem:s16] =	stream.linear.scatter [tilespmem:s4], [sflag:$0x3], $0x400, $0x38;
	[tilespmem:$0x1F610] =	vst v63  }
0x4d: {  	_ =	swait.ge [sflag:s24], $0x400  }
0x4e: {  	s18 =	sadd.s32 s12, s10;
	[sflag:s24] =	ssyncset.done $0x0  }
0x4f: {  	[dreg:$0x19] =	wrdreg s18;
	[sflag:s24] =	ssyncadd.s32 $0xFFFFFC00  }
0x50: {  	[spmem:s18] =	stream.linear.scatter [tilespmem:s4], [sflag:$0x3], $0x400, $0x38;
	[tilespmem:$0x1F610] =	vst v63  }
0x51: {  	_ =	swait.ge [sflag:s24], $0x400  }
0x52: {  	s8 =	sadd.s32 s25, s10;
	[sflag:s24] =	ssyncset.done $0x0  }
0x53: {  	[dreg:$0x1a] =	wrdreg s8;
	[sflag:s24] =	ssyncadd.s32 $0xFFFFFC00  }
0x54: {  	[spmem:s8] =	stream.linear.scatter [tilespmem:s4], [sflag:$0x3], $0x400, $0x38;
	[tilespmem:$0x1F610] =	vst v63  }
0x55: {  	_ =	swait.ge [sflag:s24], $0x400  }
0x56: {  	s25 =	sadd.s32 s15, s10;
	[sflag:s24] =	ssyncset.done $0x0  }
0x57: {  	[dreg:$0x1b] =	wrdreg s25;
	[sflag:s24] =	ssyncadd.s32 $0xFFFFFC00  }
0x58: {  	[spmem:s25] =	stream.linear.scatter [tilespmem:s4], [sflag:$0x3], $0x400, $0x38;
	[tilespmem:$0x1F610] =	vst v63  }
0x59: {  	_ =	swait.ge [sflag:s24], $0x400  }
0x5a: {  	s9 =	sadd.s32 s9, s10;
	[sflag:s24] =	ssyncset.done $0x0  }
0x5b: {  	[dreg:$0x1c] =	wrdreg s9;
	[sflag:s24] =	ssyncadd.s32 $0xFFFFFC00  }
0x5c: {  	[spmem:s9] =	stream.linear.scatter [tilespmem:s4], [sflag:$0x3], $0x400, $0x38;
	[tilespmem:$0x1F610] =	vst v63  }
0x5d: {  	_ =	swait.ge [sflag:s24], $0x400  }
0x5e: {  	p0 =	sne.s32 s28, $0x0;
	[sflag:s24] =	ssyncset.done $0x0  }
0x5f: {  	v0 =	vimm.f32 @!p0 $0.0e+00;
	[sflag:s24] =	ssyncadd.s32 $0xFFFFFC00  }
0x60: {  	s4 =	simm.s32 @!p0 $0x1C400;
	s8 =	rddreg [dreg:$0xf];
	[tilespmem:$0x1C400] =	vst @!p0 v0  }
0x61: {  	[spmem:s8] =	stream.linear.scatter @!p0 [tilespmem:s4], [sflag:$0x3], $0x80, $0x38;
	[tilespmem:$0x1F610] =	vst v63  }
0x62: {  	s8 =	simm.s32 @!p0 $0x3  }
0x63: {  	s31 =	smul.u32 $0x14000, s28;
	_ =	swait.ge @!p0 [sflag:s8], $0x80  }
0x64: {  	[sflag:s8] =	ssyncset.done @!p0 $0x0  }
0x65: {  	s29 =	sor.u32 $0x800, s31;
	[sflag:s8] =	ssyncadd.s32 @!p0 $0xFFFFFF80  }
0x66: {  	s30 =	sor.u32 $0x1000, s31;
	s16 =	sshll.u32 s28, $0xA;
	s18 =	rddreg [dreg:$0x10];
	[tilespmem:$0x1C400] =	vst @!p0 v0  }
0x67: {  	[spmem:s18] =	stream.linear.scatter @!p0 [tilespmem:s4], [sflag:$0x3], $0x80, $0x38;
	[tilespmem:$0x1F610] =	vst v63  }
0x68: {  	s21 =	sadd.s32 s21, s16;
	s9 =	sshll.u32 s28, $0x7;
	s4 =	sshll.u32 s28, $0x9  }
0x69: {  	s25 =	sadd.s32 s20, s9;
	_ =	swait.ge @!p0 [sflag:s8], $0x80;
	s13 =	sadd.s32 s13, s4  }
0x6a: {  	s20 =	sadd.s32 s17, s9;
	s14 =	sadd.s32 s14, s4;
	[smem:$0x7F5] =	sst s13  }
0x6b: {  	s18 =	sshrl.u32 s31, $0x3;
	s6 =	sadd.s32 s6, s4;
	[smem:$0x7F6] =	sst s14  }
0x6c: {  	s17 =	sadd.s32 s7, s4;
	[sflag:s8] =	ssyncset.done @!p0 $0x0;
	[smem:$0x7F7] =	sst s6  }
0x6d: {  	s9 =	sadd.s32 s0, s18;
	[smem:$0x7F8] =	sst s17;
	[sflag:s8] =	ssyncadd.s32 @!p0 $0xFFFFFF80  }
0x6e: {  	s4 =	sadd.s32 s26, s4;
	s6 =	simm.s32 $0x0;
	[bflag:$0x0] =	sbarrier.arrive $0xFFFF  }
0x6f: {  	[tilespmem:s6], [sflag:$0x3] =	stream.linear.gather [hbm4b:s19+s6], $0x10000, $0x38;
	[tilespmem:$0x1F610] =	vst v63  }
0x70: {  	s26 =	smul.u32 $0x3800, s28;
	s7 =	simm.s32 $0x10400;
	[dreg:$0x1e] =	wrdreg s9  }
0x71: {  	s28 =	simm.s32 $0x0;
	s13 =	sadd.s32 s1, s18;
	[dreg:$0x1d] =	wrdreg s4  }
0x72: {  	s14 =	sadd.s32 s11, s18;
	_ =	swait.ge [sflag:s24], $0x10000;
	[dreg:$0x1f] =	wrdreg s13  }
0x73: {  	s19 =	sor.u32 $0x24000, s16;
	s13 =	simm.s32 $0x11400;
	s17 =	rddreg [dreg:$0x11]  }
0x74: {  	[smem:$0x7F9] =	sst s14;
	[sflag:s24] =	ssyncset.done $0x0;
	s18 =	sadd.s32 s12, s17  }
0x75: {  	s14 =	simm.s32 $0x11C00;
	s4 =	sadd.s32 s15, s17;
	[smem:$0x7FA] =	sst s18  }
0x76: {  	[sflag:s24] =	ssyncadd.s32 $0xFFFF0000;
	s17 =	simm.s32 $0x800;
	[smem:$0x7FB] =	sst s4  }
.LBB3_3:
0x77: {  	s4 =	sshll.u32 s28, $0xB  }
0x78: {  	s4 =	sadd.s32 s31, s4  }
0x79: {  	s4 =	sshrl.u32 s4, $0x3  }
0x7a: {  	s8 =	sadd.s32 s0, s4  }
0x7b: {  	[tilespmem:s7], [sflag:$0x3] =	stream.linear.gather [hbm4b:s8+s6], $0x800, $0x38;
	[tilespmem:$0x1F610] =	vst v63  }
0x7c: {  	_ =	swait.ge [sflag:s24], $0x800  }
0x7d: {  	[sflag:s24] =	ssyncset.done $0x0  }
0x7e: {  	s18 =	sadd.s32 s23, s4;
	[sflag:s24] =	ssyncadd.s32 $0xFFFFF800  }
0x7f: {  	[tilespmem:s13], [sflag:$0x3] =	stream.linear.gather [hbm4b:s18+s6], $0x800, $0x38;
	[tilespmem:$0x1F610] =	vst v63  }
0x80: {  	_ =	swait.ge [sflag:s24], $0x800  }
0x81: {  	[sflag:s24] =	ssyncset.done $0x0  }
0x82: {  	s8 =	simm.s32 $0x0;
	[sflag:s24] =	ssyncadd.s32 $0xFFFFF800  }
0x83: {  	v1 =	vld [tilespmem:s8+$0x10400];
	_ =	sdelay $0x6  }
0x84: {  	v0 =	vld [tilespmem:s8+$0x11400]  }
0x85: {  	s9 =	simm.s32 $0x10;
	s18 =	simm.s32 $0x80;
	v1 =	vld.idx.msk [tilespmem:v1+s6+$0x0], $0xffff  }
.LBB3_4:
0x86: {  	p1 =	sne.s32 s18, $0x1FC0;
	v2 =	vld [tilespmem:s9+$0x10400];
	_ =	sdelay $0x3  }
.Ltmp1:
0x87: {  	(pc) =	sbr.rel @p1 .LBB3_4-.Ltmp1, $3  }
0x88: {  	v1 =	vmul.f32 v1, v0;
	_ =	sdelay $0x1  }
0x89: {  	v0 =	vld [tilespmem:s9+$0x11400];
	[tilespmem:s8+$0x11C00] =	vst v1;
	s8 =	smov.u32 s9  }
0x8a: {  	s9 =	sshra.s32 s18, $0x2;
	s18 =	sadd.s32 $0x40, s18;
	v1 =	vld.idx.msk [tilespmem:v2+s6+$0x0], $0xffff  }
0x8b: {  	v2 =	vld [tilespmem:s9+$0x10400];
	_ =	sdelay $0x4  }
0x8c: {  	v0 =	vmul.f32 v1, v0;
	_ =	sdelay $0x1  }
0x8d: {  	v63 =	vld [tilespmem:s9+$0x11400];
	[tilespmem:s8+$0x11C00] =	vst v0  }
0x8e: {  	v0 =	vld.idx.msk [tilespmem:v2+s6+$0x0], $0xffff;
	_ =	sdelay $0x4  }
0x8f: {  	v0 =	vmul.f32 v0, v63;
	_ =	sdelay $0x1  }
0x90: {  	s18 =	sadd.s32 s11, s4;
	s4 =	simm.s32 $0x0;
	[tilespmem:s9+$0x11C00] =	vst v0  }
0x91: {  	[hbm4b:s18+s4] =	stream.linear.scatter [tilespmem:s14], [sflag:$0x3], $0x800, $0x38;
	[tilespmem:$0x1F610] =	vst v63  }
0x92: {  	s28 =	sadd.s32 $0x1, s28;
	_ =	swait.ge [sflag:s24], $0x800  }
0x93: {  	p1 =	sne.s32 s28, $0x28;
	[sflag:s24] =	ssyncset.done $0x0  }
.Ltmp2:
0x94: {  	[sflag:s24] =	ssyncadd.s32 $0xFFFFF800;
	(pc) =	sbr.rel @p1 .LBB3_3-.Ltmp2, $4  }
0x95: {  	[spmem:s3] =	stream.indirect.scatter.add.f32 [tilespmem:s14], [sflag:$0x3], $0x1, s7, s17, $0xb8;
	[tilespmem:$0x1F610] =	vst v63  }
0x96: {  	_ =	swait.ge [sflag:s24], $0x800  }
0x97: {  	[sflag:s24] =	ssyncset.done $0x0  }
0x98: {  	[sflag:s24] =	ssyncadd.s32 $0xFFFFF800  }
0x99: {  	v0 =	vimm.f32 $0.0e+00  }
.LBB3_7:
0x9a: {  	p1 =	sne.s32 s4, $0x3F0  }
.Ltmp3:
0x9b: {  	_ = 	snop;
	(pc) =	sbr.rel @p1 .LBB3_7-.Ltmp3, $3  }
0x9c: {  	_ =	sdelay $0x1  }
0x9d: {  	s6 =	sand.u32 $0x3F0, s4  }
0x9e: {  	s4 =	sadd.s32 $0x10, s4;
	[tilespmem:s6+$0x15800] =	vst v0  }
0x9f: {  	s4 =	simm.s32 $0x0;
	v0 =	vimm.s32 $0x0  }
.LBB3_9:
0xa0: {  	p1 =	sne.s32 s4, $0x3F0  }
.Ltmp4:
0xa1: {  	_ = 	snop;
	(pc) =	sbr.rel @p1 .LBB3_9-.Ltmp4, $3  }
0xa2: {  	_ =	sdelay $0x1  }
0xa3: {  	s6 =	sand.u32 $0x3F0, s4  }
0xa4: {  	s4 =	sadd.s32 $0x10, s4;
	[tilespmem:s6+$0x14800] =	vst v0  }
0xa5: {  	s6 =	simm.s32 $0x0  }
0xa6: {  	v0 =	vimm.s32 $0x0;
	s4 =	simm.s32 $0x10;
	s6 =	sand.u32 $0x3F0, s6  }
.LBB3_11:
0xa7: {  	p1 =	sne.s32 s4, $0x3F0;
	[tilespmem:s6+$0x15000] =	vst v0;
	s6 =	smov.u32 s4;
	s4 =	sadd.s32 $0x10, s4  }
.Ltmp5:
0xa8: {  	(pc) =	sbr.rel @p1 .LBB3_11-.Ltmp5, $2  }
0xa9: {  	_ =	sdelay $0x2  }
0xaa: {  	s6 =	sand.u32 $0x3F0, s6  }
0xab: {  	[tilespmem:s6+$0x15000] =	vst v0;
	s23 =	simm.s32 $0x0  }
0xac: {  	[tilespmem:s23], [sflag:$0x3] =	stream.linear.gather [hbm4b:s22+s23], $0x10000, $0x38;
	[tilespmem:$0x1F610] =	vst v63  }
0xad: {  	s22 =	simm.s32 $0x3  }
0xae: {  	_ =	swait.ge [sflag:s22], $0x10000  }
0xaf: {  	s4 =	simm.s32 $0x10C00;
	[sflag:s22] =	ssyncset.done $0x0  }
0xb0: {  	s24 =	simm.s32 $0x80;
	s28 =	simm.s32 $0x11C00;
	[sflag:s22] =	ssyncadd.s32 $0xFFFF0000  }
0xb1: {  	[tilespmem:s4], [sflag:$0x3] =	stream.linear.gather [hbm4b:s25+s23], $0x400, $0x38;
	[tilespmem:$0x1F610] =	vst v63  }
0xb2: {  	s31 =	simm.s32 $0x14400;
	s6 =	simm.s32 $0x14C00;
	_ =	swait.ge [sflag:s22], $0x400  }
0xb3: {  	s7 =	simm.s32 $0x15400;
	s13 =	simm.s32 $0x800;
	[sflag:s22] =	ssyncset.done $0x0  }
0xb4: {  	s14 =	simm.s32 $0x0;
	s25 =	simm.s32 $0x400;
	[sflag:s22] =	ssyncadd.s32 $0xFFFFFC00  }
.LBB3_13:
0xb5: {  	s4 =	sshll.u32 s14, $0xB;
	s8 =	sshll.u32 s14, $0x4  }
0xb6: {  	s9 =	smul.u32 $0xAB, s14;
	s4 =	sand.u32 $0x4000, s4;
	s8 =	sand.u32 $0x70, s8  }
0xb7: {  	s4 =	sor.u32 s8, s4  }
0xb8: {  	s9 =	sshrl.u32 s9, $0x9;
	s4 =	sadd.s32 s4, s21  }
0xb9: {  	[tilespmem:s28], [sflag:$0x3] =	stream.strided.gather [hbm4b:s4+s24], $0x400, s25, s24, $0x38;
	[tilespmem:$0x1F610] =	vst v63  }
0xba: {  	s17 =	sand.u32 $0x7F, s9;
	_ =	swait.ge [sflag:s22], $0x400  }
0xbb: {  	s8 =	smul.u32 $0x3, s17;
	[sflag:s22] =	ssyncset.done $0x0  }
0xbc: {  	s18 =	simm.s32 $0x0;
	[sflag:s22] =	ssyncadd.s32 $0xFFFFFC00  }
0xbd: {  	s8 =	ssub.s32 s14, s8;
	v3 =	vld [tilespmem:s18+$0x10C00]  }
0xbe: {  	s8 =	sand.u32 $0xFF, s8  }
0xbf: {  	s8 =	sshll.u32 s8, $0x8  }
0xc0: {  	s4 =	sor.u32 s8, s17  }
0xc1: {  	s4 =	sadd.s32 $0xFFFFFEFF, s4  }
0xc2: {  	v0 =	vmov s4;
	v1 =	vadd.s32 $0xFFFFFEFF, v3  }
0xc3: {  	v4 =	vadd.s32 v0, v3;
	vm0 =	vgt.s32 v1, $0x0  }
0xc4: {  	v2 =	vld [tilespmem:s18+$0x11C00];
	s17 =	simm.s32 $0x10;
	vm15 =	vgt.s32 v4, $0x0;
	v5 =	vnsel vm0, $0x0, v1  }
0xc5: {  	v1 =	vld [tilespmem:s17+$0x10C00];
	v4 =	vnsel vm15, $0x0, v4;
	v5 =	vmin.u32 v5, $0xFFFF  }
0xc6: {  	s4 =	simm.s32 $0x80;
	v3 =	vld.idx.msk [tilespmem:v3+s23+$0x0], $0xffff;
	v4 =	vmin.u32 v4, $0xFFFF;
	[tilespmem:s18+$0x14400] =	vst v5  }
.LBB3_14:
0xc7: {  	p1 =	sne.s32 s4, $0xFC0;
	[tilespmem:s18+$0x14C00] =	vst v4;
	_ =	sdelay $0x2  }
0xc8: {  	v2 =	vmul.f32 $5.000000000e-01, v2;
	v4 =	vmov v1  }
.Ltmp6:
0xc9: {  	v1 =	vadd.s32 $0xFFFFFEFF, v4;
	(pc) =	sbr.rel @p1 .LBB3_14-.Ltmp6, $4  }
0xca: {  	v5 =	vadd.s32 v0, v4;
	v3 =	vmul.f32 v2, v3;
	vm0 =	vgt.s32 v1, $0x0  }
0xcb: {  	s8 =	sshra.s32 s4, $0x2;
	v6 =	vnsel vm0, $0x0, v1;
	vm0 =	vgt.s32 v5, $0x0;
	v2 =	vld [tilespmem:s17+$0x11C00]  }
0xcc: {  	v1 =	vld [tilespmem:s8+$0x10C00];
	v6 =	vmin.u32 v6, $0xFFFF;
	v5 =	vnsel vm0, $0x0, v5;
	[tilespmem:s18+$0x15400] =	vst v3;
	s18 =	smov.u32 s17;
	s17 =	smov.u32 s8  }
0xcd: {  	s4 =	sadd.s32 $0x40, s4;
	v3 =	vld.idx.msk [tilespmem:v4+s23+$0x0], $0xffff;
	v4 =	vmin.u32 v5, $0xFFFF;
	[tilespmem:s18+$0x14400] =	vst v6  }
0xce: {  	_ =	sdelay $0x1  }
0xcf: {  	v2 =	vmul.f32 $5.000000000e-01, v2;
	_ =	sdelay $0x1  }
0xd0: {  	[tilespmem:s18+$0x14C00] =	vst v4;
	v2 =	vmul.f32 v2, v3  }
0xd1: {  	v60 =	vld [tilespmem:s17+$0x11C00]  }
0xd2: {  	[tilespmem:s18+$0x15400] =	vst v2  }
0xd3: {  	v2 =	vld.idx.msk [tilespmem:v1+s23+$0x0], $0xffff  }
0xd4: {  	v0 =	vadd.s32 v0, v1  }
0xd5: {  	v61 =	vadd.s32 $0xFFFFFEFF, v1;
	vm15 =	vgt.s32 v0, $0x0  }
0xd6: {  	vm0 =	vgt.s32 v61, $0x0;
	v0 =	vnsel vm15, $0x0, v0;
	v3 =	vmul.f32 $5.000000000e-01, v60  }
0xd7: {  	s4 =	sshll.u32 s14, $0xE;
	v62 =	vnsel vm0, $0x0, v61;
	v0 =	vmin.u32 v0, $0xFFFF  }
0xd8: {  	s4 =	sor.u32 s16, s4;
	v1 =	vmin.u32 v62, $0xFFFF;
	[tilespmem:s17+$0x14C00] =	vst v0;
	v63 =	vmul.f32 v3, v2  }
0xd9: {  	s8 =	rddreg [dreg:$0x12];
	s4 =	sshrl.u32 s4, $0x3;
	[tilespmem:s17+$0x14400] =	vst v1  }
0xda: {  	s8 =	sadd.s32 s8, s4;
	[tilespmem:s17+$0x15400] =	vst v63  }
0xdb: {  	[hbm4b:s8+s23] =	stream.linear.scatter [tilespmem:s31], [sflag:$0x3], $0x400, $0x38;
	[tilespmem:$0x1F610] =	vst v63  }
0xdc: {  	_ =	swait.ge [sflag:s22], $0x400  }
0xdd: {  	[sflag:s22] =	ssyncset.done $0x0;
	s17 =	rddreg [dreg:$0x13]  }
0xde: {  	[sflag:s22] =	ssyncadd.s32 $0xFFFFFC00;
	s8 =	sadd.s32 s17, s4  }
0xdf: {  	[hbm4b:s8+s23] =	stream.linear.scatter [tilespmem:s6], [sflag:$0x3], $0x400, $0x38;
	[tilespmem:$0x1F610] =	vst v63  }
0xe0: {  	_ =	swait.ge [sflag:s22], $0x400  }
0xe1: {  	[sflag:s22] =	ssyncset.done $0x0;
	s18 =	rddreg [dreg:$0x14]  }
0xe2: {  	[sflag:s22] =	ssyncadd.s32 $0xFFFFFC00;
	s4 =	sadd.s32 s18, s4  }
0xe3: {  	[hbm4b:s4+s23] =	stream.linear.scatter [tilespmem:s7], [sflag:$0x3], $0x400, $0x38;
	[tilespmem:$0x1F610] =	vst v63  }
0xe4: {  	_ =	swait.ge [sflag:s22], $0x400  }
0xe5: {  	[sflag:s22] =	ssyncset.done $0x0  }
0xe6: {  	[sflag:s22] =	ssyncadd.s32 $0xFFFFFC00  }
0xe7: {  	[spmem:s10] =	stream.indirect.scatter.add.f32 [tilespmem:s7], [sflag:$0x3], $0x1, s31, s13, $0xb8;
	[tilespmem:$0x1F610] =	vst v63  }
0xe8: {  	s14 =	sadd.s32 $0x1, s14;
	_ =	swait.ge [sflag:s22], $0x800  }
0xe9: {  	p1 =	sne.s32 s14, $0x9;
	[sflag:s22] =	ssyncset.done $0x0  }
.Ltmp7:
0xea: {  	[sflag:s22] =	ssyncadd.s32 $0xFFFFF800;
	(pc) =	sbr.rel @p1 .LBB3_13-.Ltmp7, $4  }
0xeb: {  	[spmem:s10] =	stream.indirect.scatter.add.f32 [tilespmem:s7], [sflag:$0x3], $0x1, s6, s13, $0xb8;
	[tilespmem:$0x1F610] =	vst v63  }
0xec: {  	_ =	swait.ge [sflag:s22], $0x800  }
0xed: {  	[sflag:s22] =	ssyncset.done $0x0  }
0xee: {  	[sflag:s22] =	ssyncadd.s32 $0xFFFFF800  }
0xef: {  	s4 =	sld [smem:$0x7FC];
	_ =	sdelay $0x1  }
0xf0: {  	s6 =	simm.s32 $0x0;
	s7 =	simm.s32 $0x3  }
0xf1: {  	[tilespmem:s6], [sflag:$0x3] =	stream.linear.gather [hbm4b:s4+s6], $0x10000, $0x38;
	[tilespmem:$0x1F610] =	vst v63  }
0xf2: {  	s28 =	simm.s32 $0x10C00;
	_ =	swait.ge [sflag:s7], $0x10000  }
0xf3: {  	s13 =	simm.s32 $0x80;
	s14 =	simm.s32 $0x400;
	[sflag:s7] =	ssyncset.done $0x0  }
0xf4: {  	s18 =	simm.s32 $0x11C00;
	s21 =	simm.s32 $0x14400;
	[sflag:s7] =	ssyncadd.s32 $0xFFFF0000  }
0xf5: {  	[tilespmem:s28], [sflag:$0x3] =	stream.linear.gather [hbm4b:s20+s6], $0x400, $0x38;
	[tilespmem:$0x1F610] =	vst v63  }
0xf6: {  	s22 =	simm.s32 $0x14C00;
	s23 =	simm.s32 $0x15400;
	_ =	swait.ge [sflag:s7], $0x400  }
0xf7: {  	s24 =	simm.s32 $0x800;
	s25 =	simm.s32 $0x0;
	[sflag:s7] =	ssyncset.done $0x0  }
0xf8: {  	s20 =	simm.s32 $0x10400;
	s31 =	rddreg [dreg:$0x12];
	[sflag:s7] =	ssyncadd.s32 $0xFFFFFC00  }
.LBB3_17:
0xf9: {  	s4 =	sshll.u32 s25, $0x4  }
0xfa: {  	s4 =	sadd.s32 s16, s4  }
0xfb: {  	s8 =	sadd.s32 s5, s4  }
0xfc: {  	[tilespmem:s18], [sflag:$0x3] =	stream.strided.gather [hbm4b:s8+s13], $0x400, s14, s13, $0x38;
	[tilespmem:$0x1F610] =	vst v63  }
0xfd: {  	_ =	swait.ge [sflag:s7], $0x400  }
0xfe: {  	[sflag:s7] =	ssyncset.done $0x0  }
0xff: {  	s4 =	sadd.s32 s2, s4;
	[sflag:s7] =	ssyncadd.s32 $0xFFFFFC00  }
0x100: {  	[tilespmem:s20], [sflag:$0x3] =	stream.strided.gather [hbm4b:s4+s13], $0x400, s14, s13, $0x38;
	[tilespmem:$0x1F610] =	vst v63  }
0x101: {  	_ =	swait.ge [sflag:s7], $0x400  }
0x102: {  	[sflag:s7] =	ssyncset.done $0x0  }
0x103: {  	s8 =	simm.s32 $0x0;
	[sflag:s7] =	ssyncadd.s32 $0xFFFFFC00  }
0x104: {  	v3 =	vld [tilespmem:s8+$0x10C00];
	_ =	sdelay $0x3  }
0x105: {  	v0 =	vld [tilespmem:s8+$0x10400];
	_ =	sdelay $0x2  }
0x106: {  	v1 =	vld [tilespmem:s8+$0x11C00]  }
0x107: {  	s9 =	simm.s32 $0x80;
	s4 =	simm.s32 $0x10;
	v2 =	vld.idx.msk [tilespmem:v3+s6+$0x0], $0xffff;
	[tilespmem:s8+$0x14400] =	vst v3  }
.LBB3_18:
0x108: {  	p1 =	sne.s32 s9, $0xFC0;
	v3 =	vld [tilespmem:s4+$0x10C00];
	[tilespmem:s8+$0x14C00] =	vst v0;
	_ =	sdelay $0x2  }
0x109: {  	v1 =	vmul.f32 $5.000000000e-01, v1  }
.Ltmp8:
0x10a: {  	v0 =	vld [tilespmem:s4+$0x10400];
	(pc) =	sbr.rel @p1 .LBB3_18-.Ltmp8, $3  }
0x10b: {  	v2 =	vmul.f32 v1, v2;
	_ =	sdelay $0x1  }
0x10c: {  	v1 =	vld [tilespmem:s4+$0x11C00];
	[tilespmem:s8+$0x15400] =	vst v2;
	s8 =	smov.u32 s4  }
0x10d: {  	s4 =	sshra.s32 s9, $0x2;
	s9 =	sadd.s32 $0x40, s9;
	v2 =	vld.idx.msk [tilespmem:v3+s6+$0x0], $0xffff;
	[tilespmem:s8+$0x14400] =	vst v3  }
0x10e: {  	v3 =	vld [tilespmem:s4+$0x10C00];
	_ =	sdelay $0x2  }
0x10f: {  	v1 =	vmul.f32 $5.000000000e-01, v1;
	_ =	sdelay $0x1  }
0x110: {  	[tilespmem:s8+$0x14C00] =	vst v0;
	v1 =	vmul.f32 v1, v2  }
0x111: {  	v63 =	vld [tilespmem:s4+$0x11C00]  }
0x112: {  	v0 =	vld [tilespmem:s4+$0x10400];
	[tilespmem:s8+$0x15400] =	vst v1  }
0x113: {  	v1 =	vld.idx.msk [tilespmem:v3+s6+$0x0], $0xffff;
	_ =	sdelay $0x2  }
0x114: {  	v2 =	vmul.f32 $5.000000000e-01, v63  }
0x115: {  	s28 =	sshll.u32 s25, $0xE  }
0x116: {  	s8 =	sadd.s32 s19, s28;
	[tilespmem:s4+$0x14400] =	vst v3;
	v1 =	vmul.f32 v2, v1  }
0x117: {  	[tilespmem:s4+$0x14C00] =	vst v0;
	s8 =	sshrl.u32 s8, $0x3  }
0x118: {  	s9 =	sadd.s32 s31, s8;
	[tilespmem:s4+$0x15400] =	vst v1  }
0x119: {  	[hbm4b:s9+s6] =	stream.linear.scatter [tilespmem:s21], [sflag:$0x3], $0x400, $0x38;
	[tilespmem:$0x1F610] =	vst v63  }
0x11a: {  	_ =	swait.ge [sflag:s7], $0x400  }
0x11b: {  	[sflag:s7] =	ssyncset.done $0x0;
	s17 =	rddreg [dreg:$0x13]  }
0x11c: {  	[sflag:s7] =	ssyncadd.s32 $0xFFFFFC00;
	s4 =	sadd.s32 s17, s8  }
0x11d: {  	[hbm4b:s4+s6] =	stream.linear.scatter [tilespmem:s22], [sflag:$0x3], $0x400, $0x38;
	[tilespmem:$0x1F610] =	vst v63  }
0x11e: {  	_ =	swait.ge [sflag:s7], $0x400  }
0x11f: {  	[sflag:s7] =	ssyncset.done $0x0;
	s28 =	rddreg [dreg:$0x14]  }
0x120: {  	[sflag:s7] =	ssyncadd.s32 $0xFFFFFC00;
	s4 =	sadd.s32 s28, s8  }
0x121: {  	[hbm4b:s4+s6] =	stream.linear.scatter [tilespmem:s23], [sflag:$0x3], $0x400, $0x38;
	[tilespmem:$0x1F610] =	vst v63  }
0x122: {  	_ =	swait.ge [sflag:s7], $0x400  }
0x123: {  	[sflag:s7] =	ssyncset.done $0x0  }
0x124: {  	[sflag:s7] =	ssyncadd.s32 $0xFFFFFC00  }
0x125: {  	[spmem:s10] =	stream.indirect.scatter.add.f32 [tilespmem:s23], [sflag:$0x3], $0x1, s21, s24, $0xb8;
	[tilespmem:$0x1F610] =	vst v63  }
0x126: {  	s25 =	sadd.s32 $0x1, s25;
	_ =	swait.ge [sflag:s7], $0x800  }
0x127: {  	p1 =	sne.s32 s25, $0x5;
	[sflag:s7] =	ssyncset.done $0x0  }
.Ltmp9:
0x128: {  	[sflag:s7] =	ssyncadd.s32 $0xFFFFF800;
	(pc) =	sbr.rel @p1 .LBB3_17-.Ltmp9, $4  }
0x129: {  	[spmem:s10] =	stream.indirect.scatter.add.f32 [tilespmem:s23], [sflag:$0x3], $0x1, s22, s24, $0xb8;
	[tilespmem:$0x1F610] =	vst v63  }
0x12a: {  	_ =	swait.ge [sflag:s7], $0x800  }
0x12b: {  	[sflag:s7] =	ssyncset.done $0x0  }
0x12c: {  	[sflag:s7] =	ssyncadd.s32 $0xFFFFF800  }
0x12d: {  	s5 =	sld [smem:$0x7FD];
	_ =	sdelay $0x1  }
0x12e: {  	s2 =	simm.s32 $0x0;
	s4 =	simm.s32 $0x1C580;
	s23 =	simm.s32 $0x3  }
0x12f: {  	[tilespmem:s4], [sflag:$0x3] =	stream.linear.gather [hbm4b:s5+s2], $0x80, $0x38;
	[tilespmem:$0x1F610] =	vst v63  }
0x130: {  	_ =	swait.ge [sflag:s23], $0x80  }
0x131: {  	s6 =	sld [smem:$0x7F5]  }
0x132: {  	[sflag:s23] =	ssyncset.done $0x0  }
0x133: {  	s24 =	simm.s32 $0x19400;
	[sflag:s23] =	ssyncadd.s32 $0xFFFFFF80  }
0x134: {  	[tilespmem:s24], [sflag:$0x3] =	stream.linear.gather [hbm4b:s6+s2], $0x1000, $0x38;
	[tilespmem:$0x1F610] =	vst v63  }
0x135: {  	_ =	swait.ge [sflag:s23], $0x1000  }
0x136: {  	s28 =	sld [smem:$0x7F6]  }
0x137: {  	[sflag:s23] =	ssyncset.done $0x0  }
0x138: {  	s25 =	simm.s32 $0x1B400;
	[sflag:s23] =	ssyncadd.s32 $0xFFFFF000  }
0x139: {  	[tilespmem:s25], [sflag:$0x3] =	stream.linear.gather [hbm4b:s28+s2], $0x1000, $0x38;
	[tilespmem:$0x1F610] =	vst v63  }
0x13a: {  	_ =	swait.ge [sflag:s23], $0x1000  }
0x13b: {  	[sflag:s23] =	ssyncset.done $0x0  }
0x13c: {  	s2 =	simm.s32 $0x0;
	[sflag:s23] =	ssyncadd.s32 $0xFFFFF000  }
0x13d: {  	v0 =	vld [tilespmem:s2+$0x19400]  }
0x13e: {  	s4 =	simm.s32 $0x40;
	v1 =	vld [tilespmem:s2+$0x1B400]  }
.LBB3_21:
0x13f: {  	_ = 	snop  }
0x140: {  	p1 =	sne.s32 s4, $0x3FC0  }
.Ltmp10:
0x141: {  	_ = 	snop;
	(pc) =	sbr.rel @p1 .LBB3_21-.Ltmp10, $4  }
0x142: {  	_ = 	snop  }
0x143: {  	s5 =	sshra.s32 s4, $0x2;
	v2 =	vmul.f32 v1, v0  }
0x144: {  	v0 =	vld [tilespmem:s5+$0x19400]  }
0x145: {  	s4 =	sadd.s32 $0x40, s4;
	v1 =	vld [tilespmem:s5+$0x1B400];
	[tilespmem:s2+$0x1A400] =	vst v2;
	s2 =	smov.u32 s5  }
0x146: {  	_ =	sdelay $0x3  }
0x147: {  	s5 =	sld [smem:$0x7F7];
	v0 =	vmul.f32 v1, v0;
	_ =	sdelay $0x1  }
0x148: {  	s25 =	simm.s32 $0x0;
	s4 =	simm.s32 $0x19400;
	s28 =	simm.s32 $0x3;
	[tilespmem:s2+$0x1A400] =	vst v0  }
0x149: {  	[tilespmem:s4], [sflag:$0x3] =	stream.linear.gather [hbm4b:s5+s25], $0x1000, $0x38;
	[tilespmem:$0x1F610] =	vst v63  }
0x14a: {  	_ =	swait.ge [sflag:s28], $0x1000  }
0x14b: {  	[sflag:s28] =	ssyncset.done $0x0  }
0x14c: {  	[sflag:s28] =	ssyncadd.s32 $0xFFFFF000  }
0x14d: {  	s2 =	simm.s32 $0x0;
	v0 =	vld [tilespmem:$0x1C580]  }
0x14e: {  	v1 =	vld [tilespmem:s2+$0x19400];
	_ =	sdelay $0x1  }
0x14f: {  	v2 =	vld [tilespmem:s2+$0x1A400];
	_ =	sdelay $0x2  }
0x150: {  	v1 =	vmul.f32 v1, v0;
	_ =	sdelay $0x1  }
0x151: {  	s5 =	simm.s32 $0x10;
	s4 =	simm.s32 $0x80;
	s22 =	rddreg [dreg:$0x13];
	v1 =	vadd.f32 v1, v2  }
.LBB3_23:
0x152: {  	p1 =	sne.s32 s4, $0x3FC0;
	v2 =	vld [tilespmem:s5+$0x19400]  }
0x153: {  	[tilespmem:s2+$0x1A400] =	vst v1;
	s2 =	smov.u32 s5  }
0x154: {  	v1 =	vld [tilespmem:s2+$0x1A400]  }
.Ltmp11:
0x155: {  	(pc) =	sbr.rel @p1 .LBB3_23-.Ltmp11, $3  }
0x156: {  	_ = 	snop  }
0x157: {  	v2 =	vmul.f32 v2, v0;
	_ =	sdelay $0x1  }
0x158: {  	s5 =	sshra.s32 s4, $0x2;
	s4 =	sadd.s32 $0x40, s4;
	v1 =	vadd.f32 v2, v1  }
0x159: {  	v2 =	vld [tilespmem:s5+$0x19400]  }
0x15a: {  	[tilespmem:s2+$0x1A400] =	vst v1  }
0x15b: {  	v1 =	vld [tilespmem:s5+$0x1A400];
	_ =	sdelay $0x2  }
0x15c: {  	v0 =	vmul.f32 v2, v0;
	_ =	sdelay $0x1  }
0x15d: {  	s25 =	sld [smem:$0x7F8];
	v0 =	vadd.f32 v0, v1;
	_ =	sdelay $0x1  }
0x15e: {  	s24 =	simm.s32 $0x0;
	s4 =	simm.s32 $0x19400;
	s28 =	simm.s32 $0x3;
	[tilespmem:s5+$0x1A400] =	vst v0  }
0x15f: {  	[tilespmem:s4], [sflag:$0x3] =	stream.linear.gather [hbm4b:s25+s24], $0x1000, $0x38;
	[tilespmem:$0x1F610] =	vst v63  }
0x160: {  	_ =	swait.ge [sflag:s28], $0x1000  }
0x161: {  	[sflag:s28] =	ssyncset.done $0x0  }
0x162: {  	s2 =	simm.s32 $0x0;
	[sflag:s28] =	ssyncadd.s32 $0xFFFFF000  }
0x163: {  	v1 =	vld [tilespmem:s2+$0x1A400]  }
0x164: {  	v2 =	vld [tilespmem:s2+$0x19400]  }
0x165: {  	v0 =	vimm.f32 $0.0e+00  }
0x166: {  	s4 =	simm.s32 $0x40;
	[tilespmem:s2+$0x16400] =	vst v0  }
.LBB3_25:
0x167: {  	p1 =	sne.s32 s4, $0x3FC0  }
.Ltmp12:
0x168: {  	s5 =	sshra.s32 s4, $0x2;
	(pc) =	sbr.rel @p1 .LBB3_25-.Ltmp12, $4  }
0x169: {  	s4 =	sadd.s32 $0x40, s4;
	[tilespmem:s5+$0x16400] =	vst v0;
	v3 =	vmul.f32 v2, v1;
	v1 =	vld [tilespmem:s5+$0x1A400]  }
0x16a: {  	v2 =	vld [tilespmem:s5+$0x19400]  }
0x16b: {  	[tilespmem:s2+$0x18400] =	vst v3  }
0x16c: {  	[tilespmem:s2+$0x17400] =	vst v3;
	s2 =	smov.u32 s5  }
0x16d: {  	_ =	sdelay $0x1  }
0x16e: {  	v0 =	vmul.f32 v2, v1;
	_ =	sdelay $0x1  }
0x16f: {  	[tilespmem:s2+$0x18400] =	vst v0  }
0x170: {  	[tilespmem:s2+$0x17400] =	vst v0  }
0x171: {  	[bflag:$0x0] =	sbarrier.arrive $0xFFFF  }
0x172: {  	s24 =	simm.s32 $0x1B400;
	s25 =	simm.s32 $0x3;
	s4 =	rddreg [dreg:$0x15]  }
0x173: {  	[tilespmem:s24], [sflag:$0x3] =	stream.linear.gather [spmem:s4], $0x1000, $0x38;
	[tilespmem:$0x1F610] =	vst v63  }
0x174: {  	_ =	swait.ge [sflag:s25], $0x1000  }
0x175: {  	[sflag:s25] =	ssyncset.done $0x0  }
0x176: {  	s28 =	simm.s32 $0x19400;
	s5 =	rddreg [dreg:$0x19];
	[sflag:s25] =	ssyncadd.s32 $0xFFFFF000  }
0x177: {  	[tilespmem:s28], [sflag:$0x3] =	stream.linear.gather [spmem:s5], $0x1000, $0x38;
	[tilespmem:$0x1F610] =	vst v63  }
0x178: {  	_ =	swait.ge [sflag:s25], $0x1000  }
0x179: {  	[sflag:s25] =	ssyncset.done $0x0  }
0x17a: {  	s2 =	simm.s32 $0x0;
	[sflag:s25] =	ssyncadd.s32 $0xFFFFF000  }
0x17b: {  	s4 =	simm.s32 $0x40;
	v0 =	vld [tilespmem:s2+$0x19400]  }
.LBB3_27:
0x17c: {  	p1 =	sne.s32 s4, $0x3FC0;
	v1 =	vld [tilespmem:s2+$0x1A400];
	_ =	sdelay $0x2  }
.Ltmp13:
0x17d: {  	(pc) =	sbr.rel @p1 .LBB3_27-.Ltmp13, $4  }
0x17e: {  	_ = 	snop  }
0x17f: {  	v1 =	vadd.f32 v0, v1  }
0x180: {  	s5 =	sshra.s32 s4, $0x2  }
0x181: {  	s4 =	sadd.s32 $0x40, s4;
	v0 =	vld [tilespmem:s5+$0x19400];
	[tilespmem:s2+$0x1A400] =	vst v1;
	s2 =	smov.u32 s5  }
0x182: {  	v1 =	vld [tilespmem:s2+$0x1A400];
	_ =	sdelay $0x4  }
0x183: {  	v0 =	vadd.f32 v0, v1;
	_ =	sdelay $0x1  }
0x184: {  	s17 =	simm.s32 $0x10000;
	s4 =	rddreg [dreg:$0x15];
	s18 =	simm.s32 $0x3;
	[tilespmem:s2+$0x1A400] =	vst v0  }
0x185: {  	[spmem:s4] =	stream.linear.scatter [tilespmem:s17], [sflag:$0x3], $0x400, $0x38;
	[tilespmem:$0x1F610] =	vst v63  }
0x186: {  	_ =	swait.ge [sflag:s18], $0x400  }
0x187: {  	[sflag:s18] =	ssyncset.done $0x0  }
0x188: {  	s5 =	rddreg [dreg:$0x16];
	[sflag:s18] =	ssyncadd.s32 $0xFFFFFC00  }
0x189: {  	[spmem:s5] =	stream.linear.scatter [tilespmem:s17], [sflag:$0x3], $0x400, $0x38;
	[tilespmem:$0x1F610] =	vst v63  }
0x18a: {  	_ =	swait.ge [sflag:s18], $0x400  }
0x18b: {  	[sflag:s18] =	ssyncset.done $0x0  }
0x18c: {  	s19 =	rddreg [dreg:$0x17];
	[sflag:s18] =	ssyncadd.s32 $0xFFFFFC00  }
0x18d: {  	[spmem:s19] =	stream.linear.scatter [tilespmem:s17], [sflag:$0x3], $0x400, $0x38;
	[tilespmem:$0x1F610] =	vst v63  }
0x18e: {  	_ =	swait.ge [sflag:s18], $0x400  }
0x18f: {  	[sflag:s18] =	ssyncset.done $0x0  }
0x190: {  	s20 =	rddreg [dreg:$0x18];
	[sflag:s18] =	ssyncadd.s32 $0xFFFFFC00  }
0x191: {  	[spmem:s20] =	stream.linear.scatter [tilespmem:s17], [sflag:$0x3], $0x400, $0x38;
	[tilespmem:$0x1F610] =	vst v63  }
0x192: {  	_ =	swait.ge [sflag:s18], $0x400  }
0x193: {  	[sflag:s18] =	ssyncset.done $0x0  }
0x194: {  	s21 =	rddreg [dreg:$0x19];
	[sflag:s18] =	ssyncadd.s32 $0xFFFFFC00  }
0x195: {  	[spmem:s21] =	stream.linear.scatter [tilespmem:s17], [sflag:$0x3], $0x400, $0x38;
	[tilespmem:$0x1F610] =	vst v63  }
0x196: {  	_ =	swait.ge [sflag:s18], $0x400  }
0x197: {  	[sflag:s18] =	ssyncset.done $0x0  }
0x198: {  	s23 =	rddreg [dreg:$0x1a];
	[sflag:s18] =	ssyncadd.s32 $0xFFFFFC00  }
0x199: {  	[spmem:s23] =	stream.linear.scatter [tilespmem:s17], [sflag:$0x3], $0x400, $0x38;
	[tilespmem:$0x1F610] =	vst v63  }
0x19a: {  	_ =	swait.ge [sflag:s18], $0x400  }
0x19b: {  	[sflag:s18] =	ssyncset.done $0x0  }
0x19c: {  	s24 =	rddreg [dreg:$0x1b];
	[sflag:s18] =	ssyncadd.s32 $0xFFFFFC00  }
0x19d: {  	[spmem:s24] =	stream.linear.scatter [tilespmem:s17], [sflag:$0x3], $0x400, $0x38;
	[tilespmem:$0x1F610] =	vst v63  }
0x19e: {  	_ =	swait.ge [sflag:s18], $0x400  }
0x19f: {  	[sflag:s18] =	ssyncset.done $0x0  }
0x1a0: {  	s25 =	rddreg [dreg:$0x1c];
	[sflag:s18] =	ssyncadd.s32 $0xFFFFFC00  }
0x1a1: {  	[spmem:s25] =	stream.linear.scatter [tilespmem:s17], [sflag:$0x3], $0x400, $0x38;
	[tilespmem:$0x1F610] =	vst v63  }
0x1a2: {  	_ =	swait.ge [sflag:s18], $0x400  }
0x1a3: {  	[sflag:s18] =	ssyncset.done $0x0  }
0x1a4: {  	s28 =	simm.s32 $0x0;
	[sflag:s18] =	ssyncadd.s32 $0xFFFFFC00  }
0x1a5: {  	v1 =	vld [tilespmem:s28+$0x17400]  }
0x1a6: {  	v0 =	vimm.f32 $0.0e+00;
	s2 =	simm.s32 $0x40  }
.LBB3_29:
0x1a7: {  	p1 =	sne.s32 s2, $0x3FC0  }
.Ltmp14:
0x1a8: {  	_ = 	snop;
	(pc) =	sbr.rel @p1 .LBB3_29-.Ltmp14, $4  }
0x1a9: {  	_ = 	snop  }
0x1aa: {  	s4 =	sshra.s32 s2, $0x2;
	s2 =	sadd.s32 $0x40, s2;
	v2 =	vmul.f32 v1, v1  }
0x1ab: {  	v1 =	vld [tilespmem:s4+$0x17400]  }
0x1ac: {  	v0 =	vadd.f32 v2, v0  }
0x1ad: {  	_ =	sdelay $0x2  }
0x1ae: {  	v1 =	vmul.f32 v1, v1;
	_ =	sdelay $0x1  }
0x1af: {  	v0 =	vadd.f32 v1, v0  }
0x1b0: {  	s4 =	simm.s32 $0x10;
	s5 =	simm.s32 $0x1C480  }
0x1b1: {  	s6 =	simm.s32 $0x1C400;
	s2 =	rddreg [dreg:$0x10];
	s19 =	simm.s32 $0x3;
	[tilespmem:$0x1C400] =	vst v0  }
0x1b2: {  	[spmem:s2] =	stream.indirect.scatter.add.f32 [tilespmem:s6], [sflag:$0x3], $0x1, s5, s4, $0xb8;
	[tilespmem:$0x1F610] =	vst v63  }
0x1b3: {  	_ =	swait.ge [sflag:s19], $0x10  }
0x1b4: {  	s23 =	sld [smem:$0x7FA]  }
0x1b5: {  	[sflag:s19] =	ssyncset.done $0x0  }
0x1b6: {  	s21 =	simm.s32 $0x18400;
	[sflag:s19] =	ssyncadd.s32 $0xFFFFFFF0  }
0x1b7: {  	[spmem:s23] =	stream.linear.scatter [tilespmem:s21], [sflag:$0x3], $0x1000, $0x38;
	[tilespmem:$0x1F610] =	vst v63  }
0x1b8: {  	_ =	swait.ge [sflag:s19], $0x1000  }
0x1b9: {  	[sflag:s19] =	ssyncset.done $0x0  }
0x1ba: {  	[sflag:s19] =	ssyncadd.s32 $0xFFFFF000  }
0x1bb: {  	s24 =	simm.s32 $0x1C500;
	[bflag:$0x0] =	sbarrier.arrive $0xFFFF  }
0x1bc: {  	[tilespmem:s24], [sflag:$0x3] =	stream.linear.gather [spmem:s2], $0x80, $0x38;
	[tilespmem:$0x1F610] =	vst v63  }
0x1bd: {  	_ =	swait.ge [sflag:s19], $0x80  }
0x1be: {  	[sflag:s19] =	ssyncset.done $0x0  }
0x1bf: {  	[sflag:s19] =	ssyncadd.s32 $0xFFFFFF80  }
0x1c0: {  	v0 =	vld [tilespmem:$0x1C500];
	_ =	sdelay $0x4  }
0x1c1: {  	(xrf2) =	vadd.scan.msk.f32 $0xffff, v0;
	_ =	sdelay $0x6  }
0x1c2: {  	s8 =	simm.s32 $0x11400;
	s7 =	simm.s32 $0x1;
	s14 =	simm.s32 $0x12400  }
0x1c3: {  	s17 =	simm.s32 $0x12C00;
	s20 =	simm.s32 $0x2;
	s18 =	simm.s32 $0x13C00  }
0x1c4: {  	s28 =	simm.s32 $0x14400;
	s2 =	simm.s32 $0x0;
	s25 =	rddreg [dreg:$0x11]  }
0x1c5: {  	[tilespmem:s2], [sflag:$0x3] =	stream.linear.gather [spmem:s25], $0x10000, $0x38;
	v0, _, _ =	vpop (xrf2);
	[tilespmem:$0x1F610] =	vst v63  }
0x1c6: {  	s5 =	simm.s32 $0x14C00;
	s4 =	simm.s32 $0x0;
	_ =	swait.ge [sflag:s19], $0x10000  }
0x1c7: {  	s23 =	simm.s32 $0x13400;
	s21 =	simm.s32 $0x15C00;
	[sflag:s19] =	ssyncset.done $0x0  }
0x1c8: {  	s24 =	simm.s32 $0x800;
	s25 =	simm.s32 $0x11C00;
	v0 =	vbroadcast v0, $0xF;
	[sflag:s19] =	ssyncadd.s32 $0xFFFF0000  }
.LBB3_31:
0x1c9: {  	s16 =	rddreg [dreg:$0x1e]  }
0x1ca: {  	s6 =	simm.s32 $0x10400;
	s9 =	rddreg [dreg:$0x1f]  }
0x1cb: {  	[tilespmem:s6], [sflag:$0x1] =	stream.linear.gather [hbm4b:s16+s2], $0x800, $0x38;
	[tilespmem:$0x1F610] =	vst v63  }
0x1cc: {  	s13 =	simm.s32 $0x10C00;
	s16 =	sld [smem:$0x7F9]  }
0x1cd: {  	[tilespmem:s13], [sflag:$0x1] =	stream.linear.gather [hbm4b:s9+s2], $0x800, $0x38;
	[tilespmem:$0x1F610] =	vst v63  }
0x1ce: {  	[smem:$0x7F4] =	sst s4;
	s13 =	simm.s32 $0x0  }
0x1cf: {  	[tilespmem:s8], [sflag:$0x1] =	stream.linear.gather [hbm4b:s16+s2], $0x800, $0x38;
	[tilespmem:$0x1F610] =	vst v63  }
.LBB3_32:
0x1d0: {  	_ =	swait.ge [sflag:s7], $0x800  }
0x1d1: {  	[sflag:s7] =	ssyncset.done $0x0  }
0x1d2: {  	[sflag:s7] =	ssyncadd.s32 $0xFFFFF800  }
0x1d3: {  	_ =	swait.ge [sflag:s7], $0x800  }
0x1d4: {  	[sflag:s7] =	ssyncset.done $0x0  }
0x1d5: {  	s6 =	sshll.u32 s13, $0xC;
	[sflag:s7] =	ssyncadd.s32 $0xFFFFF800  }
0x1d6: {  	s4 =	sadd.s32 s6, s29;
	_ =	swait.ge [sflag:s7], $0x800  }
0x1d7: {  	s4 =	sshrl.u32 s4, $0x3;
	[sflag:s7] =	ssyncset.done $0x0  }
0x1d8: {  	s9 =	simm.s32 $0x0;
	s8 =	sadd.s32 s0, s4;
	[sflag:s7] =	ssyncadd.s32 $0xFFFFF800  }
0x1d9: {  	[tilespmem:s14], [sflag:$0x2] =	stream.linear.gather [hbm4b:s8+s9], $0x800, $0x38;
	[tilespmem:$0x1F610] =	vst v63  }
0x1da: {  	s16 =	sadd.s32 s1, s4  }
0x1db: {  	[tilespmem:s17], [sflag:$0x2] =	stream.linear.gather [hbm4b:s16+s9], $0x800, $0x38;
	[tilespmem:$0x1F610] =	vst v63  }
0x1dc: {  	s4 =	sadd.s32 s11, s4  }
0x1dd: {  	[tilespmem:s23], [sflag:$0x2] =	stream.linear.gather [hbm4b:s4+s9], $0x800, $0x38;
	[tilespmem:$0x1F610] =	vst v63  }
0x1de: {  	s4 =	simm.s32 $0x0  }
0x1df: {  	v2 =	vld [tilespmem:s4+$0x10C00];
	_ =	sdelay $0x6  }
0x1e0: {  	v1 =	vld [tilespmem:s4+$0x11400]  }
0x1e1: {  	s8 =	simm.s32 $0x10;
	s9 =	simm.s32 $0x80;
	v2 =	vld.idx.msk [tilespmem:v2+s2+$0x0], $0xffff  }
.LBB3_33:
0x1e2: {  	p1 =	sne.s32 s9, $0x1FC0;
	v3 =	vld [tilespmem:s8+$0x10C00];
	_ =	sdelay $0x3  }
.Ltmp15:
0x1e3: {  	(pc) =	sbr.rel @p1 .LBB3_33-.Ltmp15, $3  }
0x1e4: {  	v2 =	vmul.f32 v2, v1;
	_ =	sdelay $0x1  }
0x1e5: {  	v1 =	vld [tilespmem:s8+$0x11400];
	[tilespmem:s4+$0x11C00] =	vst v2;
	s4 =	smov.u32 s8  }
0x1e6: {  	s8 =	sshra.s32 s9, $0x2;
	s9 =	sadd.s32 $0x40, s9;
	v2 =	vld.idx.msk [tilespmem:v3+s2+$0x0], $0xffff  }
0x1e7: {  	v3 =	vld [tilespmem:s8+$0x10C00];
	_ =	sdelay $0x4  }
0x1e8: {  	v1 =	vmul.f32 v2, v1;
	_ =	sdelay $0x1  }
0x1e9: {  	v2 =	vld [tilespmem:s8+$0x11400];
	[tilespmem:s4+$0x11C00] =	vst v1  }
0x1ea: {  	v1 =	vld.idx.msk [tilespmem:v3+s2+$0x0], $0xffff;
	_ =	sdelay $0x4  }
0x1eb: {  	v1 =	vmul.f32 v1, v2;
	_ =	sdelay $0x1  }
0x1ec: {  	s16 =	simm.s32 $0x10400;
	[tilespmem:s8+$0x11C00] =	vst v1  }
0x1ed: {  	[spmem:s3] =	stream.indirect.scatter.add.f32 [tilespmem:s25], [sflag:$0x3], $0x1, s16, s24, $0xb8;
	[tilespmem:$0x1F610] =	vst v63  }
0x1ee: {  	_ =	swait.ge [sflag:s19], $0x800  }
0x1ef: {  	[sflag:s19] =	ssyncset.done $0x0  }
0x1f0: {  	[sflag:s19] =	ssyncadd.s32 $0xFFFFF800  }
0x1f1: {  	_ =	swait.ge [sflag:s20], $0x800  }
0x1f2: {  	[sflag:s20] =	ssyncset.done $0x0  }
0x1f3: {  	[sflag:s20] =	ssyncadd.s32 $0xFFFFF800  }
0x1f4: {  	_ =	swait.ge [sflag:s20], $0x800  }
0x1f5: {  	[sflag:s20] =	ssyncset.done $0x0  }
0x1f6: {  	p1 =	seq.s32 s13, $0x13;
	[sflag:s20] =	ssyncadd.s32 $0xFFFFF800  }
0x1f7: {  	s4 =	sadd.s32 @!p1 s6, s30;
	_ =	swait.ge [sflag:s20], $0x800  }
0x1f8: {  	s9 =	simm.s32 @!p1 $0x10400;
	s4 =	sshrl.u32 @!p1 s4, $0x3;
	[sflag:s20] =	ssyncset.done $0x0  }
0x1f9: {  	s6 =	sadd.s32 @!p1 s0, s4;
	s8 =	simm.s32 @!p1 $0x0;
	[sflag:s20] =	ssyncadd.s32 $0xFFFFF800  }
0x1fa: {  	[tilespmem:s9], [sflag:$0x1] =	stream.linear.gather @!p1 [hbm4b:s6+s8], $0x800, $0x38;
	[tilespmem:$0x1F610] =	vst v63  }
0x1fb: {  	s6 =	sadd.s32 @!p1 s1, s4;
	s9 =	simm.s32 @!p1 $0x10C00  }
0x1fc: {  	[tilespmem:s9], [sflag:$0x1] =	stream.linear.gather @!p1 [hbm4b:s6+s8], $0x800, $0x38;
	[tilespmem:$0x1F610] =	vst v63  }
0x1fd: {  	s4 =	sadd.s32 @!p1 s11, s4;
	s6 =	simm.s32 @!p1 $0x11400  }
0x1fe: {  	[tilespmem:s6], [sflag:$0x1] =	stream.linear.gather @!p1 [hbm4b:s4+s8], $0x800, $0x38;
	[tilespmem:$0x1F610] =	vst v63  }
0x1ff: {  	s4 =	simm.s32 $0x0  }
0x200: {  	v2 =	vld [tilespmem:s4+$0x12C00];
	_ =	sdelay $0x6  }
0x201: {  	v1 =	vld [tilespmem:s4+$0x13400]  }
0x202: {  	s6 =	simm.s32 $0x10;
	s8 =	simm.s32 $0x80;
	v2 =	vld.idx.msk [tilespmem:v2+s2+$0x0], $0xffff  }
.LBB3_35:
0x203: {  	p1 =	sne.s32 s8, $0x1FC0;
	v3 =	vld [tilespmem:s6+$0x12C00];
	_ =	sdelay $0x3  }
.Ltmp16:
0x204: {  	(pc) =	sbr.rel @p1 .LBB3_35-.Ltmp16, $3  }
0x205: {  	v2 =	vmul.f32 v2, v1;
	_ =	sdelay $0x1  }
0x206: {  	v1 =	vld [tilespmem:s6+$0x13400];
	[tilespmem:s4+$0x13C00] =	vst v2;
	s4 =	smov.u32 s6  }
0x207: {  	s6 =	sshra.s32 s8, $0x2;
	s8 =	sadd.s32 $0x40, s8;
	v2 =	vld.idx.msk [tilespmem:v3+s2+$0x0], $0xffff  }
0x208: {  	v3 =	vld [tilespmem:s6+$0x12C00];
	_ =	sdelay $0x4  }
0x209: {  	v1 =	vmul.f32 v2, v1;
	_ =	sdelay $0x1  }
0x20a: {  	v2 =	vld [tilespmem:s6+$0x13400];
	[tilespmem:s4+$0x13C00] =	vst v1  }
0x20b: {  	v1 =	vld.idx.msk [tilespmem:v3+s2+$0x0], $0xffff;
	_ =	sdelay $0x4  }
0x20c: {  	s13 =	sadd.s32 $0x1, s13;
	v1 =	vmul.f32 v1, v2  }
0x20d: {  	p1 =	sne.s32 s13, $0x14  }
.Ltmp17:
0x20e: {  	[tilespmem:s6+$0x13C00] =	vst v1;
	(pc) =	sbr.rel @p1 .LBB3_32-.Ltmp17, $4  }
0x20f: {  	[spmem:s3] =	stream.indirect.scatter.add.f32 [tilespmem:s18], [sflag:$0x3], $0x1, s14, s24, $0xb8;
	[tilespmem:$0x1F610] =	vst v63  }
0x210: {  	_ =	swait.ge [sflag:s19], $0x800  }
0x211: {  	[sflag:s19] =	ssyncset.done $0x0  }
0x212: {  	s16 =	simm.s32 $0x0;
	[sflag:s19] =	ssyncadd.s32 $0xFFFFF800  }
0x213: {  	s13 =	simm.s32 $0x0;
	s9 =	rddreg [dreg:$0x14]  }
.LBB3_38:
0x214: {  	s4 =	sshll.u32 s13, $0xB  }
0x215: {  	s4 =	sadd.s32 s26, s4  }
0x216: {  	s4 =	sshrl.u32 s4, $0x3  }
0x217: {  	s6 =	sadd.s32 s31, s4  }
0x218: {  	[tilespmem:s28], [sflag:$0x3] =	stream.linear.gather [hbm4b:s6+s16], $0x800, $0x38;
	[tilespmem:$0x1F610] =	vst v63  }
0x219: {  	_ =	swait.ge [sflag:s19], $0x800  }
0x21a: {  	[sflag:s19] =	ssyncset.done $0x0  }
0x21b: {  	s8 =	sadd.s32 s22, s4;
	[sflag:s19] =	ssyncadd.s32 $0xFFFFF800  }
0x21c: {  	[tilespmem:s5], [sflag:$0x3] =	stream.linear.gather [hbm4b:s8+s16], $0x800, $0x38;
	[tilespmem:$0x1F610] =	vst v63  }
0x21d: {  	_ =	swait.ge [sflag:s19], $0x800  }
0x21e: {  	[sflag:s19] =	ssyncset.done $0x0  }
0x21f: {  	s4 =	sadd.s32 s9, s4;
	s8 =	simm.s32 $0x15400;
	[sflag:s19] =	ssyncadd.s32 $0xFFFFF800  }
0x220: {  	[tilespmem:s8], [sflag:$0x3] =	stream.linear.gather [hbm4b:s4+s16], $0x800, $0x38;
	[tilespmem:$0x1F610] =	vst v63  }
0x221: {  	_ =	swait.ge [sflag:s19], $0x800  }
0x222: {  	[sflag:s19] =	ssyncset.done $0x0  }
0x223: {  	s4 =	simm.s32 $0x0;
	[sflag:s19] =	ssyncadd.s32 $0xFFFFF800  }
0x224: {  	v2 =	vld [tilespmem:s4+$0x14C00];
	_ =	sdelay $0x6  }
0x225: {  	v1 =	vld [tilespmem:s4+$0x15400]  }
0x226: {  	s6 =	simm.s32 $0x10;
	s8 =	simm.s32 $0x80;
	v2 =	vld.idx.msk [tilespmem:v2+s2+$0x0], $0xffff  }
.LBB3_39:
0x227: {  	p1 =	sne.s32 s8, $0x1FC0;
	v3 =	vld [tilespmem:s6+$0x14C00];
	_ =	sdelay $0x3  }
.Ltmp18:
0x228: {  	(pc) =	sbr.rel @p1 .LBB3_39-.Ltmp18, $3  }
0x229: {  	v2 =	vmul.f32 v2, v1;
	_ =	sdelay $0x1  }
0x22a: {  	v1 =	vld [tilespmem:s6+$0x15400];
	[tilespmem:s4+$0x15C00] =	vst v2;
	s4 =	smov.u32 s6  }
0x22b: {  	s6 =	sshra.s32 s8, $0x2;
	s8 =	sadd.s32 $0x40, s8;
	v2 =	vld.idx.msk [tilespmem:v3+s2+$0x0], $0xffff  }
0x22c: {  	v3 =	vld [tilespmem:s6+$0x14C00];
	_ =	sdelay $0x4  }
0x22d: {  	v1 =	vmul.f32 v2, v1;
	_ =	sdelay $0x1  }
0x22e: {  	v2 =	vld [tilespmem:s6+$0x15400];
	[tilespmem:s4+$0x15C00] =	vst v1  }
0x22f: {  	v1 =	vld.idx.msk [tilespmem:v3+s2+$0x0], $0xffff;
	_ =	sdelay $0x4  }
0x230: {  	v1 =	vmul.f32 v1, v2;
	_ =	sdelay $0x1  }
0x231: {  	[tilespmem:s6+$0x15C00] =	vst v1  }
0x232: {  	[spmem:s10] =	stream.indirect.scatter.add.f32 [tilespmem:s21], [sflag:$0x3], $0x1, s28, s24, $0xb8;
	[tilespmem:$0x1F610] =	vst v63  }
0x233: {  	_ =	swait.ge [sflag:s19], $0x800  }
0x234: {  	[sflag:s19] =	ssyncset.done $0x0  }
0x235: {  	s4 =	simm.s32 $0x0;
	[sflag:s19] =	ssyncadd.s32 $0xFFFFF800  }
0x236: {  	v2 =	vld [tilespmem:s4+$0x14400];
	_ =	sdelay $0x6  }
0x237: {  	v1 =	vld [tilespmem:s4+$0x15400]  }
0x238: {  	s8 =	simm.s32 $0x80;
	s6 =	simm.s32 $0x10;
	v2 =	vld.idx.msk [tilespmem:v2+s2+$0x0], $0xffff  }
.LBB3_41:
0x239: {  	p1 =	sne.s32 s8, $0x1FC0;
	v3 =	vld [tilespmem:s6+$0x14400];
	_ =	sdelay $0x3  }
.Ltmp19:
0x23a: {  	(pc) =	sbr.rel @p1 .LBB3_41-.Ltmp19, $3  }
0x23b: {  	v2 =	vmul.f32 v2, v1;
	_ =	sdelay $0x1  }
0x23c: {  	v1 =	vld [tilespmem:s6+$0x15400];
	[tilespmem:s4+$0x15C00] =	vst v2;
	s4 =	smov.u32 s6  }
0x23d: {  	s6 =	sshra.s32 s8, $0x2;
	s8 =	sadd.s32 $0x40, s8;
	v2 =	vld.idx.msk [tilespmem:v3+s2+$0x0], $0xffff  }
0x23e: {  	v3 =	vld [tilespmem:s6+$0x14400];
	_ =	sdelay $0x4  }
0x23f: {  	v1 =	vmul.f32 v2, v1;
	_ =	sdelay $0x1  }
0x240: {  	v2 =	vld [tilespmem:s6+$0x15400];
	[tilespmem:s4+$0x15C00] =	vst v1  }
0x241: {  	v1 =	vld.idx.msk [tilespmem:v3+s2+$0x0], $0xffff;
	_ =	sdelay $0x4  }
0x242: {  	s13 =	sadd.s32 $0x1, s13;
	v1 =	vmul.f32 v1, v2  }
0x243: {  	p1 =	sne.s32 s13, $0x7  }
.Ltmp20:
0x244: {  	[tilespmem:s6+$0x15C00] =	vst v1;
	(pc) =	sbr.rel @p1 .LBB3_38-.Ltmp20, $4  }
0x245: {  	[spmem:s10] =	stream.indirect.scatter.add.f32 [tilespmem:s21], [sflag:$0x3], $0x1, s5, s24, $0xb8;
	[tilespmem:$0x1F610] =	vst v63  }
0x246: {  	_ =	swait.ge [sflag:s19], $0x800  }
0x247: {  	[sflag:s19] =	ssyncset.done $0x0  }
0x248: {  	[sflag:s19] =	ssyncadd.s32 $0xFFFFF800  }
0x249: {  	[bflag:$0x0] =	sbarrier.arrive $0xFFFF;
	v1 =	vimm.f32 @!p0 $0.0e+00  }
0x24a: {  	s4 =	simm.s32 @!p0 $0x1C400;
	[tilespmem:$0x1C400] =	vst @!p0 v1;
	s6 =	rddreg [dreg:$0x10]  }
0x24b: {  	[spmem:s6] =	stream.linear.scatter @!p0 [tilespmem:s4], [sflag:$0x3], $0x80, $0x38;
	[tilespmem:$0x1F610] =	vst v63  }
0x24c: {  	s4 =	simm.s32 @!p0 $0x3  }
0x24d: {  	_ =	swait.ge @!p0 [sflag:s4], $0x80  }
0x24e: {  	[sflag:s4] =	ssyncset.done @!p0 $0x0  }
0x24f: {  	s9 =	simm.s32 $0x11400;
	s31 =	rddreg [dreg:$0x15];
	[sflag:s4] =	ssyncadd.s32 @!p0 $0xFFFFFF80  }
0x250: {  	[tilespmem:s9], [sflag:$0x3] =	stream.linear.gather [spmem:s31], $0x800, $0x38;
	[tilespmem:$0x1F610] =	vst v63  }
0x251: {  	_ =	swait.ge [sflag:s19], $0x800  }
0x252: {  	[sflag:s19] =	ssyncset.done $0x0  }
0x253: {  	s4 =	simm.s32 $0x0;
	[sflag:s19] =	ssyncadd.s32 $0xFFFFF800  }
0x254: {  	v1 =	vld [tilespmem:s4+$0x1B400]  }
0x255: {  	v2 =	vld [tilespmem:s4+$0x18400];
	_ =	sdelay $0x1  }
0x256: {  	v3 =	vld [tilespmem:s4+$0x11400]  }
0x257: {  	s6 =	simm.s32 $0x40  }
.LBB3_44:
0x258: {  	s8 =	sshra.s32 s6, $0x2;
	p1 =	sne.s32 s6, $0x1FC0  }
.Ltmp21:
0x259: {  	s6 =	sadd.s32 $0x40, s6;
	v4 =	vmul.f32 v2, v1;
	v1 =	vld [tilespmem:s8+$0x1B400];
	(pc) =	sbr.rel @p1 .LBB3_44-.Ltmp21, $4  }
0x25a: {  	v2 =	vld [tilespmem:s8+$0x18400]  }
0x25b: {  	v4 =	vsub.f32 v4, v3  }
0x25c: {  	v3 =	vld [tilespmem:s8+$0x11400]  }
0x25d: {  	[tilespmem:s4+$0x11C00] =	vst v4;
	s4 =	smov.u32 s8  }
0x25e: {  	_ = 	snop  }
0x25f: {  	v1 =	vmul.f32 v2, v1;
	_ =	sdelay $0x1  }
0x260: {  	s22 =	sld [smem:$0x7FA];
	v1 =	vsub.f32 v1, v3;
	_ =	sdelay $0x1  }
0x261: {  	[tilespmem:s4+$0x11C00] =	vst v1  }
0x262: {  	[spmem:s22] =	stream.linear.scatter [tilespmem:s25], [sflag:$0x3], $0x800, $0x38;
	[tilespmem:$0x1F610] =	vst v63  }
0x263: {  	_ =	swait.ge [sflag:s19], $0x800  }
0x264: {  	[sflag:s19] =	ssyncset.done $0x0  }
0x265: {  	s31 =	rddreg [dreg:$0x17];
	[sflag:s19] =	ssyncadd.s32 $0xFFFFF800  }
0x266: {  	[tilespmem:s9], [sflag:$0x3] =	stream.linear.gather [spmem:s31], $0x800, $0x38;
	[tilespmem:$0x1F610] =	vst v63  }
0x267: {  	_ =	swait.ge [sflag:s19], $0x800  }
0x268: {  	[sflag:s19] =	ssyncset.done $0x0  }
0x269: {  	s4 =	simm.s32 $0x0;
	[sflag:s19] =	ssyncadd.s32 $0xFFFFF800  }
0x26a: {  	v1 =	vld [tilespmem:s4+$0x1BC00]  }
0x26b: {  	v2 =	vld [tilespmem:s4+$0x18C00];
	_ =	sdelay $0x1  }
0x26c: {  	v3 =	vld [tilespmem:s4+$0x11400]  }
0x26d: {  	s6 =	simm.s32 $0x40;
	s10 =	simm.s32 $0x10C00  }
.LBB3_46:
0x26e: {  	s8 =	sshra.s32 s6, $0x2;
	p1 =	sne.s32 s6, $0x1FC0  }
.Ltmp22:
0x26f: {  	s6 =	sadd.s32 $0x40, s6;
	v4 =	vmul.f32 v2, v1;
	v1 =	vld [tilespmem:s8+$0x1BC00];
	(pc) =	sbr.rel @p1 .LBB3_46-.Ltmp22, $4  }
0x270: {  	v2 =	vld [tilespmem:s8+$0x18C00]  }
0x271: {  	v4 =	vsub.f32 v4, v3  }
0x272: {  	v3 =	vld [tilespmem:s8+$0x11400]  }
0x273: {  	[tilespmem:s4+$0x11C00] =	vst v4;
	s4 =	smov.u32 s8  }
0x274: {  	_ = 	snop  }
0x275: {  	v1 =	vmul.f32 v2, v1;
	_ =	sdelay $0x1  }
0x276: {  	s8 =	sld [smem:$0x7FB];
	v1 =	vsub.f32 v1, v3;
	_ =	sdelay $0x1  }
0x277: {  	[tilespmem:s4+$0x11C00] =	vst v1  }
0x278: {  	[spmem:s8] =	stream.linear.scatter [tilespmem:s25], [sflag:$0x3], $0x800, $0x38;
	[tilespmem:$0x1F610] =	vst v63  }
0x279: {  	_ =	swait.ge [sflag:s19], $0x800  }
0x27a: {  	[sflag:s19] =	ssyncset.done $0x0  }
0x27b: {  	s6 =	simm.s32 $0x10000;
	s13 =	rddreg [dreg:$0x15];
	[sflag:s19] =	ssyncadd.s32 $0xFFFFF800  }
0x27c: {  	[spmem:s13] =	stream.linear.scatter [tilespmem:s6], [sflag:$0x3], $0x400, $0x38;
	[tilespmem:$0x1F610] =	vst v63  }
0x27d: {  	_ =	swait.ge [sflag:s19], $0x400  }
0x27e: {  	[sflag:s19] =	ssyncset.done $0x0  }
0x27f: {  	s16 =	rddreg [dreg:$0x16];
	[sflag:s19] =	ssyncadd.s32 $0xFFFFFC00  }
0x280: {  	[spmem:s16] =	stream.linear.scatter [tilespmem:s6], [sflag:$0x3], $0x400, $0x38;
	[tilespmem:$0x1F610] =	vst v63  }
0x281: {  	_ =	swait.ge [sflag:s19], $0x400  }
0x282: {  	[sflag:s19] =	ssyncset.done $0x0  }
0x283: {  	s22 =	rddreg [dreg:$0x17];
	[sflag:s19] =	ssyncadd.s32 $0xFFFFFC00  }
0x284: {  	[spmem:s22] =	stream.linear.scatter [tilespmem:s6], [sflag:$0x3], $0x400, $0x38;
	[tilespmem:$0x1F610] =	vst v63  }
0x285: {  	_ =	swait.ge [sflag:s19], $0x400  }
0x286: {  	[sflag:s19] =	ssyncset.done $0x0  }
0x287: {  	s31 =	rddreg [dreg:$0x18];
	[sflag:s19] =	ssyncadd.s32 $0xFFFFFC00  }
0x288: {  	[spmem:s31] =	stream.linear.scatter [tilespmem:s6], [sflag:$0x3], $0x400, $0x38;
	[tilespmem:$0x1F610] =	vst v63  }
0x289: {  	_ =	swait.ge [sflag:s19], $0x400  }
0x28a: {  	[sflag:s19] =	ssyncset.done $0x0  }
0x28b: {  	[sflag:s19] =	ssyncadd.s32 $0xFFFFFC00  }
0x28c: {  	[bflag:$0x0] =	sbarrier.arrive $0xFFFF  }
0x28d: {  	s13 =	simm.s32 $0x0;
	s6 =	rddreg [dreg:$0x11]  }
0x28e: {  	[tilespmem:s13], [sflag:$0x3] =	stream.linear.gather [spmem:s6], $0x10000, $0x38;
	[tilespmem:$0x1F610] =	vst v63  }
0x28f: {  	_ =	swait.ge [sflag:s19], $0x10000  }
0x290: {  	[sflag:s19] =	ssyncset.done $0x0;
	s8 =	rddreg [dreg:$0x1e]  }
0x291: {  	s16 =	simm.s32 $0x10400;
	s22 =	rddreg [dreg:$0x1f];
	[sflag:s19] =	ssyncadd.s32 $0xFFFF0000  }
0x292: {  	[tilespmem:s16], [sflag:$0x1] =	stream.linear.gather [hbm4b:s8+s13], $0x800, $0x38;
	[tilespmem:$0x1F610] =	vst v63  }
0x293: {  	s31 =	sld [smem:$0x7F9]  }
0x294: {  	[tilespmem:s10], [sflag:$0x1] =	stream.linear.gather [hbm4b:s22+s13], $0x800, $0x38;
	[tilespmem:$0x1F610] =	vst v63  }
0x295: {  	s16 =	simm.s32 $0x0  }
0x296: {  	[tilespmem:s9], [sflag:$0x1] =	stream.linear.gather [hbm4b:s31+s13], $0x800, $0x38;
	[tilespmem:$0x1F610] =	vst v63  }
.LBB3_48:
0x297: {  	_ =	swait.ge [sflag:s7], $0x800  }
0x298: {  	[sflag:s7] =	ssyncset.done $0x0  }
0x299: {  	[sflag:s7] =	ssyncadd.s32 $0xFFFFF800  }
0x29a: {  	_ =	swait.ge [sflag:s7], $0x800  }
0x29b: {  	[sflag:s7] =	ssyncset.done $0x0  }
0x29c: {  	s6 =	sshll.u32 s16, $0xC;
	[sflag:s7] =	ssyncadd.s32 $0xFFFFF800  }
0x29d: {  	s4 =	sadd.s32 s6, s29;
	_ =	swait.ge [sflag:s7], $0x800  }
0x29e: {  	s4 =	sshrl.u32 s4, $0x3;
	[sflag:s7] =	ssyncset.done $0x0  }
0x29f: {  	s8 =	sadd.s32 s0, s4;
	[sflag:s7] =	ssyncadd.s32 $0xFFFFF800  }
0x2a0: {  	[tilespmem:s14], [sflag:$0x2] =	stream.linear.gather [hbm4b:s8+s13], $0x800, $0x38;
	[tilespmem:$0x1F610] =	vst v63  }
0x2a1: {  	s31 =	sadd.s32 s1, s4  }
0x2a2: {  	[tilespmem:s17], [sflag:$0x2] =	stream.linear.gather [hbm4b:s31+s13], $0x800, $0x38;
	[tilespmem:$0x1F610] =	vst v63  }
0x2a3: {  	s4 =	sadd.s32 s11, s4  }
0x2a4: {  	[tilespmem:s23], [sflag:$0x2] =	stream.linear.gather [hbm4b:s4+s13], $0x800, $0x38;
	[tilespmem:$0x1F610] =	vst v63  }
0x2a5: {  	s4 =	simm.s32 $0x0  }
0x2a6: {  	v2 =	vld [tilespmem:s4+$0x10400];
	_ =	sdelay $0x6  }
0x2a7: {  	v1 =	vld [tilespmem:s4+$0x11400]  }
0x2a8: {  	s9 =	simm.s32 $0x80;
	s8 =	simm.s32 $0x10;
	v2 =	vld.idx.msk [tilespmem:v2+s2+$0x0], $0xffff  }
.LBB3_49:
0x2a9: {  	p1 =	sne.s32 s9, $0x1FC0;
	v3 =	vld [tilespmem:s8+$0x10400];
	_ =	sdelay $0x3  }
.Ltmp23:
0x2aa: {  	(pc) =	sbr.rel @p1 .LBB3_49-.Ltmp23, $3  }
0x2ab: {  	v2 =	vmul.f32 v2, v1;
	_ =	sdelay $0x1  }
0x2ac: {  	v1 =	vld [tilespmem:s8+$0x11400];
	[tilespmem:s4+$0x11C00] =	vst v2;
	s4 =	smov.u32 s8  }
0x2ad: {  	s8 =	sshra.s32 s9, $0x2;
	s9 =	sadd.s32 $0x40, s9;
	v2 =	vld.idx.msk [tilespmem:v3+s2+$0x0], $0xffff  }
0x2ae: {  	v3 =	vld [tilespmem:s8+$0x10400];
	_ =	sdelay $0x4  }
0x2af: {  	v1 =	vmul.f32 v2, v1;
	_ =	sdelay $0x1  }
0x2b0: {  	v2 =	vld [tilespmem:s8+$0x11400];
	[tilespmem:s4+$0x11C00] =	vst v1  }
0x2b1: {  	v1 =	vld.idx.msk [tilespmem:v3+s2+$0x0], $0xffff;
	_ =	sdelay $0x4  }
0x2b2: {  	v1 =	vmul.f32 v1, v2;
	_ =	sdelay $0x1  }
0x2b3: {  	[tilespmem:s8+$0x11C00] =	vst v1  }
0x2b4: {  	[spmem:s3] =	stream.indirect.scatter.add.f32 [tilespmem:s25], [sflag:$0x3], $0x1, s10, s24, $0xb8;
	[tilespmem:$0x1F610] =	vst v63  }
0x2b5: {  	_ =	swait.ge [sflag:s19], $0x800  }
0x2b6: {  	[sflag:s19] =	ssyncset.done $0x0  }
0x2b7: {  	[sflag:s19] =	ssyncadd.s32 $0xFFFFF800  }
0x2b8: {  	_ =	swait.ge [sflag:s20], $0x800  }
0x2b9: {  	[sflag:s20] =	ssyncset.done $0x0  }
0x2ba: {  	[sflag:s20] =	ssyncadd.s32 $0xFFFFF800  }
0x2bb: {  	_ =	swait.ge [sflag:s20], $0x800  }
0x2bc: {  	[sflag:s20] =	ssyncset.done $0x0  }
0x2bd: {  	p1 =	seq.s32 s16, $0x13;
	[sflag:s20] =	ssyncadd.s32 $0xFFFFF800  }
0x2be: {  	s4 =	sadd.s32 @!p1 s6, s30;
	_ =	swait.ge [sflag:s20], $0x800  }
0x2bf: {  	s9 =	simm.s32 @!p1 $0x10400;
	s4 =	sshrl.u32 @!p1 s4, $0x3;
	[sflag:s20] =	ssyncset.done $0x0  }
0x2c0: {  	s6 =	sadd.s32 @!p1 s0, s4;
	s8 =	simm.s32 @!p1 $0x0;
	[sflag:s20] =	ssyncadd.s32 $0xFFFFF800  }
0x2c1: {  	[tilespmem:s9], [sflag:$0x1] =	stream.linear.gather @!p1 [hbm4b:s6+s8], $0x800, $0x38;
	[tilespmem:$0x1F610] =	vst v63  }
0x2c2: {  	s6 =	sadd.s32 @!p1 s1, s4;
	s9 =	simm.s32 @!p1 $0x10C00  }
0x2c3: {  	[tilespmem:s9], [sflag:$0x1] =	stream.linear.gather @!p1 [hbm4b:s6+s8], $0x800, $0x38;
	[tilespmem:$0x1F610] =	vst v63  }
0x2c4: {  	s4 =	sadd.s32 @!p1 s11, s4;
	s6 =	simm.s32 @!p1 $0x11400  }
0x2c5: {  	[tilespmem:s6], [sflag:$0x1] =	stream.linear.gather @!p1 [hbm4b:s4+s8], $0x800, $0x38;
	[tilespmem:$0x1F610] =	vst v63  }
0x2c6: {  	s4 =	simm.s32 $0x0  }
0x2c7: {  	v2 =	vld [tilespmem:s4+$0x12400];
	_ =	sdelay $0x6  }
0x2c8: {  	v1 =	vld [tilespmem:s4+$0x13400]  }
0x2c9: {  	s6 =	simm.s32 $0x10;
	s8 =	simm.s32 $0x80;
	v2 =	vld.idx.msk [tilespmem:v2+s2+$0x0], $0xffff  }
.LBB3_51:
0x2ca: {  	p1 =	sne.s32 s8, $0x1FC0;
	v3 =	vld [tilespmem:s6+$0x12400];
	_ =	sdelay $0x3  }
.Ltmp24:
0x2cb: {  	(pc) =	sbr.rel @p1 .LBB3_51-.Ltmp24, $3  }
0x2cc: {  	v2 =	vmul.f32 v2, v1;
	_ =	sdelay $0x1  }
0x2cd: {  	v1 =	vld [tilespmem:s6+$0x13400];
	[tilespmem:s4+$0x13C00] =	vst v2;
	s4 =	smov.u32 s6  }
0x2ce: {  	s6 =	sshra.s32 s8, $0x2;
	s8 =	sadd.s32 $0x40, s8;
	v2 =	vld.idx.msk [tilespmem:v3+s2+$0x0], $0xffff  }
0x2cf: {  	v3 =	vld [tilespmem:s6+$0x12400];
	_ =	sdelay $0x4  }
0x2d0: {  	v1 =	vmul.f32 v2, v1;
	_ =	sdelay $0x1  }
0x2d1: {  	v2 =	vld [tilespmem:s6+$0x13400];
	[tilespmem:s4+$0x13C00] =	vst v1  }
0x2d2: {  	v1 =	vld.idx.msk [tilespmem:v3+s2+$0x0], $0xffff;
	_ =	sdelay $0x4  }
0x2d3: {  	s16 =	sadd.s32 $0x1, s16;
	v1 =	vmul.f32 v1, v2  }
0x2d4: {  	p1 =	sne.s32 s16, $0x14  }
.Ltmp25:
0x2d5: {  	[tilespmem:s6+$0x13C00] =	vst v1;
	(pc) =	sbr.rel @p1 .LBB3_48-.Ltmp25, $4  }
0x2d6: {  	[spmem:s3] =	stream.indirect.scatter.add.f32 [tilespmem:s18], [sflag:$0x3], $0x1, s17, s24, $0xb8;
	[tilespmem:$0x1F610] =	vst v63  }
0x2d7: {  	_ =	swait.ge [sflag:s19], $0x800  }
0x2d8: {  	[sflag:s19] =	ssyncset.done $0x0  }
0x2d9: {  	[sflag:s19] =	ssyncadd.s32 $0xFFFFF800  }
0x2da: {  	[bflag:$0x0] =	sbarrier.arrive $0xFFFF  }
0x2db: {  	s13 =	simm.s32 $0x11400;
	s4 =	rddreg [dreg:$0x15]  }
0x2dc: {  	[tilespmem:s13], [sflag:$0x3] =	stream.linear.gather [spmem:s4], $0x800, $0x38;
	[tilespmem:$0x1F610] =	vst v63  }
0x2dd: {  	_ =	swait.ge [sflag:s19], $0x800  }
0x2de: {  	[sflag:s19] =	ssyncset.done $0x0  }
0x2df: {  	s16 =	simm.s32 $0x13400;
	s9 =	rddreg [dreg:$0x19];
	[sflag:s19] =	ssyncadd.s32 $0xFFFFF800  }
0x2e0: {  	[tilespmem:s16], [sflag:$0x3] =	stream.linear.gather [spmem:s9], $0x800, $0x38;
	[tilespmem:$0x1F610] =	vst v63  }
0x2e1: {  	_ =	swait.ge [sflag:s19], $0x800  }
0x2e2: {  	[sflag:s19] =	ssyncset.done $0x0  }
0x2e3: {  	s10 =	simm.s32 $0x0;
	s6 =	simm.s32 $0x1A400;
	[sflag:s19] =	ssyncadd.s32 $0xFFFFF800  }
0x2e4: {  	s8 =	simm.s32 $0x18400;
	s9 =	sand.u32 $0x780, s10;
	v1 =	vld [tilespmem:s6+$0x0]  }
0x2e5: {  	s22 =	simm.s32 $0x1B400;
	s4 =	sand.u32 $0x70, s10;
	s9 =	sadd.s32 s9, s12;
	v2 =	vld [tilespmem:s8+$0x0]  }
0x2e6: {  	s4 =	sadd.s32 s4, s9;
	v3 =	vld [tilespmem:s22+$0x0]  }
0x2e7: {  	v4 =	vld [tilespmem:s4+$0x0];
	_ =	sdelay $0x3  }
0x2e8: {  	v5 =	vld [tilespmem:s16+$0x0]  }
0x2e9: {  	v1 =	vmul.f32 v2, v1;
	v2 =	vmul.f32 v3, v4  }
0x2ea: {  	v3 =	vld [tilespmem:s13+$0x0]  }
0x2eb: {  	v1 =	vadd.f32 v2, v1;
	_ =	sdelay $0x1  }
0x2ec: {  	v1 =	vsub.f32 v1, v5;
	_ =	sdelay $0x1  }
0x2ed: {  	v1 =	vsub.f32 v1, v3  }
0x2ee: {  	s6 =	simm.s32 $0x19400  }
0x2ef: {  	s31 =	simm.s32 $0x1B410;
	s8 =	simm.s32 $0x10;
	s4 =	simm.s32 $0x1A410;
	[tilespmem:s6+$0x0] =	vst v1  }
0x2f0: {  	s9 =	simm.s32 $0x20;
	s22 =	simm.s32 $0x18410;
	s10 =	sand.u32 $0x780, s8;
	v1 =	vld [tilespmem:s4+$0x0]  }
.LBB3_54:
0x2f1: {  	p1 =	sne.s32 s9, $0x7F0;
	s8 =	sand.u32 $0x70, s8;
	s10 =	sadd.s32 s10, s12;
	v2 =	vld [tilespmem:s22+$0x0]  }
0x2f2: {  	s10 =	sadd.s32 s8, s10;
	v3 =	vld [tilespmem:s31+$0x0];
	s8 =	smov.u32 s9  }
0x2f3: {  	v4 =	vld [tilespmem:s10+$0x0];
	_ =	sdelay $0x2  }
0x2f4: {  	s16 =	sadd.s32 $0x10, s16  }
0x2f5: {  	v5 =	vld [tilespmem:s16+$0x0]  }
0x2f6: {  	s13 =	sadd.s32 $0x10, s13;
	v1 =	vmul.f32 v2, v1;
	v2 =	vmul.f32 v3, v4  }
0x2f7: {  	v3 =	vld [tilespmem:s13+$0x0]  }
0x2f8: {  	v1 =	vadd.f32 v2, v1;
	_ =	sdelay $0x1  }
0x2f9: {  	v1 =	vsub.f32 v1, v5  }
.Ltmp26:
0x2fa: {  	(pc) =	sbr.rel @p1 .LBB3_54-.Ltmp26, $4  }
0x2fb: {  	v1 =	vsub.f32 v1, v3  }
0x2fc: {  	s6 =	sadd.s32 $0x10, s6  }
0x2fd: {  	s4 =	sadd.s32 $0x10, s4;
	s22 =	sadd.s32 $0x10, s22;
	[tilespmem:s6+$0x0] =	vst v1  }
0x2fe: {  	s9 =	sadd.s32 $0x10, s9;
	s31 =	sadd.s32 $0x10, s31;
	s10 =	sand.u32 $0x780, s8;
	v1 =	vld [tilespmem:s4+$0x0]  }
0x2ff: {  	s4 =	sand.u32 $0x70, s8;
	s9 =	sadd.s32 s10, s12;
	v2 =	vld [tilespmem:s22+$0x0]  }
0x300: {  	v3 =	vld [tilespmem:s31+$0x0];
	s4 =	sadd.s32 s4, s9  }
0x301: {  	v4 =	vld [tilespmem:s4+$0x0];
	_ =	sdelay $0x2  }
0x302: {  	s10 =	sadd.s32 $0x10, s16  }
0x303: {  	v5 =	vld [tilespmem:s10+$0x0]  }
0x304: {  	s13 =	sadd.s32 $0x10, s13;
	v1 =	vmul.f32 v2, v1;
	v2 =	vmul.f32 v3, v4  }
0x305: {  	v3 =	vld [tilespmem:s13+$0x0]  }
0x306: {  	v1 =	vadd.f32 v2, v1;
	_ =	sdelay $0x1  }
0x307: {  	v1 =	vsub.f32 v1, v5;
	_ =	sdelay $0x1  }
0x308: {  	v1 =	vsub.f32 v1, v3  }
0x309: {  	s16 =	sadd.s32 $0x10, s6  }
0x30a: {  	s22 =	rddreg [dreg:$0x17];
	s13 =	simm.s32 $0x11400;
	[tilespmem:s16+$0x0] =	vst v1  }
0x30b: {  	[tilespmem:s13], [sflag:$0x3] =	stream.linear.gather [spmem:s22], $0x800, $0x38;
	[tilespmem:$0x1F610] =	vst v63  }
0x30c: {  	_ =	swait.ge [sflag:s19], $0x800  }
0x30d: {  	[sflag:s19] =	ssyncset.done $0x0  }
0x30e: {  	s16 =	simm.s32 $0x13400;
	s6 =	rddreg [dreg:$0x1b];
	[sflag:s19] =	ssyncadd.s32 $0xFFFFF800  }
0x30f: {  	[tilespmem:s16], [sflag:$0x3] =	stream.linear.gather [spmem:s6], $0x800, $0x38;
	[tilespmem:$0x1F610] =	vst v63  }
0x310: {  	_ =	swait.ge [sflag:s19], $0x800  }
0x311: {  	[sflag:s19] =	ssyncset.done $0x0  }
0x312: {  	s8 =	simm.s32 $0x1AC00;
	s4 =	simm.s32 $0x0;
	[sflag:s19] =	ssyncadd.s32 $0xFFFFF800  }
0x313: {  	s10 =	simm.s32 $0x18C00;
	s9 =	sand.u32 $0x780, s4;
	v1 =	vld [tilespmem:s8+$0x0]  }
0x314: {  	s4 =	sand.u32 $0x70, s4;
	s9 =	sadd.s32 s9, s15;
	s22 =	simm.s32 $0x1BC00;
	v2 =	vld [tilespmem:s10+$0x0]  }
0x315: {  	s4 =	sadd.s32 s4, s9;
	v3 =	vld [tilespmem:s22+$0x0]  }
0x316: {  	v62 =	vld [tilespmem:s4+$0x0];
	_ =	sdelay $0x3  }
0x317: {  	v63 =	vld [tilespmem:s16+$0x0]  }
0x318: {  	v1 =	vmul.f32 v2, v1;
	v2 =	vmul.f32 v3, v62  }
0x319: {  	v3 =	vld [tilespmem:s13+$0x0]  }
0x31a: {  	v1 =	vadd.f32 v2, v1;
	_ =	sdelay $0x1  }
0x31b: {  	v1 =	vsub.f32 v1, v63;
	_ =	sdelay $0x1  }
0x31c: {  	v1 =	vsub.f32 v1, v3  }
0x31d: {  	s6 =	simm.s32 $0x19C00  }
0x31e: {  	s31 =	simm.s32 $0x18C10;
	s8 =	simm.s32 $0x10;
	s4 =	simm.s32 $0x1AC10;
	[tilespmem:s6+$0x0] =	vst v1  }
0x31f: {  	s9 =	simm.s32 $0x20;
	s22 =	simm.s32 $0x1BC10;
	s10 =	sand.u32 $0x780, s8;
	v1 =	vld [tilespmem:s4+$0x0]  }
.LBB3_56:
0x320: {  	p1 =	sne.s32 s9, $0x7F0;
	s8 =	sand.u32 $0x70, s8;
	s10 =	sadd.s32 s10, s15;
	v2 =	vld [tilespmem:s31+$0x0]  }
0x321: {  	s10 =	sadd.s32 s8, s10;
	v3 =	vld [tilespmem:s22+$0x0];
	s8 =	smov.u32 s9  }
0x322: {  	v4 =	vld [tilespmem:s10+$0x0];
	_ =	sdelay $0x2  }
0x323: {  	s16 =	sadd.s32 $0x10, s16  }
0x324: {  	v5 =	vld [tilespmem:s16+$0x0]  }
0x325: {  	s13 =	sadd.s32 $0x10, s13;
	v1 =	vmul.f32 v2, v1;
	v2 =	vmul.f32 v3, v4  }
0x326: {  	v3 =	vld [tilespmem:s13+$0x0]  }
0x327: {  	v1 =	vadd.f32 v2, v1;
	_ =	sdelay $0x1  }
0x328: {  	v1 =	vsub.f32 v1, v5  }
.Ltmp27:
0x329: {  	(pc) =	sbr.rel @p1 .LBB3_56-.Ltmp27, $4  }
0x32a: {  	v1 =	vsub.f32 v1, v3  }
0x32b: {  	s6 =	sadd.s32 $0x10, s6  }
0x32c: {  	s4 =	sadd.s32 $0x10, s4;
	s22 =	sadd.s32 $0x10, s22;
	[tilespmem:s6+$0x0] =	vst v1  }
0x32d: {  	s31 =	sadd.s32 $0x10, s31;
	s9 =	sadd.s32 $0x10, s9;
	s10 =	sand.u32 $0x780, s8;
	v1 =	vld [tilespmem:s4+$0x0]  }
0x32e: {  	s4 =	sand.u32 $0x70, s8;
	s9 =	sadd.s32 s10, s15;
	v2 =	vld [tilespmem:s31+$0x0]  }
0x32f: {  	v3 =	vld [tilespmem:s22+$0x0];
	s4 =	sadd.s32 s4, s9  }
0x330: {  	v4 =	vld [tilespmem:s4+$0x0];
	_ =	sdelay $0x2  }
0x331: {  	s10 =	sadd.s32 $0x10, s16  }
0x332: {  	v5 =	vld [tilespmem:s10+$0x0]  }
0x333: {  	s13 =	sadd.s32 $0x10, s13;
	v1 =	vmul.f32 v2, v1;
	v2 =	vmul.f32 v3, v4  }
0x334: {  	v3 =	vld [tilespmem:s13+$0x0]  }
0x335: {  	v1 =	vadd.f32 v2, v1;
	_ =	sdelay $0x1  }
0x336: {  	v1 =	vsub.f32 v1, v5;
	_ =	sdelay $0x1  }
0x337: {  	v1 =	vsub.f32 v1, v3  }
0x338: {  	s16 =	sadd.s32 $0x10, s6  }
0x339: {  	s22 =	rddreg [dreg:$0x15];
	s6 =	simm.s32 $0x10000;
	[tilespmem:s16+$0x0] =	vst v1  }
0x33a: {  	[spmem:s22] =	stream.linear.scatter [tilespmem:s6], [sflag:$0x3], $0x400, $0x38;
	[tilespmem:$0x1F610] =	vst v63  }
0x33b: {  	_ =	swait.ge [sflag:s19], $0x400  }
0x33c: {  	[sflag:s19] =	ssyncset.done $0x0  }
0x33d: {  	s31 =	rddreg [dreg:$0x16];
	[sflag:s19] =	ssyncadd.s32 $0xFFFFFC00  }
0x33e: {  	[spmem:s31] =	stream.linear.scatter [tilespmem:s6], [sflag:$0x3], $0x400, $0x38;
	[tilespmem:$0x1F610] =	vst v63  }
0x33f: {  	_ =	swait.ge [sflag:s19], $0x400  }
0x340: {  	[sflag:s19] =	ssyncset.done $0x0  }
0x341: {  	s8 =	rddreg [dreg:$0x17];
	[sflag:s19] =	ssyncadd.s32 $0xFFFFFC00  }
0x342: {  	[spmem:s8] =	stream.linear.scatter [tilespmem:s6], [sflag:$0x3], $0x400, $0x38;
	[tilespmem:$0x1F610] =	vst v63  }
0x343: {  	_ =	swait.ge [sflag:s19], $0x400  }
0x344: {  	[sflag:s19] =	ssyncset.done $0x0  }
0x345: {  	s9 =	rddreg [dreg:$0x18];
	[sflag:s19] =	ssyncadd.s32 $0xFFFFFC00  }
0x346: {  	[spmem:s9] =	stream.linear.scatter [tilespmem:s6], [sflag:$0x3], $0x400, $0x38;
	[tilespmem:$0x1F610] =	vst v63  }
0x347: {  	_ =	swait.ge [sflag:s19], $0x400  }
0x348: {  	[sflag:s19] =	ssyncset.done $0x0  }
0x349: {  	s10 =	rddreg [dreg:$0x19];
	[sflag:s19] =	ssyncadd.s32 $0xFFFFFC00  }
0x34a: {  	[spmem:s10] =	stream.linear.scatter [tilespmem:s6], [sflag:$0x3], $0x400, $0x38;
	[tilespmem:$0x1F610] =	vst v63  }
0x34b: {  	_ =	swait.ge [sflag:s19], $0x400  }
0x34c: {  	[sflag:s19] =	ssyncset.done $0x0  }
0x34d: {  	s13 =	rddreg [dreg:$0x1a];
	[sflag:s19] =	ssyncadd.s32 $0xFFFFFC00  }
0x34e: {  	[spmem:s13] =	stream.linear.scatter [tilespmem:s6], [sflag:$0x3], $0x400, $0x38;
	[tilespmem:$0x1F610] =	vst v63  }
0x34f: {  	_ =	swait.ge [sflag:s19], $0x400  }
0x350: {  	[sflag:s19] =	ssyncset.done $0x0  }
0x351: {  	s16 =	rddreg [dreg:$0x1b];
	[sflag:s19] =	ssyncadd.s32 $0xFFFFFC00  }
0x352: {  	[spmem:s16] =	stream.linear.scatter [tilespmem:s6], [sflag:$0x3], $0x400, $0x38;
	[tilespmem:$0x1F610] =	vst v63  }
0x353: {  	_ =	swait.ge [sflag:s19], $0x400  }
0x354: {  	[sflag:s19] =	ssyncset.done $0x0  }
0x355: {  	s22 =	rddreg [dreg:$0x1c];
	[sflag:s19] =	ssyncadd.s32 $0xFFFFFC00  }
0x356: {  	[spmem:s22] =	stream.linear.scatter [tilespmem:s6], [sflag:$0x3], $0x400, $0x38;
	[tilespmem:$0x1F610] =	vst v63  }
0x357: {  	_ =	swait.ge [sflag:s19], $0x400  }
0x358: {  	[sflag:s19] =	ssyncset.done $0x0  }
0x359: {  	s31 =	simm.s32 $0x0;
	[sflag:s19] =	ssyncadd.s32 $0xFFFFFC00  }
0x35a: {  	v2 =	vld [tilespmem:s31+$0x18400]  }
0x35b: {  	s4 =	simm.s32 $0x40;
	v1 =	vimm.f32 $0.0e+00;
	v3 =	vld [tilespmem:s31+$0x19400]  }
.LBB3_58:
0x35c: {  	_ = 	snop  }
0x35d: {  	p1 =	sne.s32 s4, $0x3FC0  }
.Ltmp28:
0x35e: {  	_ = 	snop;
	(pc) =	sbr.rel @p1 .LBB3_58-.Ltmp28, $4  }
0x35f: {  	_ = 	snop  }
0x360: {  	s6 =	sshra.s32 s4, $0x2;
	v4 =	vmul.f32 v3, v2  }
0x361: {  	v2 =	vld [tilespmem:s6+$0x18400]  }
0x362: {  	s4 =	sadd.s32 $0x40, s4;
	v3 =	vld [tilespmem:s6+$0x19400];
	v1 =	vadd.f32 v4, v1  }
0x363: {  	_ =	sdelay $0x3  }
0x364: {  	v2 =	vmul.f32 v3, v2;
	_ =	sdelay $0x1  }
0x365: {  	v1 =	vadd.f32 v2, v1  }
0x366: {  	s4 =	rddreg [dreg:$0xf]  }
0x367: {  	s13 =	simm.s32 $0x10;
	s16 =	simm.s32 $0x1C480;
	s6 =	simm.s32 $0x1C400;
	[tilespmem:$0x1C400] =	vst v1  }
0x368: {  	[spmem:s4] =	stream.indirect.scatter.add.f32 [tilespmem:s6], [sflag:$0x3], $0x1, s16, s13, $0xb8;
	[tilespmem:$0x1F610] =	vst v63  }
0x369: {  	_ =	swait.ge [sflag:s19], $0x10  }
0x36a: {  	[sflag:s19] =	ssyncset.done $0x0  }
0x36b: {  	[sflag:s19] =	ssyncadd.s32 $0xFFFFFFF0  }
0x36c: {  	s22 =	simm.s32 $0x1C500;
	[bflag:$0x0] =	sbarrier.arrive $0xFFFF  }
0x36d: {  	[tilespmem:s22], [sflag:$0x3] =	stream.linear.gather [spmem:s4], $0x80, $0x38;
	[tilespmem:$0x1F610] =	vst v63  }
0x36e: {  	_ =	swait.ge [sflag:s19], $0x80  }
0x36f: {  	[sflag:s19] =	ssyncset.done $0x0  }
0x370: {  	[sflag:s19] =	ssyncadd.s32 $0xFFFFFF80  }
0x371: {  	v1 =	vld [tilespmem:$0x1C500];
	_ =	sdelay $0x4  }
0x372: {  	(xrf2) =	vadd.scan.msk.f32 $0xffff, v1;
	_ =	sdelay $0x9  }
0x373: {  	v1, _, _ =	vpop (xrf2)  }
0x374: {  	v1 =	vadd.f32 $9.999999960e-13, v1;
	_ =	sdelay $0x1  }
0x375: {  	v1 =	vbroadcast v1, $0xF;
	_ =	sdelay $0x1  }
0x376: {  	(erf) = vrcp.f32 v1;
	_ =	sdelay $0x5  }
0x377: {  	s4 =	simm.s32 $0x0  }
0x378: {  	v5 =	vld [tilespmem:s4+$0x18400]  }
0x379: {  	v7 =	vld [tilespmem:s4+$0x19400]  }
0x37a: {  	v3 =	vld [tilespmem:s4+$0x16400];
	v1 =	vpop (erf)  }
0x37b: {  	v4 =	vld [tilespmem:s4+$0x17400];
	v1 =	vmul.f32 v1, v0  }
0x37c: {  	s31 =	rddreg [dreg:$0x12]  }
0x37d: {  	s22 =	rddreg [dreg:$0x13];
	v6 =	vmul.f32 v5, v1  }
0x37e: {  	s8 =	simm.s32 $0x80;
	v2 =	vimm.f32 $0.0e+00;
	s6 =	simm.s32 $0x40;
	s10 =	rddreg [dreg:$0xd];
	v5 =	vmul.f32 v7, v1  }
.LBB3_60:
0x37f: {  	p1 =	sne.s32 s8, $0x3FC0;
	s9 =	sshra.s32 s6, $0x2;
	v3 =	vadd.f32 v6, v3;
	s6 =	smov.u32 s8  }
0x380: {  	v6 =	vld [tilespmem:s9+$0x18400];
	v4 =	vsub.f32 v4, v5  }
0x381: {  	v5 =	vld [tilespmem:s9+$0x19400];
	[tilespmem:s4+$0x16400] =	vst v3  }
.Ltmp29:
0x382: {  	v3 =	vld [tilespmem:s9+$0x16400];
	[tilespmem:s4+$0x17400] =	vst v4;
	v7 =	vmul.f32 v4, v4;
	s4 =	smov.u32 s9;
	(pc) =	sbr.rel @p1 .LBB3_60-.Ltmp29, $4  }
0x383: {  	v4 =	vld [tilespmem:s4+$0x17400]  }
0x384: {  	v2 =	vadd.f32 v7, v2  }
0x385: {  	v6 =	vmul.f32 v6, v1  }
0x386: {  	s8 =	sadd.s32 $0x40, s8;
	v5 =	vmul.f32 v5, v1  }
0x387: {  	s6 =	sshra.s32 s6, $0x2;
	v3 =	vadd.f32 v6, v3  }
0x388: {  	v62 =	vld [tilespmem:s6+$0x18400];
	v4 =	vsub.f32 v4, v5  }
0x389: {  	v7 =	vld [tilespmem:s6+$0x19400];
	[tilespmem:s4+$0x16400] =	vst v3  }
0x38a: {  	v3 =	vld [tilespmem:s6+$0x16400];
	[tilespmem:s4+$0x17400] =	vst v4  }
0x38b: {  	v63 =	vld [tilespmem:s6+$0x17400];
	_ =	sdelay $0x2  }
0x38c: {  	v7 =	vmul.f32 v7, v1;
	_ =	sdelay $0x1  }
0x38d: {  	v4 =	vmul.f32 v4, v4;
	v1 =	vmul.f32 v62, v1;
	v5 =	vsub.f32 v63, v7;
	_ =	sdelay $0x1  }
0x38e: {  	v2 =	vadd.f32 v4, v2;
	v1 =	vadd.f32 v1, v3;
	v3 =	vmul.f32 v5, v5;
	_ =	sdelay $0x1  }
0x38f: {  	[tilespmem:s6+$0x16400] =	vst v1;
	v1 =	vadd.f32 v3, v2  }
0x390: {  	[tilespmem:s6+$0x17400] =	vst v5  }
0x391: {  	s8 =	rddreg [dreg:$0x10];
	s9 =	simm.s32 $0x1C400;
	[tilespmem:$0x1C400] =	vst v1  }
0x392: {  	[spmem:s8] =	stream.indirect.scatter.add.f32 [tilespmem:s9], [sflag:$0x3], $0x1, s16, s13, $0xb8;
	[tilespmem:$0x1F610] =	vst v63  }
0x393: {  	_ =	swait.ge [sflag:s19], $0x10  }
0x394: {  	[sflag:s19] =	ssyncset.done $0x0  }
0x395: {  	[sflag:s19] =	ssyncadd.s32 $0xFFFFFFF0  }
0x396: {  	v1 =	vimm.f32 @!p0 $0.0e+00;
	[bflag:$0x0] =	sbarrier.arrive $0xFFFF  }
0x397: {  	s4 =	simm.s32 @!p0 $0x1C400;
	[tilespmem:$0x1C400] =	vst @!p0 v1;
	s6 =	rddreg [dreg:$0xf]  }
0x398: {  	[spmem:s6] =	stream.linear.scatter @!p0 [tilespmem:s4], [sflag:$0x3], $0x80, $0x38;
	[tilespmem:$0x1F610] =	vst v63  }
0x399: {  	s4 =	simm.s32 @!p0 $0x3  }
0x39a: {  	_ =	swait.ge @!p0 [sflag:s4], $0x80  }
0x39b: {  	[sflag:s4] =	ssyncset.done @!p0 $0x0  }
0x39c: {  	s16 =	simm.s32 $0x1C500;
	[sflag:s4] =	ssyncadd.s32 @!p0 $0xFFFFFF80  }
0x39d: {  	[tilespmem:s16], [sflag:$0x3] =	stream.linear.gather [spmem:s8], $0x80, $0x38;
	[tilespmem:$0x1F610] =	vst v63  }
0x39e: {  	_ =	swait.ge [sflag:s19], $0x80  }
0x39f: {  	[sflag:s19] =	ssyncset.done $0x0  }
0x3a0: {  	[sflag:s19] =	ssyncadd.s32 $0xFFFFFF80  }
0x3a1: {  	v1 =	vld [tilespmem:$0x1C500];
	_ =	sdelay $0x4  }
0x3a2: {  	(xrf2) =	vadd.scan.msk.f32 $0xffff, v1  }
0x3a3: {  	v0 =	vadd.f32 $9.999999960e-13, v0;
	_ =	sdelay $0x1  }
0x3a4: {  	(erf) = vrcp.f32 v0;
	_ =	sdelay $0x6  }
0x3a5: {  	v0, _, _ =	vpop (xrf2)  }
0x3a6: {  	v0 =	vbroadcast v0, $0xF  }
0x3a7: {  	v1 =	vpop (erf)  }
0x3a8: {  	s6 =	simm.s32 $0x40;
	s4 =	simm.s32 $0x0;
	v1 =	vmul.f32 v0, v1  }
.LBB3_62:
0x3a9: {  	p1 =	sne.s32 s6, $0x3FC0;
	v2 =	vld [tilespmem:s4+$0x18400];
	_ =	sdelay $0x1  }
0x3aa: {  	v3 =	vld [tilespmem:s4+$0x17400];
	_ =	sdelay $0x2  }
.Ltmp30:
0x3ab: {  	v2 =	vmul.f32 v2, v1;
	(pc) =	sbr.rel @p1 .LBB3_62-.Ltmp30, $3  }
0x3ac: {  	_ = 	snop  }
0x3ad: {  	v2 =	vadd.f32 v2, v3;
	_ =	sdelay $0x1  }
0x3ae: {  	[tilespmem:s4+$0x18400] =	vst v2;
	s4 =	sshra.s32 s6, $0x2;
	s6 =	sadd.s32 $0x40, s6  }
0x3af: {  	v2 =	vld [tilespmem:s4+$0x18400];
	_ =	sdelay $0x1  }
0x3b0: {  	v3 =	vld [tilespmem:s4+$0x17400];
	_ =	sdelay $0x2  }
0x3b1: {  	v1 =	vmul.f32 v2, v1;
	_ =	sdelay $0x1  }
0x3b2: {  	s9 =	sld [smem:$0x7FA];
	v1 =	vadd.f32 v1, v3;
	_ =	sdelay $0x1  }
0x3b3: {  	s6 =	simm.s32 $0x18400;
	[tilespmem:s4+$0x18400] =	vst v1  }
0x3b4: {  	[spmem:s9] =	stream.linear.scatter [tilespmem:s6], [sflag:$0x3], $0x1000, $0x38;
	[tilespmem:$0x1F610] =	vst v63  }
0x3b5: {  	_ =	swait.ge [sflag:s19], $0x1000  }
0x3b6: {  	[sflag:s19] =	ssyncset.done $0x0  }
0x3b7: {  	[sflag:s19] =	ssyncadd.s32 $0xFFFFF000  }
0x3b8: {  	[bflag:$0x0] =	sbarrier.arrive $0xFFFF  }
0x3b9: {  	s13 =	rddreg [dreg:$0x11]  }
0x3ba: {  	[tilespmem:s2], [sflag:$0x3] =	stream.linear.gather [spmem:s13], $0x10000, $0x38;
	[tilespmem:$0x1F610] =	vst v63  }
0x3bb: {  	_ =	swait.ge [sflag:s19], $0x10000  }
0x3bc: {  	s16 =	sld [smem:$0x7F4];
	_ =	sdelay $0x2  }
0x3bd: {  	s4 =	sadd.s32 $0x1, s16  }
0x3be: {  	p1 =	sne.s32 s4, $0x32  }
.Ltmp31:
0x3bf: {  	_ = 	snop;
	(pc) =	sbr.rel @p1 .LBB3_31-.Ltmp31, $3  }
0x3c0: {  	_ =	sdelay $0x1  }
0x3c1: {  	[sflag:s19] =	ssyncset.done $0x0  }
0x3c2: {  	s8 =	simm.s32 $0x11400;
	[sflag:s19] =	ssyncadd.s32 $0xFFFF0000  }
0x3c3: {  	s0 =	simm.s32 $0x0  }
0x3c4: {  	s1 =	simm.s32 $0x16400;
	s2 =	rddreg [dreg:$0x1d];
	s31 =	simm.s32 $0x3  }
0x3c5: {  	[hbm4b:s2+s0] =	stream.linear.scatter [tilespmem:s1], [sflag:$0x3], $0x1000, $0x38;
	[tilespmem:$0x1F610] =	vst v63  }
0x3c6: {  	_ =	swait.ge [sflag:s31], $0x1000  }
0x3c7: {  	[sflag:s31] =	ssyncset.done $0x0  }
0x3c8: {  	[sflag:s31] =	ssyncadd.s32 $0xFFFFF000  }
0x3c9: {  	_ =	sfence.sel $0x180000  }
0x3ca: {  	[bflag:$0x0] =	sbarrier.arrive $0xFFFF  }
0x3cb: {  	_ =	strace $0x90000047  }
0x3cc: {  	[bflag:$0x2] =	sbarrier.arrive $0xFFFF  }
0x3cd: {  	s0 =	rddreg [dreg:$0xe]  }
0x3ce: {  	s0 =	sadd.s32 @!p0 $0x100000, s0  }
0x3cf: {  	[sflag:s0] =	ssyncadd.tile.s32 @!p0 $0x1;
	_ =	shalt  }
.Lfunc_end3:
_tile_overlayer_lowered:
.L_overlay_start_3:
0x3d0: {  	(tag) =	ssettag $0x3  }
0x3d1: {  	s0 =	rddreg [dreg:$0x0];
	s2 =	stileid.u32  }
0x3d2: {  	s1 =	rddreg [dreg:$0x1];
	p0 =	sne.s32 s2, $0x0  }
0x3d3: {  	s3 =	rddreg [dreg:$0x2];
	[bflag:$0x3] =	sbarrier.arrive $0xFFFF;
	s2 =	simm.s32 @!p0 $0x1C03  }
0x3d4: {  	[timem:s3], [sflag:s2] =	dma.local @!p0 [hbm:s0], s1  }
0x3d5: {  	s0 =	simm.s32 @!p0 $0x3  }
0x3d6: {  	_ =	swait.ge @!p0 [sflag:s0], s1  }
0x3d7: {  	s1 =	ssub.s32 @!p0 $0x0, s1;
	[sflag:s0] =	ssyncset.done @!p0 $0x0  }
0x3d8: {  	[sflag:s0] =	ssyncadd.s32 @!p0 s1  }
0x3d9: {  	[bflag:$0x3] =	sbarrier.arrive $0xFFFF  }
0x3da: {  	_ =	shalt  }

</sc_bundles>
